<compile_context>
chip_gen: v7x
topology: tpu7x:2x2x1
jax: 0.10.2.dev20260603
libtpu: 0.0.44.dev20260713+nightly
codegen_flags: <defaults>
</compile_context>

<pallas_src>
import jax
import jax.numpy as jnp
from jax import lax
from jax.experimental import pallas as pl
from jax.experimental.pallas import tpu as pltpu
from jax.experimental.pallas import tpu_sc as plsc

NN = 10000
FD = 128
NC, NS = 2, 16
NW = NC * NS
EB = 128
RPT = 632
NROWS = NS * RPT
JUNK = NN
DEGW = 16
SHB = 14
MSK = (1 << SHB) - 1



def _mesh():
    return plsc.VectorSubcoreMesh(core_axis_name="c", subcore_axis_name="s",
                                  num_cores=NC, num_subcores=NS)



def _sc_deg_body(ei_hbm, out_hbm, packv, didx, onesv, acc, sem):
    c = lax.axis_index("c")
    s = lax.axis_index("s")
    zero16 = jnp.zeros((16,), jnp.float32)
    one16 = jnp.ones((16,), jnp.float32)

    def zloop(t, carry):
        onesv[t // 8, pl.ds((t % 8) * 16, 16)] = zero16
        return carry
    lax.fori_loop(0, EB * 8, zloop, 0)

    base = s * RPT
    tail = RPT - 4 * EB
    for k in range(4):
        pltpu.sync_copy(onesv, acc.at[pl.ds(base + k * EB, EB)])
    pltpu.sync_copy(onesv.at[pl.ds(0, tail)], acc.at[pl.ds(base + 4 * EB, tail)])

    def oloop(t, carry):
        onesv[t // 8, pl.ds((t % 8) * 16, 16)] = one16
        return carry
    lax.fori_loop(0, EB * 8, oloop, 0)

    pltpu.sync_copy(ei_hbm.at[c, s], packv)
    nblk = packv.shape[0]
    plsc.subcore_barrier()

    def blk(j, carry):
        def u(k, carry2):
            didx[0, pl.ds(k * 16, 16)] = jax.lax.bitwise_and(
                packv[j, pl.ds(k * 16, 16)], MSK)
            return carry2
        lax.fori_loop(0, EB // 16, u, 0)
        pltpu.async_copy(onesv, acc.at[didx.at[0]], sem, add=True).wait()
        return carry
    lax.fori_loop(0, nblk, blk, 0)

    plsc.subcore_barrier()
    for k in range(4):
        pltpu.sync_copy(acc.at[pl.ds(base + k * EB, EB)],
                        out_hbm.at[c, pl.ds(base + k * EB, EB)])
    pltpu.sync_copy(acc.at[pl.ds(base + 4 * EB, tail)],
                    out_hbm.at[c, pl.ds(base + 4 * EB, tail)])


def _sc_deg(eip, nblk):
    f = pl.kernel(
        _sc_deg_body,
        out_type=jax.ShapeDtypeStruct((NC, NROWS, FD), jnp.float32),
        mesh=_mesh(),
        scratch_types=[
            pltpu.VMEM((nblk, EB), jnp.int32),
            pltpu.VMEM((2, EB), jnp.int32),
            pltpu.VMEM((EB, FD), jnp.float32),
            pltpu.VMEM_SHARED((NROWS, FD), jnp.float32),
            pltpu.SemaphoreType.DMA,
        ],
    )
    return f(eip)



def _sc_msg_body(g_hbm, ei_hbm, out_hbm, packv, sidx, didx, r0, r1, acc,
                 gs0, gs1, ss0, ss1):
    c = lax.axis_index("c")
    s = lax.axis_index("s")
    zero16 = jnp.zeros((16,), jnp.float32)

    def zloop(t, carry):
        r0[t // 8, pl.ds((t % 8) * 16, 16)] = zero16
        return carry
    lax.fori_loop(0, EB * 8, zloop, 0)

    base = s * RPT
    tail = RPT - 4 * EB
    for k in range(4):
        pltpu.sync_copy(r0, acc.at[pl.ds(base + k * EB, EB)])
    pltpu.sync_copy(r0.at[pl.ds(0, tail)], acc.at[pl.ds(base + 4 * EB, tail)])
    pltpu.sync_copy(ei_hbm.at[c, s], packv)
    nblk = packv.shape[0]
    plsc.subcore_barrier()

    rows = (r0, r1)
    gsem = (gs0, gs1)
    ssem = (ss0, ss1)

    def unpack_blk(j, t):
        def u(k, carry):
            p = packv[j, pl.ds(k * 16, 16)]
            sidx[t, pl.ds(k * 16, 16)] = jax.lax.shift_right_logical(p, SHB)
            didx[t, pl.ds(k * 16, 16)] = jax.lax.bitwise_and(p, MSK)
            return carry
        lax.fori_loop(0, EB // 16, u, 0)

    for t in range(2):
        unpack_blk(t, t)
        pltpu.async_copy(g_hbm.at[sidx.at[t]], rows[t], gsem[t])

    def rnd(r, carry):
        for t in range(2):
            j = r * 2 + t
            pltpu.make_async_copy(g_hbm.at[sidx.at[t]], rows[t], gsem[t]).wait()
            pltpu.async_copy(rows[t], acc.at[didx.at[t]], ssem[t], add=True)
            pltpu.make_async_copy(rows[t], acc.at[didx.at[t]], ssem[t]).wait()
            jn = j + 2

            @pl.when(jn < nblk)
            def _():
                unpack_blk(jn, t)
                pltpu.async_copy(g_hbm.at[sidx.at[t]], rows[t], gsem[t])
        return carry
    lax.fori_loop(0, nblk // 2, rnd, 0)

    plsc.subcore_barrier()
    for k in range(4):
        pltpu.sync_copy(acc.at[pl.ds(base + k * EB, EB)],
                        out_hbm.at[c, pl.ds(base + k * EB, EB)])
    pltpu.sync_copy(acc.at[pl.ds(base + 4 * EB, tail)],
                    out_hbm.at[c, pl.ds(base + 4 * EB, tail)])


def _sc_msg(g, eip, nblk):
    f = pl.kernel(
        _sc_msg_body,
        out_type=jax.ShapeDtypeStruct((NC, NROWS, FD), jnp.float32),
        mesh=_mesh(),
        scratch_types=[
            pltpu.VMEM((nblk, EB), jnp.int32),
            pltpu.VMEM((2, EB), jnp.int32),
            pltpu.VMEM((2, EB), jnp.int32),
            pltpu.VMEM((EB, FD), jnp.float32),
            pltpu.VMEM((EB, FD), jnp.float32),
            pltpu.VMEM_SHARED((NROWS, FD), jnp.float32),
            pltpu.SemaphoreType.DMA,
            pltpu.SemaphoreType.DMA,
            pltpu.SemaphoreType.DMA,
            pltpu.SemaphoreType.DMA,
        ],
    )
    return f(g, eip)



def _tc_dense1a_body(x_ref, Wn_ref, bn_ref, Wc1_ref, hw1_ref):
    h0 = jnp.dot(x_ref[...], Wn_ref[...],
                 preferred_element_type=jnp.float32) + bn_ref[...]
    hw1_ref[...] = jnp.dot(h0, Wc1_ref[...],
                           preferred_element_type=jnp.float32)


def _tc_dense1a(x, Wn, bn, Wc1):
    blk = 1000
    grid = NN // blk
    return pl.pallas_call(
        _tc_dense1a_body,
        grid=(grid,),
        in_specs=[
            pl.BlockSpec((blk, FD), lambda i: (i, 0)),
            pl.BlockSpec((FD, FD), lambda i: (0, 0)),
            pl.BlockSpec((1, FD), lambda i: (0, 0)),
            pl.BlockSpec((FD, FD), lambda i: (0, 0)),
        ],
        out_specs=pl.BlockSpec((blk, FD), lambda i: (i, 0)),
        out_shape=jax.ShapeDtypeStruct((NN, FD), jnp.float32),
    )(x, Wn, bn.reshape(1, FD), Wc1)


def _tc_dense1b_body(hw1_ref, dis_ref, ns_ref, g1_ref, st1_ref):
    hw1 = hw1_ref[...]
    g1_ref[...] = hw1 * dis_ref[...]
    st1_ref[...] = hw1 * ns_ref[...]


def _tc_dense1b(hw1, dis, nself):
    blk = 1000
    grid = NN // blk
    return pl.pallas_call(
        _tc_dense1b_body,
        grid=(grid,),
        in_specs=[
            pl.BlockSpec((blk, FD), lambda i: (i, 0)),
            pl.BlockSpec((blk, 1), lambda i: (i, 0)),
            pl.BlockSpec((blk, 1), lambda i: (i, 0)),
        ],
        out_specs=[
            pl.BlockSpec((blk, FD), lambda i: (i, 0)),
            pl.BlockSpec((blk, FD), lambda i: (i, 0)),
        ],
        out_shape=[
            jax.ShapeDtypeStruct((NN, FD), jnp.float32),
            jax.ShapeDtypeStruct((NN, FD), jnp.float32),
        ],
    )(hw1, dis, nself)



def _tc_dense2_body(accp_ref, st1_ref, dis_ref, ns_ref, bc1_ref,
                    Wc2_ref, g2_ref, st2_ref):
    a = accp_ref[0] + accp_ref[1]
    h1 = jnp.maximum(dis_ref[...] * a + st1_ref[...] + bc1_ref[...], 0.0)
    hw2 = jnp.dot(h1, Wc2_ref[...],
                  preferred_element_type=jnp.float32)
    g2_ref[...] = hw2 * dis_ref[...]
    st2_ref[...] = hw2 * ns_ref[...]


def _tc_dense2(accp, st1, dis, nself, bc1, Wc2):
    blk = 1000
    grid = NN // blk
    return pl.pallas_call(
        _tc_dense2_body,
        grid=(grid,),
        in_specs=[
            pl.BlockSpec((NC, blk, FD), lambda i: (0, i, 0)),
            pl.BlockSpec((blk, FD), lambda i: (i, 0)),
            pl.BlockSpec((blk, 1), lambda i: (i, 0)),
            pl.BlockSpec((blk, 1), lambda i: (i, 0)),
            pl.BlockSpec((1, FD), lambda i: (0, 0)),
            pl.BlockSpec((FD, FD), lambda i: (0, 0)),
        ],
        out_specs=[
            pl.BlockSpec((blk, FD), lambda i: (i, 0)),
            pl.BlockSpec((blk, FD), lambda i: (i, 0)),
        ],
        out_shape=[
            jax.ShapeDtypeStruct((NN, FD), jnp.float32),
            jax.ShapeDtypeStruct((NN, FD), jnp.float32),
        ],
    )(accp, st1, dis, nself, bc1.reshape(1, FD), Wc2)



def _tc_head_body(accp_ref, st2_ref, dis_ref, bc2_ref, sgen_ref, act_ref,
                  Wm1_ref, bm1_ref, Wm2_ref, bm2_ref, Wh_ref, bh_ref,
                  out_ref, z_scr):
    for i in range(64):
        idx = sgen_ref[i]
        row = accp_ref[0, pl.ds(idx, 1), :] + accp_ref[1, pl.ds(idx, 1), :]
        h2 = jnp.maximum(dis_ref[pl.ds(idx, 1), :] * row
                         + st2_ref[pl.ds(idx, 1), :] + bc2_ref[...], 0.0)
        z_scr[pl.ds(i, 1), :] = h2
    ZA = jnp.concatenate([z_scr[...], act_ref[...]], axis=-1)
    z1 = jnp.maximum(
        jnp.dot(ZA, Wm1_ref[...], preferred_element_type=jnp.float32)
        + bm1_ref[...], 0.0)
    z2 = jnp.maximum(
        jnp.dot(z1, Wm2_ref[...], preferred_element_type=jnp.float32) + bm2_ref[...], 0.0)
    zm = jnp.mean(z2, axis=0, keepdims=True)
    out_ref[...] = jnp.dot(zm, Wh_ref[...], preferred_element_type=jnp.float32) + bh_ref[...]


def _tc_head(accp, st2, dis, bc2, sgen, act, Wm1, bm1, Wm2, bm2, Wh, bh):
    vm = pl.BlockSpec(memory_space=pltpu.VMEM)
    sm = pl.BlockSpec(memory_space=pltpu.SMEM)
    return pl.pallas_call(
        _tc_head_body,
        in_specs=[vm, vm, vm, vm, sm, vm, vm, vm, vm, vm, vm, vm],
        out_specs=vm,
        out_shape=jax.ShapeDtypeStruct((1, 1), jnp.float32),
        scratch_shapes=[pltpu.VMEM((64, FD), jnp.float32)],
    )(accp, st2, dis, bc2.reshape(1, FD), sgen, act.reshape(64, 1),
      Wm1, bm1.reshape(1, FD), Wm2, bm2.reshape(1, FD),
      Wh, bh.reshape(1, 1))



def kernel(x, edge_index, edge_attr, sgen_map, action_norm, Wn, bn, We, be,
           Wc1, bc1, Wc2, bc2, Wm1, bm1, Wm2, bm2, Wh, bh):
    E = edge_index.shape[1]
    src, dst = edge_index[0], edge_index[1]
    packed = jnp.left_shift(src, SHB) | dst

    nblk = -(-E // (NW * EB))
    nblk = ((nblk + 1) // 2) * 2
    P = nblk * NW * EB
    eip = jnp.concatenate(
        [packed, jnp.full((P - E,), JUNK, packed.dtype)]).reshape(NC, NS, nblk, EB)

    hw1 = _tc_dense1a(x, Wn, bn, Wc1)
    degp = _sc_deg(eip, nblk)
    deg = (degp[0, :NN, 0] + degp[1, :NN, 0] + 1.0).reshape(NN, 1)
    dis = jnp.where(deg > 0, 1.0 / jnp.sqrt(deg), 0.0)
    nself = dis * dis
    g1, st1 = _tc_dense1b(hw1, dis, nself)
    acc1 = _sc_msg(g1, eip, nblk)
    g2, st2 = _tc_dense2(acc1, st1, dis, nself, bc1, Wc2)
    acc2 = _sc_msg(g2, eip, nblk)
    q = _tc_head(acc2, st2, dis, bc2, sgen_map, action_norm,
                 Wm1, bm1, Wm2, bm2, Wh, bh)
    return q.reshape(1)

# --- scband reference (transcript-rebuilt; emitter-appended) ---
"""Pipeline reference for scband-graph-q-1984274891291 (READ-ONLY COPY).

The authoritative reference and input builder live on the scoring server;
editing this copy changes nothing except your own understanding.
"""

import jax, jax.numpy as jnp
import numpy as np

N = 10000
E = 320000
HID = 128
IN_NF = 128
IN_EF = 16
NSGEN = 64


def gcn_conv(h, src, dst, W, b, n):
    # PyG GCNConv: add self-loops, symmetric degree normalization, scatter-add aggregation
    hw = h @ W
    loop = jnp.arange(n, dtype=src.dtype)
    s = jnp.concatenate([src, loop])
    d = jnp.concatenate([dst, loop])
    deg = jnp.zeros((n,), dtype=hw.dtype).at[d].add(1.0)
    dis = jnp.where(deg > 0, 1.0 / jnp.sqrt(deg), 0.0)
    norm = dis[s] * dis[d]
    msg = hw[s] * norm[:, None]
    out = jnp.zeros_like(hw).at[d].add(msg)
    return out + b


def setup_inputs(seed: int = 0) -> dict:
    key = jax.random.key(seed)
    ks = jax.random.split(key, 24)
    inp = {}
    inp["x"] = jax.random.normal(ks[0], (N, IN_NF), dtype=jnp.float32)
    inp["edge_index"] = jax.random.randint(ks[1], (2, E), 0, N, dtype=jnp.int32)
    inp["edge_attr"] = jax.random.normal(ks[2], (E, IN_EF), dtype=jnp.float32)
    inp["sgen_map"] = jax.random.randint(ks[3], (NSGEN,), 0, N, dtype=jnp.int32)
    inp["action_norm"] = jax.random.uniform(ks[4], (NSGEN,), dtype=jnp.float32, minval=-1.0, maxval=1.0)
    def lin(k, fi, fo):
        s = 1.0 / np.sqrt(fi)
        return jax.random.uniform(k, (fi, fo), dtype=jnp.float32, minval=-s, maxval=s)
    inp["Wn"] = lin(ks[5], IN_NF, HID); inp["bn"] = jnp.zeros((HID,), jnp.float32)
    inp["We"] = lin(ks[6], IN_EF, HID); inp["be"] = jnp.zeros((HID,), jnp.float32)
    inp["Wc1"] = lin(ks[7], HID, HID); inp["bc1"] = jnp.zeros((HID,), jnp.float32)
    inp["Wc2"] = lin(ks[8], HID, HID); inp["bc2"] = jnp.zeros((HID,), jnp.float32)
    inp["Wm1"] = lin(ks[9], HID + 1, HID); inp["bm1"] = jnp.zeros((HID,), jnp.float32)
    inp["Wm2"] = lin(ks[10], HID, HID); inp["bm2"] = jnp.zeros((HID,), jnp.float32)
    inp["Wh"] = lin(ks[11], HID, 1); inp["bh"] = jnp.zeros((1,), jnp.float32)
    return inp


def reference(x, edge_index, edge_attr, sgen_map, action_norm, Wn, bn, We, be, Wc1, bc1, Wc2, bc2, Wm1, bm1, Wm2, bm2, Wh, bh):
    n = x.shape[0]
    h = x @ Wn + bn
    e = edge_attr @ We + be  # computed in original backbone but never consumed
    src, dst = edge_index[0], edge_index[1]
    h = jax.nn.relu(gcn_conv(h, src, dst, Wc1, bc1, n))
    h = jax.nn.relu(gcn_conv(h, src, dst, Wc2, bc2, n))
    Z = h[sgen_map]
    ZA = jnp.concatenate([Z, action_norm[:, None]], axis=-1)
    z = jax.nn.relu(ZA @ Wm1 + bm1)
    z = jax.nn.relu(z @ Wm2 + bm2)
    z_agg = jnp.mean(z, axis=0, keepdims=True)
    q = (z_agg @ Wh + bh).squeeze(-1)
    return q

if __name__ == "__main__":
    import jax
    _d = setup_inputs()
    print(jax.jit(kernel)(*tuple(_d.values())))

</pallas_src>

<mosaic_0001>
#map = affine_map<(d0, d1) -> (0, 0)>
#map1 = affine_map<(d0, d1) -> (0, 0, 0, 0)>
#map2 = affine_map<(d0, d1) -> (0, 0, 0)>
module attributes {stable_mosaic.version = 14 : i64} {
  func.func @_sc_msg_body(%arg0: i32, %arg1: i32, %arg2: memref<10000x128xf32, #tpu.memory_space<hbm>>, %arg3: memref<2x16x80x128xi32, #tpu.memory_space<hbm>>, %arg4: memref<2x10112x128xf32, #tpu.memory_space<hbm>>, %arg5: memref<80x128xi32, #tpu.memory_space<vmem>>, %arg6: memref<2x128xi32, #tpu.memory_space<vmem>>, %arg7: memref<2x128xi32, #tpu.memory_space<vmem>>, %arg8: memref<128x128xf32, #tpu.memory_space<vmem>>, %arg9: memref<128x128xf32, #tpu.memory_space<vmem>>, %arg10: memref<10112x128xf32, #tpu.memory_space<vmem_shared>>, %arg11: memref<!tpu.dma_semaphore, #tpu.memory_space<semaphore_mem>>, %arg12: memref<!tpu.dma_semaphore, #tpu.memory_space<semaphore_mem>>, %arg13: memref<!tpu.dma_semaphore, #tpu.memory_space<semaphore_mem>>, %arg14: memref<!tpu.dma_semaphore, #tpu.memory_space<semaphore_mem>>) attributes {dimension_semantics = [#tpu.dimension_semantics<core_parallel>, #tpu.dimension_semantics<subcore_parallel>], iteration_bounds = array<i64: 2, 16>, scalar_prefetch = 0 : i64, scratch_operands = 10 : i64, tpu.core_type = #tpu.core_type<sc_vector_subcore>, window_params = [{transform_indices = #map}, {transform_indices = #map1}, {transform_indices = #map2}]} {
    %broadcast_in_dim3A = arith.constant 0.000000e+00 : f32
    %broadcast_in_dim3A_0 = vector.broadcast %broadcast_in_dim3A : f32 to vector<16xf32>
    %scan3A = arith.constant 0 : i32
    %scan3A_1 = arith.constant 0 : i32
    %scan3A_2 = arith.constant 1024 : i32
    %scan3A_3 = arith.addi %scan3A_1, %scan3A_2 : i32
    %scan3A_4 = arith.constant 1 : i32
    scf.for %scan3A_68 = %scan3A_1 to %scan3A_3 step %scan3A_4  : i32 {
      %jit3A = arith.constant 8 : i32
      %div3A = arith.divsi %scan3A_68, %jit3A : i32
      %sign3A = arith.constant 0 : i32
      %sign3A_69 = arith.cmpi sgt, %scan3A_68, %sign3A : i32
      %sign3A_70 = arith.extui %sign3A_69 : i1 to i32
      %sign3A_71 = arith.constant 0 : i32
      %sign3A_72 = arith.cmpi slt, %scan3A_68, %sign3A_71 : i32
      %sign3A_73 = arith.extui %sign3A_72 : i1 to i32
      %sign3A_74 = arith.subi %sign3A_70, %sign3A_73 : i32
      %sign3A_75 = arith.constant 0 : i32
      %sign3A_76 = arith.cmpi sgt, %jit3A, %sign3A_75 : i32
      %sign3A_77 = arith.extui %sign3A_76 : i1 to i32
      %sign3A_78 = arith.constant 0 : i32
      %sign3A_79 = arith.cmpi slt, %jit3A, %sign3A_78 : i32
      %sign3A_80 = arith.extui %sign3A_79 : i1 to i32
      %sign3A_81 = arith.subi %sign3A_77, %sign3A_80 : i32
      %ne3A = arith.cmpi ne, %sign3A_74, %sign3A_81 : i32
      %rem3A = arith.remsi %scan3A_68, %jit3A : i32
      %ne3A_82 = arith.constant 0 : i32
      %ne3A_83 = arith.cmpi ne, %rem3A, %ne3A_82 : i32
      %and3A = arith.andi %ne3A, %ne3A_83 : i1
      %sub3A = arith.constant 1 : i32
      %sub3A_84 = arith.subi %div3A, %sub3A : i32
      %select_n3A = arith.select %and3A, %sub3A_84, %div3A : i32
      %jit3A_85 = arith.constant 8 : i32
      %eq3A = arith.constant 0 : i32
      %eq3A_86 = arith.cmpi eq, %jit3A_85, %eq3A : i32
      %jit3A_87 = arith.constant 1 : i32
      %select_n3A_88 = arith.select %eq3A_86, %jit3A_87, %jit3A_85 : i32
      %rem3A_89 = arith.remsi %scan3A_68, %select_n3A_88 : i32
      %ne3A_90 = arith.constant 0 : i32
      %ne3A_91 = arith.cmpi ne, %rem3A_89, %ne3A_90 : i32
      %lt3A = arith.constant 0 : i32
      %lt3A_92 = arith.cmpi slt, %rem3A_89, %lt3A : i32
      %lt3A_93 = arith.constant 0 : i32
      %lt3A_94 = arith.cmpi slt, %select_n3A_88, %lt3A_93 : i32
      %ne3A_95 = arith.xori %lt3A_92, %lt3A_94 : i1
      %and3A_96 = arith.andi %ne3A_95, %ne3A_91 : i1
      %add3A_97 = arith.addi %rem3A_89, %select_n3A_88 : i32
      %select_n3A_98 = arith.select %and3A_96, %add3A_97, %rem3A_89 : i32
      %mul3A_99 = arith.constant 16 : i32
      %mul3A_100 = arith.muli %select_n3A_98, %mul3A_99 : i32
      %swap3A = arith.index_cast %select_n3A : i32 to index
      %swap3A_101 = arith.index_cast %mul3A_100 : i32 to index
      %swap3A_102 = tpu.vector_load %arg8[%swap3A, %swap3A_101] {strides = array<i32>} : memref<128x128xf32, #tpu.memory_space<vmem>>, vector<1x16xf32>,
      %swap3A_103 = vector.shape_cast %swap3A_102 : vector<1x16xf32> to vector<16xf32>
      %swap3A_104 = vector.shape_cast %broadcast_in_dim3A_0 : vector<16xf32> to vector<1x16xf32>
      tpu.vector_store %arg8[%swap3A, %swap3A_101], %swap3A_104 {strides = array<i32>} : memref<128x128xf32, #tpu.memory_space<vmem>>, vector<1x16xf32>,
    }
    %scan3A_5 = arith.constant 1024 : i32
    %mul3A = arith.constant 632 : i32
    %mul3A_6 = arith.muli %arg1, %mul3A : i32
    %add3A = arith.constant 0 : i32
    %add3A_7 = arith.addi %mul3A_6, %add3A : i32
    "tpu.region"() ({
      %run_scoped3A = tpu.sem_alloc : memref<!tpu.dma_semaphore, #tpu.memory_space<semaphore_mem>>
      %dma_start3A_68 = arith.constant 0 : i32
      %dma_start3A_69 = tpu.memref_slice %arg10[%add3A_7, %dma_start3A_68] : memref<10112x128xf32, #tpu.memory_space<vmem_shared>> -> memref<128x128xf32, #tpu.memory_space<vmem_shared>>
      %dma_start3A_70 = arith.constant 0 : i32
      %dma_start3A_71 = tpu.memref_slice %arg10[%add3A_7, %dma_start3A_70] : memref<10112x128xf32, #tpu.memory_space<vmem_shared>> -> memref<128x128xf32, #tpu.memory_space<vmem_shared>>
      tpu.enqueue_dma source(%arg8 : memref<128x128xf32, #tpu.memory_space<vmem>>) target(%dma_start3A_71 : memref<128x128xf32, #tpu.memory_space<vmem_shared>>) target_semaphore(%run_scoped3A : memref<!tpu.dma_semaphore, #tpu.memory_space<semaphore_mem>>)
      %dma_wait3A = arith.constant 0 : i32
      %dma_wait3A_72 = tpu.memref_slice %arg10[%add3A_7, %dma_wait3A] : memref<10112x128xf32, #tpu.memory_space<vmem_shared>> -> memref<128x128xf32, #tpu.memory_space<vmem_shared>>
      %dma_wait3A_73 = arith.constant 0 : i32
      %dma_wait3A_74 = tpu.memref_slice %arg10[%add3A_7, %dma_wait3A_73] : memref<10112x128xf32, #tpu.memory_space<vmem_shared>> -> memref<128x128xf32, #tpu.memory_space<vmem_shared>>
      tpu.wait_dma2 semaphore(%run_scoped3A : memref<!tpu.dma_semaphore, #tpu.memory_space<semaphore_mem>>) src(%arg8 : memref<128x128xf32, #tpu.memory_space<vmem>>) dst(%dma_wait3A_74 : memref<128x128xf32, #tpu.memory_space<vmem_shared>>)
      tpu.yield
    }) : () -> ()
    %add3A_8 = arith.constant 128 : i32
    %add3A_9 = arith.addi %mul3A_6, %add3A_8 : i32
    "tpu.region"() ({
      %run_scoped3A = tpu.sem_alloc : memref<!tpu.dma_semaphore, #tpu.memory_space<semaphore_mem>>
      %dma_start3A_68 = arith.constant 0 : i32
      %dma_start3A_69 = tpu.memref_slice %arg10[%add3A_9, %dma_start3A_68] : memref<10112x128xf32, #tpu.memory_space<vmem_shared>> -> memref<128x128xf32, #tpu.memory_space<vmem_shared>>
      %dma_start3A_70 = arith.constant 0 : i32
      %dma_start3A_71 = tpu.memref_slice %arg10[%add3A_9, %dma_start3A_70] : memref<10112x128xf32, #tpu.memory_space<vmem_shared>> -> memref<128x128xf32, #tpu.memory_space<vmem_shared>>
      tpu.enqueue_dma source(%arg8 : memref<128x128xf32, #tpu.memory_space<vmem>>) target(%dma_start3A_71 : memref<128x128xf32, #tpu.memory_space<vmem_shared>>) target_semaphore(%run_scoped3A : memref<!tpu.dma_semaphore, #tpu.memory_space<semaphore_mem>>)
      %dma_wait3A = arith.constant 0 : i32
      %dma_wait3A_72 = tpu.memref_slice %arg10[%add3A_9, %dma_wait3A] : memref<10112x128xf32, #tpu.memory_space<vmem_shared>> -> memref<128x128xf32, #tpu.memory_space<vmem_shared>>
      %dma_wait3A_73 = arith.constant 0 : i32
      %dma_wait3A_74 = tpu.memref_slice %arg10[%add3A_9, %dma_wait3A_73] : memref<10112x128xf32, #tpu.memory_space<vmem_shared>> -> memref<128x128xf32, #tpu.memory_space<vmem_shared>>
      tpu.wait_dma2 semaphore(%run_scoped3A : memref<!tpu.dma_semaphore, #tpu.memory_space<semaphore_mem>>) src(%arg8 : memref<128x128xf32, #tpu.memory_space<vmem>>) dst(%dma_wait3A_74 : memref<128x128xf32, #tpu.memory_space<vmem_shared>>)
      tpu.yield
    }) : () -> ()
    %add3A_10 = arith.constant 256 : i32
    %add3A_11 = arith.addi %mul3A_6, %add3A_10 : i32
    "tpu.region"() ({
      %run_scoped3A = tpu.sem_alloc : memref<!tpu.dma_semaphore, #tpu.memory_space<semaphore_mem>>
      %dma_start3A_68 = arith.constant 0 : i32
      %dma_start3A_69 = tpu.memref_slice %arg10[%add3A_11, %dma_start3A_68] : memref<10112x128xf32, #tpu.memory_space<vmem_shared>> -> memref<128x128xf32, #tpu.memory_space<vmem_shared>>
      %dma_start3A_70 = arith.constant 0 : i32
      %dma_start3A_71 = tpu.memref_slice %arg10[%add3A_11, %dma_start3A_70] : memref<10112x128xf32, #tpu.memory_space<vmem_shared>> -> memref<128x128xf32, #tpu.memory_space<vmem_shared>>
      tpu.enqueue_dma source(%arg8 : memref<128x128xf32, #tpu.memory_space<vmem>>) target(%dma_start3A_71 : memref<128x128xf32, #tpu.memory_space<vmem_shared>>) target_semaphore(%run_scoped3A : memref<!tpu.dma_semaphore, #tpu.memory_space<semaphore_mem>>)
      %dma_wait3A = arith.constant 0 : i32
      %dma_wait3A_72 = tpu.memref_slice %arg10[%add3A_11, %dma_wait3A] : memref<10112x128xf32, #tpu.memory_space<vmem_shared>> -> memref<128x128xf32, #tpu.memory_space<vmem_shared>>
      %dma_wait3A_73 = arith.constant 0 : i32
      %dma_wait3A_74 = tpu.memref_slice %arg10[%add3A_11, %dma_wait3A_73] : memref<10112x128xf32, #tpu.memory_space<vmem_shared>> -> memref<128x128xf32, #tpu.memory_space<vmem_shared>>
      tpu.wait_dma2 semaphore(%run_scoped3A : memref<!tpu.dma_semaphore, #tpu.memory_space<semaphore_mem>>) src(%arg8 : memref<128x128xf32, #tpu.memory_space<vmem>>) dst(%dma_wait3A_74 : memref<128x128xf32, #tpu.memory_space<vmem_shared>>)
      tpu.yield
    }) : () -> ()
    %add3A_12 = arith.constant 384 : i32
    %add3A_13 = arith.addi %mul3A_6, %add3A_12 : i32
    "tpu.region"() ({
      %run_scoped3A = tpu.sem_alloc : memref<!tpu.dma_semaphore, #tpu.memory_space<semaphore_mem>>
      %dma_start3A_68 = arith.constant 0 : i32
      %dma_start3A_69 = tpu.memref_slice %arg10[%add3A_13, %dma_start3A_68] : memref<10112x128xf32, #tpu.memory_space<vmem_shared>> -> memref<128x128xf32, #tpu.memory_space<vmem_shared>>
      %dma_start3A_70 = arith.constant 0 : i32
      %dma_start3A_71 = tpu.memref_slice %arg10[%add3A_13, %dma_start3A_70] : memref<10112x128xf32, #tpu.memory_space<vmem_shared>> -> memref<128x128xf32, #tpu.memory_space<vmem_shared>>
      tpu.enqueue_dma source(%arg8 : memref<128x128xf32, #tpu.memory_space<vmem>>) target(%dma_start3A_71 : memref<128x128xf32, #tpu.memory_space<vmem_shared>>) target_semaphore(%run_scoped3A : memref<!tpu.dma_semaphore, #tpu.memory_space<semaphore_mem>>)
      %dma_wait3A = arith.constant 0 : i32
      %dma_wait3A_72 = tpu.memref_slice %arg10[%add3A_13, %dma_wait3A] : memref<10112x128xf32, #tpu.memory_space<vmem_shared>> -> memref<128x128xf32, #tpu.memory_space<vmem_shared>>
      %dma_wait3A_73 = arith.constant 0 : i32
      %dma_wait3A_74 = tpu.memref_slice %arg10[%add3A_13, %dma_wait3A_73] : memref<10112x128xf32, #tpu.memory_space<vmem_shared>> -> memref<128x128xf32, #tpu.memory_space<vmem_shared>>
      tpu.wait_dma2 semaphore(%run_scoped3A : memref<!tpu.dma_semaphore, #tpu.memory_space<semaphore_mem>>) src(%arg8 : memref<128x128xf32, #tpu.memory_space<vmem>>) dst(%dma_wait3A_74 : memref<128x128xf32, #tpu.memory_space<vmem_shared>>)
      tpu.yield
    }) : () -> ()
    %add3A_14 = arith.constant 512 : i32
    %add3A_15 = arith.addi %mul3A_6, %add3A_14 : i32
    "tpu.region"() ({
      %run_scoped3A = tpu.sem_alloc : memref<!tpu.dma_semaphore, #tpu.memory_space<semaphore_mem>>
      %dma_start3A_68 = arith.constant 0 : i32
      %dma_start3A_69 = arith.constant 0 : i32
      %dma_start3A_70 = tpu.memref_slice %arg8[%dma_start3A_68, %dma_start3A_69] : memref<128x128xf32, #tpu.memory_space<vmem>> -> memref<120x128xf32, #tpu.memory_space<vmem>>
      %dma_start3A_71 = arith.constant 0 : i32
      %dma_start3A_72 = tpu.memref_slice %arg10[%add3A_15, %dma_start3A_71] : memref<10112x128xf32, #tpu.memory_space<vmem_shared>> -> memref<120x128xf32, #tpu.memory_space<vmem_shared>>
      %dma_start3A_73 = arith.constant 0 : i32
      %dma_start3A_74 = tpu.memref_slice %arg10[%add3A_15, %dma_start3A_73] : memref<10112x128xf32, #tpu.memory_space<vmem_shared>> -> memref<120x128xf32, #tpu.memory_space<vmem_shared>>
      %dma_start3A_75 = arith.constant 0 : i32
      %dma_start3A_76 = arith.constant 0 : i32
      %dma_start3A_77 = tpu.memref_slice %arg8[%dma_start3A_75, %dma_start3A_76] : memref<128x128xf32, #tpu.memory_space<vmem>> -> memref<120x128xf32, #tpu.memory_space<vmem>>
      tpu.enqueue_dma source(%dma_start3A_77 : memref<120x128xf32, #tpu.memory_space<vmem>>) target(%dma_start3A_74 : memref<120x128xf32, #tpu.memory_space<vmem_shared>>) target_semaphore(%run_scoped3A : memref<!tpu.dma_semaphore, #tpu.memory_space<semaphore_mem>>)
      %dma_wait3A = arith.constant 0 : i32
      %dma_wait3A_78 = arith.constant 0 : i32
      %dma_wait3A_79 = tpu.memref_slice %arg8[%dma_wait3A, %dma_wait3A_78] : memref<128x128xf32, #tpu.memory_space<vmem>> -> memref<120x128xf32, #tpu.memory_space<vmem>>
      %dma_wait3A_80 = arith.constant 0 : i32
      %dma_wait3A_81 = tpu.memref_slice %arg10[%add3A_15, %dma_wait3A_80] : memref<10112x128xf32, #tpu.memory_space<vmem_shared>> -> memref<120x128xf32, #tpu.memory_space<vmem_shared>>
      %dma_wait3A_82 = arith.constant 0 : i32
      %dma_wait3A_83 = tpu.memref_slice %arg10[%add3A_15, %dma_wait3A_82] : memref<10112x128xf32, #tpu.memory_space<vmem_shared>> -> memref<120x128xf32, #tpu.memory_space<vmem_shared>>
      %dma_wait3A_84 = arith.constant 0 : i32
      %dma_wait3A_85 = arith.constant 0 : i32
      %dma_wait3A_86 = tpu.memref_slice %arg8[%dma_wait3A_84, %dma_wait3A_85] : memref<128x128xf32, #tpu.memory_space<vmem>> -> memref<120x128xf32, #tpu.memory_space<vmem>>
      tpu.wait_dma2 semaphore(%run_scoped3A : memref<!tpu.dma_semaphore, #tpu.memory_space<semaphore_mem>>) src(%dma_wait3A_86 : memref<120x128xf32, #tpu.memory_space<vmem>>) dst(%dma_wait3A_83 : memref<120x128xf32, #tpu.memory_space<vmem_shared>>)
      tpu.yield
    }) : () -> ()
    "tpu.region"() ({
      %run_scoped3A = tpu.sem_alloc : memref<!tpu.dma_semaphore, #tpu.memory_space<semaphore_mem>>
      %dma_start3A_68 = arith.constant 0 : i32
      %dma_start3A_69 = arith.constant 0 : i32
      %dma_start3A_70 = tpu.memref_slice %arg3[%arg0, %arg1, %dma_start3A_68, %dma_start3A_69] : memref<2x16x80x128xi32, #tpu.memory_space<hbm>> -> memref<1x1x80x128xi32, #tpu.memory_space<hbm>>
      %dma_start3A_71 = tpu.memref_squeeze %dma_start3A_70 : memref<1x1x80x128xi32, #tpu.memory_space<hbm>> -> memref<80x128xi32, #tpu.memory_space<hbm>>
      %dma_start3A_72 = arith.constant 0 : i32
      %dma_start3A_73 = arith.constant 0 : i32
      %dma_start3A_74 = tpu.memref_slice %arg3[%arg0, %arg1, %dma_start3A_72, %dma_start3A_73] : memref<2x16x80x128xi32, #tpu.memory_space<hbm>> -> memref<1x1x80x128xi32, #tpu.memory_space<hbm>>
      %dma_start3A_75 = tpu.memref_squeeze %dma_start3A_74 : memref<1x1x80x128xi32, #tpu.memory_space<hbm>> -> memref<80x128xi32, #tpu.memory_space<hbm>>
      tpu.enqueue_dma source(%dma_start3A_75 : memref<80x128xi32, #tpu.memory_space<hbm>>) target(%arg5 : memref<80x128xi32, #tpu.memory_space<vmem>>) target_semaphore(%run_scoped3A : memref<!tpu.dma_semaphore, #tpu.memory_space<semaphore_mem>>)
      %dma_wait3A = arith.constant 0 : i32
      %dma_wait3A_76 = arith.constant 0 : i32
      %dma_wait3A_77 = tpu.memref_slice %arg3[%arg0, %arg1, %dma_wait3A, %dma_wait3A_76] : memref<2x16x80x128xi32, #tpu.memory_space<hbm>> -> memref<1x1x80x128xi32, #tpu.memory_space<hbm>>
      %dma_wait3A_78 = tpu.memref_squeeze %dma_wait3A_77 : memref<1x1x80x128xi32, #tpu.memory_space<hbm>> -> memref<80x128xi32, #tpu.memory_space<hbm>>
      %dma_wait3A_79 = arith.constant 0 : i32
      %dma_wait3A_80 = arith.constant 0 : i32
      %dma_wait3A_81 = tpu.memref_slice %arg3[%arg0, %arg1, %dma_wait3A_79, %dma_wait3A_80] : memref<2x16x80x128xi32, #tpu.memory_space<hbm>> -> memref<1x1x80x128xi32, #tpu.memory_space<hbm>>
      %dma_wait3A_82 = tpu.memref_squeeze %dma_wait3A_81 : memref<1x1x80x128xi32, #tpu.memory_space<hbm>> -> memref<80x128xi32, #tpu.memory_space<hbm>>
      tpu.wait_dma2 semaphore(%run_scoped3A : memref<!tpu.dma_semaphore, #tpu.memory_space<semaphore_mem>>) src(%dma_wait3A_82 : memref<80x128xi32, #tpu.memory_space<hbm>>) dst(%arg5 : memref<80x128xi32, #tpu.memory_space<vmem>>)
      tpu.yield
    }) : () -> ()
    %barrier3A = arith.constant 0 : index
    tpu.barrier barrier_id(%barrier3A)
    %scan3A_16 = arith.constant 0 : i32
    %scan3A_17 = arith.constant 0 : i32
    %scan3A_18 = arith.constant 8 : i32
    %scan3A_19 = arith.addi %scan3A_17, %scan3A_18 : i32
    %scan3A_20 = arith.constant 1 : i32
    scf.for %scan3A_68 = %scan3A_17 to %scan3A_19 step %scan3A_20  : i32 {
      %mul3A_69 = arith.constant 16 : i32
      %mul3A_70 = arith.muli %scan3A_68, %mul3A_69 : i32
      %get3A = arith.constant 0 : i32
      %get3A_71 = arith.index_cast %get3A : i32 to index
      %get3A_72 = arith.index_cast %mul3A_70 : i32 to index
      %get3A_73 = tpu.vector_load %arg5[%get3A_71, %get3A_72] {strides = array<i32>} : memref<80x128xi32, #tpu.memory_space<vmem>>, vector<1x16xi32>,
      %get3A_74 = vector.shape_cast %get3A_73 : vector<1x16xi32> to vector<16xi32>
      %shift_right_logical3A = arith.constant 14 : i32
      %shift_right_logical3A_75 = vector.broadcast %shift_right_logical3A : i32 to vector<16xi32>
      %shift_right_logical3A_76 = arith.shrui %get3A_74, %shift_right_logical3A_75 : vector<16xi32>
      %mul3A_77 = arith.constant 16 : i32
      %mul3A_78 = arith.muli %scan3A_68, %mul3A_77 : i32
      %swap3A = arith.constant 0 : i32
      %swap3A_79 = arith.index_cast %swap3A : i32 to index
      %swap3A_80 = arith.index_cast %mul3A_78 : i32 to index
      %swap3A_81 = tpu.vector_load %arg6[%swap3A_79, %swap3A_80] {strides = array<i32>} : memref<2x128xi32, #tpu.memory_space<vmem>>, vector<1x16xi32>,
      %swap3A_82 = vector.shape_cast %swap3A_81 : vector<1x16xi32> to vector<16xi32>
      %swap3A_83 = vector.shape_cast %shift_right_logical3A_76 : vector<16xi32> to vector<1x16xi32>
      tpu.vector_store %arg6[%swap3A_79, %swap3A_80], %swap3A_83 {strides = array<i32>} : memref<2x128xi32, #tpu.memory_space<vmem>>, vector<1x16xi32>,
      %and3A = arith.constant 16383 : i32
      %and3A_84 = vector.broadcast %and3A : i32 to vector<16xi32>
      %and3A_85 = arith.andi %get3A_74, %and3A_84 : vector<16xi32>
      %mul3A_86 = arith.constant 16 : i32
      %mul3A_87 = arith.muli %scan3A_68, %mul3A_86 : i32
      %swap3A_88 = arith.constant 0 : i32
      %swap3A_89 = arith.index_cast %swap3A_88 : i32 to index
      %swap3A_90 = arith.index_cast %mul3A_87 : i32 to index
      %swap3A_91 = tpu.vector_load %arg7[%swap3A_89, %swap3A_90] {strides = array<i32>} : memref<2x128xi32, #tpu.memory_space<vmem>>, vector<1x16xi32>,
      %swap3A_92 = vector.shape_cast %swap3A_91 : vector<1x16xi32> to vector<16xi32>
      %swap3A_93 = vector.shape_cast %and3A_85 : vector<16xi32> to vector<1x16xi32>
      tpu.vector_store %arg7[%swap3A_89, %swap3A_90], %swap3A_93 {strides = array<i32>} : memref<2x128xi32, #tpu.memory_space<vmem>>, vector<1x16xi32>,
    }
    %scan3A_21 = arith.constant 8 : i32
    %dma_start3A = arith.constant 0 : i32
    %dma_start3A_22 = arith.constant 0 : i32
    %dma_start3A_23 = tpu.memref_slice %arg6[%dma_start3A, %dma_start3A_22] : memref<2x128xi32, #tpu.memory_space<vmem>> -> memref<1x128xi32, #tpu.memory_space<vmem>>
    %dma_start3A_24 = tpu.memref_squeeze %dma_start3A_23 : memref<1x128xi32, #tpu.memory_space<vmem>> -> memref<128xi32, #tpu.memory_space<vmem>>
    %dma_start3A_25 = arith.constant 0 : i32
    %dma_start3A_26 = arith.constant 0 : i32
    %dma_start3A_27 = tpu.memref_slice %arg2[%dma_start3A_25, %dma_start3A_26] : memref<10000x128xf32, #tpu.memory_space<hbm>> -> memref<10000x128xf32, #tpu.memory_space<hbm>>
    tpu.enqueue_indirect_dma source(%dma_start3A_27 : memref<10000x128xf32, #tpu.memory_space<hbm>>) target(%arg8 : memref<128x128xf32, #tpu.memory_space<vmem>>) offsets(%dma_start3A_24 : memref<128xi32, #tpu.memory_space<vmem>>) semaphore(%arg11 : memref<!tpu.dma_semaphore, #tpu.memory_space<semaphore_mem>>)
    %scan3A_28 = arith.constant 0 : i32
    %scan3A_29 = arith.constant 0 : i32
    %scan3A_30 = arith.constant 8 : i32
    %scan3A_31 = arith.addi %scan3A_29, %scan3A_30 : i32
    %scan3A_32 = arith.constant 1 : i32
    scf.for %scan3A_68 = %scan3A_29 to %scan3A_31 step %scan3A_32  : i32 {
      %mul3A_69 = arith.constant 16 : i32
      %mul3A_70 = arith.muli %scan3A_68, %mul3A_69 : i32
      %get3A = arith.constant 1 : i32
      %get3A_71 = arith.index_cast %get3A : i32 to index
      %get3A_72 = arith.index_cast %mul3A_70 : i32 to index
      %get3A_73 = tpu.vector_load %arg5[%get3A_71, %get3A_72] {strides = array<i32>} : memref<80x128xi32, #tpu.memory_space<vmem>>, vector<1x16xi32>,
      %get3A_74 = vector.shape_cast %get3A_73 : vector<1x16xi32> to vector<16xi32>
      %shift_right_logical3A = arith.constant 14 : i32
      %shift_right_logical3A_75 = vector.broadcast %shift_right_logical3A : i32 to vector<16xi32>
      %shift_right_logical3A_76 = arith.shrui %get3A_74, %shift_right_logical3A_75 : vector<16xi32>
      %mul3A_77 = arith.constant 16 : i32
      %mul3A_78 = arith.muli %scan3A_68, %mul3A_77 : i32
      %swap3A = arith.constant 1 : i32
      %swap3A_79 = arith.index_cast %swap3A : i32 to index
      %swap3A_80 = arith.index_cast %mul3A_78 : i32 to index
      %swap3A_81 = tpu.vector_load %arg6[%swap3A_79, %swap3A_80] {strides = array<i32>} : memref<2x128xi32, #tpu.memory_space<vmem>>, vector<1x16xi32>,
      %swap3A_82 = vector.shape_cast %swap3A_81 : vector<1x16xi32> to vector<16xi32>
      %swap3A_83 = vector.shape_cast %shift_right_logical3A_76 : vector<16xi32> to vector<1x16xi32>
      tpu.vector_store %arg6[%swap3A_79, %swap3A_80], %swap3A_83 {strides = array<i32>} : memref<2x128xi32, #tpu.memory_space<vmem>>, vector<1x16xi32>,
      %and3A = arith.constant 16383 : i32
      %and3A_84 = vector.broadcast %and3A : i32 to vector<16xi32>
      %and3A_85 = arith.andi %get3A_74, %and3A_84 : vector<16xi32>
      %mul3A_86 = arith.constant 16 : i32
      %mul3A_87 = arith.muli %scan3A_68, %mul3A_86 : i32
      %swap3A_88 = arith.constant 1 : i32
      %swap3A_89 = arith.index_cast %swap3A_88 : i32 to index
      %swap3A_90 = arith.index_cast %mul3A_87 : i32 to index
      %swap3A_91 = tpu.vector_load %arg7[%swap3A_89, %swap3A_90] {strides = array<i32>} : memref<2x128xi32, #tpu.memory_space<vmem>>, vector<1x16xi32>,
      %swap3A_92 = vector.shape_cast %swap3A_91 : vector<1x16xi32> to vector<16xi32>
      %swap3A_93 = vector.shape_cast %and3A_85 : vector<16xi32> to vector<1x16xi32>
      tpu.vector_store %arg7[%swap3A_89, %swap3A_90], %swap3A_93 {strides = array<i32>} : memref<2x128xi32, #tpu.memory_space<vmem>>, vector<1x16xi32>,
    }
    %scan3A_33 = arith.constant 8 : i32
    %dma_start3A_34 = arith.constant 1 : i32
    %dma_start3A_35 = arith.constant 0 : i32
    %dma_start3A_36 = tpu.memref_slice %arg6[%dma_start3A_34, %dma_start3A_35] : memref<2x128xi32, #tpu.memory_space<vmem>> -> memref<1x128xi32, #tpu.memory_space<vmem>>
    %dma_start3A_37 = tpu.memref_squeeze %dma_start3A_36 : memref<1x128xi32, #tpu.memory_space<vmem>> -> memref<128xi32, #tpu.memory_space<vmem>>
    %dma_start3A_38 = arith.constant 0 : i32
    %dma_start3A_39 = arith.constant 0 : i32
    %dma_start3A_40 = tpu.memref_slice %arg2[%dma_start3A_38, %dma_start3A_39] : memref<10000x128xf32, #tpu.memory_space<hbm>> -> memref<10000x128xf32, #tpu.memory_space<hbm>>
    tpu.enqueue_indirect_dma source(%dma_start3A_40 : memref<10000x128xf32, #tpu.memory_space<hbm>>) target(%arg9 : memref<128x128xf32, #tpu.memory_space<vmem>>) offsets(%dma_start3A_37 : memref<128xi32, #tpu.memory_space<vmem>>) semaphore(%arg12 : memref<!tpu.dma_semaphore, #tpu.memory_space<semaphore_mem>>)
    %scan3A_41 = arith.constant 0 : i32
    %scan3A_42 = arith.constant 0 : i32
    %scan3A_43 = arith.constant 40 : i32
    %scan3A_44 = arith.addi %scan3A_42, %scan3A_43 : i32
    %scan3A_45 = arith.constant 1 : i32
    scf.for %scan3A_68 = %scan3A_42 to %scan3A_44 step %scan3A_45  : i32 {
      %mul3A_69 = arith.constant 2 : i32
      %mul3A_70 = arith.muli %scan3A_68, %mul3A_69 : i32
      %add3A_71 = arith.constant 0 : i32
      %add3A_72 = arith.addi %mul3A_70, %add3A_71 : i32
      %dma_wait3A = arith.constant 0 : i32
      %dma_wait3A_73 = arith.constant 0 : i32
      %dma_wait3A_74 = tpu.memref_slice %arg6[%dma_wait3A, %dma_wait3A_73] : memref<2x128xi32, #tpu.memory_space<vmem>> -> memref<1x128xi32, #tpu.memory_space<vmem>>
      %dma_wait3A_75 = tpu.memref_squeeze %dma_wait3A_74 : memref<1x128xi32, #tpu.memory_space<vmem>> -> memref<128xi32, #tpu.memory_space<vmem>>
      %dma_wait3A_76 = arith.constant 0 : i32
      %dma_wait3A_77 = arith.constant 0 : i32
      %dma_wait3A_78 = tpu.memref_slice %arg2[%dma_wait3A_76, %dma_wait3A_77] : memref<10000x128xf32, #tpu.memory_space<hbm>> -> memref<10000x128xf32, #tpu.memory_space<hbm>>
      tpu.wait_indirect_dma semaphore(%arg11 : memref<!tpu.dma_semaphore, #tpu.memory_space<semaphore_mem>>) src(%dma_wait3A_78 : memref<10000x128xf32, #tpu.memory_space<hbm>>) dst(%arg8 : memref<128x128xf32, #tpu.memory_space<vmem>>)
      %dma_start3A_79 = arith.constant 0 : i32
      %dma_start3A_80 = arith.constant 0 : i32
      %dma_start3A_81 = tpu.memref_slice %arg7[%dma_start3A_79, %dma_start3A_80] : memref<2x128xi32, #tpu.memory_space<vmem>> -> memref<1x128xi32, #tpu.memory_space<vmem>>
      %dma_start3A_82 = tpu.memref_squeeze %dma_start3A_81 : memref<1x128xi32, #tpu.memory_space<vmem>> -> memref<128xi32, #tpu.memory_space<vmem>>
      %dma_start3A_83 = arith.constant 0 : i32
      %dma_start3A_84 = arith.constant 0 : i32
      %dma_start3A_85 = tpu.memref_slice %arg10[%dma_start3A_83, %dma_start3A_84] : memref<10112x128xf32, #tpu.memory_space<vmem_shared>> -> memref<10112x128xf32, #tpu.memory_space<vmem_shared>>
      tpu.enqueue_indirect_dma source(%arg8 : memref<128x128xf32, #tpu.memory_space<vmem>>) target(%dma_start3A_85 : memref<10112x128xf32, #tpu.memory_space<vmem_shared>>) offsets(%dma_start3A_82 : memref<128xi32, #tpu.memory_space<vmem>>) semaphore(%arg13 : memref<!tpu.dma_semaphore, #tpu.memory_space<semaphore_mem>>) {add = true}
      %dma_wait3A_86 = arith.constant 0 : i32
      %dma_wait3A_87 = arith.constant 0 : i32
      %dma_wait3A_88 = tpu.memref_slice %arg7[%dma_wait3A_86, %dma_wait3A_87] : memref<2x128xi32, #tpu.memory_space<vmem>> -> memref<1x128xi32, #tpu.memory_space<vmem>>
      %dma_wait3A_89 = tpu.memref_squeeze %dma_wait3A_88 : memref<1x128xi32, #tpu.memory_space<vmem>> -> memref<128xi32, #tpu.memory_space<vmem>>
      %dma_wait3A_90 = arith.constant 0 : i32
      %dma_wait3A_91 = arith.constant 0 : i32
      %dma_wait3A_92 = tpu.memref_slice %arg10[%dma_wait3A_90, %dma_wait3A_91] : memref<10112x128xf32, #tpu.memory_space<vmem_shared>> -> memref<10112x128xf32, #tpu.memory_space<vmem_shared>>
      tpu.wait_indirect_dma semaphore(%arg13 : memref<!tpu.dma_semaphore, #tpu.memory_space<semaphore_mem>>) src(%arg8 : memref<128x128xf32, #tpu.memory_space<vmem>>) dst(%dma_wait3A_92 : memref<10112x128xf32, #tpu.memory_space<vmem_shared>>)
      %add3A_93 = arith.constant 2 : i32
      %add3A_94 = arith.addi %add3A_72, %add3A_93 : i32
      %lt3A = arith.constant 80 : i32
      %lt3A_95 = arith.cmpi slt, %add3A_94, %lt3A : i32
      %convert_element_type3A = arith.extui %lt3A_95 : i1 to i32
      %cond3A = arith.constant 0 : i32
      %cond3A_96 = arith.cmpi ne, %convert_element_type3A, %cond3A : i32
      scf.if %cond3A_96 {
        %scan3A_129 = arith.constant 0 : i32
        %scan3A_130 = arith.constant 0 : i32
        %scan3A_131 = arith.constant 8 : i32
        %scan3A_132 = arith.addi %scan3A_130, %scan3A_131 : i32
        %scan3A_133 = arith.constant 1 : i32
        scf.for %scan3A_142 = %scan3A_130 to %scan3A_132 step %scan3A_133  : i32 {
          %mul3A_143 = arith.constant 16 : i32
          %mul3A_144 = arith.muli %scan3A_142, %mul3A_143 : i32
          %get3A = arith.index_cast %add3A_94 : i32 to index
          %get3A_145 = arith.index_cast %mul3A_144 : i32 to index
          %get3A_146 = tpu.vector_load %arg5[%get3A, %get3A_145] {strides = array<i32>} : memref<80x128xi32, #tpu.memory_space<vmem>>, vector<1x16xi32>,
          %get3A_147 = vector.shape_cast %get3A_146 : vector<1x16xi32> to vector<16xi32>
          %shift_right_logical3A = arith.constant 14 : i32
          %shift_right_logical3A_148 = vector.broadcast %shift_right_logical3A : i32 to vector<16xi32>
          %shift_right_logical3A_149 = arith.shrui %get3A_147, %shift_right_logical3A_148 : vector<16xi32>
          %mul3A_150 = arith.constant 16 : i32
          %mul3A_151 = arith.muli %scan3A_142, %mul3A_150 : i32
          %swap3A = arith.constant 0 : i32
          %swap3A_152 = arith.index_cast %swap3A : i32 to index
          %swap3A_153 = arith.index_cast %mul3A_151 : i32 to index
          %swap3A_154 = tpu.vector_load %arg6[%swap3A_152, %swap3A_153] {strides = array<i32>} : memref<2x128xi32, #tpu.memory_space<vmem>>, vector<1x16xi32>,
          %swap3A_155 = vector.shape_cast %swap3A_154 : vector<1x16xi32> to vector<16xi32>
          %swap3A_156 = vector.shape_cast %shift_right_logical3A_149 : vector<16xi32> to vector<1x16xi32>
          tpu.vector_store %arg6[%swap3A_152, %swap3A_153], %swap3A_156 {strides = array<i32>} : memref<2x128xi32, #tpu.memory_space<vmem>>, vector<1x16xi32>,
          %and3A = arith.constant 16383 : i32
          %and3A_157 = vector.broadcast %and3A : i32 to vector<16xi32>
          %and3A_158 = arith.andi %get3A_147, %and3A_157 : vector<16xi32>
          %mul3A_159 = arith.constant 16 : i32
          %mul3A_160 = arith.muli %scan3A_142, %mul3A_159 : i32
          %swap3A_161 = arith.constant 0 : i32
          %swap3A_162 = arith.index_cast %swap3A_161 : i32 to index
          %swap3A_163 = arith.index_cast %mul3A_160 : i32 to index
          %swap3A_164 = tpu.vector_load %arg7[%swap3A_162, %swap3A_163] {strides = array<i32>} : memref<2x128xi32, #tpu.memory_space<vmem>>, vector<1x16xi32>,
          %swap3A_165 = vector.shape_cast %swap3A_164 : vector<1x16xi32> to vector<16xi32>
          %swap3A_166 = vector.shape_cast %and3A_158 : vector<16xi32> to vector<1x16xi32>
          tpu.vector_store %arg7[%swap3A_162, %swap3A_163], %swap3A_166 {strides = array<i32>} : memref<2x128xi32, #tpu.memory_space<vmem>>, vector<1x16xi32>,
        }
        %scan3A_134 = arith.constant 8 : i32
        %dma_start3A_135 = arith.constant 0 : i32
        %dma_start3A_136 = arith.constant 0 : i32
        %dma_start3A_137 = tpu.memref_slice %arg6[%dma_start3A_135, %dma_start3A_136] : memref<2x128xi32, #tpu.memory_space<vmem>> -> memref<1x128xi32, #tpu.memory_space<vmem>>
        %dma_start3A_138 = tpu.memref_squeeze %dma_start3A_137 : memref<1x128xi32, #tpu.memory_space<vmem>> -> memref<128xi32, #tpu.memory_space<vmem>>
        %dma_start3A_139 = arith.constant 0 : i32
        %dma_start3A_140 = arith.constant 0 : i32
        %dma_start3A_141 = tpu.memref_slice %arg2[%dma_start3A_139, %dma_start3A_140] : memref<10000x128xf32, #tpu.memory_space<hbm>> -> memref<10000x128xf32, #tpu.memory_space<hbm>>
        tpu.enqueue_indirect_dma source(%dma_start3A_141 : memref<10000x128xf32, #tpu.memory_space<hbm>>) target(%arg8 : memref<128x128xf32, #tpu.memory_space<vmem>>) offsets(%dma_start3A_138 : memref<128xi32, #tpu.memory_space<vmem>>) semaphore(%arg11 : memref<!tpu.dma_semaphore, #tpu.memory_space<semaphore_mem>>)
      } else {
      }
      %mul3A_97 = arith.constant 2 : i32
      %mul3A_98 = arith.muli %scan3A_68, %mul3A_97 : i32
      %add3A_99 = arith.constant 1 : i32
      %add3A_100 = arith.addi %mul3A_98, %add3A_99 : i32
      %dma_wait3A_101 = arith.constant 1 : i32
      %dma_wait3A_102 = arith.constant 0 : i32
      %dma_wait3A_103 = tpu.memref_slice %arg6[%dma_wait3A_101, %dma_wait3A_102] : memref<2x128xi32, #tpu.memory_space<vmem>> -> memref<1x128xi32, #tpu.memory_space<vmem>>
      %dma_wait3A_104 = tpu.memref_squeeze %dma_wait3A_103 : memref<1x128xi32, #tpu.memory_space<vmem>> -> memref<128xi32, #tpu.memory_space<vmem>>
      %dma_wait3A_105 = arith.constant 0 : i32
      %dma_wait3A_106 = arith.constant 0 : i32
      %dma_wait3A_107 = tpu.memref_slice %arg2[%dma_wait3A_105, %dma_wait3A_106] : memref<10000x128xf32, #tpu.memory_space<hbm>> -> memref<10000x128xf32, #tpu.memory_space<hbm>>
      tpu.wait_indirect_dma semaphore(%arg12 : memref<!tpu.dma_semaphore, #tpu.memory_space<semaphore_mem>>) src(%dma_wait3A_107 : memref<10000x128xf32, #tpu.memory_space<hbm>>) dst(%arg9 : memref<128x128xf32, #tpu.memory_space<vmem>>)
      %dma_start3A_108 = arith.constant 1 : i32
      %dma_start3A_109 = arith.constant 0 : i32
      %dma_start3A_110 = tpu.memref_slice %arg7[%dma_start3A_108, %dma_start3A_109] : memref<2x128xi32, #tpu.memory_space<vmem>> -> memref<1x128xi32, #tpu.memory_space<vmem>>
      %dma_start3A_111 = tpu.memref_squeeze %dma_start3A_110 : memref<1x128xi32, #tpu.memory_space<vmem>> -> memref<128xi32, #tpu.memory_space<vmem>>
      %dma_start3A_112 = arith.constant 0 : i32
      %dma_start3A_113 = arith.constant 0 : i32
      %dma_start3A_114 = tpu.memref_slice %arg10[%dma_start3A_112, %dma_start3A_113] : memref<10112x128xf32, #tpu.memory_space<vmem_shared>> -> memref<10112x128xf32, #tpu.memory_space<vmem_shared>>
      tpu.enqueue_indirect_dma source(%arg9 : memref<128x128xf32, #tpu.memory_space<vmem>>) target(%dma_start3A_114 : memref<10112x128xf32, #tpu.memory_space<vmem_shared>>) offsets(%dma_start3A_111 : memref<128xi32, #tpu.memory_space<vmem>>) semaphore(%arg14 : memref<!tpu.dma_semaphore, #tpu.memory_space<semaphore_mem>>) {add = true}
      %dma_wait3A_115 = arith.constant 1 : i32
      %dma_wait3A_116 = arith.constant 0 : i32
      %dma_wait3A_117 = tpu.memref_slice %arg7[%dma_wait3A_115, %dma_wait3A_116] : memref<2x128xi32, #tpu.memory_space<vmem>> -> memref<1x128xi32, #tpu.memory_space<vmem>>
      %dma_wait3A_118 = tpu.memref_squeeze %dma_wait3A_117 : memref<1x128xi32, #tpu.memory_space<vmem>> -> memref<128xi32, #tpu.memory_space<vmem>>
      %dma_wait3A_119 = arith.constant 0 : i32
      %dma_wait3A_120 = arith.constant 0 : i32
      %dma_wait3A_121 = tpu.memref_slice %arg10[%dma_wait3A_119, %dma_wait3A_120] : memref<10112x128xf32, #tpu.memory_space<vmem_shared>> -> memref<10112x128xf32, #tpu.memory_space<vmem_shared>>
      tpu.wait_indirect_dma semaphore(%arg14 : memref<!tpu.dma_semaphore, #tpu.memory_space<semaphore_mem>>) src(%arg9 : memref<128x128xf32, #tpu.memory_space<vmem>>) dst(%dma_wait3A_121 : memref<10112x128xf32, #tpu.memory_space<vmem_shared>>)
      %add3A_122 = arith.constant 2 : i32
      %add3A_123 = arith.addi %add3A_100, %add3A_122 : i32
      %lt3A_124 = arith.constant 80 : i32
      %lt3A_125 = arith.cmpi slt, %add3A_123, %lt3A_124 : i32
      %convert_element_type3A_126 = arith.extui %lt3A_125 : i1 to i32
      %cond3A_127 = arith.constant 0 : i32
      %cond3A_128 = arith.cmpi ne, %convert_element_type3A_126, %cond3A_127 : i32
      scf.if %cond3A_128 {
        %scan3A_129 = arith.constant 0 : i32
        %scan3A_130 = arith.constant 0 : i32
        %scan3A_131 = arith.constant 8 : i32
        %scan3A_132 = arith.addi %scan3A_130, %scan3A_131 : i32
        %scan3A_133 = arith.constant 1 : i32
        scf.for %scan3A_142 = %scan3A_130 to %scan3A_132 step %scan3A_133  : i32 {
          %mul3A_143 = arith.constant 16 : i32
          %mul3A_144 = arith.muli %scan3A_142, %mul3A_143 : i32
          %get3A = arith.index_cast %add3A_123 : i32 to index
          %get3A_145 = arith.index_cast %mul3A_144 : i32 to index
          %get3A_146 = tpu.vector_load %arg5[%get3A, %get3A_145] {strides = array<i32>} : memref<80x128xi32, #tpu.memory_space<vmem>>, vector<1x16xi32>,
          %get3A_147 = vector.shape_cast %get3A_146 : vector<1x16xi32> to vector<16xi32>
          %shift_right_logical3A = arith.constant 14 : i32
          %shift_right_logical3A_148 = vector.broadcast %shift_right_logical3A : i32 to vector<16xi32>
          %shift_right_logical3A_149 = arith.shrui %get3A_147, %shift_right_logical3A_148 : vector<16xi32>
          %mul3A_150 = arith.constant 16 : i32
          %mul3A_151 = arith.muli %scan3A_142, %mul3A_150 : i32
          %swap3A = arith.constant 1 : i32
          %swap3A_152 = arith.index_cast %swap3A : i32 to index
          %swap3A_153 = arith.index_cast %mul3A_151 : i32 to index
          %swap3A_154 = tpu.vector_load %arg6[%swap3A_152, %swap3A_153] {strides = array<i32>} : memref<2x128xi32, #tpu.memory_space<vmem>>, vector<1x16xi32>,
          %swap3A_155 = vector.shape_cast %swap3A_154 : vector<1x16xi32> to vector<16xi32>
          %swap3A_156 = vector.shape_cast %shift_right_logical3A_149 : vector<16xi32> to vector<1x16xi32>
          tpu.vector_store %arg6[%swap3A_152, %swap3A_153], %swap3A_156 {strides = array<i32>} : memref<2x128xi32, #tpu.memory_space<vmem>>, vector<1x16xi32>,
          %and3A = arith.constant 16383 : i32
          %and3A_157 = vector.broadcast %and3A : i32 to vector<16xi32>
          %and3A_158 = arith.andi %get3A_147, %and3A_157 : vector<16xi32>
          %mul3A_159 = arith.constant 16 : i32
          %mul3A_160 = arith.muli %scan3A_142, %mul3A_159 : i32
          %swap3A_161 = arith.constant 1 : i32
          %swap3A_162 = arith.index_cast %swap3A_161 : i32 to index
          %swap3A_163 = arith.index_cast %mul3A_160 : i32 to index
          %swap3A_164 = tpu.vector_load %arg7[%swap3A_162, %swap3A_163] {strides = array<i32>} : memref<2x128xi32, #tpu.memory_space<vmem>>, vector<1x16xi32>,
          %swap3A_165 = vector.shape_cast %swap3A_164 : vector<1x16xi32> to vector<16xi32>
          %swap3A_166 = vector.shape_cast %and3A_158 : vector<16xi32> to vector<1x16xi32>
          tpu.vector_store %arg7[%swap3A_162, %swap3A_163], %swap3A_166 {strides = array<i32>} : memref<2x128xi32, #tpu.memory_space<vmem>>, vector<1x16xi32>,
        }
        %scan3A_134 = arith.constant 8 : i32
        %dma_start3A_135 = arith.constant 1 : i32
        %dma_start3A_136 = arith.constant 0 : i32
        %dma_start3A_137 = tpu.memref_slice %arg6[%dma_start3A_135, %dma_start3A_136] : memref<2x128xi32, #tpu.memory_space<vmem>> -> memref<1x128xi32, #tpu.memory_space<vmem>>
        %dma_start3A_138 = tpu.memref_squeeze %dma_start3A_137 : memref<1x128xi32, #tpu.memory_space<vmem>> -> memref<128xi32, #tpu.memory_space<vmem>>
        %dma_start3A_139 = arith.constant 0 : i32
        %dma_start3A_140 = arith.constant 0 : i32
        %dma_start3A_141 = tpu.memref_slice %arg2[%dma_start3A_139, %dma_start3A_140] : memref<10000x128xf32, #tpu.memory_space<hbm>> -> memref<10000x128xf32, #tpu.memory_space<hbm>>
        tpu.enqueue_indirect_dma source(%dma_start3A_141 : memref<10000x128xf32, #tpu.memory_space<hbm>>) target(%arg9 : memref<128x128xf32, #tpu.memory_space<vmem>>) offsets(%dma_start3A_138 : memref<128xi32, #tpu.memory_space<vmem>>) semaphore(%arg12 : memref<!tpu.dma_semaphore, #tpu.memory_space<semaphore_mem>>)
      } else {
      }
    }
    %scan3A_46 = arith.constant 40 : i32
    %barrier3A_47 = arith.constant 0 : index
    tpu.barrier barrier_id(%barrier3A_47)
    %add3A_48 = arith.constant 0 : i32
    %add3A_49 = arith.addi %mul3A_6, %add3A_48 : i32
    %add3A_50 = arith.constant 0 : i32
    %add3A_51 = arith.addi %mul3A_6, %add3A_50 : i32
    "tpu.region"() ({
      %run_scoped3A = tpu.sem_alloc : memref<!tpu.dma_semaphore, #tpu.memory_space<semaphore_mem>>
      %dma_start3A_68 = arith.constant 0 : i32
      %dma_start3A_69 = tpu.memref_slice %arg4[%arg0, %add3A_51, %dma_start3A_68] : memref<2x10112x128xf32, #tpu.memory_space<hbm>> -> memref<1x128x128xf32, #tpu.memory_space<hbm>>
      %dma_start3A_70 = tpu.memref_squeeze %dma_start3A_69 : memref<1x128x128xf32, #tpu.memory_space<hbm>> -> memref<128x128xf32, #tpu.memory_space<hbm>>
      %dma_start3A_71 = arith.constant 0 : i32
      %dma_start3A_72 = tpu.memref_slice %arg10[%add3A_49, %dma_start3A_71] : memref<10112x128xf32, #tpu.memory_space<vmem_shared>> -> memref<128x128xf32, #tpu.memory_space<vmem_shared>>
      tpu.enqueue_dma source(%dma_start3A_72 : memref<128x128xf32, #tpu.memory_space<vmem_shared>>) target(%dma_start3A_70 : memref<128x128xf32, #tpu.memory_space<hbm>>) target_semaphore(%run_scoped3A : memref<!tpu.dma_semaphore, #tpu.memory_space<semaphore_mem>>)
      %dma_wait3A = arith.constant 0 : i32
      %dma_wait3A_73 = tpu.memref_slice %arg4[%arg0, %add3A_51, %dma_wait3A] : memref<2x10112x128xf32, #tpu.memory_space<hbm>> -> memref<1x128x128xf32, #tpu.memory_space<hbm>>
      %dma_wait3A_74 = tpu.memref_squeeze %dma_wait3A_73 : memref<1x128x128xf32, #tpu.memory_space<hbm>> -> memref<128x128xf32, #tpu.memory_space<hbm>>
      %dma_wait3A_75 = arith.constant 0 : i32
      %dma_wait3A_76 = tpu.memref_slice %arg10[%add3A_49, %dma_wait3A_75] : memref<10112x128xf32, #tpu.memory_space<vmem_shared>> -> memref<128x128xf32, #tpu.memory_space<vmem_shared>>
      tpu.wait_dma2 semaphore(%run_scoped3A : memref<!tpu.dma_semaphore, #tpu.memory_space<semaphore_mem>>) src(%dma_wait3A_76 : memref<128x128xf32, #tpu.memory_space<vmem_shared>>) dst(%dma_wait3A_74 : memref<128x128xf32, #tpu.memory_space<hbm>>)
      tpu.yield
    }) : () -> ()
    %add3A_52 = arith.constant 128 : i32
    %add3A_53 = arith.addi %mul3A_6, %add3A_52 : i32
    %add3A_54 = arith.constant 128 : i32
    %add3A_55 = arith.addi %mul3A_6, %add3A_54 : i32
    "tpu.region"() ({
      %run_scoped3A = tpu.sem_alloc : memref<!tpu.dma_semaphore, #tpu.memory_space<semaphore_mem>>
      %dma_start3A_68 = arith.constant 0 : i32
      %dma_start3A_69 = tpu.memref_slice %arg4[%arg0, %add3A_55, %dma_start3A_68] : memref<2x10112x128xf32, #tpu.memory_space<hbm>> -> memref<1x128x128xf32, #tpu.memory_space<hbm>>
      %dma_start3A_70 = tpu.memref_squeeze %dma_start3A_69 : memref<1x128x128xf32, #tpu.memory_space<hbm>> -> memref<128x128xf32, #tpu.memory_space<hbm>>
      %dma_start3A_71 = arith.constant 0 : i32
      %dma_start3A_72 = tpu.memref_slice %arg10[%add3A_53, %dma_start3A_71] : memref<10112x128xf32, #tpu.memory_space<vmem_shared>> -> memref<128x128xf32, #tpu.memory_space<vmem_shared>>
      tpu.enqueue_dma source(%dma_start3A_72 : memref<128x128xf32, #tpu.memory_space<vmem_shared>>) target(%dma_start3A_70 : memref<128x128xf32, #tpu.memory_space<hbm>>) target_semaphore(%run_scoped3A : memref<!tpu.dma_semaphore, #tpu.memory_space<semaphore_mem>>)
      %dma_wait3A = arith.constant 0 : i32
      %dma_wait3A_73 = tpu.memref_slice %arg4[%arg0, %add3A_55, %dma_wait3A] : memref<2x10112x128xf32, #tpu.memory_space<hbm>> -> memref<1x128x128xf32, #tpu.memory_space<hbm>>
      %dma_wait3A_74 = tpu.memref_squeeze %dma_wait3A_73 : memref<1x128x128xf32, #tpu.memory_space<hbm>> -> memref<128x128xf32, #tpu.memory_space<hbm>>
      %dma_wait3A_75 = arith.constant 0 : i32
      %dma_wait3A_76 = tpu.memref_slice %arg10[%add3A_53, %dma_wait3A_75] : memref<10112x128xf32, #tpu.memory_space<vmem_shared>> -> memref<128x128xf32, #tpu.memory_space<vmem_shared>>
      tpu.wait_dma2 semaphore(%run_scoped3A : memref<!tpu.dma_semaphore, #tpu.memory_space<semaphore_mem>>) src(%dma_wait3A_76 : memref<128x128xf32, #tpu.memory_space<vmem_shared>>) dst(%dma_wait3A_74 : memref<128x128xf32, #tpu.memory_space<hbm>>)
      tpu.yield
    }) : () -> ()
    %add3A_56 = arith.constant 256 : i32
    %add3A_57 = arith.addi %mul3A_6, %add3A_56 : i32
    %add3A_58 = arith.constant 256 : i32
    %add3A_59 = arith.addi %mul3A_6, %add3A_58 : i32
    "tpu.region"() ({
      %run_scoped3A = tpu.sem_alloc : memref<!tpu.dma_semaphore, #tpu.memory_space<semaphore_mem>>
      %dma_start3A_68 = arith.constant 0 : i32
      %dma_start3A_69 = tpu.memref_slice %arg4[%arg0, %add3A_59, %dma_start3A_68] : memref<2x10112x128xf32, #tpu.memory_space<hbm>> -> memref<1x128x128xf32, #tpu.memory_space<hbm>>
      %dma_start3A_70 = tpu.memref_squeeze %dma_start3A_69 : memref<1x128x128xf32, #tpu.memory_space<hbm>> -> memref<128x128xf32, #tpu.memory_space<hbm>>
      %dma_start3A_71 = arith.constant 0 : i32
      %dma_start3A_72 = tpu.memref_slice %arg10[%add3A_57, %dma_start3A_71] : memref<10112x128xf32, #tpu.memory_space<vmem_shared>> -> memref<128x128xf32, #tpu.memory_space<vmem_shared>>
      tpu.enqueue_dma source(%dma_start3A_72 : memref<128x128xf32, #tpu.memory_space<vmem_shared>>) target(%dma_start3A_70 : memref<128x128xf32, #tpu.memory_space<hbm>>) target_semaphore(%run_scoped3A : memref<!tpu.dma_semaphore, #tpu.memory_space<semaphore_mem>>)
      %dma_wait3A = arith.constant 0 : i32
      %dma_wait3A_73 = tpu.memref_slice %arg4[%arg0, %add3A_59, %dma_wait3A] : memref<2x10112x128xf32, #tpu.memory_space<hbm>> -> memref<1x128x128xf32, #tpu.memory_space<hbm>>
      %dma_wait3A_74 = tpu.memref_squeeze %dma_wait3A_73 : memref<1x128x128xf32, #tpu.memory_space<hbm>> -> memref<128x128xf32, #tpu.memory_space<hbm>>
      %dma_wait3A_75 = arith.constant 0 : i32
      %dma_wait3A_76 = tpu.memref_slice %arg10[%add3A_57, %dma_wait3A_75] : memref<10112x128xf32, #tpu.memory_space<vmem_shared>> -> memref<128x128xf32, #tpu.memory_space<vmem_shared>>
      tpu.wait_dma2 semaphore(%run_scoped3A : memref<!tpu.dma_semaphore, #tpu.memory_space<semaphore_mem>>) src(%dma_wait3A_76 : memref<128x128xf32, #tpu.memory_space<vmem_shared>>) dst(%dma_wait3A_74 : memref<128x128xf32, #tpu.memory_space<hbm>>)
      tpu.yield
    }) : () -> ()
    %add3A_60 = arith.constant 384 : i32
    %add3A_61 = arith.addi %mul3A_6, %add3A_60 : i32
    %add3A_62 = arith.constant 384 : i32
    %add3A_63 = arith.addi %mul3A_6, %add3A_62 : i32
    "tpu.region"() ({
      %run_scoped3A = tpu.sem_alloc : memref<!tpu.dma_semaphore, #tpu.memory_space<semaphore_mem>>
      %dma_start3A_68 = arith.constant 0 : i32
      %dma_start3A_69 = tpu.memref_slice %arg4[%arg0, %add3A_63, %dma_start3A_68] : memref<2x10112x128xf32, #tpu.memory_space<hbm>> -> memref<1x128x128xf32, #tpu.memory_space<hbm>>
      %dma_start3A_70 = tpu.memref_squeeze %dma_start3A_69 : memref<1x128x128xf32, #tpu.memory_space<hbm>> -> memref<128x128xf32, #tpu.memory_space<hbm>>
      %dma_start3A_71 = arith.constant 0 : i32
      %dma_start3A_72 = tpu.memref_slice %arg10[%add3A_61, %dma_start3A_71] : memref<10112x128xf32, #tpu.memory_space<vmem_shared>> -> memref<128x128xf32, #tpu.memory_space<vmem_shared>>
      tpu.enqueue_dma source(%dma_start3A_72 : memref<128x128xf32, #tpu.memory_space<vmem_shared>>) target(%dma_start3A_70 : memref<128x128xf32, #tpu.memory_space<hbm>>) target_semaphore(%run_scoped3A : memref<!tpu.dma_semaphore, #tpu.memory_space<semaphore_mem>>)
      %dma_wait3A = arith.constant 0 : i32
      %dma_wait3A_73 = tpu.memref_slice %arg4[%arg0, %add3A_63, %dma_wait3A] : memref<2x10112x128xf32, #tpu.memory_space<hbm>> -> memref<1x128x128xf32, #tpu.memory_space<hbm>>
      %dma_wait3A_74 = tpu.memref_squeeze %dma_wait3A_73 : memref<1x128x128xf32, #tpu.memory_space<hbm>> -> memref<128x128xf32, #tpu.memory_space<hbm>>
      %dma_wait3A_75 = arith.constant 0 : i32
      %dma_wait3A_76 = tpu.memref_slice %arg10[%add3A_61, %dma_wait3A_75] : memref<10112x128xf32, #tpu.memory_space<vmem_shared>> -> memref<128x128xf32, #tpu.memory_space<vmem_shared>>
      tpu.wait_dma2 semaphore(%run_scoped3A : memref<!tpu.dma_semaphore, #tpu.memory_space<semaphore_mem>>) src(%dma_wait3A_76 : memref<128x128xf32, #tpu.memory_space<vmem_shared>>) dst(%dma_wait3A_74 : memref<128x128xf32, #tpu.memory_space<hbm>>)
      tpu.yield
    }) : () -> ()
    %add3A_64 = arith.constant 512 : i32
    %add3A_65 = arith.addi %mul3A_6, %add3A_64 : i32
    %add3A_66 = arith.constant 512 : i32
    %add3A_67 = arith.addi %mul3A_6, %add3A_66 : i32
    "tpu.region"() ({
      %run_scoped3A = tpu.sem_alloc : memref<!tpu.dma_semaphore, #tpu.memory_space<semaphore_mem>>
      %dma_start3A_68 = arith.constant 0 : i32
      %dma_start3A_69 = tpu.memref_slice %arg4[%arg0, %add3A_67, %dma_start3A_68] : memref<2x10112x128xf32, #tpu.memory_space<hbm>> -> memref<1x120x128xf32, #tpu.memory_space<hbm>>
      %dma_start3A_70 = tpu.memref_squeeze %dma_start3A_69 : memref<1x120x128xf32, #tpu.memory_space<hbm>> -> memref<120x128xf32, #tpu.memory_space<hbm>>
      %dma_start3A_71 = arith.constant 0 : i32
      %dma_start3A_72 = tpu.memref_slice %arg10[%add3A_65, %dma_start3A_71] : memref<10112x128xf32, #tpu.memory_space<vmem_shared>> -> memref<120x128xf32, #tpu.memory_space<vmem_shared>>
      tpu.enqueue_dma source(%dma_start3A_72 : memref<120x128xf32, #tpu.memory_space<vmem_shared>>) target(%dma_start3A_70 : memref<120x128xf32, #tpu.memory_space<hbm>>) target_semaphore(%run_scoped3A : memref<!tpu.dma_semaphore, #tpu.memory_space<semaphore_mem>>)
      %dma_wait3A = arith.constant 0 : i32
      %dma_wait3A_73 = tpu.memref_slice %arg4[%arg0, %add3A_67, %dma_wait3A] : memref<2x10112x128xf32, #tpu.memory_space<hbm>> -> memref<1x120x128xf32, #tpu.memory_space<hbm>>
      %dma_wait3A_74 = tpu.memref_squeeze %dma_wait3A_73 : memref<1x120x128xf32, #tpu.memory_space<hbm>> -> memref<120x128xf32, #tpu.memory_space<hbm>>
      %dma_wait3A_75 = arith.constant 0 : i32
      %dma_wait3A_76 = tpu.memref_slice %arg10[%add3A_65, %dma_wait3A_75] : memref<10112x128xf32, #tpu.memory_space<vmem_shared>> -> memref<120x128xf32, #tpu.memory_space<vmem_shared>>
      tpu.wait_dma2 semaphore(%run_scoped3A : memref<!tpu.dma_semaphore, #tpu.memory_space<semaphore_mem>>) src(%dma_wait3A_76 : memref<120x128xf32, #tpu.memory_space<vmem_shared>>) dst(%dma_wait3A_74 : memref<120x128xf32, #tpu.memory_space<hbm>>)
      tpu.yield
    }) : () -> ()
    return
  }
}

#map = affine_map<(d0, d1) -> (0, 0, 0, 0)>
#map1 = affine_map<(d0, d1) -> (0, 0, 0)>
module attributes {stable_mosaic.version = 14 : i64} {
  func.func @_sc_deg_body(%arg0: i32, %arg1: i32, %arg2: memref<2x16x80x128xi32, #tpu.memory_space<hbm>>, %arg3: memref<2x10112x128xf32, #tpu.memory_space<hbm>>, %arg4: memref<80x128xi32, #tpu.memory_space<vmem>>, %arg5: memref<2x128xi32, #tpu.memory_space<vmem>>, %arg6: memref<128x128xf32, #tpu.memory_space<vmem>>, %arg7: memref<10112x128xf32, #tpu.memory_space<vmem_shared>>, %arg8: memref<!tpu.dma_semaphore, #tpu.memory_space<semaphore_mem>>) attributes {dimension_semantics = [#tpu.dimension_semantics<core_parallel>, #tpu.dimension_semantics<subcore_parallel>], iteration_bounds = array<i64: 2, 16>, scalar_prefetch = 0 : i64, scratch_operands = 5 : i64, tpu.core_type = #tpu.core_type<sc_vector_subcore>, window_params = [{transform_indices = #map}, {transform_indices = #map1}]} {
    %broadcast_in_dim3A = arith.constant 0.000000e+00 : f32
    %broadcast_in_dim3A_0 = vector.broadcast %broadcast_in_dim3A : f32 to vector<16xf32>
    %broadcast_in_dim3A_1 = arith.constant 1.000000e+00 : f32
    %broadcast_in_dim3A_2 = vector.broadcast %broadcast_in_dim3A_1 : f32 to vector<16xf32>
    %scan3A = arith.constant 0 : i32
    %scan3A_3 = arith.constant 0 : i32
    %scan3A_4 = arith.constant 1024 : i32
    %scan3A_5 = arith.addi %scan3A_3, %scan3A_4 : i32
    %scan3A_6 = arith.constant 1 : i32
    scf.for %scan3A_51 = %scan3A_3 to %scan3A_5 step %scan3A_6  : i32 {
      %jit3A = arith.constant 8 : i32
      %div3A = arith.divsi %scan3A_51, %jit3A : i32
      %sign3A = arith.constant 0 : i32
      %sign3A_52 = arith.cmpi sgt, %scan3A_51, %sign3A : i32
      %sign3A_53 = arith.extui %sign3A_52 : i1 to i32
      %sign3A_54 = arith.constant 0 : i32
      %sign3A_55 = arith.cmpi slt, %scan3A_51, %sign3A_54 : i32
      %sign3A_56 = arith.extui %sign3A_55 : i1 to i32
      %sign3A_57 = arith.subi %sign3A_53, %sign3A_56 : i32
      %sign3A_58 = arith.constant 0 : i32
      %sign3A_59 = arith.cmpi sgt, %jit3A, %sign3A_58 : i32
      %sign3A_60 = arith.extui %sign3A_59 : i1 to i32
      %sign3A_61 = arith.constant 0 : i32
      %sign3A_62 = arith.cmpi slt, %jit3A, %sign3A_61 : i32
      %sign3A_63 = arith.extui %sign3A_62 : i1 to i32
      %sign3A_64 = arith.subi %sign3A_60, %sign3A_63 : i32
      %ne3A = arith.cmpi ne, %sign3A_57, %sign3A_64 : i32
      %rem3A = arith.remsi %scan3A_51, %jit3A : i32
      %ne3A_65 = arith.constant 0 : i32
      %ne3A_66 = arith.cmpi ne, %rem3A, %ne3A_65 : i32
      %and3A = arith.andi %ne3A, %ne3A_66 : i1
      %sub3A = arith.constant 1 : i32
      %sub3A_67 = arith.subi %div3A, %sub3A : i32
      %select_n3A = arith.select %and3A, %sub3A_67, %div3A : i32
      %jit3A_68 = arith.constant 8 : i32
      %eq3A = arith.constant 0 : i32
      %eq3A_69 = arith.cmpi eq, %jit3A_68, %eq3A : i32
      %jit3A_70 = arith.constant 1 : i32
      %select_n3A_71 = arith.select %eq3A_69, %jit3A_70, %jit3A_68 : i32
      %rem3A_72 = arith.remsi %scan3A_51, %select_n3A_71 : i32
      %ne3A_73 = arith.constant 0 : i32
      %ne3A_74 = arith.cmpi ne, %rem3A_72, %ne3A_73 : i32
      %lt3A = arith.constant 0 : i32
      %lt3A_75 = arith.cmpi slt, %rem3A_72, %lt3A : i32
      %lt3A_76 = arith.constant 0 : i32
      %lt3A_77 = arith.cmpi slt, %select_n3A_71, %lt3A_76 : i32
      %ne3A_78 = arith.xori %lt3A_75, %lt3A_77 : i1
      %and3A_79 = arith.andi %ne3A_78, %ne3A_74 : i1
      %add3A_80 = arith.addi %rem3A_72, %select_n3A_71 : i32
      %select_n3A_81 = arith.select %and3A_79, %add3A_80, %rem3A_72 : i32
      %mul3A_82 = arith.constant 16 : i32
      %mul3A_83 = arith.muli %select_n3A_81, %mul3A_82 : i32
      %swap3A = arith.index_cast %select_n3A : i32 to index
      %swap3A_84 = arith.index_cast %mul3A_83 : i32 to index
      %swap3A_85 = tpu.vector_load %arg6[%swap3A, %swap3A_84] {strides = array<i32>} : memref<128x128xf32, #tpu.memory_space<vmem>>, vector<1x16xf32>,
      %swap3A_86 = vector.shape_cast %swap3A_85 : vector<1x16xf32> to vector<16xf32>
      %swap3A_87 = vector.shape_cast %broadcast_in_dim3A_0 : vector<16xf32> to vector<1x16xf32>
      tpu.vector_store %arg6[%swap3A, %swap3A_84], %swap3A_87 {strides = array<i32>} : memref<128x128xf32, #tpu.memory_space<vmem>>, vector<1x16xf32>,
    }
    %scan3A_7 = arith.constant 1024 : i32
    %mul3A = arith.constant 632 : i32
    %mul3A_8 = arith.muli %arg1, %mul3A : i32
    %add3A = arith.constant 0 : i32
    %add3A_9 = arith.addi %mul3A_8, %add3A : i32
    "tpu.region"() ({
      %run_scoped3A = tpu.sem_alloc : memref<!tpu.dma_semaphore, #tpu.memory_space<semaphore_mem>>
      %dma_start3A = arith.constant 0 : i32
      %dma_start3A_51 = tpu.memref_slice %arg7[%add3A_9, %dma_start3A] : memref<10112x128xf32, #tpu.memory_space<vmem_shared>> -> memref<128x128xf32, #tpu.memory_space<vmem_shared>>
      %dma_start3A_52 = arith.constant 0 : i32
      %dma_start3A_53 = tpu.memref_slice %arg7[%add3A_9, %dma_start3A_52] : memref<10112x128xf32, #tpu.memory_space<vmem_shared>> -> memref<128x128xf32, #tpu.memory_space<vmem_shared>>
      tpu.enqueue_dma source(%arg6 : memref<128x128xf32, #tpu.memory_space<vmem>>) target(%dma_start3A_53 : memref<128x128xf32, #tpu.memory_space<vmem_shared>>) target_semaphore(%run_scoped3A : memref<!tpu.dma_semaphore, #tpu.memory_space<semaphore_mem>>)
      %dma_wait3A = arith.constant 0 : i32
      %dma_wait3A_54 = tpu.memref_slice %arg7[%add3A_9, %dma_wait3A] : memref<10112x128xf32, #tpu.memory_space<vmem_shared>> -> memref<128x128xf32, #tpu.memory_space<vmem_shared>>
      %dma_wait3A_55 = arith.constant 0 : i32
      %dma_wait3A_56 = tpu.memref_slice %arg7[%add3A_9, %dma_wait3A_55] : memref<10112x128xf32, #tpu.memory_space<vmem_shared>> -> memref<128x128xf32, #tpu.memory_space<vmem_shared>>
      tpu.wait_dma2 semaphore(%run_scoped3A : memref<!tpu.dma_semaphore, #tpu.memory_space<semaphore_mem>>) src(%arg6 : memref<128x128xf32, #tpu.memory_space<vmem>>) dst(%dma_wait3A_56 : memref<128x128xf32, #tpu.memory_space<vmem_shared>>)
      tpu.yield
    }) : () -> ()
    %add3A_10 = arith.constant 128 : i32
    %add3A_11 = arith.addi %mul3A_8, %add3A_10 : i32
    "tpu.region"() ({
      %run_scoped3A = tpu.sem_alloc : memref<!tpu.dma_semaphore, #tpu.memory_space<semaphore_mem>>
      %dma_start3A = arith.constant 0 : i32
      %dma_start3A_51 = tpu.memref_slice %arg7[%add3A_11, %dma_start3A] : memref<10112x128xf32, #tpu.memory_space<vmem_shared>> -> memref<128x128xf32, #tpu.memory_space<vmem_shared>>
      %dma_start3A_52 = arith.constant 0 : i32
      %dma_start3A_53 = tpu.memref_slice %arg7[%add3A_11, %dma_start3A_52] : memref<10112x128xf32, #tpu.memory_space<vmem_shared>> -> memref<128x128xf32, #tpu.memory_space<vmem_shared>>
      tpu.enqueue_dma source(%arg6 : memref<128x128xf32, #tpu.memory_space<vmem>>) target(%dma_start3A_53 : memref<128x128xf32, #tpu.memory_space<vmem_shared>>) target_semaphore(%run_scoped3A : memref<!tpu.dma_semaphore, #tpu.memory_space<semaphore_mem>>)
      %dma_wait3A = arith.constant 0 : i32
      %dma_wait3A_54 = tpu.memref_slice %arg7[%add3A_11, %dma_wait3A] : memref<10112x128xf32, #tpu.memory_space<vmem_shared>> -> memref<128x128xf32, #tpu.memory_space<vmem_shared>>
      %dma_wait3A_55 = arith.constant 0 : i32
      %dma_wait3A_56 = tpu.memref_slice %arg7[%add3A_11, %dma_wait3A_55] : memref<10112x128xf32, #tpu.memory_space<vmem_shared>> -> memref<128x128xf32, #tpu.memory_space<vmem_shared>>
      tpu.wait_dma2 semaphore(%run_scoped3A : memref<!tpu.dma_semaphore, #tpu.memory_space<semaphore_mem>>) src(%arg6 : memref<128x128xf32, #tpu.memory_space<vmem>>) dst(%dma_wait3A_56 : memref<128x128xf32, #tpu.memory_space<vmem_shared>>)
      tpu.yield
    }) : () -> ()
    %add3A_12 = arith.constant 256 : i32
    %add3A_13 = arith.addi %mul3A_8, %add3A_12 : i32
    "tpu.region"() ({
      %run_scoped3A = tpu.sem_alloc : memref<!tpu.dma_semaphore, #tpu.memory_space<semaphore_mem>>
      %dma_start3A = arith.constant 0 : i32
      %dma_start3A_51 = tpu.memref_slice %arg7[%add3A_13, %dma_start3A] : memref<10112x128xf32, #tpu.memory_space<vmem_shared>> -> memref<128x128xf32, #tpu.memory_space<vmem_shared>>
      %dma_start3A_52 = arith.constant 0 : i32
      %dma_start3A_53 = tpu.memref_slice %arg7[%add3A_13, %dma_start3A_52] : memref<10112x128xf32, #tpu.memory_space<vmem_shared>> -> memref<128x128xf32, #tpu.memory_space<vmem_shared>>
      tpu.enqueue_dma source(%arg6 : memref<128x128xf32, #tpu.memory_space<vmem>>) target(%dma_start3A_53 : memref<128x128xf32, #tpu.memory_space<vmem_shared>>) target_semaphore(%run_scoped3A : memref<!tpu.dma_semaphore, #tpu.memory_space<semaphore_mem>>)
      %dma_wait3A = arith.constant 0 : i32
      %dma_wait3A_54 = tpu.memref_slice %arg7[%add3A_13, %dma_wait3A] : memref<10112x128xf32, #tpu.memory_space<vmem_shared>> -> memref<128x128xf32, #tpu.memory_space<vmem_shared>>
      %dma_wait3A_55 = arith.constant 0 : i32
      %dma_wait3A_56 = tpu.memref_slice %arg7[%add3A_13, %dma_wait3A_55] : memref<10112x128xf32, #tpu.memory_space<vmem_shared>> -> memref<128x128xf32, #tpu.memory_space<vmem_shared>>
      tpu.wait_dma2 semaphore(%run_scoped3A : memref<!tpu.dma_semaphore, #tpu.memory_space<semaphore_mem>>) src(%arg6 : memref<128x128xf32, #tpu.memory_space<vmem>>) dst(%dma_wait3A_56 : memref<128x128xf32, #tpu.memory_space<vmem_shared>>)
      tpu.yield
    }) : () -> ()
    %add3A_14 = arith.constant 384 : i32
    %add3A_15 = arith.addi %mul3A_8, %add3A_14 : i32
    "tpu.region"() ({
      %run_scoped3A = tpu.sem_alloc : memref<!tpu.dma_semaphore, #tpu.memory_space<semaphore_mem>>
      %dma_start3A = arith.constant 0 : i32
      %dma_start3A_51 = tpu.memref_slice %arg7[%add3A_15, %dma_start3A] : memref<10112x128xf32, #tpu.memory_space<vmem_shared>> -> memref<128x128xf32, #tpu.memory_space<vmem_shared>>
      %dma_start3A_52 = arith.constant 0 : i32
      %dma_start3A_53 = tpu.memref_slice %arg7[%add3A_15, %dma_start3A_52] : memref<10112x128xf32, #tpu.memory_space<vmem_shared>> -> memref<128x128xf32, #tpu.memory_space<vmem_shared>>
      tpu.enqueue_dma source(%arg6 : memref<128x128xf32, #tpu.memory_space<vmem>>) target(%dma_start3A_53 : memref<128x128xf32, #tpu.memory_space<vmem_shared>>) target_semaphore(%run_scoped3A : memref<!tpu.dma_semaphore, #tpu.memory_space<semaphore_mem>>)
      %dma_wait3A = arith.constant 0 : i32
      %dma_wait3A_54 = tpu.memref_slice %arg7[%add3A_15, %dma_wait3A] : memref<10112x128xf32, #tpu.memory_space<vmem_shared>> -> memref<128x128xf32, #tpu.memory_space<vmem_shared>>
      %dma_wait3A_55 = arith.constant 0 : i32
      %dma_wait3A_56 = tpu.memref_slice %arg7[%add3A_15, %dma_wait3A_55] : memref<10112x128xf32, #tpu.memory_space<vmem_shared>> -> memref<128x128xf32, #tpu.memory_space<vmem_shared>>
      tpu.wait_dma2 semaphore(%run_scoped3A : memref<!tpu.dma_semaphore, #tpu.memory_space<semaphore_mem>>) src(%arg6 : memref<128x128xf32, #tpu.memory_space<vmem>>) dst(%dma_wait3A_56 : memref<128x128xf32, #tpu.memory_space<vmem_shared>>)
      tpu.yield
    }) : () -> ()
    %add3A_16 = arith.constant 512 : i32
    %add3A_17 = arith.addi %mul3A_8, %add3A_16 : i32
    "tpu.region"() ({
      %run_scoped3A = tpu.sem_alloc : memref<!tpu.dma_semaphore, #tpu.memory_space<semaphore_mem>>
      %dma_start3A = arith.constant 0 : i32
      %dma_start3A_51 = arith.constant 0 : i32
      %dma_start3A_52 = tpu.memref_slice %arg6[%dma_start3A, %dma_start3A_51] : memref<128x128xf32, #tpu.memory_space<vmem>> -> memref<120x128xf32, #tpu.memory_space<vmem>>
      %dma_start3A_53 = arith.constant 0 : i32
      %dma_start3A_54 = tpu.memref_slice %arg7[%add3A_17, %dma_start3A_53] : memref<10112x128xf32, #tpu.memory_space<vmem_shared>> -> memref<120x128xf32, #tpu.memory_space<vmem_shared>>
      %dma_start3A_55 = arith.constant 0 : i32
      %dma_start3A_56 = tpu.memref_slice %arg7[%add3A_17, %dma_start3A_55] : memref<10112x128xf32, #tpu.memory_space<vmem_shared>> -> memref<120x128xf32, #tpu.memory_space<vmem_shared>>
      %dma_start3A_57 = arith.constant 0 : i32
      %dma_start3A_58 = arith.constant 0 : i32
      %dma_start3A_59 = tpu.memref_slice %arg6[%dma_start3A_57, %dma_start3A_58] : memref<128x128xf32, #tpu.memory_space<vmem>> -> memref<120x128xf32, #tpu.memory_space<vmem>>
      tpu.enqueue_dma source(%dma_start3A_59 : memref<120x128xf32, #tpu.memory_space<vmem>>) target(%dma_start3A_56 : memref<120x128xf32, #tpu.memory_space<vmem_shared>>) target_semaphore(%run_scoped3A : memref<!tpu.dma_semaphore, #tpu.memory_space<semaphore_mem>>)
      %dma_wait3A = arith.constant 0 : i32
      %dma_wait3A_60 = arith.constant 0 : i32
      %dma_wait3A_61 = tpu.memref_slice %arg6[%dma_wait3A, %dma_wait3A_60] : memref<128x128xf32, #tpu.memory_space<vmem>> -> memref<120x128xf32, #tpu.memory_space<vmem>>
      %dma_wait3A_62 = arith.constant 0 : i32
      %dma_wait3A_63 = tpu.memref_slice %arg7[%add3A_17, %dma_wait3A_62] : memref<10112x128xf32, #tpu.memory_space<vmem_shared>> -> memref<120x128xf32, #tpu.memory_space<vmem_shared>>
      %dma_wait3A_64 = arith.constant 0 : i32
      %dma_wait3A_65 = tpu.memref_slice %arg7[%add3A_17, %dma_wait3A_64] : memref<10112x128xf32, #tpu.memory_space<vmem_shared>> -> memref<120x128xf32, #tpu.memory_space<vmem_shared>>
      %dma_wait3A_66 = arith.constant 0 : i32
      %dma_wait3A_67 = arith.constant 0 : i32
      %dma_wait3A_68 = tpu.memref_slice %arg6[%dma_wait3A_66, %dma_wait3A_67] : memref<128x128xf32, #tpu.memory_space<vmem>> -> memref<120x128xf32, #tpu.memory_space<vmem>>
      tpu.wait_dma2 semaphore(%run_scoped3A : memref<!tpu.dma_semaphore, #tpu.memory_space<semaphore_mem>>) src(%dma_wait3A_68 : memref<120x128xf32, #tpu.memory_space<vmem>>) dst(%dma_wait3A_65 : memref<120x128xf32, #tpu.memory_space<vmem_shared>>)
      tpu.yield
    }) : () -> ()
    %scan3A_18 = arith.constant 0 : i32
    %scan3A_19 = arith.constant 0 : i32
    %scan3A_20 = arith.constant 1024 : i32
    %scan3A_21 = arith.addi %scan3A_19, %scan3A_20 : i32
    %scan3A_22 = arith.constant 1 : i32
    scf.for %scan3A_51 = %scan3A_19 to %scan3A_21 step %scan3A_22  : i32 {
      %jit3A = arith.constant 8 : i32
      %div3A = arith.divsi %scan3A_51, %jit3A : i32
      %sign3A = arith.constant 0 : i32
      %sign3A_52 = arith.cmpi sgt, %scan3A_51, %sign3A : i32
      %sign3A_53 = arith.extui %sign3A_52 : i1 to i32
      %sign3A_54 = arith.constant 0 : i32
      %sign3A_55 = arith.cmpi slt, %scan3A_51, %sign3A_54 : i32
      %sign3A_56 = arith.extui %sign3A_55 : i1 to i32
      %sign3A_57 = arith.subi %sign3A_53, %sign3A_56 : i32
      %sign3A_58 = arith.constant 0 : i32
      %sign3A_59 = arith.cmpi sgt, %jit3A, %sign3A_58 : i32
      %sign3A_60 = arith.extui %sign3A_59 : i1 to i32
      %sign3A_61 = arith.constant 0 : i32
      %sign3A_62 = arith.cmpi slt, %jit3A, %sign3A_61 : i32
      %sign3A_63 = arith.extui %sign3A_62 : i1 to i32
      %sign3A_64 = arith.subi %sign3A_60, %sign3A_63 : i32
      %ne3A = arith.cmpi ne, %sign3A_57, %sign3A_64 : i32
      %rem3A = arith.remsi %scan3A_51, %jit3A : i32
      %ne3A_65 = arith.constant 0 : i32
      %ne3A_66 = arith.cmpi ne, %rem3A, %ne3A_65 : i32
      %and3A = arith.andi %ne3A, %ne3A_66 : i1
      %sub3A = arith.constant 1 : i32
      %sub3A_67 = arith.subi %div3A, %sub3A : i32
      %select_n3A = arith.select %and3A, %sub3A_67, %div3A : i32
      %jit3A_68 = arith.constant 8 : i32
      %eq3A = arith.constant 0 : i32
      %eq3A_69 = arith.cmpi eq, %jit3A_68, %eq3A : i32
      %jit3A_70 = arith.constant 1 : i32
      %select_n3A_71 = arith.select %eq3A_69, %jit3A_70, %jit3A_68 : i32
      %rem3A_72 = arith.remsi %scan3A_51, %select_n3A_71 : i32
      %ne3A_73 = arith.constant 0 : i32
      %ne3A_74 = arith.cmpi ne, %rem3A_72, %ne3A_73 : i32
      %lt3A = arith.constant 0 : i32
      %lt3A_75 = arith.cmpi slt, %rem3A_72, %lt3A : i32
      %lt3A_76 = arith.constant 0 : i32
      %lt3A_77 = arith.cmpi slt, %select_n3A_71, %lt3A_76 : i32
      %ne3A_78 = arith.xori %lt3A_75, %lt3A_77 : i1
      %and3A_79 = arith.andi %ne3A_78, %ne3A_74 : i1
      %add3A_80 = arith.addi %rem3A_72, %select_n3A_71 : i32
      %select_n3A_81 = arith.select %and3A_79, %add3A_80, %rem3A_72 : i32
      %mul3A_82 = arith.constant 16 : i32
      %mul3A_83 = arith.muli %select_n3A_81, %mul3A_82 : i32
      %swap3A = arith.index_cast %select_n3A : i32 to index
      %swap3A_84 = arith.index_cast %mul3A_83 : i32 to index
      %swap3A_85 = tpu.vector_load %arg6[%swap3A, %swap3A_84] {strides = array<i32>} : memref<128x128xf32, #tpu.memory_space<vmem>>, vector<1x16xf32>,
      %swap3A_86 = vector.shape_cast %swap3A_85 : vector<1x16xf32> to vector<16xf32>
      %swap3A_87 = vector.shape_cast %broadcast_in_dim3A_2 : vector<16xf32> to vector<1x16xf32>
      tpu.vector_store %arg6[%swap3A, %swap3A_84], %swap3A_87 {strides = array<i32>} : memref<128x128xf32, #tpu.memory_space<vmem>>, vector<1x16xf32>,
    }
    %scan3A_23 = arith.constant 1024 : i32
    "tpu.region"() ({
      %run_scoped3A = tpu.sem_alloc : memref<!tpu.dma_semaphore, #tpu.memory_space<semaphore_mem>>
      %dma_start3A = arith.constant 0 : i32
      %dma_start3A_51 = arith.constant 0 : i32
      %dma_start3A_52 = tpu.memref_slice %arg2[%arg0, %arg1, %dma_start3A, %dma_start3A_51] : memref<2x16x80x128xi32, #tpu.memory_space<hbm>> -> memref<1x1x80x128xi32, #tpu.memory_space<hbm>>
      %dma_start3A_53 = tpu.memref_squeeze %dma_start3A_52 : memref<1x1x80x128xi32, #tpu.memory_space<hbm>> -> memref<80x128xi32, #tpu.memory_space<hbm>>
      %dma_start3A_54 = arith.constant 0 : i32
      %dma_start3A_55 = arith.constant 0 : i32
      %dma_start3A_56 = tpu.memref_slice %arg2[%arg0, %arg1, %dma_start3A_54, %dma_start3A_55] : memref<2x16x80x128xi32, #tpu.memory_space<hbm>> -> memref<1x1x80x128xi32, #tpu.memory_space<hbm>>
      %dma_start3A_57 = tpu.memref_squeeze %dma_start3A_56 : memref<1x1x80x128xi32, #tpu.memory_space<hbm>> -> memref<80x128xi32, #tpu.memory_space<hbm>>
      tpu.enqueue_dma source(%dma_start3A_57 : memref<80x128xi32, #tpu.memory_space<hbm>>) target(%arg4 : memref<80x128xi32, #tpu.memory_space<vmem>>) target_semaphore(%run_scoped3A : memref<!tpu.dma_semaphore, #tpu.memory_space<semaphore_mem>>)
      %dma_wait3A = arith.constant 0 : i32
      %dma_wait3A_58 = arith.constant 0 : i32
      %dma_wait3A_59 = tpu.memref_slice %arg2[%arg0, %arg1, %dma_wait3A, %dma_wait3A_58] : memref<2x16x80x128xi32, #tpu.memory_space<hbm>> -> memref<1x1x80x128xi32, #tpu.memory_space<hbm>>
      %dma_wait3A_60 = tpu.memref_squeeze %dma_wait3A_59 : memref<1x1x80x128xi32, #tpu.memory_space<hbm>> -> memref<80x128xi32, #tpu.memory_space<hbm>>
      %dma_wait3A_61 = arith.constant 0 : i32
      %dma_wait3A_62 = arith.constant 0 : i32
      %dma_wait3A_63 = tpu.memref_slice %arg2[%arg0, %arg1, %dma_wait3A_61, %dma_wait3A_62] : memref<2x16x80x128xi32, #tpu.memory_space<hbm>> -> memref<1x1x80x128xi32, #tpu.memory_space<hbm>>
      %dma_wait3A_64 = tpu.memref_squeeze %dma_wait3A_63 : memref<1x1x80x128xi32, #tpu.memory_space<hbm>> -> memref<80x128xi32, #tpu.memory_space<hbm>>
      tpu.wait_dma2 semaphore(%run_scoped3A : memref<!tpu.dma_semaphore, #tpu.memory_space<semaphore_mem>>) src(%dma_wait3A_64 : memref<80x128xi32, #tpu.memory_space<hbm>>) dst(%arg4 : memref<80x128xi32, #tpu.memory_space<vmem>>)
      tpu.yield
    }) : () -> ()
    %barrier3A = arith.constant 0 : index
    tpu.barrier barrier_id(%barrier3A)
    %scan3A_24 = arith.constant 0 : i32
    %scan3A_25 = arith.constant 0 : i32
    %scan3A_26 = arith.constant 80 : i32
    %scan3A_27 = arith.addi %scan3A_25, %scan3A_26 : i32
    %scan3A_28 = arith.constant 1 : i32
    scf.for %scan3A_51 = %scan3A_25 to %scan3A_27 step %scan3A_28  : i32 {
      %scan3A_52 = arith.constant 0 : i32
      %scan3A_53 = arith.constant 0 : i32
      %scan3A_54 = arith.constant 8 : i32
      %scan3A_55 = arith.addi %scan3A_53, %scan3A_54 : i32
      %scan3A_56 = arith.constant 1 : i32
      scf.for %scan3A_70 = %scan3A_53 to %scan3A_55 step %scan3A_56  : i32 {
        %mul3A_71 = arith.constant 16 : i32
        %mul3A_72 = arith.muli %scan3A_70, %mul3A_71 : i32
        %get3A = arith.index_cast %scan3A_51 : i32 to index
        %get3A_73 = arith.index_cast %mul3A_72 : i32 to index
        %get3A_74 = tpu.vector_load %arg4[%get3A, %get3A_73] {strides = array<i32>} : memref<80x128xi32, #tpu.memory_space<vmem>>, vector<1x16xi32>,
        %get3A_75 = vector.shape_cast %get3A_74 : vector<1x16xi32> to vector<16xi32>
        %and3A = arith.constant 16383 : i32
        %and3A_76 = vector.broadcast %and3A : i32 to vector<16xi32>
        %and3A_77 = arith.andi %get3A_75, %and3A_76 : vector<16xi32>
        %mul3A_78 = arith.constant 16 : i32
        %mul3A_79 = arith.muli %scan3A_70, %mul3A_78 : i32
        %swap3A = arith.constant 0 : i32
        %swap3A_80 = arith.index_cast %swap3A : i32 to index
        %swap3A_81 = arith.index_cast %mul3A_79 : i32 to index
        %swap3A_82 = tpu.vector_load %arg5[%swap3A_80, %swap3A_81] {strides = array<i32>} : memref<2x128xi32, #tpu.memory_space<vmem>>, vector<1x16xi32>,
        %swap3A_83 = vector.shape_cast %swap3A_82 : vector<1x16xi32> to vector<16xi32>
        %swap3A_84 = vector.shape_cast %and3A_77 : vector<16xi32> to vector<1x16xi32>
        tpu.vector_store %arg5[%swap3A_80, %swap3A_81], %swap3A_84 {strides = array<i32>} : memref<2x128xi32, #tpu.memory_space<vmem>>, vector<1x16xi32>,
      }
      %scan3A_57 = arith.constant 8 : i32
      %dma_start3A = arith.constant 0 : i32
      %dma_start3A_58 = arith.constant 0 : i32
      %dma_start3A_59 = tpu.memref_slice %arg5[%dma_start3A, %dma_start3A_58] : memref<2x128xi32, #tpu.memory_space<vmem>> -> memref<1x128xi32, #tpu.memory_space<vmem>>
      %dma_start3A_60 = tpu.memref_squeeze %dma_start3A_59 : memref<1x128xi32, #tpu.memory_space<vmem>> -> memref<128xi32, #tpu.memory_space<vmem>>
      %dma_start3A_61 = arith.constant 0 : i32
      %dma_start3A_62 = arith.constant 0 : i32
      %dma_start3A_63 = tpu.memref_slice %arg7[%dma_start3A_61, %dma_start3A_62] : memref<10112x128xf32, #tpu.memory_space<vmem_shared>> -> memref<10112x128xf32, #tpu.memory_space<vmem_shared>>
      tpu.enqueue_indirect_dma source(%arg6 : memref<128x128xf32, #tpu.memory_space<vmem>>) target(%dma_start3A_63 : memref<10112x128xf32, #tpu.memory_space<vmem_shared>>) offsets(%dma_start3A_60 : memref<128xi32, #tpu.memory_space<vmem>>) semaphore(%arg8 : memref<!tpu.dma_semaphore, #tpu.memory_space<semaphore_mem>>) {add = true}
      %dma_wait3A = arith.constant 0 : i32
      %dma_wait3A_64 = arith.constant 0 : i32
      %dma_wait3A_65 = tpu.memref_slice %arg5[%dma_wait3A, %dma_wait3A_64] : memref<2x128xi32, #tpu.memory_space<vmem>> -> memref<1x128xi32, #tpu.memory_space<vmem>>
      %dma_wait3A_66 = tpu.memref_squeeze %dma_wait3A_65 : memref<1x128xi32, #tpu.memory_space<vmem>> -> memref<128xi32, #tpu.memory_space<vmem>>
      %dma_wait3A_67 = arith.constant 0 : i32
      %dma_wait3A_68 = arith.constant 0 : i32
      %dma_wait3A_69 = tpu.memref_slice %arg7[%dma_wait3A_67, %dma_wait3A_68] : memref<10112x128xf32, #tpu.memory_space<vmem_shared>> -> memref<10112x128xf32, #tpu.memory_space<vmem_shared>>
      tpu.wait_indirect_dma semaphore(%arg8 : memref<!tpu.dma_semaphore, #tpu.memory_space<semaphore_mem>>) src(%arg6 : memref<128x128xf32, #tpu.memory_space<vmem>>) dst(%dma_wait3A_69 : memref<10112x128xf32, #tpu.memory_space<vmem_shared>>)
    }
    %scan3A_29 = arith.constant 80 : i32
    %barrier3A_30 = arith.constant 0 : index
    tpu.barrier barrier_id(%barrier3A_30)
    %add3A_31 = arith.constant 0 : i32
    %add3A_32 = arith.addi %mul3A_8, %add3A_31 : i32
    %add3A_33 = arith.constant 0 : i32
    %add3A_34 = arith.addi %mul3A_8, %add3A_33 : i32
    "tpu.region"() ({
      %run_scoped3A = tpu.sem_alloc : memref<!tpu.dma_semaphore, #tpu.memory_space<semaphore_mem>>
      %dma_start3A = arith.constant 0 : i32
      %dma_start3A_51 = tpu.memref_slice %arg3[%arg0, %add3A_34, %dma_start3A] : memref<2x10112x128xf32, #tpu.memory_space<hbm>> -> memref<1x128x128xf32, #tpu.memory_space<hbm>>
      %dma_start3A_52 = tpu.memref_squeeze %dma_start3A_51 : memref<1x128x128xf32, #tpu.memory_space<hbm>> -> memref<128x128xf32, #tpu.memory_space<hbm>>
      %dma_start3A_53 = arith.constant 0 : i32
      %dma_start3A_54 = tpu.memref_slice %arg7[%add3A_32, %dma_start3A_53] : memref<10112x128xf32, #tpu.memory_space<vmem_shared>> -> memref<128x128xf32, #tpu.memory_space<vmem_shared>>
      tpu.enqueue_dma source(%dma_start3A_54 : memref<128x128xf32, #tpu.memory_space<vmem_shared>>) target(%dma_start3A_52 : memref<128x128xf32, #tpu.memory_space<hbm>>) target_semaphore(%run_scoped3A : memref<!tpu.dma_semaphore, #tpu.memory_space<semaphore_mem>>)
      %dma_wait3A = arith.constant 0 : i32
      %dma_wait3A_55 = tpu.memref_slice %arg3[%arg0, %add3A_34, %dma_wait3A] : memref<2x10112x128xf32, #tpu.memory_space<hbm>> -> memref<1x128x128xf32, #tpu.memory_space<hbm>>
      %dma_wait3A_56 = tpu.memref_squeeze %dma_wait3A_55 : memref<1x128x128xf32, #tpu.memory_space<hbm>> -> memref<128x128xf32, #tpu.memory_space<hbm>>
      %dma_wait3A_57 = arith.constant 0 : i32
      %dma_wait3A_58 = tpu.memref_slice %arg7[%add3A_32, %dma_wait3A_57] : memref<10112x128xf32, #tpu.memory_space<vmem_shared>> -> memref<128x128xf32, #tpu.memory_space<vmem_shared>>
      tpu.wait_dma2 semaphore(%run_scoped3A : memref<!tpu.dma_semaphore, #tpu.memory_space<semaphore_mem>>) src(%dma_wait3A_58 : memref<128x128xf32, #tpu.memory_space<vmem_shared>>) dst(%dma_wait3A_56 : memref<128x128xf32, #tpu.memory_space<hbm>>)
      tpu.yield
    }) : () -> ()
    %add3A_35 = arith.constant 128 : i32
    %add3A_36 = arith.addi %mul3A_8, %add3A_35 : i32
    %add3A_37 = arith.constant 128 : i32
    %add3A_38 = arith.addi %mul3A_8, %add3A_37 : i32
    "tpu.region"() ({
      %run_scoped3A = tpu.sem_alloc : memref<!tpu.dma_semaphore, #tpu.memory_space<semaphore_mem>>
      %dma_start3A = arith.constant 0 : i32
      %dma_start3A_51 = tpu.memref_slice %arg3[%arg0, %add3A_38, %dma_start3A] : memref<2x10112x128xf32, #tpu.memory_space<hbm>> -> memref<1x128x128xf32, #tpu.memory_space<hbm>>
      %dma_start3A_52 = tpu.memref_squeeze %dma_start3A_51 : memref<1x128x128xf32, #tpu.memory_space<hbm>> -> memref<128x128xf32, #tpu.memory_space<hbm>>
      %dma_start3A_53 = arith.constant 0 : i32
      %dma_start3A_54 = tpu.memref_slice %arg7[%add3A_36, %dma_start3A_53] : memref<10112x128xf32, #tpu.memory_space<vmem_shared>> -> memref<128x128xf32, #tpu.memory_space<vmem_shared>>
      tpu.enqueue_dma source(%dma_start3A_54 : memref<128x128xf32, #tpu.memory_space<vmem_shared>>) target(%dma_start3A_52 : memref<128x128xf32, #tpu.memory_space<hbm>>) target_semaphore(%run_scoped3A : memref<!tpu.dma_semaphore, #tpu.memory_space<semaphore_mem>>)
      %dma_wait3A = arith.constant 0 : i32
      %dma_wait3A_55 = tpu.memref_slice %arg3[%arg0, %add3A_38, %dma_wait3A] : memref<2x10112x128xf32, #tpu.memory_space<hbm>> -> memref<1x128x128xf32, #tpu.memory_space<hbm>>
      %dma_wait3A_56 = tpu.memref_squeeze %dma_wait3A_55 : memref<1x128x128xf32, #tpu.memory_space<hbm>> -> memref<128x128xf32, #tpu.memory_space<hbm>>
      %dma_wait3A_57 = arith.constant 0 : i32
      %dma_wait3A_58 = tpu.memref_slice %arg7[%add3A_36, %dma_wait3A_57] : memref<10112x128xf32, #tpu.memory_space<vmem_shared>> -> memref<128x128xf32, #tpu.memory_space<vmem_shared>>
      tpu.wait_dma2 semaphore(%run_scoped3A : memref<!tpu.dma_semaphore, #tpu.memory_space<semaphore_mem>>) src(%dma_wait3A_58 : memref<128x128xf32, #tpu.memory_space<vmem_shared>>) dst(%dma_wait3A_56 : memref<128x128xf32, #tpu.memory_space<hbm>>)
      tpu.yield
    }) : () -> ()
    %add3A_39 = arith.constant 256 : i32
    %add3A_40 = arith.addi %mul3A_8, %add3A_39 : i32
    %add3A_41 = arith.constant 256 : i32
    %add3A_42 = arith.addi %mul3A_8, %add3A_41 : i32
    "tpu.region"() ({
      %run_scoped3A = tpu.sem_alloc : memref<!tpu.dma_semaphore, #tpu.memory_space<semaphore_mem>>
      %dma_start3A = arith.constant 0 : i32
      %dma_start3A_51 = tpu.memref_slice %arg3[%arg0, %add3A_42, %dma_start3A] : memref<2x10112x128xf32, #tpu.memory_space<hbm>> -> memref<1x128x128xf32, #tpu.memory_space<hbm>>
      %dma_start3A_52 = tpu.memref_squeeze %dma_start3A_51 : memref<1x128x128xf32, #tpu.memory_space<hbm>> -> memref<128x128xf32, #tpu.memory_space<hbm>>
      %dma_start3A_53 = arith.constant 0 : i32
      %dma_start3A_54 = tpu.memref_slice %arg7[%add3A_40, %dma_start3A_53] : memref<10112x128xf32, #tpu.memory_space<vmem_shared>> -> memref<128x128xf32, #tpu.memory_space<vmem_shared>>
      tpu.enqueue_dma source(%dma_start3A_54 : memref<128x128xf32, #tpu.memory_space<vmem_shared>>) target(%dma_start3A_52 : memref<128x128xf32, #tpu.memory_space<hbm>>) target_semaphore(%run_scoped3A : memref<!tpu.dma_semaphore, #tpu.memory_space<semaphore_mem>>)
      %dma_wait3A = arith.constant 0 : i32
      %dma_wait3A_55 = tpu.memref_slice %arg3[%arg0, %add3A_42, %dma_wait3A] : memref<2x10112x128xf32, #tpu.memory_space<hbm>> -> memref<1x128x128xf32, #tpu.memory_space<hbm>>
      %dma_wait3A_56 = tpu.memref_squeeze %dma_wait3A_55 : memref<1x128x128xf32, #tpu.memory_space<hbm>> -> memref<128x128xf32, #tpu.memory_space<hbm>>
      %dma_wait3A_57 = arith.constant 0 : i32
      %dma_wait3A_58 = tpu.memref_slice %arg7[%add3A_40, %dma_wait3A_57] : memref<10112x128xf32, #tpu.memory_space<vmem_shared>> -> memref<128x128xf32, #tpu.memory_space<vmem_shared>>
      tpu.wait_dma2 semaphore(%run_scoped3A : memref<!tpu.dma_semaphore, #tpu.memory_space<semaphore_mem>>) src(%dma_wait3A_58 : memref<128x128xf32, #tpu.memory_space<vmem_shared>>) dst(%dma_wait3A_56 : memref<128x128xf32, #tpu.memory_space<hbm>>)
      tpu.yield
    }) : () -> ()
    %add3A_43 = arith.constant 384 : i32
    %add3A_44 = arith.addi %mul3A_8, %add3A_43 : i32
    %add3A_45 = arith.constant 384 : i32
    %add3A_46 = arith.addi %mul3A_8, %add3A_45 : i32
    "tpu.region"() ({
      %run_scoped3A = tpu.sem_alloc : memref<!tpu.dma_semaphore, #tpu.memory_space<semaphore_mem>>
      %dma_start3A = arith.constant 0 : i32
      %dma_start3A_51 = tpu.memref_slice %arg3[%arg0, %add3A_46, %dma_start3A] : memref<2x10112x128xf32, #tpu.memory_space<hbm>> -> memref<1x128x128xf32, #tpu.memory_space<hbm>>
      %dma_start3A_52 = tpu.memref_squeeze %dma_start3A_51 : memref<1x128x128xf32, #tpu.memory_space<hbm>> -> memref<128x128xf32, #tpu.memory_space<hbm>>
      %dma_start3A_53 = arith.constant 0 : i32
      %dma_start3A_54 = tpu.memref_slice %arg7[%add3A_44, %dma_start3A_53] : memref<10112x128xf32, #tpu.memory_space<vmem_shared>> -> memref<128x128xf32, #tpu.memory_space<vmem_shared>>
      tpu.enqueue_dma source(%dma_start3A_54 : memref<128x128xf32, #tpu.memory_space<vmem_shared>>) target(%dma_start3A_52 : memref<128x128xf32, #tpu.memory_space<hbm>>) target_semaphore(%run_scoped3A : memref<!tpu.dma_semaphore, #tpu.memory_space<semaphore_mem>>)
      %dma_wait3A = arith.constant 0 : i32
      %dma_wait3A_55 = tpu.memref_slice %arg3[%arg0, %add3A_46, %dma_wait3A] : memref<2x10112x128xf32, #tpu.memory_space<hbm>> -> memref<1x128x128xf32, #tpu.memory_space<hbm>>
      %dma_wait3A_56 = tpu.memref_squeeze %dma_wait3A_55 : memref<1x128x128xf32, #tpu.memory_space<hbm>> -> memref<128x128xf32, #tpu.memory_space<hbm>>
      %dma_wait3A_57 = arith.constant 0 : i32
      %dma_wait3A_58 = tpu.memref_slice %arg7[%add3A_44, %dma_wait3A_57] : memref<10112x128xf32, #tpu.memory_space<vmem_shared>> -> memref<128x128xf32, #tpu.memory_space<vmem_shared>>
      tpu.wait_dma2 semaphore(%run_scoped3A : memref<!tpu.dma_semaphore, #tpu.memory_space<semaphore_mem>>) src(%dma_wait3A_58 : memref<128x128xf32, #tpu.memory_space<vmem_shared>>) dst(%dma_wait3A_56 : memref<128x128xf32, #tpu.memory_space<hbm>>)
      tpu.yield
    }) : () -> ()
    %add3A_47 = arith.constant 512 : i32
    %add3A_48 = arith.addi %mul3A_8, %add3A_47 : i32
    %add3A_49 = arith.constant 512 : i32
    %add3A_50 = arith.addi %mul3A_8, %add3A_49 : i32
    "tpu.region"() ({
      %run_scoped3A = tpu.sem_alloc : memref<!tpu.dma_semaphore, #tpu.memory_space<semaphore_mem>>
      %dma_start3A = arith.constant 0 : i32
      %dma_start3A_51 = tpu.memref_slice %arg3[%arg0, %add3A_50, %dma_start3A] : memref<2x10112x128xf32, #tpu.memory_space<hbm>> -> memref<1x120x128xf32, #tpu.memory_space<hbm>>
      %dma_start3A_52 = tpu.memref_squeeze %dma_start3A_51 : memref<1x120x128xf32, #tpu.memory_space<hbm>> -> memref<120x128xf32, #tpu.memory_space<hbm>>
      %dma_start3A_53 = arith.constant 0 : i32
      %dma_start3A_54 = tpu.memref_slice %arg7[%add3A_48, %dma_start3A_53] : memref<10112x128xf32, #tpu.memory_space<vmem_shared>> -> memref<120x128xf32, #tpu.memory_space<vmem_shared>>
      tpu.enqueue_dma source(%dma_start3A_54 : memref<120x128xf32, #tpu.memory_space<vmem_shared>>) target(%dma_start3A_52 : memref<120x128xf32, #tpu.memory_space<hbm>>) target_semaphore(%run_scoped3A : memref<!tpu.dma_semaphore, #tpu.memory_space<semaphore_mem>>)
      %dma_wait3A = arith.constant 0 : i32
      %dma_wait3A_55 = tpu.memref_slice %arg3[%arg0, %add3A_50, %dma_wait3A] : memref<2x10112x128xf32, #tpu.memory_space<hbm>> -> memref<1x120x128xf32, #tpu.memory_space<hbm>>
      %dma_wait3A_56 = tpu.memref_squeeze %dma_wait3A_55 : memref<1x120x128xf32, #tpu.memory_space<hbm>> -> memref<120x128xf32, #tpu.memory_space<hbm>>
      %dma_wait3A_57 = arith.constant 0 : i32
      %dma_wait3A_58 = tpu.memref_slice %arg7[%add3A_48, %dma_wait3A_57] : memref<10112x128xf32, #tpu.memory_space<vmem_shared>> -> memref<120x128xf32, #tpu.memory_space<vmem_shared>>
      tpu.wait_dma2 semaphore(%run_scoped3A : memref<!tpu.dma_semaphore, #tpu.memory_space<semaphore_mem>>) src(%dma_wait3A_58 : memref<120x128xf32, #tpu.memory_space<vmem_shared>>) dst(%dma_wait3A_56 : memref<120x128xf32, #tpu.memory_space<hbm>>)
      tpu.yield
    }) : () -> ()
    return
  }
}

#map = affine_map<(d0, d1) -> (0, 0)>
#map1 = affine_map<(d0, d1) -> (0, 0, 0, 0)>
#map2 = affine_map<(d0, d1) -> (0, 0, 0)>
module attributes {stable_mosaic.version = 14 : i64} {
  func.func @_sc_msg_body(%arg0: i32, %arg1: i32, %arg2: memref<10000x128xf32, #tpu.memory_space<hbm>>, %arg3: memref<2x16x80x128xi32, #tpu.memory_space<hbm>>, %arg4: memref<2x10112x128xf32, #tpu.memory_space<hbm>>, %arg5: memref<80x128xi32, #tpu.memory_space<vmem>>, %arg6: memref<2x128xi32, #tpu.memory_space<vmem>>, %arg7: memref<2x128xi32, #tpu.memory_space<vmem>>, %arg8: memref<128x128xf32, #tpu.memory_space<vmem>>, %arg9: memref<128x128xf32, #tpu.memory_space<vmem>>, %arg10: memref<10112x128xf32, #tpu.memory_space<vmem_shared>>, %arg11: memref<!tpu.dma_semaphore, #tpu.memory_space<semaphore_mem>>, %arg12: memref<!tpu.dma_semaphore, #tpu.memory_space<semaphore_mem>>, %arg13: memref<!tpu.dma_semaphore, #tpu.memory_space<semaphore_mem>>, %arg14: memref<!tpu.dma_semaphore, #tpu.memory_space<semaphore_mem>>) attributes {dimension_semantics = [#tpu.dimension_semantics<core_parallel>, #tpu.dimension_semantics<subcore_parallel>], iteration_bounds = array<i64: 2, 16>, scalar_prefetch = 0 : i64, scratch_operands = 10 : i64, tpu.core_type = #tpu.core_type<sc_vector_subcore>, window_params = [{transform_indices = #map}, {transform_indices = #map1}, {transform_indices = #map2}]} {
    %broadcast_in_dim3A = arith.constant 0.000000e+00 : f32
    %broadcast_in_dim3A_0 = vector.broadcast %broadcast_in_dim3A : f32 to vector<16xf32>
    %scan3A = arith.constant 0 : i32
    %scan3A_1 = arith.constant 0 : i32
    %scan3A_2 = arith.constant 1024 : i32
    %scan3A_3 = arith.addi %scan3A_1, %scan3A_2 : i32
    %scan3A_4 = arith.constant 1 : i32
    scf.for %scan3A_68 = %scan3A_1 to %scan3A_3 step %scan3A_4  : i32 {
      %jit3A = arith.constant 8 : i32
      %div3A = arith.divsi %scan3A_68, %jit3A : i32
      %sign3A = arith.constant 0 : i32
      %sign3A_69 = arith.cmpi sgt, %scan3A_68, %sign3A : i32
      %sign3A_70 = arith.extui %sign3A_69 : i1 to i32
      %sign3A_71 = arith.constant 0 : i32
      %sign3A_72 = arith.cmpi slt, %scan3A_68, %sign3A_71 : i32
      %sign3A_73 = arith.extui %sign3A_72 : i1 to i32
      %sign3A_74 = arith.subi %sign3A_70, %sign3A_73 : i32
      %sign3A_75 = arith.constant 0 : i32
      %sign3A_76 = arith.cmpi sgt, %jit3A, %sign3A_75 : i32
      %sign3A_77 = arith.extui %sign3A_76 : i1 to i32
      %sign3A_78 = arith.constant 0 : i32
      %sign3A_79 = arith.cmpi slt, %jit3A, %sign3A_78 : i32
      %sign3A_80 = arith.extui %sign3A_79 : i1 to i32
      %sign3A_81 = arith.subi %sign3A_77, %sign3A_80 : i32
      %ne3A = arith.cmpi ne, %sign3A_74, %sign3A_81 : i32
      %rem3A = arith.remsi %scan3A_68, %jit3A : i32
      %ne3A_82 = arith.constant 0 : i32
      %ne3A_83 = arith.cmpi ne, %rem3A, %ne3A_82 : i32
      %and3A = arith.andi %ne3A, %ne3A_83 : i1
      %sub3A = arith.constant 1 : i32
      %sub3A_84 = arith.subi %div3A, %sub3A : i32
      %select_n3A = arith.select %and3A, %sub3A_84, %div3A : i32
      %jit3A_85 = arith.constant 8 : i32
      %eq3A = arith.constant 0 : i32
      %eq3A_86 = arith.cmpi eq, %jit3A_85, %eq3A : i32
      %jit3A_87 = arith.constant 1 : i32
      %select_n3A_88 = arith.select %eq3A_86, %jit3A_87, %jit3A_85 : i32
      %rem3A_89 = arith.remsi %scan3A_68, %select_n3A_88 : i32
      %ne3A_90 = arith.constant 0 : i32
      %ne3A_91 = arith.cmpi ne, %rem3A_89, %ne3A_90 : i32
      %lt3A = arith.constant 0 : i32
      %lt3A_92 = arith.cmpi slt, %rem3A_89, %lt3A : i32
      %lt3A_93 = arith.constant 0 : i32
      %lt3A_94 = arith.cmpi slt, %select_n3A_88, %lt3A_93 : i32
      %ne3A_95 = arith.xori %lt3A_92, %lt3A_94 : i1
      %and3A_96 = arith.andi %ne3A_95, %ne3A_91 : i1
      %add3A_97 = arith.addi %rem3A_89, %select_n3A_88 : i32
      %select_n3A_98 = arith.select %and3A_96, %add3A_97, %rem3A_89 : i32
      %mul3A_99 = arith.constant 16 : i32
      %mul3A_100 = arith.muli %select_n3A_98, %mul3A_99 : i32
      %swap3A = arith.index_cast %select_n3A : i32 to index
      %swap3A_101 = arith.index_cast %mul3A_100 : i32 to index
      %swap3A_102 = tpu.vector_load %arg8[%swap3A, %swap3A_101] {strides = array<i32>} : memref<128x128xf32, #tpu.memory_space<vmem>>, vector<1x16xf32>,
      %swap3A_103 = vector.shape_cast %swap3A_102 : vector<1x16xf32> to vector<16xf32>
      %swap3A_104 = vector.shape_cast %broadcast_in_dim3A_0 : vector<16xf32> to vector<1x16xf32>
      tpu.vector_store %arg8[%swap3A, %swap3A_101], %swap3A_104 {strides = array<i32>} : memref<128x128xf32, #tpu.memory_space<vmem>>, vector<1x16xf32>,
    }
    %scan3A_5 = arith.constant 1024 : i32
    %mul3A = arith.constant 632 : i32
    %mul3A_6 = arith.muli %arg1, %mul3A : i32
    %add3A = arith.constant 0 : i32
    %add3A_7 = arith.addi %mul3A_6, %add3A : i32
    "tpu.region"() ({
      %run_scoped3A = tpu.sem_alloc : memref<!tpu.dma_semaphore, #tpu.memory_space<semaphore_mem>>
      %dma_start3A_68 = arith.constant 0 : i32
      %dma_start3A_69 = tpu.memref_slice %arg10[%add3A_7, %dma_start3A_68] : memref<10112x128xf32, #tpu.memory_space<vmem_shared>> -> memref<128x128xf32, #tpu.memory_space<vmem_shared>>
      %dma_start3A_70 = arith.constant 0 : i32
      %dma_start3A_71 = tpu.memref_slice %arg10[%add3A_7, %dma_start3A_70] : memref<10112x128xf32, #tpu.memory_space<vmem_shared>> -> memref<128x128xf32, #tpu.memory_space<vmem_shared>>
      tpu.enqueue_dma source(%arg8 : memref<128x128xf32, #tpu.memory_space<vmem>>) target(%dma_start3A_71 : memref<128x128xf32, #tpu.memory_space<vmem_shared>>) target_semaphore(%run_scoped3A : memref<!tpu.dma_semaphore, #tpu.memory_space<semaphore_mem>>)
      %dma_wait3A = arith.constant 0 : i32
      %dma_wait3A_72 = tpu.memref_slice %arg10[%add3A_7, %dma_wait3A] : memref<10112x128xf32, #tpu.memory_space<vmem_shared>> -> memref<128x128xf32, #tpu.memory_space<vmem_shared>>
      %dma_wait3A_73 = arith.constant 0 : i32
      %dma_wait3A_74 = tpu.memref_slice %arg10[%add3A_7, %dma_wait3A_73] : memref<10112x128xf32, #tpu.memory_space<vmem_shared>> -> memref<128x128xf32, #tpu.memory_space<vmem_shared>>
      tpu.wait_dma2 semaphore(%run_scoped3A : memref<!tpu.dma_semaphore, #tpu.memory_space<semaphore_mem>>) src(%arg8 : memref<128x128xf32, #tpu.memory_space<vmem>>) dst(%dma_wait3A_74 : memref<128x128xf32, #tpu.memory_space<vmem_shared>>)
      tpu.yield
    }) : () -> ()
    %add3A_8 = arith.constant 128 : i32
    %add3A_9 = arith.addi %mul3A_6, %add3A_8 : i32
    "tpu.region"() ({
      %run_scoped3A = tpu.sem_alloc : memref<!tpu.dma_semaphore, #tpu.memory_space<semaphore_mem>>
      %dma_start3A_68 = arith.constant 0 : i32
      %dma_start3A_69 = tpu.memref_slice %arg10[%add3A_9, %dma_start3A_68] : memref<10112x128xf32, #tpu.memory_space<vmem_shared>> -> memref<128x128xf32, #tpu.memory_space<vmem_shared>>
      %dma_start3A_70 = arith.constant 0 : i32
      %dma_start3A_71 = tpu.memref_slice %arg10[%add3A_9, %dma_start3A_70] : memref<10112x128xf32, #tpu.memory_space<vmem_shared>> -> memref<128x128xf32, #tpu.memory_space<vmem_shared>>
      tpu.enqueue_dma source(%arg8 : memref<128x128xf32, #tpu.memory_space<vmem>>) target(%dma_start3A_71 : memref<128x128xf32, #tpu.memory_space<vmem_shared>>) target_semaphore(%run_scoped3A : memref<!tpu.dma_semaphore, #tpu.memory_space<semaphore_mem>>)
      %dma_wait3A = arith.constant 0 : i32
      %dma_wait3A_72 = tpu.memref_slice %arg10[%add3A_9, %dma_wait3A] : memref<10112x128xf32, #tpu.memory_space<vmem_shared>> -> memref<128x128xf32, #tpu.memory_space<vmem_shared>>
      %dma_wait3A_73 = arith.constant 0 : i32
      %dma_wait3A_74 = tpu.memref_slice %arg10[%add3A_9, %dma_wait3A_73] : memref<10112x128xf32, #tpu.memory_space<vmem_shared>> -> memref<128x128xf32, #tpu.memory_space<vmem_shared>>
      tpu.wait_dma2 semaphore(%run_scoped3A : memref<!tpu.dma_semaphore, #tpu.memory_space<semaphore_mem>>) src(%arg8 : memref<128x128xf32, #tpu.memory_space<vmem>>) dst(%dma_wait3A_74 : memref<128x128xf32, #tpu.memory_space<vmem_shared>>)
      tpu.yield
    }) : () -> ()
    %add3A_10 = arith.constant 256 : i32
    %add3A_11 = arith.addi %mul3A_6, %add3A_10 : i32
    "tpu.region"() ({
      %run_scoped3A = tpu.sem_alloc : memref<!tpu.dma_semaphore, #tpu.memory_space<semaphore_mem>>
      %dma_start3A_68 = arith.constant 0 : i32
      %dma_start3A_69 = tpu.memref_slice %arg10[%add3A_11, %dma_start3A_68] : memref<10112x128xf32, #tpu.memory_space<vmem_shared>> -> memref<128x128xf32, #tpu.memory_space<vmem_shared>>
      %dma_start3A_70 = arith.constant 0 : i32
      %dma_start3A_71 = tpu.memref_slice %arg10[%add3A_11, %dma_start3A_70] : memref<10112x128xf32, #tpu.memory_space<vmem_shared>> -> memref<128x128xf32, #tpu.memory_space<vmem_shared>>
      tpu.enqueue_dma source(%arg8 : memref<128x128xf32, #tpu.memory_space<vmem>>) target(%dma_start3A_71 : memref<128x128xf32, #tpu.memory_space<vmem_shared>>) target_semaphore(%run_scoped3A : memref<!tpu.dma_semaphore, #tpu.memory_space<semaphore_mem>>)
      %dma_wait3A = arith.constant 0 : i32
      %dma_wait3A_72 = tpu.memref_slice %arg10[%add3A_11, %dma_wait3A] : memref<10112x128xf32, #tpu.memory_space<vmem_shared>> -> memref<128x128xf32, #tpu.memory_space<vmem_shared>>
      %dma_wait3A_73 = arith.constant 0 : i32
      %dma_wait3A_74 = tpu.memref_slice %arg10[%add3A_11, %dma_wait3A_73] : memref<10112x128xf32, #tpu.memory_space<vmem_shared>> -> memref<128x128xf32, #tpu.memory_space<vmem_shared>>
      tpu.wait_dma2 semaphore(%run_scoped3A : memref<!tpu.dma_semaphore, #tpu.memory_space<semaphore_mem>>) src(%arg8 : memref<128x128xf32, #tpu.memory_space<vmem>>) dst(%dma_wait3A_74 : memref<128x128xf32, #tpu.memory_space<vmem_shared>>)
      tpu.yield
    }) : () -> ()
    %add3A_12 = arith.constant 384 : i32
    %add3A_13 = arith.addi %mul3A_6, %add3A_12 : i32
    "tpu.region"() ({
      %run_scoped3A = tpu.sem_alloc : memref<!tpu.dma_semaphore, #tpu.memory_space<semaphore_mem>>
      %dma_start3A_68 = arith.constant 0 : i32
      %dma_start3A_69 = tpu.memref_slice %arg10[%add3A_13, %dma_start3A_68] : memref<10112x128xf32, #tpu.memory_space<vmem_shared>> -> memref<128x128xf32, #tpu.memory_space<vmem_shared>>
      %dma_start3A_70 = arith.constant 0 : i32
      %dma_start3A_71 = tpu.memref_slice %arg10[%add3A_13, %dma_start3A_70] : memref<10112x128xf32, #tpu.memory_space<vmem_shared>> -> memref<128x128xf32, #tpu.memory_space<vmem_shared>>
      tpu.enqueue_dma source(%arg8 : memref<128x128xf32, #tpu.memory_space<vmem>>) target(%dma_start3A_71 : memref<128x128xf32, #tpu.memory_space<vmem_shared>>) target_semaphore(%run_scoped3A : memref<!tpu.dma_semaphore, #tpu.memory_space<semaphore_mem>>)
      %dma_wait3A = arith.constant 0 : i32
      %dma_wait3A_72 = tpu.memref_slice %arg10[%add3A_13, %dma_wait3A] : memref<10112x128xf32, #tpu.memory_space<vmem_shared>> -> memref<128x128xf32, #tpu.memory_space<vmem_shared>>
      %dma_wait3A_73 = arith.constant 0 : i32
      %dma_wait3A_74 = tpu.memref_slice %arg10[%add3A_13, %dma_wait3A_73] : memref<10112x128xf32, #tpu.memory_space<vmem_shared>> -> memref<128x128xf32, #tpu.memory_space<vmem_shared>>
      tpu.wait_dma2 semaphore(%run_scoped3A : memref<!tpu.dma_semaphore, #tpu.memory_space<semaphore_mem>>) src(%arg8 : memref<128x128xf32, #tpu.memory_space<vmem>>) dst(%dma_wait3A_74 : memref<128x128xf32, #tpu.memory_space<vmem_shared>>)
      tpu.yield
    }) : () -> ()
    %add3A_14 = arith.constant 512 : i32
    %add3A_15 = arith.addi %mul3A_6, %add3A_14 : i32
    "tpu.region"() ({
      %run_scoped3A = tpu.sem_alloc : memref<!tpu.dma_semaphore, #tpu.memory_space<semaphore_mem>>
      %dma_start3A_68 = arith.constant 0 : i32
      %dma_start3A_69 = arith.constant 0 : i32
      %dma_start3A_70 = tpu.memref_slice %arg8[%dma_start3A_68, %dma_start3A_69] : memref<128x128xf32, #tpu.memory_space<vmem>> -> memref<120x128xf32, #tpu.memory_space<vmem>>
      %dma_start3A_71 = arith.constant 0 : i32
      %dma_start3A_72 = tpu.memref_slice %arg10[%add3A_15, %dma_start3A_71] : memref<10112x128xf32, #tpu.memory_space<vmem_shared>> -> memref<120x128xf32, #tpu.memory_space<vmem_shared>>
      %dma_start3A_73 = arith.constant 0 : i32
      %dma_start3A_74 = tpu.memref_slice %arg10[%add3A_15, %dma_start3A_73] : memref<10112x128xf32, #tpu.memory_space<vmem_shared>> -> memref<120x128xf32, #tpu.memory_space<vmem_shared>>
      %dma_start3A_75 = arith.constant 0 : i32
      %dma_start3A_76 = arith.constant 0 : i32
      %dma_start3A_77 = tpu.memref_slice %arg8[%dma_start3A_75, %dma_start3A_76] : memref<128x128xf32, #tpu.memory_space<vmem>> -> memref<120x128xf32, #tpu.memory_space<vmem>>
      tpu.enqueue_dma source(%dma_start3A_77 : memref<120x128xf32, #tpu.memory_space<vmem>>) target(%dma_start3A_74 : memref<120x128xf32, #tpu.memory_space<vmem_shared>>) target_semaphore(%run_scoped3A : memref<!tpu.dma_semaphore, #tpu.memory_space<semaphore_mem>>)
      %dma_wait3A = arith.constant 0 : i32
      %dma_wait3A_78 = arith.constant 0 : i32
      %dma_wait3A_79 = tpu.memref_slice %arg8[%dma_wait3A, %dma_wait3A_78] : memref<128x128xf32, #tpu.memory_space<vmem>> -> memref<120x128xf32, #tpu.memory_space<vmem>>
      %dma_wait3A_80 = arith.constant 0 : i32
      %dma_wait3A_81 = tpu.memref_slice %arg10[%add3A_15, %dma_wait3A_80] : memref<10112x128xf32, #tpu.memory_space<vmem_shared>> -> memref<120x128xf32, #tpu.memory_space<vmem_shared>>
      %dma_wait3A_82 = arith.constant 0 : i32
      %dma_wait3A_83 = tpu.memref_slice %arg10[%add3A_15, %dma_wait3A_82] : memref<10112x128xf32, #tpu.memory_space<vmem_shared>> -> memref<120x128xf32, #tpu.memory_space<vmem_shared>>
      %dma_wait3A_84 = arith.constant 0 : i32
      %dma_wait3A_85 = arith.constant 0 : i32
      %dma_wait3A_86 = tpu.memref_slice %arg8[%dma_wait3A_84, %dma_wait3A_85] : memref<128x128xf32, #tpu.memory_space<vmem>> -> memref<120x128xf32, #tpu.memory_space<vmem>>
      tpu.wait_dma2 semaphore(%run_scoped3A : memref<!tpu.dma_semaphore, #tpu.memory_space<semaphore_mem>>) src(%dma_wait3A_86 : memref<120x128xf32, #tpu.memory_space<vmem>>) dst(%dma_wait3A_83 : memref<120x128xf32, #tpu.memory_space<vmem_shared>>)
      tpu.yield
    }) : () -> ()
    "tpu.region"() ({
      %run_scoped3A = tpu.sem_alloc : memref<!tpu.dma_semaphore, #tpu.memory_space<semaphore_mem>>
      %dma_start3A_68 = arith.constant 0 : i32
      %dma_start3A_69 = arith.constant 0 : i32
      %dma_start3A_70 = tpu.memref_slice %arg3[%arg0, %arg1, %dma_start3A_68, %dma_start3A_69] : memref<2x16x80x128xi32, #tpu.memory_space<hbm>> -> memref<1x1x80x128xi32, #tpu.memory_space<hbm>>
      %dma_start3A_71 = tpu.memref_squeeze %dma_start3A_70 : memref<1x1x80x128xi32, #tpu.memory_space<hbm>> -> memref<80x128xi32, #tpu.memory_space<hbm>>
      %dma_start3A_72 = arith.constant 0 : i32
      %dma_start3A_73 = arith.constant 0 : i32
      %dma_start3A_74 = tpu.memref_slice %arg3[%arg0, %arg1, %dma_start3A_72, %dma_start3A_73] : memref<2x16x80x128xi32, #tpu.memory_space<hbm>> -> memref<1x1x80x128xi32, #tpu.memory_space<hbm>>
      %dma_start3A_75 = tpu.memref_squeeze %dma_start3A_74 : memref<1x1x80x128xi32, #tpu.memory_space<hbm>> -> memref<80x128xi32, #tpu.memory_space<hbm>>
      tpu.enqueue_dma source(%dma_start3A_75 : memref<80x128xi32, #tpu.memory_space<hbm>>) target(%arg5 : memref<80x128xi32, #tpu.memory_space<vmem>>) target_semaphore(%run_scoped3A : memref<!tpu.dma_semaphore, #tpu.memory_space<semaphore_mem>>)
      %dma_wait3A = arith.constant 0 : i32
      %dma_wait3A_76 = arith.constant 0 : i32
      %dma_wait3A_77 = tpu.memref_slice %arg3[%arg0, %arg1, %dma_wait3A, %dma_wait3A_76] : memref<2x16x80x128xi32, #tpu.memory_space<hbm>> -> memref<1x1x80x128xi32, #tpu.memory_space<hbm>>
      %dma_wait3A_78 = tpu.memref_squeeze %dma_wait3A_77 : memref<1x1x80x128xi32, #tpu.memory_space<hbm>> -> memref<80x128xi32, #tpu.memory_space<hbm>>
      %dma_wait3A_79 = arith.constant 0 : i32
      %dma_wait3A_80 = arith.constant 0 : i32
      %dma_wait3A_81 = tpu.memref_slice %arg3[%arg0, %arg1, %dma_wait3A_79, %dma_wait3A_80] : memref<2x16x80x128xi32, #tpu.memory_space<hbm>> -> memref<1x1x80x128xi32, #tpu.memory_space<hbm>>
      %dma_wait3A_82 = tpu.memref_squeeze %dma_wait3A_81 : memref<1x1x80x128xi32, #tpu.memory_space<hbm>> -> memref<80x128xi32, #tpu.memory_space<hbm>>
      tpu.wait_dma2 semaphore(%run_scoped3A : memref<!tpu.dma_semaphore, #tpu.memory_space<semaphore_mem>>) src(%dma_wait3A_82 : memref<80x128xi32, #tpu.memory_space<hbm>>) dst(%arg5 : memref<80x128xi32, #tpu.memory_space<vmem>>)
      tpu.yield
    }) : () -> ()
    %barrier3A = arith.constant 0 : index
    tpu.barrier barrier_id(%barrier3A)
    %scan3A_16 = arith.constant 0 : i32
    %scan3A_17 = arith.constant 0 : i32
    %scan3A_18 = arith.constant 8 : i32
    %scan3A_19 = arith.addi %scan3A_17, %scan3A_18 : i32
    %scan3A_20 = arith.constant 1 : i32
    scf.for %scan3A_68 = %scan3A_17 to %scan3A_19 step %scan3A_20  : i32 {
      %mul3A_69 = arith.constant 16 : i32
      %mul3A_70 = arith.muli %scan3A_68, %mul3A_69 : i32
      %get3A = arith.constant 0 : i32
      %get3A_71 = arith.index_cast %get3A : i32 to index
      %get3A_72 = arith.index_cast %mul3A_70 : i32 to index
      %get3A_73 = tpu.vector_load %arg5[%get3A_71, %get3A_72] {strides = array<i32>} : memref<80x128xi32, #tpu.memory_space<vmem>>, vector<1x16xi32>,
      %get3A_74 = vector.shape_cast %get3A_73 : vector<1x16xi32> to vector<16xi32>
      %shift_right_logical3A = arith.constant 14 : i32
      %shift_right_logical3A_75 = vector.broadcast %shift_right_logical3A : i32 to vector<16xi32>
      %shift_right_logical3A_76 = arith.shrui %get3A_74, %shift_right_logical3A_75 : vector<16xi32>
      %mul3A_77 = arith.constant 16 : i32
      %mul3A_78 = arith.muli %scan3A_68, %mul3A_77 : i32
      %swap3A = arith.constant 0 : i32
      %swap3A_79 = arith.index_cast %swap3A : i32 to index
      %swap3A_80 = arith.index_cast %mul3A_78 : i32 to index
      %swap3A_81 = tpu.vector_load %arg6[%swap3A_79, %swap3A_80] {strides = array<i32>} : memref<2x128xi32, #tpu.memory_space<vmem>>, vector<1x16xi32>,
      %swap3A_82 = vector.shape_cast %swap3A_81 : vector<1x16xi32> to vector<16xi32>
      %swap3A_83 = vector.shape_cast %shift_right_logical3A_76 : vector<16xi32> to vector<1x16xi32>
      tpu.vector_store %arg6[%swap3A_79, %swap3A_80], %swap3A_83 {strides = array<i32>} : memref<2x128xi32, #tpu.memory_space<vmem>>, vector<1x16xi32>,
      %and3A = arith.constant 16383 : i32
      %and3A_84 = vector.broadcast %and3A : i32 to vector<16xi32>
      %and3A_85 = arith.andi %get3A_74, %and3A_84 : vector<16xi32>
      %mul3A_86 = arith.constant 16 : i32
      %mul3A_87 = arith.muli %scan3A_68, %mul3A_86 : i32
      %swap3A_88 = arith.constant 0 : i32
      %swap3A_89 = arith.index_cast %swap3A_88 : i32 to index
      %swap3A_90 = arith.index_cast %mul3A_87 : i32 to index
      %swap3A_91 = tpu.vector_load %arg7[%swap3A_89, %swap3A_90] {strides = array<i32>} : memref<2x128xi32, #tpu.memory_space<vmem>>, vector<1x16xi32>,
      %swap3A_92 = vector.shape_cast %swap3A_91 : vector<1x16xi32> to vector<16xi32>
      %swap3A_93 = vector.shape_cast %and3A_85 : vector<16xi32> to vector<1x16xi32>
      tpu.vector_store %arg7[%swap3A_89, %swap3A_90], %swap3A_93 {strides = array<i32>} : memref<2x128xi32, #tpu.memory_space<vmem>>, vector<1x16xi32>,
    }
    %scan3A_21 = arith.constant 8 : i32
    %dma_start3A = arith.constant 0 : i32
    %dma_start3A_22 = arith.constant 0 : i32
    %dma_start3A_23 = tpu.memref_slice %arg6[%dma_start3A, %dma_start3A_22] : memref<2x128xi32, #tpu.memory_space<vmem>> -> memref<1x128xi32, #tpu.memory_space<vmem>>
    %dma_start3A_24 = tpu.memref_squeeze %dma_start3A_23 : memref<1x128xi32, #tpu.memory_space<vmem>> -> memref<128xi32, #tpu.memory_space<vmem>>
    %dma_start3A_25 = arith.constant 0 : i32
    %dma_start3A_26 = arith.constant 0 : i32
    %dma_start3A_27 = tpu.memref_slice %arg2[%dma_start3A_25, %dma_start3A_26] : memref<10000x128xf32, #tpu.memory_space<hbm>> -> memref<10000x128xf32, #tpu.memory_space<hbm>>
    tpu.enqueue_indirect_dma source(%dma_start3A_27 : memref<10000x128xf32, #tpu.memory_space<hbm>>) target(%arg8 : memref<128x128xf32, #tpu.memory_space<vmem>>) offsets(%dma_start3A_24 : memref<128xi32, #tpu.memory_space<vmem>>) semaphore(%arg11 : memref<!tpu.dma_semaphore, #tpu.memory_space<semaphore_mem>>)
    %scan3A_28 = arith.constant 0 : i32
    %scan3A_29 = arith.constant 0 : i32
    %scan3A_30 = arith.constant 8 : i32
    %scan3A_31 = arith.addi %scan3A_29, %scan3A_30 : i32
    %scan3A_32 = arith.constant 1 : i32
    scf.for %scan3A_68 = %scan3A_29 to %scan3A_31 step %scan3A_32  : i32 {
      %mul3A_69 = arith.constant 16 : i32
      %mul3A_70 = arith.muli %scan3A_68, %mul3A_69 : i32
      %get3A = arith.constant 1 : i32
      %get3A_71 = arith.index_cast %get3A : i32 to index
      %get3A_72 = arith.index_cast %mul3A_70 : i32 to index
      %get3A_73 = tpu.vector_load %arg5[%get3A_71, %get3A_72] {strides = array<i32>} : memref<80x128xi32, #tpu.memory_space<vmem>>, vector<1x16xi32>,
      %get3A_74 = vector.shape_cast %get3A_73 : vector<1x16xi32> to vector<16xi32>
      %shift_right_logical3A = arith.constant 14 : i32
      %shift_right_logical3A_75 = vector.broadcast %shift_right_logical3A : i32 to vector<16xi32>
      %shift_right_logical3A_76 = arith.shrui %get3A_74, %shift_right_logical3A_75 : vector<16xi32>
      %mul3A_77 = arith.constant 16 : i32
      %mul3A_78 = arith.muli %scan3A_68, %mul3A_77 : i32
      %swap3A = arith.constant 1 : i32
      %swap3A_79 = arith.index_cast %swap3A : i32 to index
      %swap3A_80 = arith.index_cast %mul3A_78 : i32 to index
      %swap3A_81 = tpu.vector_load %arg6[%swap3A_79, %swap3A_80] {strides = array<i32>} : memref<2x128xi32, #tpu.memory_space<vmem>>, vector<1x16xi32>,
      %swap3A_82 = vector.shape_cast %swap3A_81 : vector<1x16xi32> to vector<16xi32>
      %swap3A_83 = vector.shape_cast %shift_right_logical3A_76 : vector<16xi32> to vector<1x16xi32>
      tpu.vector_store %arg6[%swap3A_79, %swap3A_80], %swap3A_83 {strides = array<i32>} : memref<2x128xi32, #tpu.memory_space<vmem>>, vector<1x16xi32>,
      %and3A = arith.constant 16383 : i32
      %and3A_84 = vector.broadcast %and3A : i32 to vector<16xi32>
      %and3A_85 = arith.andi %get3A_74, %and3A_84 : vector<16xi32>
      %mul3A_86 = arith.constant 16 : i32
      %mul3A_87 = arith.muli %scan3A_68, %mul3A_86 : i32
      %swap3A_88 = arith.constant 1 : i32
      %swap3A_89 = arith.index_cast %swap3A_88 : i32 to index
      %swap3A_90 = arith.index_cast %mul3A_87 : i32 to index
      %swap3A_91 = tpu.vector_load %arg7[%swap3A_89, %swap3A_90] {strides = array<i32>} : memref<2x128xi32, #tpu.memory_space<vmem>>, vector<1x16xi32>,
      %swap3A_92 = vector.shape_cast %swap3A_91 : vector<1x16xi32> to vector<16xi32>
      %swap3A_93 = vector.shape_cast %and3A_85 : vector<16xi32> to vector<1x16xi32>
      tpu.vector_store %arg7[%swap3A_89, %swap3A_90], %swap3A_93 {strides = array<i32>} : memref<2x128xi32, #tpu.memory_space<vmem>>, vector<1x16xi32>,
    }
    %scan3A_33 = arith.constant 8 : i32
    %dma_start3A_34 = arith.constant 1 : i32
    %dma_start3A_35 = arith.constant 0 : i32
    %dma_start3A_36 = tpu.memref_slice %arg6[%dma_start3A_34, %dma_start3A_35] : memref<2x128xi32, #tpu.memory_space<vmem>> -> memref<1x128xi32, #tpu.memory_space<vmem>>
    %dma_start3A_37 = tpu.memref_squeeze %dma_start3A_36 : memref<1x128xi32, #tpu.memory_space<vmem>> -> memref<128xi32, #tpu.memory_space<vmem>>
    %dma_start3A_38 = arith.constant 0 : i32
    %dma_start3A_39 = arith.constant 0 : i32
    %dma_start3A_40 = tpu.memref_slice %arg2[%dma_start3A_38, %dma_start3A_39] : memref<10000x128xf32, #tpu.memory_space<hbm>> -> memref<10000x128xf32, #tpu.memory_space<hbm>>
    tpu.enqueue_indirect_dma source(%dma_start3A_40 : memref<10000x128xf32, #tpu.memory_space<hbm>>) target(%arg9 : memref<128x128xf32, #tpu.memory_space<vmem>>) offsets(%dma_start3A_37 : memref<128xi32, #tpu.memory_space<vmem>>) semaphore(%arg12 : memref<!tpu.dma_semaphore, #tpu.memory_space<semaphore_mem>>)
    %scan3A_41 = arith.constant 0 : i32
    %scan3A_42 = arith.constant 0 : i32
    %scan3A_43 = arith.constant 40 : i32
    %scan3A_44 = arith.addi %scan3A_42, %scan3A_43 : i32
    %scan3A_45 = arith.constant 1 : i32
    scf.for %scan3A_68 = %scan3A_42 to %scan3A_44 step %scan3A_45  : i32 {
      %mul3A_69 = arith.constant 2 : i32
      %mul3A_70 = arith.muli %scan3A_68, %mul3A_69 : i32
      %add3A_71 = arith.constant 0 : i32
      %add3A_72 = arith.addi %mul3A_70, %add3A_71 : i32
      %dma_wait3A = arith.constant 0 : i32
      %dma_wait3A_73 = arith.constant 0 : i32
      %dma_wait3A_74 = tpu.memref_slice %arg6[%dma_wait3A, %dma_wait3A_73] : memref<2x128xi32, #tpu.memory_space<vmem>> -> memref<1x128xi32, #tpu.memory_space<vmem>>
      %dma_wait3A_75 = tpu.memref_squeeze %dma_wait3A_74 : memref<1x128xi32, #tpu.memory_space<vmem>> -> memref<128xi32, #tpu.memory_space<vmem>>
      %dma_wait3A_76 = arith.constant 0 : i32
      %dma_wait3A_77 = arith.constant 0 : i32
      %dma_wait3A_78 = tpu.memref_slice %arg2[%dma_wait3A_76, %dma_wait3A_77] : memref<10000x128xf32, #tpu.memory_space<hbm>> -> memref<10000x128xf32, #tpu.memory_space<hbm>>
      tpu.wait_indirect_dma semaphore(%arg11 : memref<!tpu.dma_semaphore, #tpu.memory_space<semaphore_mem>>) src(%dma_wait3A_78 : memref<10000x128xf32, #tpu.memory_space<hbm>>) dst(%arg8 : memref<128x128xf32, #tpu.memory_space<vmem>>)
      %dma_start3A_79 = arith.constant 0 : i32
      %dma_start3A_80 = arith.constant 0 : i32
      %dma_start3A_81 = tpu.memref_slice %arg7[%dma_start3A_79, %dma_start3A_80] : memref<2x128xi32, #tpu.memory_space<vmem>> -> memref<1x128xi32, #tpu.memory_space<vmem>>
      %dma_start3A_82 = tpu.memref_squeeze %dma_start3A_81 : memref<1x128xi32, #tpu.memory_space<vmem>> -> memref<128xi32, #tpu.memory_space<vmem>>
      %dma_start3A_83 = arith.constant 0 : i32
      %dma_start3A_84 = arith.constant 0 : i32
      %dma_start3A_85 = tpu.memref_slice %arg10[%dma_start3A_83, %dma_start3A_84] : memref<10112x128xf32, #tpu.memory_space<vmem_shared>> -> memref<10112x128xf32, #tpu.memory_space<vmem_shared>>
      tpu.enqueue_indirect_dma source(%arg8 : memref<128x128xf32, #tpu.memory_space<vmem>>) target(%dma_start3A_85 : memref<10112x128xf32, #tpu.memory_space<vmem_shared>>) offsets(%dma_start3A_82 : memref<128xi32, #tpu.memory_space<vmem>>) semaphore(%arg13 : memref<!tpu.dma_semaphore, #tpu.memory_space<semaphore_mem>>) {add = true}
      %dma_wait3A_86 = arith.constant 0 : i32
      %dma_wait3A_87 = arith.constant 0 : i32
      %dma_wait3A_88 = tpu.memref_slice %arg7[%dma_wait3A_86, %dma_wait3A_87] : memref<2x128xi32, #tpu.memory_space<vmem>> -> memref<1x128xi32, #tpu.memory_space<vmem>>
      %dma_wait3A_89 = tpu.memref_squeeze %dma_wait3A_88 : memref<1x128xi32, #tpu.memory_space<vmem>> -> memref<128xi32, #tpu.memory_space<vmem>>
      %dma_wait3A_90 = arith.constant 0 : i32
      %dma_wait3A_91 = arith.constant 0 : i32
      %dma_wait3A_92 = tpu.memref_slice %arg10[%dma_wait3A_90, %dma_wait3A_91] : memref<10112x128xf32, #tpu.memory_space<vmem_shared>> -> memref<10112x128xf32, #tpu.memory_space<vmem_shared>>
      tpu.wait_indirect_dma semaphore(%arg13 : memref<!tpu.dma_semaphore, #tpu.memory_space<semaphore_mem>>) src(%arg8 : memref<128x128xf32, #tpu.memory_space<vmem>>) dst(%dma_wait3A_92 : memref<10112x128xf32, #tpu.memory_space<vmem_shared>>)
      %add3A_93 = arith.constant 2 : i32
      %add3A_94 = arith.addi %add3A_72, %add3A_93 : i32
      %lt3A = arith.constant 80 : i32
      %lt3A_95 = arith.cmpi slt, %add3A_94, %lt3A : i32
      %convert_element_type3A = arith.extui %lt3A_95 : i1 to i32
      %cond3A = arith.constant 0 : i32
      %cond3A_96 = arith.cmpi ne, %convert_element_type3A, %cond3A : i32
      scf.if %cond3A_96 {
        %scan3A_129 = arith.constant 0 : i32
        %scan3A_130 = arith.constant 0 : i32
        %scan3A_131 = arith.constant 8 : i32
        %scan3A_132 = arith.addi %scan3A_130, %scan3A_131 : i32
        %scan3A_133 = arith.constant 1 : i32
        scf.for %scan3A_142 = %scan3A_130 to %scan3A_132 step %scan3A_133  : i32 {
          %mul3A_143 = arith.constant 16 : i32
          %mul3A_144 = arith.muli %scan3A_142, %mul3A_143 : i32
          %get3A = arith.index_cast %add3A_94 : i32 to index
          %get3A_145 = arith.index_cast %mul3A_144 : i32 to index
          %get3A_146 = tpu.vector_load %arg5[%get3A, %get3A_145] {strides = array<i32>} : memref<80x128xi32, #tpu.memory_space<vmem>>, vector<1x16xi32>,
          %get3A_147 = vector.shape_cast %get3A_146 : vector<1x16xi32> to vector<16xi32>
          %shift_right_logical3A = arith.constant 14 : i32
          %shift_right_logical3A_148 = vector.broadcast %shift_right_logical3A : i32 to vector<16xi32>
          %shift_right_logical3A_149 = arith.shrui %get3A_147, %shift_right_logical3A_148 : vector<16xi32>
          %mul3A_150 = arith.constant 16 : i32
          %mul3A_151 = arith.muli %scan3A_142, %mul3A_150 : i32
          %swap3A = arith.constant 0 : i32
          %swap3A_152 = arith.index_cast %swap3A : i32 to index
          %swap3A_153 = arith.index_cast %mul3A_151 : i32 to index
          %swap3A_154 = tpu.vector_load %arg6[%swap3A_152, %swap3A_153] {strides = array<i32>} : memref<2x128xi32, #tpu.memory_space<vmem>>, vector<1x16xi32>,
          %swap3A_155 = vector.shape_cast %swap3A_154 : vector<1x16xi32> to vector<16xi32>
          %swap3A_156 = vector.shape_cast %shift_right_logical3A_149 : vector<16xi32> to vector<1x16xi32>
          tpu.vector_store %arg6[%swap3A_152, %swap3A_153], %swap3A_156 {strides = array<i32>} : memref<2x128xi32, #tpu.memory_space<vmem>>, vector<1x16xi32>,
          %and3A = arith.constant 16383 : i32
          %and3A_157 = vector.broadcast %and3A : i32 to vector<16xi32>
          %and3A_158 = arith.andi %get3A_147, %and3A_157 : vector<16xi32>
          %mul3A_159 = arith.constant 16 : i32
          %mul3A_160 = arith.muli %scan3A_142, %mul3A_159 : i32
          %swap3A_161 = arith.constant 0 : i32
          %swap3A_162 = arith.index_cast %swap3A_161 : i32 to index
          %swap3A_163 = arith.index_cast %mul3A_160 : i32 to index
          %swap3A_164 = tpu.vector_load %arg7[%swap3A_162, %swap3A_163] {strides = array<i32>} : memref<2x128xi32, #tpu.memory_space<vmem>>, vector<1x16xi32>,
          %swap3A_165 = vector.shape_cast %swap3A_164 : vector<1x16xi32> to vector<16xi32>
          %swap3A_166 = vector.shape_cast %and3A_158 : vector<16xi32> to vector<1x16xi32>
          tpu.vector_store %arg7[%swap3A_162, %swap3A_163], %swap3A_166 {strides = array<i32>} : memref<2x128xi32, #tpu.memory_space<vmem>>, vector<1x16xi32>,
        }
        %scan3A_134 = arith.constant 8 : i32
        %dma_start3A_135 = arith.constant 0 : i32
        %dma_start3A_136 = arith.constant 0 : i32
        %dma_start3A_137 = tpu.memref_slice %arg6[%dma_start3A_135, %dma_start3A_136] : memref<2x128xi32, #tpu.memory_space<vmem>> -> memref<1x128xi32, #tpu.memory_space<vmem>>
        %dma_start3A_138 = tpu.memref_squeeze %dma_start3A_137 : memref<1x128xi32, #tpu.memory_space<vmem>> -> memref<128xi32, #tpu.memory_space<vmem>>
        %dma_start3A_139 = arith.constant 0 : i32
        %dma_start3A_140 = arith.constant 0 : i32
        %dma_start3A_141 = tpu.memref_slice %arg2[%dma_start3A_139, %dma_start3A_140] : memref<10000x128xf32, #tpu.memory_space<hbm>> -> memref<10000x128xf32, #tpu.memory_space<hbm>>
        tpu.enqueue_indirect_dma source(%dma_start3A_141 : memref<10000x128xf32, #tpu.memory_space<hbm>>) target(%arg8 : memref<128x128xf32, #tpu.memory_space<vmem>>) offsets(%dma_start3A_138 : memref<128xi32, #tpu.memory_space<vmem>>) semaphore(%arg11 : memref<!tpu.dma_semaphore, #tpu.memory_space<semaphore_mem>>)
      } else {
      }
      %mul3A_97 = arith.constant 2 : i32
      %mul3A_98 = arith.muli %scan3A_68, %mul3A_97 : i32
      %add3A_99 = arith.constant 1 : i32
      %add3A_100 = arith.addi %mul3A_98, %add3A_99 : i32
      %dma_wait3A_101 = arith.constant 1 : i32
      %dma_wait3A_102 = arith.constant 0 : i32
      %dma_wait3A_103 = tpu.memref_slice %arg6[%dma_wait3A_101, %dma_wait3A_102] : memref<2x128xi32, #tpu.memory_space<vmem>> -> memref<1x128xi32, #tpu.memory_space<vmem>>
      %dma_wait3A_104 = tpu.memref_squeeze %dma_wait3A_103 : memref<1x128xi32, #tpu.memory_space<vmem>> -> memref<128xi32, #tpu.memory_space<vmem>>
      %dma_wait3A_105 = arith.constant 0 : i32
      %dma_wait3A_106 = arith.constant 0 : i32
      %dma_wait3A_107 = tpu.memref_slice %arg2[%dma_wait3A_105, %dma_wait3A_106] : memref<10000x128xf32, #tpu.memory_space<hbm>> -> memref<10000x128xf32, #tpu.memory_space<hbm>>
      tpu.wait_indirect_dma semaphore(%arg12 : memref<!tpu.dma_semaphore, #tpu.memory_space<semaphore_mem>>) src(%dma_wait3A_107 : memref<10000x128xf32, #tpu.memory_space<hbm>>) dst(%arg9 : memref<128x128xf32, #tpu.memory_space<vmem>>)
      %dma_start3A_108 = arith.constant 1 : i32
      %dma_start3A_109 = arith.constant 0 : i32
      %dma_start3A_110 = tpu.memref_slice %arg7[%dma_start3A_108, %dma_start3A_109] : memref<2x128xi32, #tpu.memory_space<vmem>> -> memref<1x128xi32, #tpu.memory_space<vmem>>
      %dma_start3A_111 = tpu.memref_squeeze %dma_start3A_110 : memref<1x128xi32, #tpu.memory_space<vmem>> -> memref<128xi32, #tpu.memory_space<vmem>>
      %dma_start3A_112 = arith.constant 0 : i32
      %dma_start3A_113 = arith.constant 0 : i32
      %dma_start3A_114 = tpu.memref_slice %arg10[%dma_start3A_112, %dma_start3A_113] : memref<10112x128xf32, #tpu.memory_space<vmem_shared>> -> memref<10112x128xf32, #tpu.memory_space<vmem_shared>>
      tpu.enqueue_indirect_dma source(%arg9 : memref<128x128xf32, #tpu.memory_space<vmem>>) target(%dma_start3A_114 : memref<10112x128xf32, #tpu.memory_space<vmem_shared>>) offsets(%dma_start3A_111 : memref<128xi32, #tpu.memory_space<vmem>>) semaphore(%arg14 : memref<!tpu.dma_semaphore, #tpu.memory_space<semaphore_mem>>) {add = true}
      %dma_wait3A_115 = arith.constant 1 : i32
      %dma_wait3A_116 = arith.constant 0 : i32
      %dma_wait3A_117 = tpu.memref_slice %arg7[%dma_wait3A_115, %dma_wait3A_116] : memref<2x128xi32, #tpu.memory_space<vmem>> -> memref<1x128xi32, #tpu.memory_space<vmem>>
      %dma_wait3A_118 = tpu.memref_squeeze %dma_wait3A_117 : memref<1x128xi32, #tpu.memory_space<vmem>> -> memref<128xi32, #tpu.memory_space<vmem>>
      %dma_wait3A_119 = arith.constant 0 : i32
      %dma_wait3A_120 = arith.constant 0 : i32
      %dma_wait3A_121 = tpu.memref_slice %arg10[%dma_wait3A_119, %dma_wait3A_120] : memref<10112x128xf32, #tpu.memory_space<vmem_shared>> -> memref<10112x128xf32, #tpu.memory_space<vmem_shared>>
      tpu.wait_indirect_dma semaphore(%arg14 : memref<!tpu.dma_semaphore, #tpu.memory_space<semaphore_mem>>) src(%arg9 : memref<128x128xf32, #tpu.memory_space<vmem>>) dst(%dma_wait3A_121 : memref<10112x128xf32, #tpu.memory_space<vmem_shared>>)
      %add3A_122 = arith.constant 2 : i32
      %add3A_123 = arith.addi %add3A_100, %add3A_122 : i32
      %lt3A_124 = arith.constant 80 : i32
      %lt3A_125 = arith.cmpi slt, %add3A_123, %lt3A_124 : i32
      %convert_element_type3A_126 = arith.extui %lt3A_125 : i1 to i32
      %cond3A_127 = arith.constant 0 : i32
      %cond3A_128 = arith.cmpi ne, %convert_element_type3A_126, %cond3A_127 : i32
      scf.if %cond3A_128 {
        %scan3A_129 = arith.constant 0 : i32
        %scan3A_130 = arith.constant 0 : i32
        %scan3A_131 = arith.constant 8 : i32
        %scan3A_132 = arith.addi %scan3A_130, %scan3A_131 : i32
        %scan3A_133 = arith.constant 1 : i32
        scf.for %scan3A_142 = %scan3A_130 to %scan3A_132 step %scan3A_133  : i32 {
          %mul3A_143 = arith.constant 16 : i32
          %mul3A_144 = arith.muli %scan3A_142, %mul3A_143 : i32
          %get3A = arith.index_cast %add3A_123 : i32 to index
          %get3A_145 = arith.index_cast %mul3A_144 : i32 to index
          %get3A_146 = tpu.vector_load %arg5[%get3A, %get3A_145] {strides = array<i32>} : memref<80x128xi32, #tpu.memory_space<vmem>>, vector<1x16xi32>,
          %get3A_147 = vector.shape_cast %get3A_146 : vector<1x16xi32> to vector<16xi32>
          %shift_right_logical3A = arith.constant 14 : i32
          %shift_right_logical3A_148 = vector.broadcast %shift_right_logical3A : i32 to vector<16xi32>
          %shift_right_logical3A_149 = arith.shrui %get3A_147, %shift_right_logical3A_148 : vector<16xi32>
          %mul3A_150 = arith.constant 16 : i32
          %mul3A_151 = arith.muli %scan3A_142, %mul3A_150 : i32
          %swap3A = arith.constant 1 : i32
          %swap3A_152 = arith.index_cast %swap3A : i32 to index
          %swap3A_153 = arith.index_cast %mul3A_151 : i32 to index
          %swap3A_154 = tpu.vector_load %arg6[%swap3A_152, %swap3A_153] {strides = array<i32>} : memref<2x128xi32, #tpu.memory_space<vmem>>, vector<1x16xi32>,
          %swap3A_155 = vector.shape_cast %swap3A_154 : vector<1x16xi32> to vector<16xi32>
          %swap3A_156 = vector.shape_cast %shift_right_logical3A_149 : vector<16xi32> to vector<1x16xi32>
          tpu.vector_store %arg6[%swap3A_152, %swap3A_153], %swap3A_156 {strides = array<i32>} : memref<2x128xi32, #tpu.memory_space<vmem>>, vector<1x16xi32>,
          %and3A = arith.constant 16383 : i32
          %and3A_157 = vector.broadcast %and3A : i32 to vector<16xi32>
          %and3A_158 = arith.andi %get3A_147, %and3A_157 : vector<16xi32>
          %mul3A_159 = arith.constant 16 : i32
          %mul3A_160 = arith.muli %scan3A_142, %mul3A_159 : i32
          %swap3A_161 = arith.constant 1 : i32
          %swap3A_162 = arith.index_cast %swap3A_161 : i32 to index
          %swap3A_163 = arith.index_cast %mul3A_160 : i32 to index
          %swap3A_164 = tpu.vector_load %arg7[%swap3A_162, %swap3A_163] {strides = array<i32>} : memref<2x128xi32, #tpu.memory_space<vmem>>, vector<1x16xi32>,
          %swap3A_165 = vector.shape_cast %swap3A_164 : vector<1x16xi32> to vector<16xi32>
          %swap3A_166 = vector.shape_cast %and3A_158 : vector<16xi32> to vector<1x16xi32>
          tpu.vector_store %arg7[%swap3A_162, %swap3A_163], %swap3A_166 {strides = array<i32>} : memref<2x128xi32, #tpu.memory_space<vmem>>, vector<1x16xi32>,
        }
        %scan3A_134 = arith.constant 8 : i32
        %dma_start3A_135 = arith.constant 1 : i32
        %dma_start3A_136 = arith.constant 0 : i32
        %dma_start3A_137 = tpu.memref_slice %arg6[%dma_start3A_135, %dma_start3A_136] : memref<2x128xi32, #tpu.memory_space<vmem>> -> memref<1x128xi32, #tpu.memory_space<vmem>>
        %dma_start3A_138 = tpu.memref_squeeze %dma_start3A_137 : memref<1x128xi32, #tpu.memory_space<vmem>> -> memref<128xi32, #tpu.memory_space<vmem>>
        %dma_start3A_139 = arith.constant 0 : i32
        %dma_start3A_140 = arith.constant 0 : i32
        %dma_start3A_141 = tpu.memref_slice %arg2[%dma_start3A_139, %dma_start3A_140] : memref<10000x128xf32, #tpu.memory_space<hbm>> -> memref<10000x128xf32, #tpu.memory_space<hbm>>
        tpu.enqueue_indirect_dma source(%dma_start3A_141 : memref<10000x128xf32, #tpu.memory_space<hbm>>) target(%arg9 : memref<128x128xf32, #tpu.memory_space<vmem>>) offsets(%dma_start3A_138 : memref<128xi32, #tpu.memory_space<vmem>>) semaphore(%arg12 : memref<!tpu.dma_semaphore, #tpu.memory_space<semaphore_mem>>)
      } else {
      }
    }
    %scan3A_46 = arith.constant 40 : i32
    %barrier3A_47 = arith.constant 0 : index
    tpu.barrier barrier_id(%barrier3A_47)
    %add3A_48 = arith.constant 0 : i32
    %add3A_49 = arith.addi %mul3A_6, %add3A_48 : i32
    %add3A_50 = arith.constant 0 : i32
    %add3A_51 = arith.addi %mul3A_6, %add3A_50 : i32
    "tpu.region"() ({
      %run_scoped3A = tpu.sem_alloc : memref<!tpu.dma_semaphore, #tpu.memory_space<semaphore_mem>>
      %dma_start3A_68 = arith.constant 0 : i32
      %dma_start3A_69 = tpu.memref_slice %arg4[%arg0, %add3A_51, %dma_start3A_68] : memref<2x10112x128xf32, #tpu.memory_space<hbm>> -> memref<1x128x128xf32, #tpu.memory_space<hbm>>
      %dma_start3A_70 = tpu.memref_squeeze %dma_start3A_69 : memref<1x128x128xf32, #tpu.memory_space<hbm>> -> memref<128x128xf32, #tpu.memory_space<hbm>>
      %dma_start3A_71 = arith.constant 0 : i32
      %dma_start3A_72 = tpu.memref_slice %arg10[%add3A_49, %dma_start3A_71] : memref<10112x128xf32, #tpu.memory_space<vmem_shared>> -> memref<128x128xf32, #tpu.memory_space<vmem_shared>>
      tpu.enqueue_dma source(%dma_start3A_72 : memref<128x128xf32, #tpu.memory_space<vmem_shared>>) target(%dma_start3A_70 : memref<128x128xf32, #tpu.memory_space<hbm>>) target_semaphore(%run_scoped3A : memref<!tpu.dma_semaphore, #tpu.memory_space<semaphore_mem>>)
      %dma_wait3A = arith.constant 0 : i32
      %dma_wait3A_73 = tpu.memref_slice %arg4[%arg0, %add3A_51, %dma_wait3A] : memref<2x10112x128xf32, #tpu.memory_space<hbm>> -> memref<1x128x128xf32, #tpu.memory_space<hbm>>
      %dma_wait3A_74 = tpu.memref_squeeze %dma_wait3A_73 : memref<1x128x128xf32, #tpu.memory_space<hbm>> -> memref<128x128xf32, #tpu.memory_space<hbm>>
      %dma_wait3A_75 = arith.constant 0 : i32
      %dma_wait3A_76 = tpu.memref_slice %arg10[%add3A_49, %dma_wait3A_75] : memref<10112x128xf32, #tpu.memory_space<vmem_shared>> -> memref<128x128xf32, #tpu.memory_space<vmem_shared>>
      tpu.wait_dma2 semaphore(%run_scoped3A : memref<!tpu.dma_semaphore, #tpu.memory_space<semaphore_mem>>) src(%dma_wait3A_76 : memref<128x128xf32, #tpu.memory_space<vmem_shared>>) dst(%dma_wait3A_74 : memref<128x128xf32, #tpu.memory_space<hbm>>)
      tpu.yield
    }) : () -> ()
    %add3A_52 = arith.constant 128 : i32
    %add3A_53 = arith.addi %mul3A_6, %add3A_52 : i32
    %add3A_54 = arith.constant 128 : i32
    %add3A_55 = arith.addi %mul3A_6, %add3A_54 : i32
    "tpu.region"() ({
      %run_scoped3A = tpu.sem_alloc : memref<!tpu.dma_semaphore, #tpu.memory_space<semaphore_mem>>
      %dma_start3A_68 = arith.constant 0 : i32
      %dma_start3A_69 = tpu.memref_slice %arg4[%arg0, %add3A_55, %dma_start3A_68] : memref<2x10112x128xf32, #tpu.memory_space<hbm>> -> memref<1x128x128xf32, #tpu.memory_space<hbm>>
      %dma_start3A_70 = tpu.memref_squeeze %dma_start3A_69 : memref<1x128x128xf32, #tpu.memory_space<hbm>> -> memref<128x128xf32, #tpu.memory_space<hbm>>
      %dma_start3A_71 = arith.constant 0 : i32
      %dma_start3A_72 = tpu.memref_slice %arg10[%add3A_53, %dma_start3A_71] : memref<10112x128xf32, #tpu.memory_space<vmem_shared>> -> memref<128x128xf32, #tpu.memory_space<vmem_shared>>
      tpu.enqueue_dma source(%dma_start3A_72 : memref<128x128xf32, #tpu.memory_space<vmem_shared>>) target(%dma_start3A_70 : memref<128x128xf32, #tpu.memory_space<hbm>>) target_semaphore(%run_scoped3A : memref<!tpu.dma_semaphore, #tpu.memory_space<semaphore_mem>>)
      %dma_wait3A = arith.constant 0 : i32
      %dma_wait3A_73 = tpu.memref_slice %arg4[%arg0, %add3A_55, %dma_wait3A] : memref<2x10112x128xf32, #tpu.memory_space<hbm>> -> memref<1x128x128xf32, #tpu.memory_space<hbm>>
      %dma_wait3A_74 = tpu.memref_squeeze %dma_wait3A_73 : memref<1x128x128xf32, #tpu.memory_space<hbm>> -> memref<128x128xf32, #tpu.memory_space<hbm>>
      %dma_wait3A_75 = arith.constant 0 : i32
      %dma_wait3A_76 = tpu.memref_slice %arg10[%add3A_53, %dma_wait3A_75] : memref<10112x128xf32, #tpu.memory_space<vmem_shared>> -> memref<128x128xf32, #tpu.memory_space<vmem_shared>>
      tpu.wait_dma2 semaphore(%run_scoped3A : memref<!tpu.dma_semaphore, #tpu.memory_space<semaphore_mem>>) src(%dma_wait3A_76 : memref<128x128xf32, #tpu.memory_space<vmem_shared>>) dst(%dma_wait3A_74 : memref<128x128xf32, #tpu.memory_space<hbm>>)
      tpu.yield
    }) : () -> ()
    %add3A_56 = arith.constant 256 : i32
    %add3A_57 = arith.addi %mul3A_6, %add3A_56 : i32
    %add3A_58 = arith.constant 256 : i32
    %add3A_59 = arith.addi %mul3A_6, %add3A_58 : i32
    "tpu.region"() ({
      %run_scoped3A = tpu.sem_alloc : memref<!tpu.dma_semaphore, #tpu.memory_space<semaphore_mem>>
      %dma_start3A_68 = arith.constant 0 : i32
      %dma_start3A_69 = tpu.memref_slice %arg4[%arg0, %add3A_59, %dma_start3A_68] : memref<2x10112x128xf32, #tpu.memory_space<hbm>> -> memref<1x128x128xf32, #tpu.memory_space<hbm>>
      %dma_start3A_70 = tpu.memref_squeeze %dma_start3A_69 : memref<1x128x128xf32, #tpu.memory_space<hbm>> -> memref<128x128xf32, #tpu.memory_space<hbm>>
      %dma_start3A_71 = arith.constant 0 : i32
      %dma_start3A_72 = tpu.memref_slice %arg10[%add3A_57, %dma_start3A_71] : memref<10112x128xf32, #tpu.memory_space<vmem_shared>> -> memref<128x128xf32, #tpu.memory_space<vmem_shared>>
      tpu.enqueue_dma source(%dma_start3A_72 : memref<128x128xf32, #tpu.memory_space<vmem_shared>>) target(%dma_start3A_70 : memref<128x128xf32, #tpu.memory_space<hbm>>) target_semaphore(%run_scoped3A : memref<!tpu.dma_semaphore, #tpu.memory_space<semaphore_mem>>)
      %dma_wait3A = arith.constant 0 : i32
      %dma_wait3A_73 = tpu.memref_slice %arg4[%arg0, %add3A_59, %dma_wait3A] : memref<2x10112x128xf32, #tpu.memory_space<hbm>> -> memref<1x128x128xf32, #tpu.memory_space<hbm>>
      %dma_wait3A_74 = tpu.memref_squeeze %dma_wait3A_73 : memref<1x128x128xf32, #tpu.memory_space<hbm>> -> memref<128x128xf32, #tpu.memory_space<hbm>>
      %dma_wait3A_75 = arith.constant 0 : i32
      %dma_wait3A_76 = tpu.memref_slice %arg10[%add3A_57, %dma_wait3A_75] : memref<10112x128xf32, #tpu.memory_space<vmem_shared>> -> memref<128x128xf32, #tpu.memory_space<vmem_shared>>
      tpu.wait_dma2 semaphore(%run_scoped3A : memref<!tpu.dma_semaphore, #tpu.memory_space<semaphore_mem>>) src(%dma_wait3A_76 : memref<128x128xf32, #tpu.memory_space<vmem_shared>>) dst(%dma_wait3A_74 : memref<128x128xf32, #tpu.memory_space<hbm>>)
      tpu.yield
    }) : () -> ()
    %add3A_60 = arith.constant 384 : i32
    %add3A_61 = arith.addi %mul3A_6, %add3A_60 : i32
    %add3A_62 = arith.constant 384 : i32
    %add3A_63 = arith.addi %mul3A_6, %add3A_62 : i32
    "tpu.region"() ({
      %run_scoped3A = tpu.sem_alloc : memref<!tpu.dma_semaphore, #tpu.memory_space<semaphore_mem>>
      %dma_start3A_68 = arith.constant 0 : i32
      %dma_start3A_69 = tpu.memref_slice %arg4[%arg0, %add3A_63, %dma_start3A_68] : memref<2x10112x128xf32, #tpu.memory_space<hbm>> -> memref<1x128x128xf32, #tpu.memory_space<hbm>>
      %dma_start3A_70 = tpu.memref_squeeze %dma_start3A_69 : memref<1x128x128xf32, #tpu.memory_space<hbm>> -> memref<128x128xf32, #tpu.memory_space<hbm>>
      %dma_start3A_71 = arith.constant 0 : i32
      %dma_start3A_72 = tpu.memref_slice %arg10[%add3A_61, %dma_start3A_71] : memref<10112x128xf32, #tpu.memory_space<vmem_shared>> -> memref<128x128xf32, #tpu.memory_space<vmem_shared>>
      tpu.enqueue_dma source(%dma_start3A_72 : memref<128x128xf32, #tpu.memory_space<vmem_shared>>) target(%dma_start3A_70 : memref<128x128xf32, #tpu.memory_space<hbm>>) target_semaphore(%run_scoped3A : memref<!tpu.dma_semaphore, #tpu.memory_space<semaphore_mem>>)
      %dma_wait3A = arith.constant 0 : i32
      %dma_wait3A_73 = tpu.memref_slice %arg4[%arg0, %add3A_63, %dma_wait3A] : memref<2x10112x128xf32, #tpu.memory_space<hbm>> -> memref<1x128x128xf32, #tpu.memory_space<hbm>>
      %dma_wait3A_74 = tpu.memref_squeeze %dma_wait3A_73 : memref<1x128x128xf32, #tpu.memory_space<hbm>> -> memref<128x128xf32, #tpu.memory_space<hbm>>
      %dma_wait3A_75 = arith.constant 0 : i32
      %dma_wait3A_76 = tpu.memref_slice %arg10[%add3A_61, %dma_wait3A_75] : memref<10112x128xf32, #tpu.memory_space<vmem_shared>> -> memref<128x128xf32, #tpu.memory_space<vmem_shared>>
      tpu.wait_dma2 semaphore(%run_scoped3A : memref<!tpu.dma_semaphore, #tpu.memory_space<semaphore_mem>>) src(%dma_wait3A_76 : memref<128x128xf32, #tpu.memory_space<vmem_shared>>) dst(%dma_wait3A_74 : memref<128x128xf32, #tpu.memory_space<hbm>>)
      tpu.yield
    }) : () -> ()
    %add3A_64 = arith.constant 512 : i32
    %add3A_65 = arith.addi %mul3A_6, %add3A_64 : i32
    %add3A_66 = arith.constant 512 : i32
    %add3A_67 = arith.addi %mul3A_6, %add3A_66 : i32
    "tpu.region"() ({
      %run_scoped3A = tpu.sem_alloc : memref<!tpu.dma_semaphore, #tpu.memory_space<semaphore_mem>>
      %dma_start3A_68 = arith.constant 0 : i32
      %dma_start3A_69 = tpu.memref_slice %arg4[%arg0, %add3A_67, %dma_start3A_68] : memref<2x10112x128xf32, #tpu.memory_space<hbm>> -> memref<1x120x128xf32, #tpu.memory_space<hbm>>
      %dma_start3A_70 = tpu.memref_squeeze %dma_start3A_69 : memref<1x120x128xf32, #tpu.memory_space<hbm>> -> memref<120x128xf32, #tpu.memory_space<hbm>>
      %dma_start3A_71 = arith.constant 0 : i32
      %dma_start3A_72 = tpu.memref_slice %arg10[%add3A_65, %dma_start3A_71] : memref<10112x128xf32, #tpu.memory_space<vmem_shared>> -> memref<120x128xf32, #tpu.memory_space<vmem_shared>>
      tpu.enqueue_dma source(%dma_start3A_72 : memref<120x128xf32, #tpu.memory_space<vmem_shared>>) target(%dma_start3A_70 : memref<120x128xf32, #tpu.memory_space<hbm>>) target_semaphore(%run_scoped3A : memref<!tpu.dma_semaphore, #tpu.memory_space<semaphore_mem>>)
      %dma_wait3A = arith.constant 0 : i32
      %dma_wait3A_73 = tpu.memref_slice %arg4[%arg0, %add3A_67, %dma_wait3A] : memref<2x10112x128xf32, #tpu.memory_space<hbm>> -> memref<1x120x128xf32, #tpu.memory_space<hbm>>
      %dma_wait3A_74 = tpu.memref_squeeze %dma_wait3A_73 : memref<1x120x128xf32, #tpu.memory_space<hbm>> -> memref<120x128xf32, #tpu.memory_space<hbm>>
      %dma_wait3A_75 = arith.constant 0 : i32
      %dma_wait3A_76 = tpu.memref_slice %arg10[%add3A_65, %dma_wait3A_75] : memref<10112x128xf32, #tpu.memory_space<vmem_shared>> -> memref<120x128xf32, #tpu.memory_space<vmem_shared>>
      tpu.wait_dma2 semaphore(%run_scoped3A : memref<!tpu.dma_semaphore, #tpu.memory_space<semaphore_mem>>) src(%dma_wait3A_76 : memref<120x128xf32, #tpu.memory_space<vmem_shared>>) dst(%dma_wait3A_74 : memref<120x128xf32, #tpu.memory_space<hbm>>)
      tpu.yield
    }) : () -> ()
    return
  }
}

module attributes {stable_mosaic.version = 14 : i64} {
  func.func @_tc_dense1a_body(%arg0: i32, %arg1: memref<1000x128xf32, #tpu.memory_space<vmem>>, %arg2: memref<128x128xf32, #tpu.memory_space<vmem>>, %arg3: memref<1x128xf32, #tpu.memory_space<vmem>>, %arg4: memref<128x128xf32, #tpu.memory_space<vmem>>, %arg5: memref<1000x128xf32, #tpu.memory_space<vmem>>) attributes {dimension_semantics = [#tpu.dimension_semantics<arbitrary>], iteration_bounds = array<i64: 10>, scalar_prefetch = 0 : i64, scratch_operands = 0 : i64, tpu.core_type = #tpu.core_type<tc>, window_params = [{transform_indices = @transform_0, window_bounds = array<i64: 1000, 128>}, {pipeline_mode = #tpu.pipeline_mode<synchronous>, transform_indices = @transform_1, window_bounds = array<i64: 128, 128>}, {pipeline_mode = #tpu.pipeline_mode<synchronous>, transform_indices = @transform_2, window_bounds = array<i64: 1, 128>}, {pipeline_mode = #tpu.pipeline_mode<synchronous>, transform_indices = @transform_3, window_bounds = array<i64: 128, 128>}, {transform_indices = @transform_4, window_bounds = array<i64: 1000, 128>}]} {
    %get3A = arith.constant 0 : index
    %get3A_0 = arith.constant 0 : index
    %get3A_1 = vector.load %arg1[%get3A, %get3A_0] : memref<1000x128xf32, #tpu.memory_space<vmem>>, vector<1000x128xf32>
    %get3A_2 = arith.constant 0 : index
    %get3A_3 = arith.constant 0 : index
    %get3A_4 = vector.load %arg2[%get3A_2, %get3A_3] : memref<128x128xf32, #tpu.memory_space<vmem>>, vector<128x128xf32>
    %dot_general3A = arith.constant dense<0.000000e+00> : vector<1000x128xf32>
    %dot_general3A_5 = tpu.matmul %get3A_1, %get3A_4, %dot_general3A {dimension_numbers = #tpu.dot_dimension_numbers<[1], [0], [0], [1], [0, 0, 1, 1], [], []>, transpose_lhs_hint = false} : vector<1000x128xf32>, vector<128x128xf32>, vector<1000x128xf32> -> vector<1000x128xf32>
    %get3A_6 = arith.constant 0 : index
    %get3A_7 = arith.constant 0 : index
    %get3A_8 = vector.load %arg3[%get3A_6, %get3A_7] : memref<1x128xf32, #tpu.memory_space<vmem>>, vector<1x128xf32>
    %add3A = vector.broadcast %get3A_8 : vector<1x128xf32> to vector<1000x128xf32>
    %add3A_9 = arith.addf %dot_general3A_5, %add3A : vector<1000x128xf32>
    %get3A_10 = arith.constant 0 : index
    %get3A_11 = arith.constant 0 : index
    %get3A_12 = vector.load %arg4[%get3A_10, %get3A_11] : memref<128x128xf32, #tpu.memory_space<vmem>>, vector<128x128xf32>
    %dot_general3A_13 = arith.constant dense<0.000000e+00> : vector<1000x128xf32>
    %dot_general3A_14 = tpu.matmul %add3A_9, %get3A_12, %dot_general3A_13 {dimension_numbers = #tpu.dot_dimension_numbers<[1], [0], [0], [1], [0, 0, 1, 1], [], []>, transpose_lhs_hint = false} : vector<1000x128xf32>, vector<128x128xf32>, vector<1000x128xf32> -> vector<1000x128xf32>
    %swap3A = arith.constant 0 : index
    %swap3A_15 = arith.constant 0 : index
    %swap3A_16 = vector.load %arg5[%swap3A, %swap3A_15] : memref<1000x128xf32, #tpu.memory_space<vmem>>, vector<1000x128xf32>
    tpu.vector_store %arg5[%swap3A, %swap3A_15], %dot_general3A_14 {strides = array<i32>} : memref<1000x128xf32, #tpu.memory_space<vmem>>, vector<1000x128xf32>,
    return
  }
  func.func @transform_0(%arg0: i32) -> (i32, i32) {
    %c0_i32 = arith.constant 0 : i32
    %c0_i32_0 = arith.constant 0 : i32
    return %arg0, %c0_i32 : i32, i32
  }
  func.func @transform_1(%arg0: i32) -> (i32, i32) {
    %c0_i32 = arith.constant 0 : i32
    %c0_i32_0 = arith.constant 0 : i32
    %c0_i32_1 = arith.constant 0 : i32
    return %c0_i32, %c0_i32_0 : i32, i32
  }
  func.func @transform_2(%arg0: i32) -> (i32, i32) {
    %c0_i32 = arith.constant 0 : i32
    %c0_i32_0 = arith.constant 0 : i32
    %c0_i32_1 = arith.constant 0 : i32
    return %c0_i32, %c0_i32_0 : i32, i32
  }
  func.func @transform_3(%arg0: i32) -> (i32, i32) {
    %c0_i32 = arith.constant 0 : i32
    %c0_i32_0 = arith.constant 0 : i32
    %c0_i32_1 = arith.constant 0 : i32
    return %c0_i32, %c0_i32_0 : i32, i32
  }
  func.func @transform_4(%arg0: i32) -> (i32, i32) {
    %c0_i32 = arith.constant 0 : i32
    %c0_i32_0 = arith.constant 0 : i32
    return %arg0, %c0_i32 : i32, i32
  }
}

module attributes {stable_mosaic.version = 14 : i64} {
  func.func @_tc_dense1b_body(%arg0: i32, %arg1: memref<1000x128xf32, #tpu.memory_space<vmem>>, %arg2: memref<1000x1xf32, #tpu.memory_space<vmem>>, %arg3: memref<1000x1xf32, #tpu.memory_space<vmem>>, %arg4: memref<1000x128xf32, #tpu.memory_space<vmem>>, %arg5: memref<1000x128xf32, #tpu.memory_space<vmem>>) attributes {dimension_semantics = [#tpu.dimension_semantics<arbitrary>], iteration_bounds = array<i64: 10>, scalar_prefetch = 0 : i64, scratch_operands = 0 : i64, tpu.core_type = #tpu.core_type<tc>, window_params = [{transform_indices = @transform_0, window_bounds = array<i64: 1000, 128>}, {transform_indices = @transform_1, window_bounds = array<i64: 1000, 1>}, {transform_indices = @transform_2, window_bounds = array<i64: 1000, 1>}, {transform_indices = @transform_3, window_bounds = array<i64: 1000, 128>}, {transform_indices = @transform_4, window_bounds = array<i64: 1000, 128>}]} {
    %get3A = arith.constant 0 : index
    %get3A_0 = arith.constant 0 : index
    %get3A_1 = vector.load %arg1[%get3A, %get3A_0] : memref<1000x128xf32, #tpu.memory_space<vmem>>, vector<1000x128xf32>
    %get3A_2 = arith.constant 0 : index
    %get3A_3 = arith.constant 0 : index
    %get3A_4 = vector.load %arg2[%get3A_2, %get3A_3] : memref<1000x1xf32, #tpu.memory_space<vmem>>, vector<1000x1xf32>
    %mul3A = vector.broadcast %get3A_4 : vector<1000x1xf32> to vector<1000x128xf32>
    %mul3A_5 = arith.mulf %get3A_1, %mul3A : vector<1000x128xf32>
    %swap3A = arith.constant 0 : index
    %swap3A_6 = arith.constant 0 : index
    %swap3A_7 = vector.load %arg4[%swap3A, %swap3A_6] : memref<1000x128xf32, #tpu.memory_space<vmem>>, vector<1000x128xf32>
    tpu.vector_store %arg4[%swap3A, %swap3A_6], %mul3A_5 {strides = array<i32>} : memref<1000x128xf32, #tpu.memory_space<vmem>>, vector<1000x128xf32>,
    %get3A_8 = arith.constant 0 : index
    %get3A_9 = arith.constant 0 : index
    %get3A_10 = vector.load %arg3[%get3A_8, %get3A_9] : memref<1000x1xf32, #tpu.memory_space<vmem>>, vector<1000x1xf32>
    %mul3A_11 = vector.broadcast %get3A_10 : vector<1000x1xf32> to vector<1000x128xf32>
    %mul3A_12 = arith.mulf %get3A_1, %mul3A_11 : vector<1000x128xf32>
    %swap3A_13 = arith.constant 0 : index
    %swap3A_14 = arith.constant 0 : index
    %swap3A_15 = vector.load %arg5[%swap3A_13, %swap3A_14] : memref<1000x128xf32, #tpu.memory_space<vmem>>, vector<1000x128xf32>
    tpu.vector_store %arg5[%swap3A_13, %swap3A_14], %mul3A_12 {strides = array<i32>} : memref<1000x128xf32, #tpu.memory_space<vmem>>, vector<1000x128xf32>,
    return
  }
  func.func @transform_0(%arg0: i32) -> (i32, i32) {
    %c0_i32 = arith.constant 0 : i32
    %c0_i32_0 = arith.constant 0 : i32
    return %arg0, %c0_i32 : i32, i32
  }
  func.func @transform_1(%arg0: i32) -> (i32, i32) {
    %c0_i32 = arith.constant 0 : i32
    %c0_i32_0 = arith.constant 0 : i32
    return %arg0, %c0_i32 : i32, i32
  }
  func.func @transform_2(%arg0: i32) -> (i32, i32) {
    %c0_i32 = arith.constant 0 : i32
    %c0_i32_0 = arith.constant 0 : i32
    return %arg0, %c0_i32 : i32, i32
  }
  func.func @transform_3(%arg0: i32) -> (i32, i32) {
    %c0_i32 = arith.constant 0 : i32
    %c0_i32_0 = arith.constant 0 : i32
    return %arg0, %c0_i32 : i32, i32
  }
  func.func @transform_4(%arg0: i32) -> (i32, i32) {
    %c0_i32 = arith.constant 0 : i32
    %c0_i32_0 = arith.constant 0 : i32
    return %arg0, %c0_i32 : i32, i32
  }
}

module attributes {stable_mosaic.version = 14 : i64} {
  func.func @_tc_dense2_body(%arg0: i32, %arg1: memref<2x1000x128xf32, #tpu.memory_space<vmem>>, %arg2: memref<1000x128xf32, #tpu.memory_space<vmem>>, %arg3: memref<1000x1xf32, #tpu.memory_space<vmem>>, %arg4: memref<1000x1xf32, #tpu.memory_space<vmem>>, %arg5: memref<1x128xf32, #tpu.memory_space<vmem>>, %arg6: memref<128x128xf32, #tpu.memory_space<vmem>>, %arg7: memref<1000x128xf32, #tpu.memory_space<vmem>>, %arg8: memref<1000x128xf32, #tpu.memory_space<vmem>>) attributes {dimension_semantics = [#tpu.dimension_semantics<arbitrary>], iteration_bounds = array<i64: 10>, scalar_prefetch = 0 : i64, scratch_operands = 0 : i64, tpu.core_type = #tpu.core_type<tc>, window_params = [{transform_indices = @transform_0, window_bounds = array<i64: 2, 1000, 128>}, {transform_indices = @transform_1, window_bounds = array<i64: 1000, 128>}, {transform_indices = @transform_2, window_bounds = array<i64: 1000, 1>}, {transform_indices = @transform_3, window_bounds = array<i64: 1000, 1>}, {pipeline_mode = #tpu.pipeline_mode<synchronous>, transform_indices = @transform_4, window_bounds = array<i64: 1, 128>}, {pipeline_mode = #tpu.pipeline_mode<synchronous>, transform_indices = @transform_5, window_bounds = array<i64: 128, 128>}, {transform_indices = @transform_6, window_bounds = array<i64: 1000, 128>}, {transform_indices = @transform_7, window_bounds = array<i64: 1000, 128>}]} {
    %get3A = arith.constant 0 : index
    %get3A_0 = arith.constant 0 : index
    %get3A_1 = arith.constant 0 : index
    %get3A_2 = vector.load %arg1[%get3A, %get3A_0, %get3A_1] : memref<2x1000x128xf32, #tpu.memory_space<vmem>>, vector<1x1000x128xf32>
    %get3A_3 = vector.shape_cast %get3A_2 : vector<1x1000x128xf32> to vector<1000x128xf32>
    %get3A_4 = arith.constant 1 : index
    %get3A_5 = arith.constant 0 : index
    %get3A_6 = arith.constant 0 : index
    %get3A_7 = vector.load %arg1[%get3A_4, %get3A_5, %get3A_6] : memref<2x1000x128xf32, #tpu.memory_space<vmem>>, vector<1x1000x128xf32>
    %get3A_8 = vector.shape_cast %get3A_7 : vector<1x1000x128xf32> to vector<1000x128xf32>
    %add3A = arith.addf %get3A_3, %get3A_8 : vector<1000x128xf32>
    %get3A_9 = arith.constant 0 : index
    %get3A_10 = arith.constant 0 : index
    %get3A_11 = vector.load %arg3[%get3A_9, %get3A_10] : memref<1000x1xf32, #tpu.memory_space<vmem>>, vector<1000x1xf32>
    %mul3A = vector.broadcast %get3A_11 : vector<1000x1xf32> to vector<1000x128xf32>
    %mul3A_12 = arith.mulf %mul3A, %add3A : vector<1000x128xf32>
    %get3A_13 = arith.constant 0 : index
    %get3A_14 = arith.constant 0 : index
    %get3A_15 = vector.load %arg2[%get3A_13, %get3A_14] : memref<1000x128xf32, #tpu.memory_space<vmem>>, vector<1000x128xf32>
    %add3A_16 = arith.addf %mul3A_12, %get3A_15 : vector<1000x128xf32>
    %get3A_17 = arith.constant 0 : index
    %get3A_18 = arith.constant 0 : index
    %get3A_19 = vector.load %arg5[%get3A_17, %get3A_18] : memref<1x128xf32, #tpu.memory_space<vmem>>, vector<1x128xf32>
    %add3A_20 = vector.broadcast %get3A_19 : vector<1x128xf32> to vector<1000x128xf32>
    %add3A_21 = arith.addf %add3A_16, %add3A_20 : vector<1000x128xf32>
    %max3A = arith.constant 0.000000e+00 : f32
    %max3A_22 = vector.broadcast %max3A : f32 to vector<1000x128xf32>
    %max3A_23 = arith.maximumf %add3A_21, %max3A_22 : vector<1000x128xf32>
    %get3A_24 = arith.constant 0 : index
    %get3A_25 = arith.constant 0 : index
    %get3A_26 = vector.load %arg6[%get3A_24, %get3A_25] : memref<128x128xf32, #tpu.memory_space<vmem>>, vector<128x128xf32>
    %dot_general3A = arith.constant dense<0.000000e+00> : vector<1000x128xf32>
    %dot_general3A_27 = tpu.matmul %max3A_23, %get3A_26, %dot_general3A {dimension_numbers = #tpu.dot_dimension_numbers<[1], [0], [0], [1], [0, 0, 1, 1], [], []>, transpose_lhs_hint = false} : vector<1000x128xf32>, vector<128x128xf32>, vector<1000x128xf32> -> vector<1000x128xf32>
    %get3A_28 = arith.constant 0 : index
    %get3A_29 = arith.constant 0 : index
    %get3A_30 = vector.load %arg3[%get3A_28, %get3A_29] : memref<1000x1xf32, #tpu.memory_space<vmem>>, vector<1000x1xf32>
    %mul3A_31 = vector.broadcast %get3A_30 : vector<1000x1xf32> to vector<1000x128xf32>
    %mul3A_32 = arith.mulf %dot_general3A_27, %mul3A_31 : vector<1000x128xf32>
    %swap3A = arith.constant 0 : index
    %swap3A_33 = arith.constant 0 : index
    %swap3A_34 = vector.load %arg7[%swap3A, %swap3A_33] : memref<1000x128xf32, #tpu.memory_space<vmem>>, vector<1000x128xf32>
    tpu.vector_store %arg7[%swap3A, %swap3A_33], %mul3A_32 {strides = array<i32>} : memref<1000x128xf32, #tpu.memory_space<vmem>>, vector<1000x128xf32>,
    %get3A_35 = arith.constant 0 : index
    %get3A_36 = arith.constant 0 : index
    %get3A_37 = vector.load %arg4[%get3A_35, %get3A_36] : memref<1000x1xf32, #tpu.memory_space<vmem>>, vector<1000x1xf32>
    %mul3A_38 = vector.broadcast %get3A_37 : vector<1000x1xf32> to vector<1000x128xf32>
    %mul3A_39 = arith.mulf %dot_general3A_27, %mul3A_38 : vector<1000x128xf32>
    %swap3A_40 = arith.constant 0 : index
    %swap3A_41 = arith.constant 0 : index
    %swap3A_42 = vector.load %arg8[%swap3A_40, %swap3A_41] : memref<1000x128xf32, #tpu.memory_space<vmem>>, vector<1000x128xf32>
    tpu.vector_store %arg8[%swap3A_40, %swap3A_41], %mul3A_39 {strides = array<i32>} : memref<1000x128xf32, #tpu.memory_space<vmem>>, vector<1000x128xf32>,
    return
  }
  func.func @transform_0(%arg0: i32) -> (i32, i32, i32) {
    %c0_i32 = arith.constant 0 : i32
    %c0_i32_0 = arith.constant 0 : i32
    %c0_i32_1 = arith.constant 0 : i32
    return %c0_i32, %arg0, %c0_i32_0 : i32, i32, i32
  }
  func.func @transform_1(%arg0: i32) -> (i32, i32) {
    %c0_i32 = arith.constant 0 : i32
    %c0_i32_0 = arith.constant 0 : i32
    return %arg0, %c0_i32 : i32, i32
  }
  func.func @transform_2(%arg0: i32) -> (i32, i32) {
    %c0_i32 = arith.constant 0 : i32
    %c0_i32_0 = arith.constant 0 : i32
    return %arg0, %c0_i32 : i32, i32
  }
  func.func @transform_3(%arg0: i32) -> (i32, i32) {
    %c0_i32 = arith.constant 0 : i32
    %c0_i32_0 = arith.constant 0 : i32
    return %arg0, %c0_i32 : i32, i32
  }
  func.func @transform_4(%arg0: i32) -> (i32, i32) {
    %c0_i32 = arith.constant 0 : i32
    %c0_i32_0 = arith.constant 0 : i32
    %c0_i32_1 = arith.constant 0 : i32
    return %c0_i32, %c0_i32_0 : i32, i32
  }
  func.func @transform_5(%arg0: i32) -> (i32, i32) {
    %c0_i32 = arith.constant 0 : i32
    %c0_i32_0 = arith.constant 0 : i32
    %c0_i32_1 = arith.constant 0 : i32
    return %c0_i32, %c0_i32_0 : i32, i32
  }
  func.func @transform_6(%arg0: i32) -> (i32, i32) {
    %c0_i32 = arith.constant 0 : i32
    %c0_i32_0 = arith.constant 0 : i32
    return %arg0, %c0_i32 : i32, i32
  }
  func.func @transform_7(%arg0: i32) -> (i32, i32) {
    %c0_i32 = arith.constant 0 : i32
    %c0_i32_0 = arith.constant 0 : i32
    return %arg0, %c0_i32 : i32, i32
  }
}

module attributes {stable_mosaic.version = 14 : i64} {
  func.func @_tc_head_body(%arg0: memref<2x10112x128xf32, #tpu.memory_space<vmem>>, %arg1: memref<10000x128xf32, #tpu.memory_space<vmem>>, %arg2: memref<10000x1xf32, #tpu.memory_space<vmem>>, %arg3: memref<1x128xf32, #tpu.memory_space<vmem>>, %arg4: memref<64xi32, #tpu.memory_space<smem>>, %arg5: memref<64x1xf32, #tpu.memory_space<vmem>>, %arg6: memref<129x128xf32, #tpu.memory_space<vmem>>, %arg7: memref<1x128xf32, #tpu.memory_space<vmem>>, %arg8: memref<128x128xf32, #tpu.memory_space<vmem>>, %arg9: memref<1x128xf32, #tpu.memory_space<vmem>>, %arg10: memref<128x1xf32, #tpu.memory_space<vmem>>, %arg11: memref<1x1xf32, #tpu.memory_space<vmem>>, %arg12: memref<1x1xf32, #tpu.memory_space<vmem>>, %arg13: memref<64x128xf32, #tpu.memory_space<vmem>>) attributes {dimension_semantics = [], scalar_prefetch = 0 : i64, scratch_operands = 1 : i64, tpu.core_type = #tpu.core_type<tc>} {
    %get3A = arith.constant 0 : index
    %get3A_0 = memref.load %arg4[%get3A] : memref<64xi32, #tpu.memory_space<smem>>
    %get3A_1 = arith.constant 0 : index
    %get3A_2 = arith.index_cast %get3A_0 : i32 to index
    %get3A_3 = arith.constant 0 : index
    %get3A_4 = vector.load %arg0[%get3A_1, %get3A_2, %get3A_3] : memref<2x10112x128xf32, #tpu.memory_space<vmem>>, vector<1x1x128xf32>
    %get3A_5 = vector.shape_cast %get3A_4 : vector<1x1x128xf32> to vector<1x128xf32>
    %get3A_6 = arith.constant 1 : index
    %get3A_7 = arith.index_cast %get3A_0 : i32 to index
    %get3A_8 = arith.constant 0 : index
    %get3A_9 = vector.load %arg0[%get3A_6, %get3A_7, %get3A_8] : memref<2x10112x128xf32, #tpu.memory_space<vmem>>, vector<1x1x128xf32>
    %get3A_10 = vector.shape_cast %get3A_9 : vector<1x1x128xf32> to vector<1x128xf32>
    %add3A = arith.addf %get3A_5, %get3A_10 : vector<1x128xf32>
    %get3A_11 = arith.index_cast %get3A_0 : i32 to index
    %get3A_12 = arith.constant 0 : index
    %get3A_13 = vector.load %arg2[%get3A_11, %get3A_12] : memref<10000x1xf32, #tpu.memory_space<vmem>>, vector<1x1xf32>
    %mul3A = vector.broadcast %get3A_13 : vector<1x1xf32> to vector<1x128xf32>
    %mul3A_14 = arith.mulf %mul3A, %add3A : vector<1x128xf32>
    %get3A_15 = arith.index_cast %get3A_0 : i32 to index
    %get3A_16 = arith.constant 0 : index
    %get3A_17 = vector.load %arg1[%get3A_15, %get3A_16] : memref<10000x128xf32, #tpu.memory_space<vmem>>, vector<1x128xf32>
    %add3A_18 = arith.addf %mul3A_14, %get3A_17 : vector<1x128xf32>
    %get3A_19 = arith.constant 0 : index
    %get3A_20 = arith.constant 0 : index
    %get3A_21 = vector.load %arg3[%get3A_19, %get3A_20] : memref<1x128xf32, #tpu.memory_space<vmem>>, vector<1x128xf32>
    %add3A_22 = arith.addf %add3A_18, %get3A_21 : vector<1x128xf32>
    %max3A = arith.constant 0.000000e+00 : f32
    %max3A_23 = vector.broadcast %max3A : f32 to vector<1x128xf32>
    %max3A_24 = arith.maximumf %add3A_22, %max3A_23 : vector<1x128xf32>
    %swap3A = arith.constant 0 : index
    %swap3A_25 = arith.constant 0 : index
    %swap3A_26 = vector.load %arg13[%swap3A, %swap3A_25] : memref<64x128xf32, #tpu.memory_space<vmem>>, vector<1x128xf32>
    tpu.vector_store %arg13[%swap3A, %swap3A_25], %max3A_24 {strides = array<i32>} : memref<64x128xf32, #tpu.memory_space<vmem>>, vector<1x128xf32>,
    %get3A_27 = arith.constant 1 : index
    %get3A_28 = memref.load %arg4[%get3A_27] : memref<64xi32, #tpu.memory_space<smem>>
    %get3A_29 = arith.constant 0 : index
    %get3A_30 = arith.index_cast %get3A_28 : i32 to index
    %get3A_31 = arith.constant 0 : index
    %get3A_32 = vector.load %arg0[%get3A_29, %get3A_30, %get3A_31] : memref<2x10112x128xf32, #tpu.memory_space<vmem>>, vector<1x1x128xf32>
    %get3A_33 = vector.shape_cast %get3A_32 : vector<1x1x128xf32> to vector<1x128xf32>
    %get3A_34 = arith.constant 1 : index
    %get3A_35 = arith.index_cast %get3A_28 : i32 to index
    %get3A_36 = arith.constant 0 : index
    %get3A_37 = vector.load %arg0[%get3A_34, %get3A_35, %get3A_36] : memref<2x10112x128xf32, #tpu.memory_space<vmem>>, vector<1x1x128xf32>
    %get3A_38 = vector.shape_cast %get3A_37 : vector<1x1x128xf32> to vector<1x128xf32>
    %add3A_39 = arith.addf %get3A_33, %get3A_38 : vector<1x128xf32>
    %get3A_40 = arith.index_cast %get3A_28 : i32 to index
    %get3A_41 = arith.constant 0 : index
    %get3A_42 = vector.load %arg2[%get3A_40, %get3A_41] : memref<10000x1xf32, #tpu.memory_space<vmem>>, vector<1x1xf32>
    %mul3A_43 = vector.broadcast %get3A_42 : vector<1x1xf32> to vector<1x128xf32>
    %mul3A_44 = arith.mulf %mul3A_43, %add3A_39 : vector<1x128xf32>
    %get3A_45 = arith.index_cast %get3A_28 : i32 to index
    %get3A_46 = arith.constant 0 : index
    %get3A_47 = vector.load %arg1[%get3A_45, %get3A_46] : memref<10000x128xf32, #tpu.memory_space<vmem>>, vector<1x128xf32>
    %add3A_48 = arith.addf %mul3A_44, %get3A_47 : vector<1x128xf32>
    %get3A_49 = arith.constant 0 : index
    %get3A_50 = arith.constant 0 : index
    %get3A_51 = vector.load %arg3[%get3A_49, %get3A_50] : memref<1x128xf32, #tpu.memory_space<vmem>>, vector<1x128xf32>
    %add3A_52 = arith.addf %add3A_48, %get3A_51 : vector<1x128xf32>
    %max3A_53 = arith.constant 0.000000e+00 : f32
    %max3A_54 = vector.broadcast %max3A_53 : f32 to vector<1x128xf32>
    %max3A_55 = arith.maximumf %add3A_52, %max3A_54 : vector<1x128xf32>
    %swap3A_56 = arith.constant 1 : index
    %swap3A_57 = arith.constant 0 : index
    %swap3A_58 = vector.load %arg13[%swap3A_56, %swap3A_57] : memref<64x128xf32, #tpu.memory_space<vmem>>, vector<1x128xf32>
    tpu.vector_store %arg13[%swap3A_56, %swap3A_57], %max3A_55 {strides = array<i32>} : memref<64x128xf32, #tpu.memory_space<vmem>>, vector<1x128xf32>,
    %get3A_59 = arith.constant 2 : index
    %get3A_60 = memref.load %arg4[%get3A_59] : memref<64xi32, #tpu.memory_space<smem>>
    %get3A_61 = arith.constant 0 : index
    %get3A_62 = arith.index_cast %get3A_60 : i32 to index
    %get3A_63 = arith.constant 0 : index
    %get3A_64 = vector.load %arg0[%get3A_61, %get3A_62, %get3A_63] : memref<2x10112x128xf32, #tpu.memory_space<vmem>>, vector<1x1x128xf32>
    %get3A_65 = vector.shape_cast %get3A_64 : vector<1x1x128xf32> to vector<1x128xf32>
    %get3A_66 = arith.constant 1 : index
    %get3A_67 = arith.index_cast %get3A_60 : i32 to index
    %get3A_68 = arith.constant 0 : index
    %get3A_69 = vector.load %arg0[%get3A_66, %get3A_67, %get3A_68] : memref<2x10112x128xf32, #tpu.memory_space<vmem>>, vector<1x1x128xf32>
    %get3A_70 = vector.shape_cast %get3A_69 : vector<1x1x128xf32> to vector<1x128xf32>
    %add3A_71 = arith.addf %get3A_65, %get3A_70 : vector<1x128xf32>
    %get3A_72 = arith.index_cast %get3A_60 : i32 to index
    %get3A_73 = arith.constant 0 : index
    %get3A_74 = vector.load %arg2[%get3A_72, %get3A_73] : memref<10000x1xf32, #tpu.memory_space<vmem>>, vector<1x1xf32>
    %mul3A_75 = vector.broadcast %get3A_74 : vector<1x1xf32> to vector<1x128xf32>
    %mul3A_76 = arith.mulf %mul3A_75, %add3A_71 : vector<1x128xf32>
    %get3A_77 = arith.index_cast %get3A_60 : i32 to index
    %get3A_78 = arith.constant 0 : index
    %get3A_79 = vector.load %arg1[%get3A_77, %get3A_78] : memref<10000x128xf32, #tpu.memory_space<vmem>>, vector<1x128xf32>
    %add3A_80 = arith.addf %mul3A_76, %get3A_79 : vector<1x128xf32>
    %get3A_81 = arith.constant 0 : index
    %get3A_82 = arith.constant 0 : index
    %get3A_83 = vector.load %arg3[%get3A_81, %get3A_82] : memref<1x128xf32, #tpu.memory_space<vmem>>, vector<1x128xf32>
    %add3A_84 = arith.addf %add3A_80, %get3A_83 : vector<1x128xf32>
    %max3A_85 = arith.constant 0.000000e+00 : f32
    %max3A_86 = vector.broadcast %max3A_85 : f32 to vector<1x128xf32>
    %max3A_87 = arith.maximumf %add3A_84, %max3A_86 : vector<1x128xf32>
    %swap3A_88 = arith.constant 2 : index
    %swap3A_89 = arith.constant 0 : index
    %swap3A_90 = vector.load %arg13[%swap3A_88, %swap3A_89] : memref<64x128xf32, #tpu.memory_space<vmem>>, vector<1x128xf32>
    tpu.vector_store %arg13[%swap3A_88, %swap3A_89], %max3A_87 {strides = array<i32>} : memref<64x128xf32, #tpu.memory_space<vmem>>, vector<1x128xf32>,
    %get3A_91 = arith.constant 3 : index
    %get3A_92 = memref.load %arg4[%get3A_91] : memref<64xi32, #tpu.memory_space<smem>>
    %get3A_93 = arith.constant 0 : index
    %get3A_94 = arith.index_cast %get3A_92 : i32 to index
    %get3A_95 = arith.constant 0 : index
    %get3A_96 = vector.load %arg0[%get3A_93, %get3A_94, %get3A_95] : memref<2x10112x128xf32, #tpu.memory_space<vmem>>, vector<1x1x128xf32>
    %get3A_97 = vector.shape_cast %get3A_96 : vector<1x1x128xf32> to vector<1x128xf32>
    %get3A_98 = arith.constant 1 : index
    %get3A_99 = arith.index_cast %get3A_92 : i32 to index
    %get3A_100 = arith.constant 0 : index
    %get3A_101 = vector.load %arg0[%get3A_98, %get3A_99, %get3A_100] : memref<2x10112x128xf32, #tpu.memory_space<vmem>>, vector<1x1x128xf32>
    %get3A_102 = vector.shape_cast %get3A_101 : vector<1x1x128xf32> to vector<1x128xf32>
    %add3A_103 = arith.addf %get3A_97, %get3A_102 : vector<1x128xf32>
    %get3A_104 = arith.index_cast %get3A_92 : i32 to index
    %get3A_105 = arith.constant 0 : index
    %get3A_106 = vector.load %arg2[%get3A_104, %get3A_105] : memref<10000x1xf32, #tpu.memory_space<vmem>>, vector<1x1xf32>
    %mul3A_107 = vector.broadcast %get3A_106 : vector<1x1xf32> to vector<1x128xf32>
    %mul3A_108 = arith.mulf %mul3A_107, %add3A_103 : vector<1x128xf32>
    %get3A_109 = arith.index_cast %get3A_92 : i32 to index
    %get3A_110 = arith.constant 0 : index
    %get3A_111 = vector.load %arg1[%get3A_109, %get3A_110] : memref<10000x128xf32, #tpu.memory_space<vmem>>, vector<1x128xf32>
    %add3A_112 = arith.addf %mul3A_108, %get3A_111 : vector<1x128xf32>
    %get3A_113 = arith.constant 0 : index
    %get3A_114 = arith.constant 0 : index
    %get3A_115 = vector.load %arg3[%get3A_113, %get3A_114] : memref<1x128xf32, #tpu.memory_space<vmem>>, vector<1x128xf32>
    %add3A_116 = arith.addf %add3A_112, %get3A_115 : vector<1x128xf32>
    %max3A_117 = arith.constant 0.000000e+00 : f32
    %max3A_118 = vector.broadcast %max3A_117 : f32 to vector<1x128xf32>
    %max3A_119 = arith.maximumf %add3A_116, %max3A_118 : vector<1x128xf32>
    %swap3A_120 = arith.constant 3 : index
    %swap3A_121 = arith.constant 0 : index
    %swap3A_122 = vector.load %arg13[%swap3A_120, %swap3A_121] : memref<64x128xf32, #tpu.memory_space<vmem>>, vector<1x128xf32>
    tpu.vector_store %arg13[%swap3A_120, %swap3A_121], %max3A_119 {strides = array<i32>} : memref<64x128xf32, #tpu.memory_space<vmem>>, vector<1x128xf32>,
    %get3A_123 = arith.constant 4 : index
    %get3A_124 = memref.load %arg4[%get3A_123] : memref<64xi32, #tpu.memory_space<smem>>
    %get3A_125 = arith.constant 0 : index
    %get3A_126 = arith.index_cast %get3A_124 : i32 to index
    %get3A_127 = arith.constant 0 : index
    %get3A_128 = vector.load %arg0[%get3A_125, %get3A_126, %get3A_127] : memref<2x10112x128xf32, #tpu.memory_space<vmem>>, vector<1x1x128xf32>
    %get3A_129 = vector.shape_cast %get3A_128 : vector<1x1x128xf32> to vector<1x128xf32>
    %get3A_130 = arith.constant 1 : index
    %get3A_131 = arith.index_cast %get3A_124 : i32 to index
    %get3A_132 = arith.constant 0 : index
    %get3A_133 = vector.load %arg0[%get3A_130, %get3A_131, %get3A_132] : memref<2x10112x128xf32, #tpu.memory_space<vmem>>, vector<1x1x128xf32>
    %get3A_134 = vector.shape_cast %get3A_133 : vector<1x1x128xf32> to vector<1x128xf32>
    %add3A_135 = arith.addf %get3A_129, %get3A_134 : vector<1x128xf32>
    %get3A_136 = arith.index_cast %get3A_124 : i32 to index
    %get3A_137 = arith.constant 0 : index
    %get3A_138 = vector.load %arg2[%get3A_136, %get3A_137] : memref<10000x1xf32, #tpu.memory_space<vmem>>, vector<1x1xf32>
    %mul3A_139 = vector.broadcast %get3A_138 : vector<1x1xf32> to vector<1x128xf32>
    %mul3A_140 = arith.mulf %mul3A_139, %add3A_135 : vector<1x128xf32>
    %get3A_141 = arith.index_cast %get3A_124 : i32 to index
    %get3A_142 = arith.constant 0 : index
    %get3A_143 = vector.load %arg1[%get3A_141, %get3A_142] : memref<10000x128xf32, #tpu.memory_space<vmem>>, vector<1x128xf32>
    %add3A_144 = arith.addf %mul3A_140, %get3A_143 : vector<1x128xf32>
    %get3A_145 = arith.constant 0 : index
    %get3A_146 = arith.constant 0 : index
    %get3A_147 = vector.load %arg3[%get3A_145, %get3A_146] : memref<1x128xf32, #tpu.memory_space<vmem>>, vector<1x128xf32>
    %add3A_148 = arith.addf %add3A_144, %get3A_147 : vector<1x128xf32>
    %max3A_149 = arith.constant 0.000000e+00 : f32
    %max3A_150 = vector.broadcast %max3A_149 : f32 to vector<1x128xf32>
    %max3A_151 = arith.maximumf %add3A_148, %max3A_150 : vector<1x128xf32>
    %swap3A_152 = arith.constant 4 : index
    %swap3A_153 = arith.constant 0 : index
    %swap3A_154 = vector.load %arg13[%swap3A_152, %swap3A_153] : memref<64x128xf32, #tpu.memory_space<vmem>>, vector<1x128xf32>
    tpu.vector_store %arg13[%swap3A_152, %swap3A_153], %max3A_151 {strides = array<i32>} : memref<64x128xf32, #tpu.memory_space<vmem>>, vector<1x128xf32>,
    %get3A_155 = arith.constant 5 : index
    %get3A_156 = memref.load %arg4[%get3A_155] : memref<64xi32, #tpu.memory_space<smem>>
    %get3A_157 = arith.constant 0 : index
    %get3A_158 = arith.index_cast %get3A_156 : i32 to index
    %get3A_159 = arith.constant 0 : index
    %get3A_160 = vector.load %arg0[%get3A_157, %get3A_158, %get3A_159] : memref<2x10112x128xf32, #tpu.memory_space<vmem>>, vector<1x1x128xf32>
    %get3A_161 = vector.shape_cast %get3A_160 : vector<1x1x128xf32> to vector<1x128xf32>
    %get3A_162 = arith.constant 1 : index
    %get3A_163 = arith.index_cast %get3A_156 : i32 to index
    %get3A_164 = arith.constant 0 : index
    %get3A_165 = vector.load %arg0[%get3A_162, %get3A_163, %get3A_164] : memref<2x10112x128xf32, #tpu.memory_space<vmem>>, vector<1x1x128xf32>
    %get3A_166 = vector.shape_cast %get3A_165 : vector<1x1x128xf32> to vector<1x128xf32>
    %add3A_167 = arith.addf %get3A_161, %get3A_166 : vector<1x128xf32>
    %get3A_168 = arith.index_cast %get3A_156 : i32 to index
    %get3A_169 = arith.constant 0 : index
    %get3A_170 = vector.load %arg2[%get3A_168, %get3A_169] : memref<10000x1xf32, #tpu.memory_space<vmem>>, vector<1x1xf32>
    %mul3A_171 = vector.broadcast %get3A_170 : vector<1x1xf32> to vector<1x128xf32>
    %mul3A_172 = arith.mulf %mul3A_171, %add3A_167 : vector<1x128xf32>
    %get3A_173 = arith.index_cast %get3A_156 : i32 to index
    %get3A_174 = arith.constant 0 : index
    %get3A_175 = vector.load %arg1[%get3A_173, %get3A_174] : memref<10000x128xf32, #tpu.memory_space<vmem>>, vector<1x128xf32>
    %add3A_176 = arith.addf %mul3A_172, %get3A_175 : vector<1x128xf32>
    %get3A_177 = arith.constant 0 : index
    %get3A_178 = arith.constant 0 : index
    %get3A_179 = vector.load %arg3[%get3A_177, %get3A_178] : memref<1x128xf32, #tpu.memory_space<vmem>>, vector<1x128xf32>
    %add3A_180 = arith.addf %add3A_176, %get3A_179 : vector<1x128xf32>
    %max3A_181 = arith.constant 0.000000e+00 : f32
    %max3A_182 = vector.broadcast %max3A_181 : f32 to vector<1x128xf32>
    %max3A_183 = arith.maximumf %add3A_180, %max3A_182 : vector<1x128xf32>
    %swap3A_184 = arith.constant 5 : index
    %swap3A_185 = arith.constant 0 : index
    %swap3A_186 = vector.load %arg13[%swap3A_184, %swap3A_185] : memref<64x128xf32, #tpu.memory_space<vmem>>, vector<1x128xf32>
    tpu.vector_store %arg13[%swap3A_184, %swap3A_185], %max3A_183 {strides = array<i32>} : memref<64x128xf32, #tpu.memory_space<vmem>>, vector<1x128xf32>,
    %get3A_187 = arith.constant 6 : index
    %get3A_188 = memref.load %arg4[%get3A_187] : memref<64xi32, #tpu.memory_space<smem>>
    %get3A_189 = arith.constant 0 : index
    %get3A_190 = arith.index_cast %get3A_188 : i32 to index
    %get3A_191 = arith.constant 0 : index
    %get3A_192 = vector.load %arg0[%get3A_189, %get3A_190, %get3A_191] : memref<2x10112x128xf32, #tpu.memory_space<vmem>>, vector<1x1x128xf32>
    %get3A_193 = vector.shape_cast %get3A_192 : vector<1x1x128xf32> to vector<1x128xf32>
    %get3A_194 = arith.constant 1 : index
    %get3A_195 = arith.index_cast %get3A_188 : i32 to index
    %get3A_196 = arith.constant 0 : index
    %get3A_197 = vector.load %arg0[%get3A_194, %get3A_195, %get3A_196] : memref<2x10112x128xf32, #tpu.memory_space<vmem>>, vector<1x1x128xf32>
    %get3A_198 = vector.shape_cast %get3A_197 : vector<1x1x128xf32> to vector<1x128xf32>
    %add3A_199 = arith.addf %get3A_193, %get3A_198 : vector<1x128xf32>
    %get3A_200 = arith.index_cast %get3A_188 : i32 to index
    %get3A_201 = arith.constant 0 : index
    %get3A_202 = vector.load %arg2[%get3A_200, %get3A_201] : memref<10000x1xf32, #tpu.memory_space<vmem>>, vector<1x1xf32>
    %mul3A_203 = vector.broadcast %get3A_202 : vector<1x1xf32> to vector<1x128xf32>
    %mul3A_204 = arith.mulf %mul3A_203, %add3A_199 : vector<1x128xf32>
    %get3A_205 = arith.index_cast %get3A_188 : i32 to index
    %get3A_206 = arith.constant 0 : index
    %get3A_207 = vector.load %arg1[%get3A_205, %get3A_206] : memref<10000x128xf32, #tpu.memory_space<vmem>>, vector<1x128xf32>
    %add3A_208 = arith.addf %mul3A_204, %get3A_207 : vector<1x128xf32>
    %get3A_209 = arith.constant 0 : index
    %get3A_210 = arith.constant 0 : index
    %get3A_211 = vector.load %arg3[%get3A_209, %get3A_210] : memref<1x128xf32, #tpu.memory_space<vmem>>, vector<1x128xf32>
    %add3A_212 = arith.addf %add3A_208, %get3A_211 : vector<1x128xf32>
    %max3A_213 = arith.constant 0.000000e+00 : f32
    %max3A_214 = vector.broadcast %max3A_213 : f32 to vector<1x128xf32>
    %max3A_215 = arith.maximumf %add3A_212, %max3A_214 : vector<1x128xf32>
    %swap3A_216 = arith.constant 6 : index
    %swap3A_217 = arith.constant 0 : index
    %swap3A_218 = vector.load %arg13[%swap3A_216, %swap3A_217] : memref<64x128xf32, #tpu.memory_space<vmem>>, vector<1x128xf32>
    tpu.vector_store %arg13[%swap3A_216, %swap3A_217], %max3A_215 {strides = array<i32>} : memref<64x128xf32, #tpu.memory_space<vmem>>, vector<1x128xf32>,
    %get3A_219 = arith.constant 7 : index
    %get3A_220 = memref.load %arg4[%get3A_219] : memref<64xi32, #tpu.memory_space<smem>>
    %get3A_221 = arith.constant 0 : index
    %get3A_222 = arith.index_cast %get3A_220 : i32 to index
    %get3A_223 = arith.constant 0 : index
    %get3A_224 = vector.load %arg0[%get3A_221, %get3A_222, %get3A_223] : memref<2x10112x128xf32, #tpu.memory_space<vmem>>, vector<1x1x128xf32>
    %get3A_225 = vector.shape_cast %get3A_224 : vector<1x1x128xf32> to vector<1x128xf32>
    %get3A_226 = arith.constant 1 : index
    %get3A_227 = arith.index_cast %get3A_220 : i32 to index
    %get3A_228 = arith.constant 0 : index
    %get3A_229 = vector.load %arg0[%get3A_226, %get3A_227, %get3A_228] : memref<2x10112x128xf32, #tpu.memory_space<vmem>>, vector<1x1x128xf32>
    %get3A_230 = vector.shape_cast %get3A_229 : vector<1x1x128xf32> to vector<1x128xf32>
    %add3A_231 = arith.addf %get3A_225, %get3A_230 : vector<1x128xf32>
    %get3A_232 = arith.index_cast %get3A_220 : i32 to index
    %get3A_233 = arith.constant 0 : index
    %get3A_234 = vector.load %arg2[%get3A_232, %get3A_233] : memref<10000x1xf32, #tpu.memory_space<vmem>>, vector<1x1xf32>
    %mul3A_235 = vector.broadcast %get3A_234 : vector<1x1xf32> to vector<1x128xf32>
    %mul3A_236 = arith.mulf %mul3A_235, %add3A_231 : vector<1x128xf32>
    %get3A_237 = arith.index_cast %get3A_220 : i32 to index
    %get3A_238 = arith.constant 0 : index
    %get3A_239 = vector.load %arg1[%get3A_237, %get3A_238] : memref<10000x128xf32, #tpu.memory_space<vmem>>, vector<1x128xf32>
    %add3A_240 = arith.addf %mul3A_236, %get3A_239 : vector<1x128xf32>
    %get3A_241 = arith.constant 0 : index
    %get3A_242 = arith.constant 0 : index
    %get3A_243 = vector.load %arg3[%get3A_241, %get3A_242] : memref<1x128xf32, #tpu.memory_space<vmem>>, vector<1x128xf32>
    %add3A_244 = arith.addf %add3A_240, %get3A_243 : vector<1x128xf32>
    %max3A_245 = arith.constant 0.000000e+00 : f32
    %max3A_246 = vector.broadcast %max3A_245 : f32 to vector<1x128xf32>
    %max3A_247 = arith.maximumf %add3A_244, %max3A_246 : vector<1x128xf32>
    %swap3A_248 = arith.constant 7 : index
    %swap3A_249 = arith.constant 0 : index
    %swap3A_250 = vector.load %arg13[%swap3A_248, %swap3A_249] : memref<64x128xf32, #tpu.memory_space<vmem>>, vector<1x128xf32>
    tpu.vector_store %arg13[%swap3A_248, %swap3A_249], %max3A_247 {strides = array<i32>} : memref<64x128xf32, #tpu.memory_space<vmem>>, vector<1x128xf32>,
    %get3A_251 = arith.constant 8 : index
    %get3A_252 = memref.load %arg4[%get3A_251] : memref<64xi32, #tpu.memory_space<smem>>
    %get3A_253 = arith.constant 0 : index
    %get3A_254 = arith.index_cast %get3A_252 : i32 to index
    %get3A_255 = arith.constant 0 : index
    %get3A_256 = vector.load %arg0[%get3A_253, %get3A_254, %get3A_255] : memref<2x10112x128xf32, #tpu.memory_space<vmem>>, vector<1x1x128xf32>
    %get3A_257 = vector.shape_cast %get3A_256 : vector<1x1x128xf32> to vector<1x128xf32>
    %get3A_258 = arith.constant 1 : index
    %get3A_259 = arith.index_cast %get3A_252 : i32 to index
    %get3A_260 = arith.constant 0 : index
    %get3A_261 = vector.load %arg0[%get3A_258, %get3A_259, %get3A_260] : memref<2x10112x128xf32, #tpu.memory_space<vmem>>, vector<1x1x128xf32>
    %get3A_262 = vector.shape_cast %get3A_261 : vector<1x1x128xf32> to vector<1x128xf32>
    %add3A_263 = arith.addf %get3A_257, %get3A_262 : vector<1x128xf32>
    %get3A_264 = arith.index_cast %get3A_252 : i32 to index
    %get3A_265 = arith.constant 0 : index
    %get3A_266 = vector.load %arg2[%get3A_264, %get3A_265] : memref<10000x1xf32, #tpu.memory_space<vmem>>, vector<1x1xf32>
    %mul3A_267 = vector.broadcast %get3A_266 : vector<1x1xf32> to vector<1x128xf32>
    %mul3A_268 = arith.mulf %mul3A_267, %add3A_263 : vector<1x128xf32>
    %get3A_269 = arith.index_cast %get3A_252 : i32 to index
    %get3A_270 = arith.constant 0 : index
    %get3A_271 = vector.load %arg1[%get3A_269, %get3A_270] : memref<10000x128xf32, #tpu.memory_space<vmem>>, vector<1x128xf32>
    %add3A_272 = arith.addf %mul3A_268, %get3A_271 : vector<1x128xf32>
    %get3A_273 = arith.constant 0 : index
    %get3A_274 = arith.constant 0 : index
    %get3A_275 = vector.load %arg3[%get3A_273, %get3A_274] : memref<1x128xf32, #tpu.memory_space<vmem>>, vector<1x128xf32>
    %add3A_276 = arith.addf %add3A_272, %get3A_275 : vector<1x128xf32>
    %max3A_277 = arith.constant 0.000000e+00 : f32
    %max3A_278 = vector.broadcast %max3A_277 : f32 to vector<1x128xf32>
    %max3A_279 = arith.maximumf %add3A_276, %max3A_278 : vector<1x128xf32>
    %swap3A_280 = arith.constant 8 : index
    %swap3A_281 = arith.constant 0 : index
    %swap3A_282 = vector.load %arg13[%swap3A_280, %swap3A_281] : memref<64x128xf32, #tpu.memory_space<vmem>>, vector<1x128xf32>
    tpu.vector_store %arg13[%swap3A_280, %swap3A_281], %max3A_279 {strides = array<i32>} : memref<64x128xf32, #tpu.memory_space<vmem>>, vector<1x128xf32>,
    %get3A_283 = arith.constant 9 : index
    %get3A_284 = memref.load %arg4[%get3A_283] : memref<64xi32, #tpu.memory_space<smem>>
    %get3A_285 = arith.constant 0 : index
    %get3A_286 = arith.index_cast %get3A_284 : i32 to index
    %get3A_287 = arith.constant 0 : index
    %get3A_288 = vector.load %arg0[%get3A_285, %get3A_286, %get3A_287] : memref<2x10112x128xf32, #tpu.memory_space<vmem>>, vector<1x1x128xf32>
    %get3A_289 = vector.shape_cast %get3A_288 : vector<1x1x128xf32> to vector<1x128xf32>
    %get3A_290 = arith.constant 1 : index
    %get3A_291 = arith.index_cast %get3A_284 : i32 to index
    %get3A_292 = arith.constant 0 : index
    %get3A_293 = vector.load %arg0[%get3A_290, %get3A_291, %get3A_292] : memref<2x10112x128xf32, #tpu.memory_space<vmem>>, vector<1x1x128xf32>
    %get3A_294 = vector.shape_cast %get3A_293 : vector<1x1x128xf32> to vector<1x128xf32>
    %add3A_295 = arith.addf %get3A_289, %get3A_294 : vector<1x128xf32>
    %get3A_296 = arith.index_cast %get3A_284 : i32 to index
    %get3A_297 = arith.constant 0 : index
    %get3A_298 = vector.load %arg2[%get3A_296, %get3A_297] : memref<10000x1xf32, #tpu.memory_space<vmem>>, vector<1x1xf32>
    %mul3A_299 = vector.broadcast %get3A_298 : vector<1x1xf32> to vector<1x128xf32>
    %mul3A_300 = arith.mulf %mul3A_299, %add3A_295 : vector<1x128xf32>
    %get3A_301 = arith.index_cast %get3A_284 : i32 to index
    %get3A_302 = arith.constant 0 : index
    %get3A_303 = vector.load %arg1[%get3A_301, %get3A_302] : memref<10000x128xf32, #tpu.memory_space<vmem>>, vector<1x128xf32>
    %add3A_304 = arith.addf %mul3A_300, %get3A_303 : vector<1x128xf32>
    %get3A_305 = arith.constant 0 : index
    %get3A_306 = arith.constant 0 : index
    %get3A_307 = vector.load %arg3[%get3A_305, %get3A_306] : memref<1x128xf32, #tpu.memory_space<vmem>>, vector<1x128xf32>
    %add3A_308 = arith.addf %add3A_304, %get3A_307 : vector<1x128xf32>
    %max3A_309 = arith.constant 0.000000e+00 : f32
    %max3A_310 = vector.broadcast %max3A_309 : f32 to vector<1x128xf32>
    %max3A_311 = arith.maximumf %add3A_308, %max3A_310 : vector<1x128xf32>
    %swap3A_312 = arith.constant 9 : index
    %swap3A_313 = arith.constant 0 : index
    %swap3A_314 = vector.load %arg13[%swap3A_312, %swap3A_313] : memref<64x128xf32, #tpu.memory_space<vmem>>, vector<1x128xf32>
    tpu.vector_store %arg13[%swap3A_312, %swap3A_313], %max3A_311 {strides = array<i32>} : memref<64x128xf32, #tpu.memory_space<vmem>>, vector<1x128xf32>,
    %get3A_315 = arith.constant 10 : index
    %get3A_316 = memref.load %arg4[%get3A_315] : memref<64xi32, #tpu.memory_space<smem>>
    %get3A_317 = arith.constant 0 : index
    %get3A_318 = arith.index_cast %get3A_316 : i32 to index
    %get3A_319 = arith.constant 0 : index
    %get3A_320 = vector.load %arg0[%get3A_317, %get3A_318, %get3A_319] : memref<2x10112x128xf32, #tpu.memory_space<vmem>>, vector<1x1x128xf32>
    %get3A_321 = vector.shape_cast %get3A_320 : vector<1x1x128xf32> to vector<1x128xf32>
    %get3A_322 = arith.constant 1 : index
    %get3A_323 = arith.index_cast %get3A_316 : i32 to index
    %get3A_324 = arith.constant 0 : index
    %get3A_325 = vector.load %arg0[%get3A_322, %get3A_323, %get3A_324] : memref<2x10112x128xf32, #tpu.memory_space<vmem>>, vector<1x1x128xf32>
    %get3A_326 = vector.shape_cast %get3A_325 : vector<1x1x128xf32> to vector<1x128xf32>
    %add3A_327 = arith.addf %get3A_321, %get3A_326 : vector<1x128xf32>
    %get3A_328 = arith.index_cast %get3A_316 : i32 to index
    %get3A_329 = arith.constant 0 : index
    %get3A_330 = vector.load %arg2[%get3A_328, %get3A_329] : memref<10000x1xf32, #tpu.memory_space<vmem>>, vector<1x1xf32>
    %mul3A_331 = vector.broadcast %get3A_330 : vector<1x1xf32> to vector<1x128xf32>
    %mul3A_332 = arith.mulf %mul3A_331, %add3A_327 : vector<1x128xf32>
    %get3A_333 = arith.index_cast %get3A_316 : i32 to index
    %get3A_334 = arith.constant 0 : index
    %get3A_335 = vector.load %arg1[%get3A_333, %get3A_334] : memref<10000x128xf32, #tpu.memory_space<vmem>>, vector<1x128xf32>
    %add3A_336 = arith.addf %mul3A_332, %get3A_335 : vector<1x128xf32>
    %get3A_337 = arith.constant 0 : index
    %get3A_338 = arith.constant 0 : index
    %get3A_339 = vector.load %arg3[%get3A_337, %get3A_338] : memref<1x128xf32, #tpu.memory_space<vmem>>, vector<1x128xf32>
    %add3A_340 = arith.addf %add3A_336, %get3A_339 : vector<1x128xf32>
    %max3A_341 = arith.constant 0.000000e+00 : f32
    %max3A_342 = vector.broadcast %max3A_341 : f32 to vector<1x128xf32>
    %max3A_343 = arith.maximumf %add3A_340, %max3A_342 : vector<1x128xf32>
    %swap3A_344 = arith.constant 10 : index
    %swap3A_345 = arith.constant 0 : index
    %swap3A_346 = vector.load %arg13[%swap3A_344, %swap3A_345] : memref<64x128xf32, #tpu.memory_space<vmem>>, vector<1x128xf32>
    tpu.vector_store %arg13[%swap3A_344, %swap3A_345], %max3A_343 {strides = array<i32>} : memref<64x128xf32, #tpu.memory_space<vmem>>, vector<1x128xf32>,
    %get3A_347 = arith.constant 11 : index
    %get3A_348 = memref.load %arg4[%get3A_347] : memref<64xi32, #tpu.memory_space<smem>>
    %get3A_349 = arith.constant 0 : index
    %get3A_350 = arith.index_cast %get3A_348 : i32 to index
    %get3A_351 = arith.constant 0 : index
    %get3A_352 = vector.load %arg0[%get3A_349, %get3A_350, %get3A_351] : memref<2x10112x128xf32, #tpu.memory_space<vmem>>, vector<1x1x128xf32>
    %get3A_353 = vector.shape_cast %get3A_352 : vector<1x1x128xf32> to vector<1x128xf32>
    %get3A_354 = arith.constant 1 : index
    %get3A_355 = arith.index_cast %get3A_348 : i32 to index
    %get3A_356 = arith.constant 0 : index
    %get3A_357 = vector.load %arg0[%get3A_354, %get3A_355, %get3A_356] : memref<2x10112x128xf32, #tpu.memory_space<vmem>>, vector<1x1x128xf32>
    %get3A_358 = vector.shape_cast %get3A_357 : vector<1x1x128xf32> to vector<1x128xf32>
    %add3A_359 = arith.addf %get3A_353, %get3A_358 : vector<1x128xf32>
    %get3A_360 = arith.index_cast %get3A_348 : i32 to index
    %get3A_361 = arith.constant 0 : index
    %get3A_362 = vector.load %arg2[%get3A_360, %get3A_361] : memref<10000x1xf32, #tpu.memory_space<vmem>>, vector<1x1xf32>
    %mul3A_363 = vector.broadcast %get3A_362 : vector<1x1xf32> to vector<1x128xf32>
    %mul3A_364 = arith.mulf %mul3A_363, %add3A_359 : vector<1x128xf32>
    %get3A_365 = arith.index_cast %get3A_348 : i32 to index
    %get3A_366 = arith.constant 0 : index
    %get3A_367 = vector.load %arg1[%get3A_365, %get3A_366] : memref<10000x128xf32, #tpu.memory_space<vmem>>, vector<1x128xf32>
    %add3A_368 = arith.addf %mul3A_364, %get3A_367 : vector<1x128xf32>
    %get3A_369 = arith.constant 0 : index
    %get3A_370 = arith.constant 0 : index
    %get3A_371 = vector.load %arg3[%get3A_369, %get3A_370] : memref<1x128xf32, #tpu.memory_space<vmem>>, vector<1x128xf32>
    %add3A_372 = arith.addf %add3A_368, %get3A_371 : vector<1x128xf32>
    %max3A_373 = arith.constant 0.000000e+00 : f32
    %max3A_374 = vector.broadcast %max3A_373 : f32 to vector<1x128xf32>
    %max3A_375 = arith.maximumf %add3A_372, %max3A_374 : vector<1x128xf32>
    %swap3A_376 = arith.constant 11 : index
    %swap3A_377 = arith.constant 0 : index
    %swap3A_378 = vector.load %arg13[%swap3A_376, %swap3A_377] : memref<64x128xf32, #tpu.memory_space<vmem>>, vector<1x128xf32>
    tpu.vector_store %arg13[%swap3A_376, %swap3A_377], %max3A_375 {strides = array<i32>} : memref<64x128xf32, #tpu.memory_space<vmem>>, vector<1x128xf32>,
    %get3A_379 = arith.constant 12 : index
    %get3A_380 = memref.load %arg4[%get3A_379] : memref<64xi32, #tpu.memory_space<smem>>
    %get3A_381 = arith.constant 0 : index
    %get3A_382 = arith.index_cast %get3A_380 : i32 to index
    %get3A_383 = arith.constant 0 : index
    %get3A_384 = vector.load %arg0[%get3A_381, %get3A_382, %get3A_383] : memref<2x10112x128xf32, #tpu.memory_space<vmem>>, vector<1x1x128xf32>
    %get3A_385 = vector.shape_cast %get3A_384 : vector<1x1x128xf32> to vector<1x128xf32>
    %get3A_386 = arith.constant 1 : index
    %get3A_387 = arith.index_cast %get3A_380 : i32 to index
    %get3A_388 = arith.constant 0 : index
    %get3A_389 = vector.load %arg0[%get3A_386, %get3A_387, %get3A_388] : memref<2x10112x128xf32, #tpu.memory_space<vmem>>, vector<1x1x128xf32>
    %get3A_390 = vector.shape_cast %get3A_389 : vector<1x1x128xf32> to vector<1x128xf32>
    %add3A_391 = arith.addf %get3A_385, %get3A_390 : vector<1x128xf32>
    %get3A_392 = arith.index_cast %get3A_380 : i32 to index
    %get3A_393 = arith.constant 0 : index
    %get3A_394 = vector.load %arg2[%get3A_392, %get3A_393] : memref<10000x1xf32, #tpu.memory_space<vmem>>, vector<1x1xf32>
    %mul3A_395 = vector.broadcast %get3A_394 : vector<1x1xf32> to vector<1x128xf32>
    %mul3A_396 = arith.mulf %mul3A_395, %add3A_391 : vector<1x128xf32>
    %get3A_397 = arith.index_cast %get3A_380 : i32 to index
    %get3A_398 = arith.constant 0 : index
    %get3A_399 = vector.load %arg1[%get3A_397, %get3A_398] : memref<10000x128xf32, #tpu.memory_space<vmem>>, vector<1x128xf32>
    %add3A_400 = arith.addf %mul3A_396, %get3A_399 : vector<1x128xf32>
    %get3A_401 = arith.constant 0 : index
    %get3A_402 = arith.constant 0 : index
    %get3A_403 = vector.load %arg3[%get3A_401, %get3A_402] : memref<1x128xf32, #tpu.memory_space<vmem>>, vector<1x128xf32>
    %add3A_404 = arith.addf %add3A_400, %get3A_403 : vector<1x128xf32>
    %max3A_405 = arith.constant 0.000000e+00 : f32
    %max3A_406 = vector.broadcast %max3A_405 : f32 to vector<1x128xf32>
    %max3A_407 = arith.maximumf %add3A_404, %max3A_406 : vector<1x128xf32>
    %swap3A_408 = arith.constant 12 : index
    %swap3A_409 = arith.constant 0 : index
    %swap3A_410 = vector.load %arg13[%swap3A_408, %swap3A_409] : memref<64x128xf32, #tpu.memory_space<vmem>>, vector<1x128xf32>
    tpu.vector_store %arg13[%swap3A_408, %swap3A_409], %max3A_407 {strides = array<i32>} : memref<64x128xf32, #tpu.memory_space<vmem>>, vector<1x128xf32>,
    %get3A_411 = arith.constant 13 : index
    %get3A_412 = memref.load %arg4[%get3A_411] : memref<64xi32, #tpu.memory_space<smem>>
    %get3A_413 = arith.constant 0 : index
    %get3A_414 = arith.index_cast %get3A_412 : i32 to index
    %get3A_415 = arith.constant 0 : index
    %get3A_416 = vector.load %arg0[%get3A_413, %get3A_414, %get3A_415] : memref<2x10112x128xf32, #tpu.memory_space<vmem>>, vector<1x1x128xf32>
    %get3A_417 = vector.shape_cast %get3A_416 : vector<1x1x128xf32> to vector<1x128xf32>
    %get3A_418 = arith.constant 1 : index
    %get3A_419 = arith.index_cast %get3A_412 : i32 to index
    %get3A_420 = arith.constant 0 : index
    %get3A_421 = vector.load %arg0[%get3A_418, %get3A_419, %get3A_420] : memref<2x10112x128xf32, #tpu.memory_space<vmem>>, vector<1x1x128xf32>
    %get3A_422 = vector.shape_cast %get3A_421 : vector<1x1x128xf32> to vector<1x128xf32>
    %add3A_423 = arith.addf %get3A_417, %get3A_422 : vector<1x128xf32>
    %get3A_424 = arith.index_cast %get3A_412 : i32 to index
    %get3A_425 = arith.constant 0 : index
    %get3A_426 = vector.load %arg2[%get3A_424, %get3A_425] : memref<10000x1xf32, #tpu.memory_space<vmem>>, vector<1x1xf32>
    %mul3A_427 = vector.broadcast %get3A_426 : vector<1x1xf32> to vector<1x128xf32>
    %mul3A_428 = arith.mulf %mul3A_427, %add3A_423 : vector<1x128xf32>
    %get3A_429 = arith.index_cast %get3A_412 : i32 to index
    %get3A_430 = arith.constant 0 : index
    %get3A_431 = vector.load %arg1[%get3A_429, %get3A_430] : memref<10000x128xf32, #tpu.memory_space<vmem>>, vector<1x128xf32>
    %add3A_432 = arith.addf %mul3A_428, %get3A_431 : vector<1x128xf32>
    %get3A_433 = arith.constant 0 : index
    %get3A_434 = arith.constant 0 : index
    %get3A_435 = vector.load %arg3[%get3A_433, %get3A_434] : memref<1x128xf32, #tpu.memory_space<vmem>>, vector<1x128xf32>
    %add3A_436 = arith.addf %add3A_432, %get3A_435 : vector<1x128xf32>
    %max3A_437 = arith.constant 0.000000e+00 : f32
    %max3A_438 = vector.broadcast %max3A_437 : f32 to vector<1x128xf32>
    %max3A_439 = arith.maximumf %add3A_436, %max3A_438 : vector<1x128xf32>
    %swap3A_440 = arith.constant 13 : index
    %swap3A_441 = arith.constant 0 : index
    %swap3A_442 = vector.load %arg13[%swap3A_440, %swap3A_441] : memref<64x128xf32, #tpu.memory_space<vmem>>, vector<1x128xf32>
    tpu.vector_store %arg13[%swap3A_440, %swap3A_441], %max3A_439 {strides = array<i32>} : memref<64x128xf32, #tpu.memory_space<vmem>>, vector<1x128xf32>,
    %get3A_443 = arith.constant 14 : index
    %get3A_444 = memref.load %arg4[%get3A_443] : memref<64xi32, #tpu.memory_space<smem>>
    %get3A_445 = arith.constant 0 : index
    %get3A_446 = arith.index_cast %get3A_444 : i32 to index
    %get3A_447 = arith.constant 0 : index
    %get3A_448 = vector.load %arg0[%get3A_445, %get3A_446, %get3A_447] : memref<2x10112x128xf32, #tpu.memory_space<vmem>>, vector<1x1x128xf32>
    %get3A_449 = vector.shape_cast %get3A_448 : vector<1x1x128xf32> to vector<1x128xf32>
    %get3A_450 = arith.constant 1 : index
    %get3A_451 = arith.index_cast %get3A_444 : i32 to index
    %get3A_452 = arith.constant 0 : index
    %get3A_453 = vector.load %arg0[%get3A_450, %get3A_451, %get3A_452] : memref<2x10112x128xf32, #tpu.memory_space<vmem>>, vector<1x1x128xf32>
    %get3A_454 = vector.shape_cast %get3A_453 : vector<1x1x128xf32> to vector<1x128xf32>
    %add3A_455 = arith.addf %get3A_449, %get3A_454 : vector<1x128xf32>
    %get3A_456 = arith.index_cast %get3A_444 : i32 to index
    %get3A_457 = arith.constant 0 : index
    %get3A_458 = vector.load %arg2[%get3A_456, %get3A_457] : memref<10000x1xf32, #tpu.memory_space<vmem>>, vector<1x1xf32>
    %mul3A_459 = vector.broadcast %get3A_458 : vector<1x1xf32> to vector<1x128xf32>
    %mul3A_460 = arith.mulf %mul3A_459, %add3A_455 : vector<1x128xf32>
    %get3A_461 = arith.index_cast %get3A_444 : i32 to index
    %get3A_462 = arith.constant 0 : index
    %get3A_463 = vector.load %arg1[%get3A_461, %get3A_462] : memref<10000x128xf32, #tpu.memory_space<vmem>>, vector<1x128xf32>
    %add3A_464 = arith.addf %mul3A_460, %get3A_463 : vector<1x128xf32>
    %get3A_465 = arith.constant 0 : index
    %get3A_466 = arith.constant 0 : index
    %get3A_467 = vector.load %arg3[%get3A_465, %get3A_466] : memref<1x128xf32, #tpu.memory_space<vmem>>, vector<1x128xf32>
    %add3A_468 = arith.addf %add3A_464, %get3A_467 : vector<1x128xf32>
    %max3A_469 = arith.constant 0.000000e+00 : f32
    %max3A_470 = vector.broadcast %max3A_469 : f32 to vector<1x128xf32>
    %max3A_471 = arith.maximumf %add3A_468, %max3A_470 : vector<1x128xf32>
    %swap3A_472 = arith.constant 14 : index
    %swap3A_473 = arith.constant 0 : index
    %swap3A_474 = vector.load %arg13[%swap3A_472, %swap3A_473] : memref<64x128xf32, #tpu.memory_space<vmem>>, vector<1x128xf32>
    tpu.vector_store %arg13[%swap3A_472, %swap3A_473], %max3A_471 {strides = array<i32>} : memref<64x128xf32, #tpu.memory_space<vmem>>, vector<1x128xf32>,
    %get3A_475 = arith.constant 15 : index
    %get3A_476 = memref.load %arg4[%get3A_475] : memref<64xi32, #tpu.memory_space<smem>>
    %get3A_477 = arith.constant 0 : index
    %get3A_478 = arith.index_cast %get3A_476 : i32 to index
    %get3A_479 = arith.constant 0 : index
    %get3A_480 = vector.load %arg0[%get3A_477, %get3A_478, %get3A_479] : memref<2x10112x128xf32, #tpu.memory_space<vmem>>, vector<1x1x128xf32>
    %get3A_481 = vector.shape_cast %get3A_480 : vector<1x1x128xf32> to vector<1x128xf32>
    %get3A_482 = arith.constant 1 : index
    %get3A_483 = arith.index_cast %get3A_476 : i32 to index
    %get3A_484 = arith.constant 0 : index
    %get3A_485 = vector.load %arg0[%get3A_482, %get3A_483, %get3A_484] : memref<2x10112x128xf32, #tpu.memory_space<vmem>>, vector<1x1x128xf32>
    %get3A_486 = vector.shape_cast %get3A_485 : vector<1x1x128xf32> to vector<1x128xf32>
    %add3A_487 = arith.addf %get3A_481, %get3A_486 : vector<1x128xf32>
    %get3A_488 = arith.index_cast %get3A_476 : i32 to index
    %get3A_489 = arith.constant 0 : index
    %get3A_490 = vector.load %arg2[%get3A_488, %get3A_489] : memref<10000x1xf32, #tpu.memory_space<vmem>>, vector<1x1xf32>
    %mul3A_491 = vector.broadcast %get3A_490 : vector<1x1xf32> to vector<1x128xf32>
    %mul3A_492 = arith.mulf %mul3A_491, %add3A_487 : vector<1x128xf32>
    %get3A_493 = arith.index_cast %get3A_476 : i32 to index
    %get3A_494 = arith.constant 0 : index
    %get3A_495 = vector.load %arg1[%get3A_493, %get3A_494] : memref<10000x128xf32, #tpu.memory_space<vmem>>, vector<1x128xf32>
    %add3A_496 = arith.addf %mul3A_492, %get3A_495 : vector<1x128xf32>
    %get3A_497 = arith.constant 0 : index
    %get3A_498 = arith.constant 0 : index
    %get3A_499 = vector.load %arg3[%get3A_497, %get3A_498] : memref<1x128xf32, #tpu.memory_space<vmem>>, vector<1x128xf32>
    %add3A_500 = arith.addf %add3A_496, %get3A_499 : vector<1x128xf32>
    %max3A_501 = arith.constant 0.000000e+00 : f32
    %max3A_502 = vector.broadcast %max3A_501 : f32 to vector<1x128xf32>
    %max3A_503 = arith.maximumf %add3A_500, %max3A_502 : vector<1x128xf32>
    %swap3A_504 = arith.constant 15 : index
    %swap3A_505 = arith.constant 0 : index
    %swap3A_506 = vector.load %arg13[%swap3A_504, %swap3A_505] : memref<64x128xf32, #tpu.memory_space<vmem>>, vector<1x128xf32>
    tpu.vector_store %arg13[%swap3A_504, %swap3A_505], %max3A_503 {strides = array<i32>} : memref<64x128xf32, #tpu.memory_space<vmem>>, vector<1x128xf32>,
    %get3A_507 = arith.constant 16 : index
    %get3A_508 = memref.load %arg4[%get3A_507] : memref<64xi32, #tpu.memory_space<smem>>
    %get3A_509 = arith.constant 0 : index
    %get3A_510 = arith.index_cast %get3A_508 : i32 to index
    %get3A_511 = arith.constant 0 : index
    %get3A_512 = vector.load %arg0[%get3A_509, %get3A_510, %get3A_511] : memref<2x10112x128xf32, #tpu.memory_space<vmem>>, vector<1x1x128xf32>
    %get3A_513 = vector.shape_cast %get3A_512 : vector<1x1x128xf32> to vector<1x128xf32>
    %get3A_514 = arith.constant 1 : index
    %get3A_515 = arith.index_cast %get3A_508 : i32 to index
    %get3A_516 = arith.constant 0 : index
    %get3A_517 = vector.load %arg0[%get3A_514, %get3A_515, %get3A_516] : memref<2x10112x128xf32, #tpu.memory_space<vmem>>, vector<1x1x128xf32>
    %get3A_518 = vector.shape_cast %get3A_517 : vector<1x1x128xf32> to vector<1x128xf32>
    %add3A_519 = arith.addf %get3A_513, %get3A_518 : vector<1x128xf32>
    %get3A_520 = arith.index_cast %get3A_508 : i32 to index
    %get3A_521 = arith.constant 0 : index
    %get3A_522 = vector.load %arg2[%get3A_520, %get3A_521] : memref<10000x1xf32, #tpu.memory_space<vmem>>, vector<1x1xf32>
    %mul3A_523 = vector.broadcast %get3A_522 : vector<1x1xf32> to vector<1x128xf32>
    %mul3A_524 = arith.mulf %mul3A_523, %add3A_519 : vector<1x128xf32>
    %get3A_525 = arith.index_cast %get3A_508 : i32 to index
    %get3A_526 = arith.constant 0 : index
    %get3A_527 = vector.load %arg1[%get3A_525, %get3A_526] : memref<10000x128xf32, #tpu.memory_space<vmem>>, vector<1x128xf32>
    %add3A_528 = arith.addf %mul3A_524, %get3A_527 : vector<1x128xf32>
    %get3A_529 = arith.constant 0 : index
    %get3A_530 = arith.constant 0 : index
    %get3A_531 = vector.load %arg3[%get3A_529, %get3A_530] : memref<1x128xf32, #tpu.memory_space<vmem>>, vector<1x128xf32>
    %add3A_532 = arith.addf %add3A_528, %get3A_531 : vector<1x128xf32>
    %max3A_533 = arith.constant 0.000000e+00 : f32
    %max3A_534 = vector.broadcast %max3A_533 : f32 to vector<1x128xf32>
    %max3A_535 = arith.maximumf %add3A_532, %max3A_534 : vector<1x128xf32>
    %swap3A_536 = arith.constant 16 : index
    %swap3A_537 = arith.constant 0 : index
    %swap3A_538 = vector.load %arg13[%swap3A_536, %swap3A_537] : memref<64x128xf32, #tpu.memory_space<vmem>>, vector<1x128xf32>
    tpu.vector_store %arg13[%swap3A_536, %swap3A_537], %max3A_535 {strides = array<i32>} : memref<64x128xf32, #tpu.memory_space<vmem>>, vector<1x128xf32>,
    %get3A_539 = arith.constant 17 : index
    %get3A_540 = memref.load %arg4[%get3A_539] : memref<64xi32, #tpu.memory_space<smem>>
    %get3A_541 = arith.constant 0 : index
    %get3A_542 = arith.index_cast %get3A_540 : i32 to index
    %get3A_543 = arith.constant 0 : index
    %get3A_544 = vector.load %arg0[%get3A_541, %get3A_542, %get3A_543] : memref<2x10112x128xf32, #tpu.memory_space<vmem>>, vector<1x1x128xf32>
    %get3A_545 = vector.shape_cast %get3A_544 : vector<1x1x128xf32> to vector<1x128xf32>
    %get3A_546 = arith.constant 1 : index
    %get3A_547 = arith.index_cast %get3A_540 : i32 to index
    %get3A_548 = arith.constant 0 : index
    %get3A_549 = vector.load %arg0[%get3A_546, %get3A_547, %get3A_548] : memref<2x10112x128xf32, #tpu.memory_space<vmem>>, vector<1x1x128xf32>
    %get3A_550 = vector.shape_cast %get3A_549 : vector<1x1x128xf32> to vector<1x128xf32>
    %add3A_551 = arith.addf %get3A_545, %get3A_550 : vector<1x128xf32>
    %get3A_552 = arith.index_cast %get3A_540 : i32 to index
    %get3A_553 = arith.constant 0 : index
    %get3A_554 = vector.load %arg2[%get3A_552, %get3A_553] : memref<10000x1xf32, #tpu.memory_space<vmem>>, vector<1x1xf32>
    %mul3A_555 = vector.broadcast %get3A_554 : vector<1x1xf32> to vector<1x128xf32>
    %mul3A_556 = arith.mulf %mul3A_555, %add3A_551 : vector<1x128xf32>
    %get3A_557 = arith.index_cast %get3A_540 : i32 to index
    %get3A_558 = arith.constant 0 : index
    %get3A_559 = vector.load %arg1[%get3A_557, %get3A_558] : memref<10000x128xf32, #tpu.memory_space<vmem>>, vector<1x128xf32>
    %add3A_560 = arith.addf %mul3A_556, %get3A_559 : vector<1x128xf32>
    %get3A_561 = arith.constant 0 : index
    %get3A_562 = arith.constant 0 : index
    %get3A_563 = vector.load %arg3[%get3A_561, %get3A_562] : memref<1x128xf32, #tpu.memory_space<vmem>>, vector<1x128xf32>
    %add3A_564 = arith.addf %add3A_560, %get3A_563 : vector<1x128xf32>
    %max3A_565 = arith.constant 0.000000e+00 : f32
    %max3A_566 = vector.broadcast %max3A_565 : f32 to vector<1x128xf32>
    %max3A_567 = arith.maximumf %add3A_564, %max3A_566 : vector<1x128xf32>
    %swap3A_568 = arith.constant 17 : index
    %swap3A_569 = arith.constant 0 : index
    %swap3A_570 = vector.load %arg13[%swap3A_568, %swap3A_569] : memref<64x128xf32, #tpu.memory_space<vmem>>, vector<1x128xf32>
    tpu.vector_store %arg13[%swap3A_568, %swap3A_569], %max3A_567 {strides = array<i32>} : memref<64x128xf32, #tpu.memory_space<vmem>>, vector<1x128xf32>,
    %get3A_571 = arith.constant 18 : index
    %get3A_572 = memref.load %arg4[%get3A_571] : memref<64xi32, #tpu.memory_space<smem>>
    %get3A_573 = arith.constant 0 : index
    %get3A_574 = arith.index_cast %get3A_572 : i32 to index
    %get3A_575 = arith.constant 0 : index
    %get3A_576 = vector.load %arg0[%get3A_573, %get3A_574, %get3A_575] : memref<2x10112x128xf32, #tpu.memory_space<vmem>>, vector<1x1x128xf32>
    %get3A_577 = vector.shape_cast %get3A_576 : vector<1x1x128xf32> to vector<1x128xf32>
    %get3A_578 = arith.constant 1 : index
    %get3A_579 = arith.index_cast %get3A_572 : i32 to index
    %get3A_580 = arith.constant 0 : index
    %get3A_581 = vector.load %arg0[%get3A_578, %get3A_579, %get3A_580] : memref<2x10112x128xf32, #tpu.memory_space<vmem>>, vector<1x1x128xf32>
    %get3A_582 = vector.shape_cast %get3A_581 : vector<1x1x128xf32> to vector<1x128xf32>
    %add3A_583 = arith.addf %get3A_577, %get3A_582 : vector<1x128xf32>
    %get3A_584 = arith.index_cast %get3A_572 : i32 to index
    %get3A_585 = arith.constant 0 : index
    %get3A_586 = vector.load %arg2[%get3A_584, %get3A_585] : memref<10000x1xf32, #tpu.memory_space<vmem>>, vector<1x1xf32>
    %mul3A_587 = vector.broadcast %get3A_586 : vector<1x1xf32> to vector<1x128xf32>
    %mul3A_588 = arith.mulf %mul3A_587, %add3A_583 : vector<1x128xf32>
    %get3A_589 = arith.index_cast %get3A_572 : i32 to index
    %get3A_590 = arith.constant 0 : index
    %get3A_591 = vector.load %arg1[%get3A_589, %get3A_590] : memref<10000x128xf32, #tpu.memory_space<vmem>>, vector<1x128xf32>
    %add3A_592 = arith.addf %mul3A_588, %get3A_591 : vector<1x128xf32>
    %get3A_593 = arith.constant 0 : index
    %get3A_594 = arith.constant 0 : index
    %get3A_595 = vector.load %arg3[%get3A_593, %get3A_594] : memref<1x128xf32, #tpu.memory_space<vmem>>, vector<1x128xf32>
    %add3A_596 = arith.addf %add3A_592, %get3A_595 : vector<1x128xf32>
    %max3A_597 = arith.constant 0.000000e+00 : f32
    %max3A_598 = vector.broadcast %max3A_597 : f32 to vector<1x128xf32>
    %max3A_599 = arith.maximumf %add3A_596, %max3A_598 : vector<1x128xf32>
    %swap3A_600 = arith.constant 18 : index
    %swap3A_601 = arith.constant 0 : index
    %swap3A_602 = vector.load %arg13[%swap3A_600, %swap3A_601] : memref<64x128xf32, #tpu.memory_space<vmem>>, vector<1x128xf32>
    tpu.vector_store %arg13[%swap3A_600, %swap3A_601], %max3A_599 {strides = array<i32>} : memref<64x128xf32, #tpu.memory_space<vmem>>, vector<1x128xf32>,
    %get3A_603 = arith.constant 19 : index
    %get3A_604 = memref.load %arg4[%get3A_603] : memref<64xi32, #tpu.memory_space<smem>>
    %get3A_605 = arith.constant 0 : index
    %get3A_606 = arith.index_cast %get3A_604 : i32 to index
    %get3A_607 = arith.constant 0 : index
    %get3A_608 = vector.load %arg0[%get3A_605, %get3A_606, %get3A_607] : memref<2x10112x128xf32, #tpu.memory_space<vmem>>, vector<1x1x128xf32>
    %get3A_609 = vector.shape_cast %get3A_608 : vector<1x1x128xf32> to vector<1x128xf32>
    %get3A_610 = arith.constant 1 : index
    %get3A_611 = arith.index_cast %get3A_604 : i32 to index
    %get3A_612 = arith.constant 0 : index
    %get3A_613 = vector.load %arg0[%get3A_610, %get3A_611, %get3A_612] : memref<2x10112x128xf32, #tpu.memory_space<vmem>>, vector<1x1x128xf32>
    %get3A_614 = vector.shape_cast %get3A_613 : vector<1x1x128xf32> to vector<1x128xf32>
    %add3A_615 = arith.addf %get3A_609, %get3A_614 : vector<1x128xf32>
    %get3A_616 = arith.index_cast %get3A_604 : i32 to index
    %get3A_617 = arith.constant 0 : index
    %get3A_618 = vector.load %arg2[%get3A_616, %get3A_617] : memref<10000x1xf32, #tpu.memory_space<vmem>>, vector<1x1xf32>
    %mul3A_619 = vector.broadcast %get3A_618 : vector<1x1xf32> to vector<1x128xf32>
    %mul3A_620 = arith.mulf %mul3A_619, %add3A_615 : vector<1x128xf32>
    %get3A_621 = arith.index_cast %get3A_604 : i32 to index
    %get3A_622 = arith.constant 0 : index
    %get3A_623 = vector.load %arg1[%get3A_621, %get3A_622] : memref<10000x128xf32, #tpu.memory_space<vmem>>, vector<1x128xf32>
    %add3A_624 = arith.addf %mul3A_620, %get3A_623 : vector<1x128xf32>
    %get3A_625 = arith.constant 0 : index
    %get3A_626 = arith.constant 0 : index
    %get3A_627 = vector.load %arg3[%get3A_625, %get3A_626] : memref<1x128xf32, #tpu.memory_space<vmem>>, vector<1x128xf32>
    %add3A_628 = arith.addf %add3A_624, %get3A_627 : vector<1x128xf32>
    %max3A_629 = arith.constant 0.000000e+00 : f32
    %max3A_630 = vector.broadcast %max3A_629 : f32 to vector<1x128xf32>
    %max3A_631 = arith.maximumf %add3A_628, %max3A_630 : vector<1x128xf32>
    %swap3A_632 = arith.constant 19 : index
    %swap3A_633 = arith.constant 0 : index
    %swap3A_634 = vector.load %arg13[%swap3A_632, %swap3A_633] : memref<64x128xf32, #tpu.memory_space<vmem>>, vector<1x128xf32>
    tpu.vector_store %arg13[%swap3A_632, %swap3A_633], %max3A_631 {strides = array<i32>} : memref<64x128xf32, #tpu.memory_space<vmem>>, vector<1x128xf32>,
    %get3A_635 = arith.constant 20 : index
    %get3A_636 = memref.load %arg4[%get3A_635] : memref<64xi32, #tpu.memory_space<smem>>
    %get3A_637 = arith.constant 0 : index
    %get3A_638 = arith.index_cast %get3A_636 : i32 to index
    %get3A_639 = arith.constant 0 : index
    %get3A_640 = vector.load %arg0[%get3A_637, %get3A_638, %get3A_639] : memref<2x10112x128xf32, #tpu.memory_space<vmem>>, vector<1x1x128xf32>
    %get3A_641 = vector.shape_cast %get3A_640 : vector<1x1x128xf32> to vector<1x128xf32>
    %get3A_642 = arith.constant 1 : index
    %get3A_643 = arith.index_cast %get3A_636 : i32 to index
    %get3A_644 = arith.constant 0 : index
    %get3A_645 = vector.load %arg0[%get3A_642, %get3A_643, %get3A_644] : memref<2x10112x128xf32, #tpu.memory_space<vmem>>, vector<1x1x128xf32>
    %get3A_646 = vector.shape_cast %get3A_645 : vector<1x1x128xf32> to vector<1x128xf32>
    %add3A_647 = arith.addf %get3A_641, %get3A_646 : vector<1x128xf32>
    %get3A_648 = arith.index_cast %get3A_636 : i32 to index
    %get3A_649 = arith.constant 0 : index
    %get3A_650 = vector.load %arg2[%get3A_648, %get3A_649] : memref<10000x1xf32, #tpu.memory_space<vmem>>, vector<1x1xf32>
    %mul3A_651 = vector.broadcast %get3A_650 : vector<1x1xf32> to vector<1x128xf32>
    %mul3A_652 = arith.mulf %mul3A_651, %add3A_647 : vector<1x128xf32>
    %get3A_653 = arith.index_cast %get3A_636 : i32 to index
    %get3A_654 = arith.constant 0 : index
    %get3A_655 = vector.load %arg1[%get3A_653, %get3A_654] : memref<10000x128xf32, #tpu.memory_space<vmem>>, vector<1x128xf32>
    %add3A_656 = arith.addf %mul3A_652, %get3A_655 : vector<1x128xf32>
    %get3A_657 = arith.constant 0 : index
    %get3A_658 = arith.constant 0 : index
    %get3A_659 = vector.load %arg3[%get3A_657, %get3A_658] : memref<1x128xf32, #tpu.memory_space<vmem>>, vector<1x128xf32>
    %add3A_660 = arith.addf %add3A_656, %get3A_659 : vector<1x128xf32>
    %max3A_661 = arith.constant 0.000000e+00 : f32
    %max3A_662 = vector.broadcast %max3A_661 : f32 to vector<1x128xf32>
    %max3A_663 = arith.maximumf %add3A_660, %max3A_662 : vector<1x128xf32>
    %swap3A_664 = arith.constant 20 : index
    %swap3A_665 = arith.constant 0 : index
    %swap3A_666 = vector.load %arg13[%swap3A_664, %swap3A_665] : memref<64x128xf32, #tpu.memory_space<vmem>>, vector<1x128xf32>
    tpu.vector_store %arg13[%swap3A_664, %swap3A_665], %max3A_663 {strides = array<i32>} : memref<64x128xf32, #tpu.memory_space<vmem>>, vector<1x128xf32>,
    %get3A_667 = arith.constant 21 : index
    %get3A_668 = memref.load %arg4[%get3A_667] : memref<64xi32, #tpu.memory_space<smem>>
    %get3A_669 = arith.constant 0 : index
    %get3A_670 = arith.index_cast %get3A_668 : i32 to index
    %get3A_671 = arith.constant 0 : index
    %get3A_672 = vector.load %arg0[%get3A_669, %get3A_670, %get3A_671] : memref<2x10112x128xf32, #tpu.memory_space<vmem>>, vector<1x1x128xf32>
    %get3A_673 = vector.shape_cast %get3A_672 : vector<1x1x128xf32> to vector<1x128xf32>
    %get3A_674 = arith.constant 1 : index
    %get3A_675 = arith.index_cast %get3A_668 : i32 to index
    %get3A_676 = arith.constant 0 : index
    %get3A_677 = vector.load %arg0[%get3A_674, %get3A_675, %get3A_676] : memref<2x10112x128xf32, #tpu.memory_space<vmem>>, vector<1x1x128xf32>
    %get3A_678 = vector.shape_cast %get3A_677 : vector<1x1x128xf32> to vector<1x128xf32>
    %add3A_679 = arith.addf %get3A_673, %get3A_678 : vector<1x128xf32>
    %get3A_680 = arith.index_cast %get3A_668 : i32 to index
    %get3A_681 = arith.constant 0 : index
    %get3A_682 = vector.load %arg2[%get3A_680, %get3A_681] : memref<10000x1xf32, #tpu.memory_space<vmem>>, vector<1x1xf32>
    %mul3A_683 = vector.broadcast %get3A_682 : vector<1x1xf32> to vector<1x128xf32>
    %mul3A_684 = arith.mulf %mul3A_683, %add3A_679 : vector<1x128xf32>
    %get3A_685 = arith.index_cast %get3A_668 : i32 to index
    %get3A_686 = arith.constant 0 : index
    %get3A_687 = vector.load %arg1[%get3A_685, %get3A_686] : memref<10000x128xf32, #tpu.memory_space<vmem>>, vector<1x128xf32>
    %add3A_688 = arith.addf %mul3A_684, %get3A_687 : vector<1x128xf32>
    %get3A_689 = arith.constant 0 : index
    %get3A_690 = arith.constant 0 : index
    %get3A_691 = vector.load %arg3[%get3A_689, %get3A_690] : memref<1x128xf32, #tpu.memory_space<vmem>>, vector<1x128xf32>
    %add3A_692 = arith.addf %add3A_688, %get3A_691 : vector<1x128xf32>
    %max3A_693 = arith.constant 0.000000e+00 : f32
    %max3A_694 = vector.broadcast %max3A_693 : f32 to vector<1x128xf32>
    %max3A_695 = arith.maximumf %add3A_692, %max3A_694 : vector<1x128xf32>
    %swap3A_696 = arith.constant 21 : index
    %swap3A_697 = arith.constant 0 : index
    %swap3A_698 = vector.load %arg13[%swap3A_696, %swap3A_697] : memref<64x128xf32, #tpu.memory_space<vmem>>, vector<1x128xf32>
    tpu.vector_store %arg13[%swap3A_696, %swap3A_697], %max3A_695 {strides = array<i32>} : memref<64x128xf32, #tpu.memory_space<vmem>>, vector<1x128xf32>,
    %get3A_699 = arith.constant 22 : index
    %get3A_700 = memref.load %arg4[%get3A_699] : memref<64xi32, #tpu.memory_space<smem>>
    %get3A_701 = arith.constant 0 : index
    %get3A_702 = arith.index_cast %get3A_700 : i32 to index
    %get3A_703 = arith.constant 0 : index
    %get3A_704 = vector.load %arg0[%get3A_701, %get3A_702, %get3A_703] : memref<2x10112x128xf32, #tpu.memory_space<vmem>>, vector<1x1x128xf32>
    %get3A_705 = vector.shape_cast %get3A_704 : vector<1x1x128xf32> to vector<1x128xf32>
    %get3A_706 = arith.constant 1 : index
    %get3A_707 = arith.index_cast %get3A_700 : i32 to index
    %get3A_708 = arith.constant 0 : index
    %get3A_709 = vector.load %arg0[%get3A_706, %get3A_707, %get3A_708] : memref<2x10112x128xf32, #tpu.memory_space<vmem>>, vector<1x1x128xf32>
    %get3A_710 = vector.shape_cast %get3A_709 : vector<1x1x128xf32> to vector<1x128xf32>
    %add3A_711 = arith.addf %get3A_705, %get3A_710 : vector<1x128xf32>
    %get3A_712 = arith.index_cast %get3A_700 : i32 to index
    %get3A_713 = arith.constant 0 : index
    %get3A_714 = vector.load %arg2[%get3A_712, %get3A_713] : memref<10000x1xf32, #tpu.memory_space<vmem>>, vector<1x1xf32>
    %mul3A_715 = vector.broadcast %get3A_714 : vector<1x1xf32> to vector<1x128xf32>
    %mul3A_716 = arith.mulf %mul3A_715, %add3A_711 : vector<1x128xf32>
    %get3A_717 = arith.index_cast %get3A_700 : i32 to index
    %get3A_718 = arith.constant 0 : index
    %get3A_719 = vector.load %arg1[%get3A_717, %get3A_718] : memref<10000x128xf32, #tpu.memory_space<vmem>>, vector<1x128xf32>
    %add3A_720 = arith.addf %mul3A_716, %get3A_719 : vector<1x128xf32>
    %get3A_721 = arith.constant 0 : index
    %get3A_722 = arith.constant 0 : index
    %get3A_723 = vector.load %arg3[%get3A_721, %get3A_722] : memref<1x128xf32, #tpu.memory_space<vmem>>, vector<1x128xf32>
    %add3A_724 = arith.addf %add3A_720, %get3A_723 : vector<1x128xf32>
    %max3A_725 = arith.constant 0.000000e+00 : f32
    %max3A_726 = vector.broadcast %max3A_725 : f32 to vector<1x128xf32>
    %max3A_727 = arith.maximumf %add3A_724, %max3A_726 : vector<1x128xf32>
    %swap3A_728 = arith.constant 22 : index
    %swap3A_729 = arith.constant 0 : index
    %swap3A_730 = vector.load %arg13[%swap3A_728, %swap3A_729] : memref<64x128xf32, #tpu.memory_space<vmem>>, vector<1x128xf32>
    tpu.vector_store %arg13[%swap3A_728, %swap3A_729], %max3A_727 {strides = array<i32>} : memref<64x128xf32, #tpu.memory_space<vmem>>, vector<1x128xf32>,
    %get3A_731 = arith.constant 23 : index
    %get3A_732 = memref.load %arg4[%get3A_731] : memref<64xi32, #tpu.memory_space<smem>>
    %get3A_733 = arith.constant 0 : index
    %get3A_734 = arith.index_cast %get3A_732 : i32 to index
    %get3A_735 = arith.constant 0 : index
    %get3A_736 = vector.load %arg0[%get3A_733, %get3A_734, %get3A_735] : memref<2x10112x128xf32, #tpu.memory_space<vmem>>, vector<1x1x128xf32>
    %get3A_737 = vector.shape_cast %get3A_736 : vector<1x1x128xf32> to vector<1x128xf32>
    %get3A_738 = arith.constant 1 : index
    %get3A_739 = arith.index_cast %get3A_732 : i32 to index
    %get3A_740 = arith.constant 0 : index
    %get3A_741 = vector.load %arg0[%get3A_738, %get3A_739, %get3A_740] : memref<2x10112x128xf32, #tpu.memory_space<vmem>>, vector<1x1x128xf32>
    %get3A_742 = vector.shape_cast %get3A_741 : vector<1x1x128xf32> to vector<1x128xf32>
    %add3A_743 = arith.addf %get3A_737, %get3A_742 : vector<1x128xf32>
    %get3A_744 = arith.index_cast %get3A_732 : i32 to index
    %get3A_745 = arith.constant 0 : index
    %get3A_746 = vector.load %arg2[%get3A_744, %get3A_745] : memref<10000x1xf32, #tpu.memory_space<vmem>>, vector<1x1xf32>
    %mul3A_747 = vector.broadcast %get3A_746 : vector<1x1xf32> to vector<1x128xf32>
    %mul3A_748 = arith.mulf %mul3A_747, %add3A_743 : vector<1x128xf32>
    %get3A_749 = arith.index_cast %get3A_732 : i32 to index
    %get3A_750 = arith.constant 0 : index
    %get3A_751 = vector.load %arg1[%get3A_749, %get3A_750] : memref<10000x128xf32, #tpu.memory_space<vmem>>, vector<1x128xf32>
    %add3A_752 = arith.addf %mul3A_748, %get3A_751 : vector<1x128xf32>
    %get3A_753 = arith.constant 0 : index
    %get3A_754 = arith.constant 0 : index
    %get3A_755 = vector.load %arg3[%get3A_753, %get3A_754] : memref<1x128xf32, #tpu.memory_space<vmem>>, vector<1x128xf32>
    %add3A_756 = arith.addf %add3A_752, %get3A_755 : vector<1x128xf32>
    %max3A_757 = arith.constant 0.000000e+00 : f32
    %max3A_758 = vector.broadcast %max3A_757 : f32 to vector<1x128xf32>
    %max3A_759 = arith.maximumf %add3A_756, %max3A_758 : vector<1x128xf32>
    %swap3A_760 = arith.constant 23 : index
    %swap3A_761 = arith.constant 0 : index
    %swap3A_762 = vector.load %arg13[%swap3A_760, %swap3A_761] : memref<64x128xf32, #tpu.memory_space<vmem>>, vector<1x128xf32>
    tpu.vector_store %arg13[%swap3A_760, %swap3A_761], %max3A_759 {strides = array<i32>} : memref<64x128xf32, #tpu.memory_space<vmem>>, vector<1x128xf32>,
    %get3A_763 = arith.constant 24 : index
    %get3A_764 = memref.load %arg4[%get3A_763] : memref<64xi32, #tpu.memory_space<smem>>
    %get3A_765 = arith.constant 0 : index
    %get3A_766 = arith.index_cast %get3A_764 : i32 to index
    %get3A_767 = arith.constant 0 : index
    %get3A_768 = vector.load %arg0[%get3A_765, %get3A_766, %get3A_767] : memref<2x10112x128xf32, #tpu.memory_space<vmem>>, vector<1x1x128xf32>
    %get3A_769 = vector.shape_cast %get3A_768 : vector<1x1x128xf32> to vector<1x128xf32>
    %get3A_770 = arith.constant 1 : index
    %get3A_771 = arith.index_cast %get3A_764 : i32 to index
    %get3A_772 = arith.constant 0 : index
    %get3A_773 = vector.load %arg0[%get3A_770, %get3A_771, %get3A_772] : memref<2x10112x128xf32, #tpu.memory_space<vmem>>, vector<1x1x128xf32>
    %get3A_774 = vector.shape_cast %get3A_773 : vector<1x1x128xf32> to vector<1x128xf32>
    %add3A_775 = arith.addf %get3A_769, %get3A_774 : vector<1x128xf32>
    %get3A_776 = arith.index_cast %get3A_764 : i32 to index
    %get3A_777 = arith.constant 0 : index
    %get3A_778 = vector.load %arg2[%get3A_776, %get3A_777] : memref<10000x1xf32, #tpu.memory_space<vmem>>, vector<1x1xf32>
    %mul3A_779 = vector.broadcast %get3A_778 : vector<1x1xf32> to vector<1x128xf32>
    %mul3A_780 = arith.mulf %mul3A_779, %add3A_775 : vector<1x128xf32>
    %get3A_781 = arith.index_cast %get3A_764 : i32 to index
    %get3A_782 = arith.constant 0 : index
    %get3A_783 = vector.load %arg1[%get3A_781, %get3A_782] : memref<10000x128xf32, #tpu.memory_space<vmem>>, vector<1x128xf32>
    %add3A_784 = arith.addf %mul3A_780, %get3A_783 : vector<1x128xf32>
    %get3A_785 = arith.constant 0 : index
    %get3A_786 = arith.constant 0 : index
    %get3A_787 = vector.load %arg3[%get3A_785, %get3A_786] : memref<1x128xf32, #tpu.memory_space<vmem>>, vector<1x128xf32>
    %add3A_788 = arith.addf %add3A_784, %get3A_787 : vector<1x128xf32>
    %max3A_789 = arith.constant 0.000000e+00 : f32
    %max3A_790 = vector.broadcast %max3A_789 : f32 to vector<1x128xf32>
    %max3A_791 = arith.maximumf %add3A_788, %max3A_790 : vector<1x128xf32>
    %swap3A_792 = arith.constant 24 : index
    %swap3A_793 = arith.constant 0 : index
    %swap3A_794 = vector.load %arg13[%swap3A_792, %swap3A_793] : memref<64x128xf32, #tpu.memory_space<vmem>>, vector<1x128xf32>
    tpu.vector_store %arg13[%swap3A_792, %swap3A_793], %max3A_791 {strides = array<i32>} : memref<64x128xf32, #tpu.memory_space<vmem>>, vector<1x128xf32>,
    %get3A_795 = arith.constant 25 : index
    %get3A_796 = memref.load %arg4[%get3A_795] : memref<64xi32, #tpu.memory_space<smem>>
    %get3A_797 = arith.constant 0 : index
    %get3A_798 = arith.index_cast %get3A_796 : i32 to index
    %get3A_799 = arith.constant 0 : index
    %get3A_800 = vector.load %arg0[%get3A_797, %get3A_798, %get3A_799] : memref<2x10112x128xf32, #tpu.memory_space<vmem>>, vector<1x1x128xf32>
    %get3A_801 = vector.shape_cast %get3A_800 : vector<1x1x128xf32> to vector<1x128xf32>
    %get3A_802 = arith.constant 1 : index
    %get3A_803 = arith.index_cast %get3A_796 : i32 to index
    %get3A_804 = arith.constant 0 : index
    %get3A_805 = vector.load %arg0[%get3A_802, %get3A_803, %get3A_804] : memref<2x10112x128xf32, #tpu.memory_space<vmem>>, vector<1x1x128xf32>
    %get3A_806 = vector.shape_cast %get3A_805 : vector<1x1x128xf32> to vector<1x128xf32>
    %add3A_807 = arith.addf %get3A_801, %get3A_806 : vector<1x128xf32>
    %get3A_808 = arith.index_cast %get3A_796 : i32 to index
    %get3A_809 = arith.constant 0 : index
    %get3A_810 = vector.load %arg2[%get3A_808, %get3A_809] : memref<10000x1xf32, #tpu.memory_space<vmem>>, vector<1x1xf32>
    %mul3A_811 = vector.broadcast %get3A_810 : vector<1x1xf32> to vector<1x128xf32>
    %mul3A_812 = arith.mulf %mul3A_811, %add3A_807 : vector<1x128xf32>
    %get3A_813 = arith.index_cast %get3A_796 : i32 to index
    %get3A_814 = arith.constant 0 : index
    %get3A_815 = vector.load %arg1[%get3A_813, %get3A_814] : memref<10000x128xf32, #tpu.memory_space<vmem>>, vector<1x128xf32>
    %add3A_816 = arith.addf %mul3A_812, %get3A_815 : vector<1x128xf32>
    %get3A_817 = arith.constant 0 : index
    %get3A_818 = arith.constant 0 : index
    %get3A_819 = vector.load %arg3[%get3A_817, %get3A_818] : memref<1x128xf32, #tpu.memory_space<vmem>>, vector<1x128xf32>
    %add3A_820 = arith.addf %add3A_816, %get3A_819 : vector<1x128xf32>
    %max3A_821 = arith.constant 0.000000e+00 : f32
    %max3A_822 = vector.broadcast %max3A_821 : f32 to vector<1x128xf32>
    %max3A_823 = arith.maximumf %add3A_820, %max3A_822 : vector<1x128xf32>
    %swap3A_824 = arith.constant 25 : index
    %swap3A_825 = arith.constant 0 : index
    %swap3A_826 = vector.load %arg13[%swap3A_824, %swap3A_825] : memref<64x128xf32, #tpu.memory_space<vmem>>, vector<1x128xf32>
    tpu.vector_store %arg13[%swap3A_824, %swap3A_825], %max3A_823 {strides = array<i32>} : memref<64x128xf32, #tpu.memory_space<vmem>>, vector<1x128xf32>,
    %get3A_827 = arith.constant 26 : index
    %get3A_828 = memref.load %arg4[%get3A_827] : memref<64xi32, #tpu.memory_space<smem>>
    %get3A_829 = arith.constant 0 : index
    %get3A_830 = arith.index_cast %get3A_828 : i32 to index
    %get3A_831 = arith.constant 0 : index
    %get3A_832 = vector.load %arg0[%get3A_829, %get3A_830, %get3A_831] : memref<2x10112x128xf32, #tpu.memory_space<vmem>>, vector<1x1x128xf32>
    %get3A_833 = vector.shape_cast %get3A_832 : vector<1x1x128xf32> to vector<1x128xf32>
    %get3A_834 = arith.constant 1 : index
    %get3A_835 = arith.index_cast %get3A_828 : i32 to index
    %get3A_836 = arith.constant 0 : index
    %get3A_837 = vector.load %arg0[%get3A_834, %get3A_835, %get3A_836] : memref<2x10112x128xf32, #tpu.memory_space<vmem>>, vector<1x1x128xf32>
    %get3A_838 = vector.shape_cast %get3A_837 : vector<1x1x128xf32> to vector<1x128xf32>
    %add3A_839 = arith.addf %get3A_833, %get3A_838 : vector<1x128xf32>
    %get3A_840 = arith.index_cast %get3A_828 : i32 to index
    %get3A_841 = arith.constant 0 : index
    %get3A_842 = vector.load %arg2[%get3A_840, %get3A_841] : memref<10000x1xf32, #tpu.memory_space<vmem>>, vector<1x1xf32>
    %mul3A_843 = vector.broadcast %get3A_842 : vector<1x1xf32> to vector<1x128xf32>
    %mul3A_844 = arith.mulf %mul3A_843, %add3A_839 : vector<1x128xf32>
    %get3A_845 = arith.index_cast %get3A_828 : i32 to index
    %get3A_846 = arith.constant 0 : index
    %get3A_847 = vector.load %arg1[%get3A_845, %get3A_846] : memref<10000x128xf32, #tpu.memory_space<vmem>>, vector<1x128xf32>
    %add3A_848 = arith.addf %mul3A_844, %get3A_847 : vector<1x128xf32>
    %get3A_849 = arith.constant 0 : index
    %get3A_850 = arith.constant 0 : index
    %get3A_851 = vector.load %arg3[%get3A_849, %get3A_850] : memref<1x128xf32, #tpu.memory_space<vmem>>, vector<1x128xf32>
    %add3A_852 = arith.addf %add3A_848, %get3A_851 : vector<1x128xf32>
    %max3A_853 = arith.constant 0.000000e+00 : f32
    %max3A_854 = vector.broadcast %max3A_853 : f32 to vector<1x128xf32>
    %max3A_855 = arith.maximumf %add3A_852, %max3A_854 : vector<1x128xf32>
    %swap3A_856 = arith.constant 26 : index
    %swap3A_857 = arith.constant 0 : index
    %swap3A_858 = vector.load %arg13[%swap3A_856, %swap3A_857] : memref<64x128xf32, #tpu.memory_space<vmem>>, vector<1x128xf32>
    tpu.vector_store %arg13[%swap3A_856, %swap3A_857], %max3A_855 {strides = array<i32>} : memref<64x128xf32, #tpu.memory_space<vmem>>, vector<1x128xf32>,
    %get3A_859 = arith.constant 27 : index
    %get3A_860 = memref.load %arg4[%get3A_859] : memref<64xi32, #tpu.memory_space<smem>>
    %get3A_861 = arith.constant 0 : index
    %get3A_862 = arith.index_cast %get3A_860 : i32 to index
    %get3A_863 = arith.constant 0 : index
    %get3A_864 = vector.load %arg0[%get3A_861, %get3A_862, %get3A_863] : memref<2x10112x128xf32, #tpu.memory_space<vmem>>, vector<1x1x128xf32>
    %get3A_865 = vector.shape_cast %get3A_864 : vector<1x1x128xf32> to vector<1x128xf32>
    %get3A_866 = arith.constant 1 : index
    %get3A_867 = arith.index_cast %get3A_860 : i32 to index
    %get3A_868 = arith.constant 0 : index
    %get3A_869 = vector.load %arg0[%get3A_866, %get3A_867, %get3A_868] : memref<2x10112x128xf32, #tpu.memory_space<vmem>>, vector<1x1x128xf32>
    %get3A_870 = vector.shape_cast %get3A_869 : vector<1x1x128xf32> to vector<1x128xf32>
    %add3A_871 = arith.addf %get3A_865, %get3A_870 : vector<1x128xf32>
    %get3A_872 = arith.index_cast %get3A_860 : i32 to index
    %get3A_873 = arith.constant 0 : index
    %get3A_874 = vector.load %arg2[%get3A_872, %get3A_873] : memref<10000x1xf32, #tpu.memory_space<vmem>>, vector<1x1xf32>
    %mul3A_875 = vector.broadcast %get3A_874 : vector<1x1xf32> to vector<1x128xf32>
    %mul3A_876 = arith.mulf %mul3A_875, %add3A_871 : vector<1x128xf32>
    %get3A_877 = arith.index_cast %get3A_860 : i32 to index
    %get3A_878 = arith.constant 0 : index
    %get3A_879 = vector.load %arg1[%get3A_877, %get3A_878] : memref<10000x128xf32, #tpu.memory_space<vmem>>, vector<1x128xf32>
    %add3A_880 = arith.addf %mul3A_876, %get3A_879 : vector<1x128xf32>
    %get3A_881 = arith.constant 0 : index
    %get3A_882 = arith.constant 0 : index
    %get3A_883 = vector.load %arg3[%get3A_881, %get3A_882] : memref<1x128xf32, #tpu.memory_space<vmem>>, vector<1x128xf32>
    %add3A_884 = arith.addf %add3A_880, %get3A_883 : vector<1x128xf32>
    %max3A_885 = arith.constant 0.000000e+00 : f32
    %max3A_886 = vector.broadcast %max3A_885 : f32 to vector<1x128xf32>
    %max3A_887 = arith.maximumf %add3A_884, %max3A_886 : vector<1x128xf32>
    %swap3A_888 = arith.constant 27 : index
    %swap3A_889 = arith.constant 0 : index
    %swap3A_890 = vector.load %arg13[%swap3A_888, %swap3A_889] : memref<64x128xf32, #tpu.memory_space<vmem>>, vector<1x128xf32>
    tpu.vector_store %arg13[%swap3A_888, %swap3A_889], %max3A_887 {strides = array<i32>} : memref<64x128xf32, #tpu.memory_space<vmem>>, vector<1x128xf32>,
    %get3A_891 = arith.constant 28 : index
    %get3A_892 = memref.load %arg4[%get3A_891] : memref<64xi32, #tpu.memory_space<smem>>
    %get3A_893 = arith.constant 0 : index
    %get3A_894 = arith.index_cast %get3A_892 : i32 to index
    %get3A_895 = arith.constant 0 : index
    %get3A_896 = vector.load %arg0[%get3A_893, %get3A_894, %get3A_895] : memref<2x10112x128xf32, #tpu.memory_space<vmem>>, vector<1x1x128xf32>
    %get3A_897 = vector.shape_cast %get3A_896 : vector<1x1x128xf32> to vector<1x128xf32>
    %get3A_898 = arith.constant 1 : index
    %get3A_899 = arith.index_cast %get3A_892 : i32 to index
    %get3A_900 = arith.constant 0 : index
    %get3A_901 = vector.load %arg0[%get3A_898, %get3A_899, %get3A_900] : memref<2x10112x128xf32, #tpu.memory_space<vmem>>, vector<1x1x128xf32>
    %get3A_902 = vector.shape_cast %get3A_901 : vector<1x1x128xf32> to vector<1x128xf32>
    %add3A_903 = arith.addf %get3A_897, %get3A_902 : vector<1x128xf32>
    %get3A_904 = arith.index_cast %get3A_892 : i32 to index
    %get3A_905 = arith.constant 0 : index
    %get3A_906 = vector.load %arg2[%get3A_904, %get3A_905] : memref<10000x1xf32, #tpu.memory_space<vmem>>, vector<1x1xf32>
    %mul3A_907 = vector.broadcast %get3A_906 : vector<1x1xf32> to vector<1x128xf32>
    %mul3A_908 = arith.mulf %mul3A_907, %add3A_903 : vector<1x128xf32>
    %get3A_909 = arith.index_cast %get3A_892 : i32 to index
    %get3A_910 = arith.constant 0 : index
    %get3A_911 = vector.load %arg1[%get3A_909, %get3A_910] : memref<10000x128xf32, #tpu.memory_space<vmem>>, vector<1x128xf32>
    %add3A_912 = arith.addf %mul3A_908, %get3A_911 : vector<1x128xf32>
    %get3A_913 = arith.constant 0 : index
    %get3A_914 = arith.constant 0 : index
    %get3A_915 = vector.load %arg3[%get3A_913, %get3A_914] : memref<1x128xf32, #tpu.memory_space<vmem>>, vector<1x128xf32>
    %add3A_916 = arith.addf %add3A_912, %get3A_915 : vector<1x128xf32>
    %max3A_917 = arith.constant 0.000000e+00 : f32
    %max3A_918 = vector.broadcast %max3A_917 : f32 to vector<1x128xf32>
    %max3A_919 = arith.maximumf %add3A_916, %max3A_918 : vector<1x128xf32>
    %swap3A_920 = arith.constant 28 : index
    %swap3A_921 = arith.constant 0 : index
    %swap3A_922 = vector.load %arg13[%swap3A_920, %swap3A_921] : memref<64x128xf32, #tpu.memory_space<vmem>>, vector<1x128xf32>
    tpu.vector_store %arg13[%swap3A_920, %swap3A_921], %max3A_919 {strides = array<i32>} : memref<64x128xf32, #tpu.memory_space<vmem>>, vector<1x128xf32>,
    %get3A_923 = arith.constant 29 : index
    %get3A_924 = memref.load %arg4[%get3A_923] : memref<64xi32, #tpu.memory_space<smem>>
    %get3A_925 = arith.constant 0 : index
    %get3A_926 = arith.index_cast %get3A_924 : i32 to index
    %get3A_927 = arith.constant 0 : index
    %get3A_928 = vector.load %arg0[%get3A_925, %get3A_926, %get3A_927] : memref<2x10112x128xf32, #tpu.memory_space<vmem>>, vector<1x1x128xf32>
    %get3A_929 = vector.shape_cast %get3A_928 : vector<1x1x128xf32> to vector<1x128xf32>
    %get3A_930 = arith.constant 1 : index
    %get3A_931 = arith.index_cast %get3A_924 : i32 to index
    %get3A_932 = arith.constant 0 : index
    %get3A_933 = vector.load %arg0[%get3A_930, %get3A_931, %get3A_932] : memref<2x10112x128xf32, #tpu.memory_space<vmem>>, vector<1x1x128xf32>
    %get3A_934 = vector.shape_cast %get3A_933 : vector<1x1x128xf32> to vector<1x128xf32>
    %add3A_935 = arith.addf %get3A_929, %get3A_934 : vector<1x128xf32>
    %get3A_936 = arith.index_cast %get3A_924 : i32 to index
    %get3A_937 = arith.constant 0 : index
    %get3A_938 = vector.load %arg2[%get3A_936, %get3A_937] : memref<10000x1xf32, #tpu.memory_space<vmem>>, vector<1x1xf32>
    %mul3A_939 = vector.broadcast %get3A_938 : vector<1x1xf32> to vector<1x128xf32>
    %mul3A_940 = arith.mulf %mul3A_939, %add3A_935 : vector<1x128xf32>
    %get3A_941 = arith.index_cast %get3A_924 : i32 to index
    %get3A_942 = arith.constant 0 : index
    %get3A_943 = vector.load %arg1[%get3A_941, %get3A_942] : memref<10000x128xf32, #tpu.memory_space<vmem>>, vector<1x128xf32>
    %add3A_944 = arith.addf %mul3A_940, %get3A_943 : vector<1x128xf32>
    %get3A_945 = arith.constant 0 : index
    %get3A_946 = arith.constant 0 : index
    %get3A_947 = vector.load %arg3[%get3A_945, %get3A_946] : memref<1x128xf32, #tpu.memory_space<vmem>>, vector<1x128xf32>
    %add3A_948 = arith.addf %add3A_944, %get3A_947 : vector<1x128xf32>
    %max3A_949 = arith.constant 0.000000e+00 : f32
    %max3A_950 = vector.broadcast %max3A_949 : f32 to vector<1x128xf32>
    %max3A_951 = arith.maximumf %add3A_948, %max3A_950 : vector<1x128xf32>
    %swap3A_952 = arith.constant 29 : index
    %swap3A_953 = arith.constant 0 : index
    %swap3A_954 = vector.load %arg13[%swap3A_952, %swap3A_953] : memref<64x128xf32, #tpu.memory_space<vmem>>, vector<1x128xf32>
    tpu.vector_store %arg13[%swap3A_952, %swap3A_953], %max3A_951 {strides = array<i32>} : memref<64x128xf32, #tpu.memory_space<vmem>>, vector<1x128xf32>,
    %get3A_955 = arith.constant 30 : index
    %get3A_956 = memref.load %arg4[%get3A_955] : memref<64xi32, #tpu.memory_space<smem>>
    %get3A_957 = arith.constant 0 : index
    %get3A_958 = arith.index_cast %get3A_956 : i32 to index
    %get3A_959 = arith.constant 0 : index
    %get3A_960 = vector.load %arg0[%get3A_957, %get3A_958, %get3A_959] : memref<2x10112x128xf32, #tpu.memory_space<vmem>>, vector<1x1x128xf32>
    %get3A_961 = vector.shape_cast %get3A_960 : vector<1x1x128xf32> to vector<1x128xf32>
    %get3A_962 = arith.constant 1 : index
    %get3A_963 = arith.index_cast %get3A_956 : i32 to index
    %get3A_964 = arith.constant 0 : index
    %get3A_965 = vector.load %arg0[%get3A_962, %get3A_963, %get3A_964] : memref<2x10112x128xf32, #tpu.memory_space<vmem>>, vector<1x1x128xf32>
    %get3A_966 = vector.shape_cast %get3A_965 : vector<1x1x128xf32> to vector<1x128xf32>
    %add3A_967 = arith.addf %get3A_961, %get3A_966 : vector<1x128xf32>
    %get3A_968 = arith.index_cast %get3A_956 : i32 to index
    %get3A_969 = arith.constant 0 : index
    %get3A_970 = vector.load %arg2[%get3A_968, %get3A_969] : memref<10000x1xf32, #tpu.memory_space<vmem>>, vector<1x1xf32>
    %mul3A_971 = vector.broadcast %get3A_970 : vector<1x1xf32> to vector<1x128xf32>
    %mul3A_972 = arith.mulf %mul3A_971, %add3A_967 : vector<1x128xf32>
    %get3A_973 = arith.index_cast %get3A_956 : i32 to index
    %get3A_974 = arith.constant 0 : index
    %get3A_975 = vector.load %arg1[%get3A_973, %get3A_974] : memref<10000x128xf32, #tpu.memory_space<vmem>>, vector<1x128xf32>
    %add3A_976 = arith.addf %mul3A_972, %get3A_975 : vector<1x128xf32>
    %get3A_977 = arith.constant 0 : index
    %get3A_978 = arith.constant 0 : index
    %get3A_979 = vector.load %arg3[%get3A_977, %get3A_978] : memref<1x128xf32, #tpu.memory_space<vmem>>, vector<1x128xf32>
    %add3A_980 = arith.addf %add3A_976, %get3A_979 : vector<1x128xf32>
    %max3A_981 = arith.constant 0.000000e+00 : f32
    %max3A_982 = vector.broadcast %max3A_981 : f32 to vector<1x128xf32>
    %max3A_983 = arith.maximumf %add3A_980, %max3A_982 : vector<1x128xf32>
    %swap3A_984 = arith.constant 30 : index
    %swap3A_985 = arith.constant 0 : index
    %swap3A_986 = vector.load %arg13[%swap3A_984, %swap3A_985] : memref<64x128xf32, #tpu.memory_space<vmem>>, vector<1x128xf32>
    tpu.vector_store %arg13[%swap3A_984, %swap3A_985], %max3A_983 {strides = array<i32>} : memref<64x128xf32, #tpu.memory_space<vmem>>, vector<1x128xf32>,
    %get3A_987 = arith.constant 31 : index
    %get3A_988 = memref.load %arg4[%get3A_987] : memref<64xi32, #tpu.memory_space<smem>>
    %get3A_989 = arith.constant 0 : index
    %get3A_990 = arith.index_cast %get3A_988 : i32 to index
    %get3A_991 = arith.constant 0 : index
    %get3A_992 = vector.load %arg0[%get3A_989, %get3A_990, %get3A_991] : memref<2x10112x128xf32, #tpu.memory_space<vmem>>, vector<1x1x128xf32>
    %get3A_993 = vector.shape_cast %get3A_992 : vector<1x1x128xf32> to vector<1x128xf32>
    %get3A_994 = arith.constant 1 : index
    %get3A_995 = arith.index_cast %get3A_988 : i32 to index
    %get3A_996 = arith.constant 0 : index
    %get3A_997 = vector.load %arg0[%get3A_994, %get3A_995, %get3A_996] : memref<2x10112x128xf32, #tpu.memory_space<vmem>>, vector<1x1x128xf32>
    %get3A_998 = vector.shape_cast %get3A_997 : vector<1x1x128xf32> to vector<1x128xf32>
    %add3A_999 = arith.addf %get3A_993, %get3A_998 : vector<1x128xf32>
    %get3A_1000 = arith.index_cast %get3A_988 : i32 to index
    %get3A_1001 = arith.constant 0 : index
    %get3A_1002 = vector.load %arg2[%get3A_1000, %get3A_1001] : memref<10000x1xf32, #tpu.memory_space<vmem>>, vector<1x1xf32>
    %mul3A_1003 = vector.broadcast %get3A_1002 : vector<1x1xf32> to vector<1x128xf32>
    %mul3A_1004 = arith.mulf %mul3A_1003, %add3A_999 : vector<1x128xf32>
    %get3A_1005 = arith.index_cast %get3A_988 : i32 to index
    %get3A_1006 = arith.constant 0 : index
    %get3A_1007 = vector.load %arg1[%get3A_1005, %get3A_1006] : memref<10000x128xf32, #tpu.memory_space<vmem>>, vector<1x128xf32>
    %add3A_1008 = arith.addf %mul3A_1004, %get3A_1007 : vector<1x128xf32>
    %get3A_1009 = arith.constant 0 : index
    %get3A_1010 = arith.constant 0 : index
    %get3A_1011 = vector.load %arg3[%get3A_1009, %get3A_1010] : memref<1x128xf32, #tpu.memory_space<vmem>>, vector<1x128xf32>
    %add3A_1012 = arith.addf %add3A_1008, %get3A_1011 : vector<1x128xf32>
    %max3A_1013 = arith.constant 0.000000e+00 : f32
    %max3A_1014 = vector.broadcast %max3A_1013 : f32 to vector<1x128xf32>
    %max3A_1015 = arith.maximumf %add3A_1012, %max3A_1014 : vector<1x128xf32>
    %swap3A_1016 = arith.constant 31 : index
    %swap3A_1017 = arith.constant 0 : index
    %swap3A_1018 = vector.load %arg13[%swap3A_1016, %swap3A_1017] : memref<64x128xf32, #tpu.memory_space<vmem>>, vector<1x128xf32>
    tpu.vector_store %arg13[%swap3A_1016, %swap3A_1017], %max3A_1015 {strides = array<i32>} : memref<64x128xf32, #tpu.memory_space<vmem>>, vector<1x128xf32>,
    %get3A_1019 = arith.constant 32 : index
    %get3A_1020 = memref.load %arg4[%get3A_1019] : memref<64xi32, #tpu.memory_space<smem>>
    %get3A_1021 = arith.constant 0 : index
    %get3A_1022 = arith.index_cast %get3A_1020 : i32 to index
    %get3A_1023 = arith.constant 0 : index
    %get3A_1024 = vector.load %arg0[%get3A_1021, %get3A_1022, %get3A_1023] : memref<2x10112x128xf32, #tpu.memory_space<vmem>>, vector<1x1x128xf32>
    %get3A_1025 = vector.shape_cast %get3A_1024 : vector<1x1x128xf32> to vector<1x128xf32>
    %get3A_1026 = arith.constant 1 : index
    %get3A_1027 = arith.index_cast %get3A_1020 : i32 to index
    %get3A_1028 = arith.constant 0 : index
    %get3A_1029 = vector.load %arg0[%get3A_1026, %get3A_1027, %get3A_1028] : memref<2x10112x128xf32, #tpu.memory_space<vmem>>, vector<1x1x128xf32>
    %get3A_1030 = vector.shape_cast %get3A_1029 : vector<1x1x128xf32> to vector<1x128xf32>
    %add3A_1031 = arith.addf %get3A_1025, %get3A_1030 : vector<1x128xf32>
    %get3A_1032 = arith.index_cast %get3A_1020 : i32 to index
    %get3A_1033 = arith.constant 0 : index
    %get3A_1034 = vector.load %arg2[%get3A_1032, %get3A_1033] : memref<10000x1xf32, #tpu.memory_space<vmem>>, vector<1x1xf32>
    %mul3A_1035 = vector.broadcast %get3A_1034 : vector<1x1xf32> to vector<1x128xf32>
    %mul3A_1036 = arith.mulf %mul3A_1035, %add3A_1031 : vector<1x128xf32>
    %get3A_1037 = arith.index_cast %get3A_1020 : i32 to index
    %get3A_1038 = arith.constant 0 : index
    %get3A_1039 = vector.load %arg1[%get3A_1037, %get3A_1038] : memref<10000x128xf32, #tpu.memory_space<vmem>>, vector<1x128xf32>
    %add3A_1040 = arith.addf %mul3A_1036, %get3A_1039 : vector<1x128xf32>
    %get3A_1041 = arith.constant 0 : index
    %get3A_1042 = arith.constant 0 : index
    %get3A_1043 = vector.load %arg3[%get3A_1041, %get3A_1042] : memref<1x128xf32, #tpu.memory_space<vmem>>, vector<1x128xf32>
    %add3A_1044 = arith.addf %add3A_1040, %get3A_1043 : vector<1x128xf32>
    %max3A_1045 = arith.constant 0.000000e+00 : f32
    %max3A_1046 = vector.broadcast %max3A_1045 : f32 to vector<1x128xf32>
    %max3A_1047 = arith.maximumf %add3A_1044, %max3A_1046 : vector<1x128xf32>
    %swap3A_1048 = arith.constant 32 : index
    %swap3A_1049 = arith.constant 0 : index
    %swap3A_1050 = vector.load %arg13[%swap3A_1048, %swap3A_1049] : memref<64x128xf32, #tpu.memory_space<vmem>>, vector<1x128xf32>
    tpu.vector_store %arg13[%swap3A_1048, %swap3A_1049], %max3A_1047 {strides = array<i32>} : memref<64x128xf32, #tpu.memory_space<vmem>>, vector<1x128xf32>,
    %get3A_1051 = arith.constant 33 : index
    %get3A_1052 = memref.load %arg4[%get3A_1051] : memref<64xi32, #tpu.memory_space<smem>>
    %get3A_1053 = arith.constant 0 : index
    %get3A_1054 = arith.index_cast %get3A_1052 : i32 to index
    %get3A_1055 = arith.constant 0 : index
    %get3A_1056 = vector.load %arg0[%get3A_1053, %get3A_1054, %get3A_1055] : memref<2x10112x128xf32, #tpu.memory_space<vmem>>, vector<1x1x128xf32>
    %get3A_1057 = vector.shape_cast %get3A_1056 : vector<1x1x128xf32> to vector<1x128xf32>
    %get3A_1058 = arith.constant 1 : index
    %get3A_1059 = arith.index_cast %get3A_1052 : i32 to index
    %get3A_1060 = arith.constant 0 : index
    %get3A_1061 = vector.load %arg0[%get3A_1058, %get3A_1059, %get3A_1060] : memref<2x10112x128xf32, #tpu.memory_space<vmem>>, vector<1x1x128xf32>
    %get3A_1062 = vector.shape_cast %get3A_1061 : vector<1x1x128xf32> to vector<1x128xf32>
    %add3A_1063 = arith.addf %get3A_1057, %get3A_1062 : vector<1x128xf32>
    %get3A_1064 = arith.index_cast %get3A_1052 : i32 to index
    %get3A_1065 = arith.constant 0 : index
    %get3A_1066 = vector.load %arg2[%get3A_1064, %get3A_1065] : memref<10000x1xf32, #tpu.memory_space<vmem>>, vector<1x1xf32>
    %mul3A_1067 = vector.broadcast %get3A_1066 : vector<1x1xf32> to vector<1x128xf32>
    %mul3A_1068 = arith.mulf %mul3A_1067, %add3A_1063 : vector<1x128xf32>
    %get3A_1069 = arith.index_cast %get3A_1052 : i32 to index
    %get3A_1070 = arith.constant 0 : index
    %get3A_1071 = vector.load %arg1[%get3A_1069, %get3A_1070] : memref<10000x128xf32, #tpu.memory_space<vmem>>, vector<1x128xf32>
    %add3A_1072 = arith.addf %mul3A_1068, %get3A_1071 : vector<1x128xf32>
    %get3A_1073 = arith.constant 0 : index
    %get3A_1074 = arith.constant 0 : index
    %get3A_1075 = vector.load %arg3[%get3A_1073, %get3A_1074] : memref<1x128xf32, #tpu.memory_space<vmem>>, vector<1x128xf32>
    %add3A_1076 = arith.addf %add3A_1072, %get3A_1075 : vector<1x128xf32>
    %max3A_1077 = arith.constant 0.000000e+00 : f32
    %max3A_1078 = vector.broadcast %max3A_1077 : f32 to vector<1x128xf32>
    %max3A_1079 = arith.maximumf %add3A_1076, %max3A_1078 : vector<1x128xf32>
    %swap3A_1080 = arith.constant 33 : index
    %swap3A_1081 = arith.constant 0 : index
    %swap3A_1082 = vector.load %arg13[%swap3A_1080, %swap3A_1081] : memref<64x128xf32, #tpu.memory_space<vmem>>, vector<1x128xf32>
    tpu.vector_store %arg13[%swap3A_1080, %swap3A_1081], %max3A_1079 {strides = array<i32>} : memref<64x128xf32, #tpu.memory_space<vmem>>, vector<1x128xf32>,
    %get3A_1083 = arith.constant 34 : index
    %get3A_1084 = memref.load %arg4[%get3A_1083] : memref<64xi32, #tpu.memory_space<smem>>
    %get3A_1085 = arith.constant 0 : index
    %get3A_1086 = arith.index_cast %get3A_1084 : i32 to index
    %get3A_1087 = arith.constant 0 : index
    %get3A_1088 = vector.load %arg0[%get3A_1085, %get3A_1086, %get3A_1087] : memref<2x10112x128xf32, #tpu.memory_space<vmem>>, vector<1x1x128xf32>
    %get3A_1089 = vector.shape_cast %get3A_1088 : vector<1x1x128xf32> to vector<1x128xf32>
    %get3A_1090 = arith.constant 1 : index
    %get3A_1091 = arith.index_cast %get3A_1084 : i32 to index
    %get3A_1092 = arith.constant 0 : index
    %get3A_1093 = vector.load %arg0[%get3A_1090, %get3A_1091, %get3A_1092] : memref<2x10112x128xf32, #tpu.memory_space<vmem>>, vector<1x1x128xf32>
    %get3A_1094 = vector.shape_cast %get3A_1093 : vector<1x1x128xf32> to vector<1x128xf32>
    %add3A_1095 = arith.addf %get3A_1089, %get3A_1094 : vector<1x128xf32>
    %get3A_1096 = arith.index_cast %get3A_1084 : i32 to index
    %get3A_1097 = arith.constant 0 : index
    %get3A_1098 = vector.load %arg2[%get3A_1096, %get3A_1097] : memref<10000x1xf32, #tpu.memory_space<vmem>>, vector<1x1xf32>
    %mul3A_1099 = vector.broadcast %get3A_1098 : vector<1x1xf32> to vector<1x128xf32>
    %mul3A_1100 = arith.mulf %mul3A_1099, %add3A_1095 : vector<1x128xf32>
    %get3A_1101 = arith.index_cast %get3A_1084 : i32 to index
    %get3A_1102 = arith.constant 0 : index
    %get3A_1103 = vector.load %arg1[%get3A_1101, %get3A_1102] : memref<10000x128xf32, #tpu.memory_space<vmem>>, vector<1x128xf32>
    %add3A_1104 = arith.addf %mul3A_1100, %get3A_1103 : vector<1x128xf32>
    %get3A_1105 = arith.constant 0 : index
    %get3A_1106 = arith.constant 0 : index
    %get3A_1107 = vector.load %arg3[%get3A_1105, %get3A_1106] : memref<1x128xf32, #tpu.memory_space<vmem>>, vector<1x128xf32>
    %add3A_1108 = arith.addf %add3A_1104, %get3A_1107 : vector<1x128xf32>
    %max3A_1109 = arith.constant 0.000000e+00 : f32
    %max3A_1110 = vector.broadcast %max3A_1109 : f32 to vector<1x128xf32>
    %max3A_1111 = arith.maximumf %add3A_1108, %max3A_1110 : vector<1x128xf32>
    %swap3A_1112 = arith.constant 34 : index
    %swap3A_1113 = arith.constant 0 : index
    %swap3A_1114 = vector.load %arg13[%swap3A_1112, %swap3A_1113] : memref<64x128xf32, #tpu.memory_space<vmem>>, vector<1x128xf32>
    tpu.vector_store %arg13[%swap3A_1112, %swap3A_1113], %max3A_1111 {strides = array<i32>} : memref<64x128xf32, #tpu.memory_space<vmem>>, vector<1x128xf32>,
    %get3A_1115 = arith.constant 35 : index
    %get3A_1116 = memref.load %arg4[%get3A_1115] : memref<64xi32, #tpu.memory_space<smem>>
    %get3A_1117 = arith.constant 0 : index
    %get3A_1118 = arith.index_cast %get3A_1116 : i32 to index
    %get3A_1119 = arith.constant 0 : index
    %get3A_1120 = vector.load %arg0[%get3A_1117, %get3A_1118, %get3A_1119] : memref<2x10112x128xf32, #tpu.memory_space<vmem>>, vector<1x1x128xf32>
    %get3A_1121 = vector.shape_cast %get3A_1120 : vector<1x1x128xf32> to vector<1x128xf32>
    %get3A_1122 = arith.constant 1 : index
    %get3A_1123 = arith.index_cast %get3A_1116 : i32 to index
    %get3A_1124 = arith.constant 0 : index
    %get3A_1125 = vector.load %arg0[%get3A_1122, %get3A_1123, %get3A_1124] : memref<2x10112x128xf32, #tpu.memory_space<vmem>>, vector<1x1x128xf32>
    %get3A_1126 = vector.shape_cast %get3A_1125 : vector<1x1x128xf32> to vector<1x128xf32>
    %add3A_1127 = arith.addf %get3A_1121, %get3A_1126 : vector<1x128xf32>
    %get3A_1128 = arith.index_cast %get3A_1116 : i32 to index
    %get3A_1129 = arith.constant 0 : index
    %get3A_1130 = vector.load %arg2[%get3A_1128, %get3A_1129] : memref<10000x1xf32, #tpu.memory_space<vmem>>, vector<1x1xf32>
    %mul3A_1131 = vector.broadcast %get3A_1130 : vector<1x1xf32> to vector<1x128xf32>
    %mul3A_1132 = arith.mulf %mul3A_1131, %add3A_1127 : vector<1x128xf32>
    %get3A_1133 = arith.index_cast %get3A_1116 : i32 to index
    %get3A_1134 = arith.constant 0 : index
    %get3A_1135 = vector.load %arg1[%get3A_1133, %get3A_1134] : memref<10000x128xf32, #tpu.memory_space<vmem>>, vector<1x128xf32>
    %add3A_1136 = arith.addf %mul3A_1132, %get3A_1135 : vector<1x128xf32>
    %get3A_1137 = arith.constant 0 : index
    %get3A_1138 = arith.constant 0 : index
    %get3A_1139 = vector.load %arg3[%get3A_1137, %get3A_1138] : memref<1x128xf32, #tpu.memory_space<vmem>>, vector<1x128xf32>
    %add3A_1140 = arith.addf %add3A_1136, %get3A_1139 : vector<1x128xf32>
    %max3A_1141 = arith.constant 0.000000e+00 : f32
    %max3A_1142 = vector.broadcast %max3A_1141 : f32 to vector<1x128xf32>
    %max3A_1143 = arith.maximumf %add3A_1140, %max3A_1142 : vector<1x128xf32>
    %swap3A_1144 = arith.constant 35 : index
    %swap3A_1145 = arith.constant 0 : index
    %swap3A_1146 = vector.load %arg13[%swap3A_1144, %swap3A_1145] : memref<64x128xf32, #tpu.memory_space<vmem>>, vector<1x128xf32>
    tpu.vector_store %arg13[%swap3A_1144, %swap3A_1145], %max3A_1143 {strides = array<i32>} : memref<64x128xf32, #tpu.memory_space<vmem>>, vector<1x128xf32>,
    %get3A_1147 = arith.constant 36 : index
    %get3A_1148 = memref.load %arg4[%get3A_1147] : memref<64xi32, #tpu.memory_space<smem>>
    %get3A_1149 = arith.constant 0 : index
    %get3A_1150 = arith.index_cast %get3A_1148 : i32 to index
    %get3A_1151 = arith.constant 0 : index
    %get3A_1152 = vector.load %arg0[%get3A_1149, %get3A_1150, %get3A_1151] : memref<2x10112x128xf32, #tpu.memory_space<vmem>>, vector<1x1x128xf32>
    %get3A_1153 = vector.shape_cast %get3A_1152 : vector<1x1x128xf32> to vector<1x128xf32>
    %get3A_1154 = arith.constant 1 : index
    %get3A_1155 = arith.index_cast %get3A_1148 : i32 to index
    %get3A_1156 = arith.constant 0 : index
    %get3A_1157 = vector.load %arg0[%get3A_1154, %get3A_1155, %get3A_1156] : memref<2x10112x128xf32, #tpu.memory_space<vmem>>, vector<1x1x128xf32>
    %get3A_1158 = vector.shape_cast %get3A_1157 : vector<1x1x128xf32> to vector<1x128xf32>
    %add3A_1159 = arith.addf %get3A_1153, %get3A_1158 : vector<1x128xf32>
    %get3A_1160 = arith.index_cast %get3A_1148 : i32 to index
    %get3A_1161 = arith.constant 0 : index
    %get3A_1162 = vector.load %arg2[%get3A_1160, %get3A_1161] : memref<10000x1xf32, #tpu.memory_space<vmem>>, vector<1x1xf32>
    %mul3A_1163 = vector.broadcast %get3A_1162 : vector<1x1xf32> to vector<1x128xf32>
    %mul3A_1164 = arith.mulf %mul3A_1163, %add3A_1159 : vector<1x128xf32>
    %get3A_1165 = arith.index_cast %get3A_1148 : i32 to index
    %get3A_1166 = arith.constant 0 : index
    %get3A_1167 = vector.load %arg1[%get3A_1165, %get3A_1166] : memref<10000x128xf32, #tpu.memory_space<vmem>>, vector<1x128xf32>
    %add3A_1168 = arith.addf %mul3A_1164, %get3A_1167 : vector<1x128xf32>
    %get3A_1169 = arith.constant 0 : index
    %get3A_1170 = arith.constant 0 : index
    %get3A_1171 = vector.load %arg3[%get3A_1169, %get3A_1170] : memref<1x128xf32, #tpu.memory_space<vmem>>, vector<1x128xf32>
    %add3A_1172 = arith.addf %add3A_1168, %get3A_1171 : vector<1x128xf32>
    %max3A_1173 = arith.constant 0.000000e+00 : f32
    %max3A_1174 = vector.broadcast %max3A_1173 : f32 to vector<1x128xf32>
    %max3A_1175 = arith.maximumf %add3A_1172, %max3A_1174 : vector<1x128xf32>
    %swap3A_1176 = arith.constant 36 : index
    %swap3A_1177 = arith.constant 0 : index
    %swap3A_1178 = vector.load %arg13[%swap3A_1176, %swap3A_1177] : memref<64x128xf32, #tpu.memory_space<vmem>>, vector<1x128xf32>
    tpu.vector_store %arg13[%swap3A_1176, %swap3A_1177], %max3A_1175 {strides = array<i32>} : memref<64x128xf32, #tpu.memory_space<vmem>>, vector<1x128xf32>,
    %get3A_1179 = arith.constant 37 : index
    %get3A_1180 = memref.load %arg4[%get3A_1179] : memref<64xi32, #tpu.memory_space<smem>>
    %get3A_1181 = arith.constant 0 : index
    %get3A_1182 = arith.index_cast %get3A_1180 : i32 to index
    %get3A_1183 = arith.constant 0 : index
    %get3A_1184 = vector.load %arg0[%get3A_1181, %get3A_1182, %get3A_1183] : memref<2x10112x128xf32, #tpu.memory_space<vmem>>, vector<1x1x128xf32>
    %get3A_1185 = vector.shape_cast %get3A_1184 : vector<1x1x128xf32> to vector<1x128xf32>
    %get3A_1186 = arith.constant 1 : index
    %get3A_1187 = arith.index_cast %get3A_1180 : i32 to index
    %get3A_1188 = arith.constant 0 : index
    %get3A_1189 = vector.load %arg0[%get3A_1186, %get3A_1187, %get3A_1188] : memref<2x10112x128xf32, #tpu.memory_space<vmem>>, vector<1x1x128xf32>
    %get3A_1190 = vector.shape_cast %get3A_1189 : vector<1x1x128xf32> to vector<1x128xf32>
    %add3A_1191 = arith.addf %get3A_1185, %get3A_1190 : vector<1x128xf32>
    %get3A_1192 = arith.index_cast %get3A_1180 : i32 to index
    %get3A_1193 = arith.constant 0 : index
    %get3A_1194 = vector.load %arg2[%get3A_1192, %get3A_1193] : memref<10000x1xf32, #tpu.memory_space<vmem>>, vector<1x1xf32>
    %mul3A_1195 = vector.broadcast %get3A_1194 : vector<1x1xf32> to vector<1x128xf32>
    %mul3A_1196 = arith.mulf %mul3A_1195, %add3A_1191 : vector<1x128xf32>
    %get3A_1197 = arith.index_cast %get3A_1180 : i32 to index
    %get3A_1198 = arith.constant 0 : index
    %get3A_1199 = vector.load %arg1[%get3A_1197, %get3A_1198] : memref<10000x128xf32, #tpu.memory_space<vmem>>, vector<1x128xf32>
    %add3A_1200 = arith.addf %mul3A_1196, %get3A_1199 : vector<1x128xf32>
    %get3A_1201 = arith.constant 0 : index
    %get3A_1202 = arith.constant 0 : index
    %get3A_1203 = vector.load %arg3[%get3A_1201, %get3A_1202] : memref<1x128xf32, #tpu.memory_space<vmem>>, vector<1x128xf32>
    %add3A_1204 = arith.addf %add3A_1200, %get3A_1203 : vector<1x128xf32>
    %max3A_1205 = arith.constant 0.000000e+00 : f32
    %max3A_1206 = vector.broadcast %max3A_1205 : f32 to vector<1x128xf32>
    %max3A_1207 = arith.maximumf %add3A_1204, %max3A_1206 : vector<1x128xf32>
    %swap3A_1208 = arith.constant 37 : index
    %swap3A_1209 = arith.constant 0 : index
    %swap3A_1210 = vector.load %arg13[%swap3A_1208, %swap3A_1209] : memref<64x128xf32, #tpu.memory_space<vmem>>, vector<1x128xf32>
    tpu.vector_store %arg13[%swap3A_1208, %swap3A_1209], %max3A_1207 {strides = array<i32>} : memref<64x128xf32, #tpu.memory_space<vmem>>, vector<1x128xf32>,
    %get3A_1211 = arith.constant 38 : index
    %get3A_1212 = memref.load %arg4[%get3A_1211] : memref<64xi32, #tpu.memory_space<smem>>
    %get3A_1213 = arith.constant 0 : index
    %get3A_1214 = arith.index_cast %get3A_1212 : i32 to index
    %get3A_1215 = arith.constant 0 : index
    %get3A_1216 = vector.load %arg0[%get3A_1213, %get3A_1214, %get3A_1215] : memref<2x10112x128xf32, #tpu.memory_space<vmem>>, vector<1x1x128xf32>
    %get3A_1217 = vector.shape_cast %get3A_1216 : vector<1x1x128xf32> to vector<1x128xf32>
    %get3A_1218 = arith.constant 1 : index
    %get3A_1219 = arith.index_cast %get3A_1212 : i32 to index
    %get3A_1220 = arith.constant 0 : index
    %get3A_1221 = vector.load %arg0[%get3A_1218, %get3A_1219, %get3A_1220] : memref<2x10112x128xf32, #tpu.memory_space<vmem>>, vector<1x1x128xf32>
    %get3A_1222 = vector.shape_cast %get3A_1221 : vector<1x1x128xf32> to vector<1x128xf32>
    %add3A_1223 = arith.addf %get3A_1217, %get3A_1222 : vector<1x128xf32>
    %get3A_1224 = arith.index_cast %get3A_1212 : i32 to index
    %get3A_1225 = arith.constant 0 : index
    %get3A_1226 = vector.load %arg2[%get3A_1224, %get3A_1225] : memref<10000x1xf32, #tpu.memory_space<vmem>>, vector<1x1xf32>
    %mul3A_1227 = vector.broadcast %get3A_1226 : vector<1x1xf32> to vector<1x128xf32>
    %mul3A_1228 = arith.mulf %mul3A_1227, %add3A_1223 : vector<1x128xf32>
    %get3A_1229 = arith.index_cast %get3A_1212 : i32 to index
    %get3A_1230 = arith.constant 0 : index
    %get3A_1231 = vector.load %arg1[%get3A_1229, %get3A_1230] : memref<10000x128xf32, #tpu.memory_space<vmem>>, vector<1x128xf32>
    %add3A_1232 = arith.addf %mul3A_1228, %get3A_1231 : vector<1x128xf32>
    %get3A_1233 = arith.constant 0 : index
    %get3A_1234 = arith.constant 0 : index
    %get3A_1235 = vector.load %arg3[%get3A_1233, %get3A_1234] : memref<1x128xf32, #tpu.memory_space<vmem>>, vector<1x128xf32>
    %add3A_1236 = arith.addf %add3A_1232, %get3A_1235 : vector<1x128xf32>
    %max3A_1237 = arith.constant 0.000000e+00 : f32
    %max3A_1238 = vector.broadcast %max3A_1237 : f32 to vector<1x128xf32>
    %max3A_1239 = arith.maximumf %add3A_1236, %max3A_1238 : vector<1x128xf32>
    %swap3A_1240 = arith.constant 38 : index
    %swap3A_1241 = arith.constant 0 : index
    %swap3A_1242 = vector.load %arg13[%swap3A_1240, %swap3A_1241] : memref<64x128xf32, #tpu.memory_space<vmem>>, vector<1x128xf32>
    tpu.vector_store %arg13[%swap3A_1240, %swap3A_1241], %max3A_1239 {strides = array<i32>} : memref<64x128xf32, #tpu.memory_space<vmem>>, vector<1x128xf32>,
    %get3A_1243 = arith.constant 39 : index
    %get3A_1244 = memref.load %arg4[%get3A_1243] : memref<64xi32, #tpu.memory_space<smem>>
    %get3A_1245 = arith.constant 0 : index
    %get3A_1246 = arith.index_cast %get3A_1244 : i32 to index
    %get3A_1247 = arith.constant 0 : index
    %get3A_1248 = vector.load %arg0[%get3A_1245, %get3A_1246, %get3A_1247] : memref<2x10112x128xf32, #tpu.memory_space<vmem>>, vector<1x1x128xf32>
    %get3A_1249 = vector.shape_cast %get3A_1248 : vector<1x1x128xf32> to vector<1x128xf32>
    %get3A_1250 = arith.constant 1 : index
    %get3A_1251 = arith.index_cast %get3A_1244 : i32 to index
    %get3A_1252 = arith.constant 0 : index
    %get3A_1253 = vector.load %arg0[%get3A_1250, %get3A_1251, %get3A_1252] : memref<2x10112x128xf32, #tpu.memory_space<vmem>>, vector<1x1x128xf32>
    %get3A_1254 = vector.shape_cast %get3A_1253 : vector<1x1x128xf32> to vector<1x128xf32>
    %add3A_1255 = arith.addf %get3A_1249, %get3A_1254 : vector<1x128xf32>
    %get3A_1256 = arith.index_cast %get3A_1244 : i32 to index
    %get3A_1257 = arith.constant 0 : index
    %get3A_1258 = vector.load %arg2[%get3A_1256, %get3A_1257] : memref<10000x1xf32, #tpu.memory_space<vmem>>, vector<1x1xf32>
    %mul3A_1259 = vector.broadcast %get3A_1258 : vector<1x1xf32> to vector<1x128xf32>
    %mul3A_1260 = arith.mulf %mul3A_1259, %add3A_1255 : vector<1x128xf32>
    %get3A_1261 = arith.index_cast %get3A_1244 : i32 to index
    %get3A_1262 = arith.constant 0 : index
    %get3A_1263 = vector.load %arg1[%get3A_1261, %get3A_1262] : memref<10000x128xf32, #tpu.memory_space<vmem>>, vector<1x128xf32>
    %add3A_1264 = arith.addf %mul3A_1260, %get3A_1263 : vector<1x128xf32>
    %get3A_1265 = arith.constant 0 : index
    %get3A_1266 = arith.constant 0 : index
    %get3A_1267 = vector.load %arg3[%get3A_1265, %get3A_1266] : memref<1x128xf32, #tpu.memory_space<vmem>>, vector<1x128xf32>
    %add3A_1268 = arith.addf %add3A_1264, %get3A_1267 : vector<1x128xf32>
    %max3A_1269 = arith.constant 0.000000e+00 : f32
    %max3A_1270 = vector.broadcast %max3A_1269 : f32 to vector<1x128xf32>
    %max3A_1271 = arith.maximumf %add3A_1268, %max3A_1270 : vector<1x128xf32>
    %swap3A_1272 = arith.constant 39 : index
    %swap3A_1273 = arith.constant 0 : index
    %swap3A_1274 = vector.load %arg13[%swap3A_1272, %swap3A_1273] : memref<64x128xf32, #tpu.memory_space<vmem>>, vector<1x128xf32>
    tpu.vector_store %arg13[%swap3A_1272, %swap3A_1273], %max3A_1271 {strides = array<i32>} : memref<64x128xf32, #tpu.memory_space<vmem>>, vector<1x128xf32>,
    %get3A_1275 = arith.constant 40 : index
    %get3A_1276 = memref.load %arg4[%get3A_1275] : memref<64xi32, #tpu.memory_space<smem>>
    %get3A_1277 = arith.constant 0 : index
    %get3A_1278 = arith.index_cast %get3A_1276 : i32 to index
    %get3A_1279 = arith.constant 0 : index
    %get3A_1280 = vector.load %arg0[%get3A_1277, %get3A_1278, %get3A_1279] : memref<2x10112x128xf32, #tpu.memory_space<vmem>>, vector<1x1x128xf32>
    %get3A_1281 = vector.shape_cast %get3A_1280 : vector<1x1x128xf32> to vector<1x128xf32>
    %get3A_1282 = arith.constant 1 : index
    %get3A_1283 = arith.index_cast %get3A_1276 : i32 to index
    %get3A_1284 = arith.constant 0 : index
    %get3A_1285 = vector.load %arg0[%get3A_1282, %get3A_1283, %get3A_1284] : memref<2x10112x128xf32, #tpu.memory_space<vmem>>, vector<1x1x128xf32>
    %get3A_1286 = vector.shape_cast %get3A_1285 : vector<1x1x128xf32> to vector<1x128xf32>
    %add3A_1287 = arith.addf %get3A_1281, %get3A_1286 : vector<1x128xf32>
    %get3A_1288 = arith.index_cast %get3A_1276 : i32 to index
    %get3A_1289 = arith.constant 0 : index
    %get3A_1290 = vector.load %arg2[%get3A_1288, %get3A_1289] : memref<10000x1xf32, #tpu.memory_space<vmem>>, vector<1x1xf32>
    %mul3A_1291 = vector.broadcast %get3A_1290 : vector<1x1xf32> to vector<1x128xf32>
    %mul3A_1292 = arith.mulf %mul3A_1291, %add3A_1287 : vector<1x128xf32>
    %get3A_1293 = arith.index_cast %get3A_1276 : i32 to index
    %get3A_1294 = arith.constant 0 : index
    %get3A_1295 = vector.load %arg1[%get3A_1293, %get3A_1294] : memref<10000x128xf32, #tpu.memory_space<vmem>>, vector<1x128xf32>
    %add3A_1296 = arith.addf %mul3A_1292, %get3A_1295 : vector<1x128xf32>
    %get3A_1297 = arith.constant 0 : index
    %get3A_1298 = arith.constant 0 : index
    %get3A_1299 = vector.load %arg3[%get3A_1297, %get3A_1298] : memref<1x128xf32, #tpu.memory_space<vmem>>, vector<1x128xf32>
    %add3A_1300 = arith.addf %add3A_1296, %get3A_1299 : vector<1x128xf32>
    %max3A_1301 = arith.constant 0.000000e+00 : f32
    %max3A_1302 = vector.broadcast %max3A_1301 : f32 to vector<1x128xf32>
    %max3A_1303 = arith.maximumf %add3A_1300, %max3A_1302 : vector<1x128xf32>
    %swap3A_1304 = arith.constant 40 : index
    %swap3A_1305 = arith.constant 0 : index
    %swap3A_1306 = vector.load %arg13[%swap3A_1304, %swap3A_1305] : memref<64x128xf32, #tpu.memory_space<vmem>>, vector<1x128xf32>
    tpu.vector_store %arg13[%swap3A_1304, %swap3A_1305], %max3A_1303 {strides = array<i32>} : memref<64x128xf32, #tpu.memory_space<vmem>>, vector<1x128xf32>,
    %get3A_1307 = arith.constant 41 : index
    %get3A_1308 = memref.load %arg4[%get3A_1307] : memref<64xi32, #tpu.memory_space<smem>>
    %get3A_1309 = arith.constant 0 : index
    %get3A_1310 = arith.index_cast %get3A_1308 : i32 to index
    %get3A_1311 = arith.constant 0 : index
    %get3A_1312 = vector.load %arg0[%get3A_1309, %get3A_1310, %get3A_1311] : memref<2x10112x128xf32, #tpu.memory_space<vmem>>, vector<1x1x128xf32>
    %get3A_1313 = vector.shape_cast %get3A_1312 : vector<1x1x128xf32> to vector<1x128xf32>
    %get3A_1314 = arith.constant 1 : index
    %get3A_1315 = arith.index_cast %get3A_1308 : i32 to index
    %get3A_1316 = arith.constant 0 : index
    %get3A_1317 = vector.load %arg0[%get3A_1314, %get3A_1315, %get3A_1316] : memref<2x10112x128xf32, #tpu.memory_space<vmem>>, vector<1x1x128xf32>
    %get3A_1318 = vector.shape_cast %get3A_1317 : vector<1x1x128xf32> to vector<1x128xf32>
    %add3A_1319 = arith.addf %get3A_1313, %get3A_1318 : vector<1x128xf32>
    %get3A_1320 = arith.index_cast %get3A_1308 : i32 to index
    %get3A_1321 = arith.constant 0 : index
    %get3A_1322 = vector.load %arg2[%get3A_1320, %get3A_1321] : memref<10000x1xf32, #tpu.memory_space<vmem>>, vector<1x1xf32>
    %mul3A_1323 = vector.broadcast %get3A_1322 : vector<1x1xf32> to vector<1x128xf32>
    %mul3A_1324 = arith.mulf %mul3A_1323, %add3A_1319 : vector<1x128xf32>
    %get3A_1325 = arith.index_cast %get3A_1308 : i32 to index
    %get3A_1326 = arith.constant 0 : index
    %get3A_1327 = vector.load %arg1[%get3A_1325, %get3A_1326] : memref<10000x128xf32, #tpu.memory_space<vmem>>, vector<1x128xf32>
    %add3A_1328 = arith.addf %mul3A_1324, %get3A_1327 : vector<1x128xf32>
    %get3A_1329 = arith.constant 0 : index
    %get3A_1330 = arith.constant 0 : index
    %get3A_1331 = vector.load %arg3[%get3A_1329, %get3A_1330] : memref<1x128xf32, #tpu.memory_space<vmem>>, vector<1x128xf32>
    %add3A_1332 = arith.addf %add3A_1328, %get3A_1331 : vector<1x128xf32>
    %max3A_1333 = arith.constant 0.000000e+00 : f32
    %max3A_1334 = vector.broadcast %max3A_1333 : f32 to vector<1x128xf32>
    %max3A_1335 = arith.maximumf %add3A_1332, %max3A_1334 : vector<1x128xf32>
    %swap3A_1336 = arith.constant 41 : index
    %swap3A_1337 = arith.constant 0 : index
    %swap3A_1338 = vector.load %arg13[%swap3A_1336, %swap3A_1337] : memref<64x128xf32, #tpu.memory_space<vmem>>, vector<1x128xf32>
    tpu.vector_store %arg13[%swap3A_1336, %swap3A_1337], %max3A_1335 {strides = array<i32>} : memref<64x128xf32, #tpu.memory_space<vmem>>, vector<1x128xf32>,
    %get3A_1339 = arith.constant 42 : index
    %get3A_1340 = memref.load %arg4[%get3A_1339] : memref<64xi32, #tpu.memory_space<smem>>
    %get3A_1341 = arith.constant 0 : index
    %get3A_1342 = arith.index_cast %get3A_1340 : i32 to index
    %get3A_1343 = arith.constant 0 : index
    %get3A_1344 = vector.load %arg0[%get3A_1341, %get3A_1342, %get3A_1343] : memref<2x10112x128xf32, #tpu.memory_space<vmem>>, vector<1x1x128xf32>
    %get3A_1345 = vector.shape_cast %get3A_1344 : vector<1x1x128xf32> to vector<1x128xf32>
    %get3A_1346 = arith.constant 1 : index
    %get3A_1347 = arith.index_cast %get3A_1340 : i32 to index
    %get3A_1348 = arith.constant 0 : index
    %get3A_1349 = vector.load %arg0[%get3A_1346, %get3A_1347, %get3A_1348] : memref<2x10112x128xf32, #tpu.memory_space<vmem>>, vector<1x1x128xf32>
    %get3A_1350 = vector.shape_cast %get3A_1349 : vector<1x1x128xf32> to vector<1x128xf32>
    %add3A_1351 = arith.addf %get3A_1345, %get3A_1350 : vector<1x128xf32>
    %get3A_1352 = arith.index_cast %get3A_1340 : i32 to index
    %get3A_1353 = arith.constant 0 : index
    %get3A_1354 = vector.load %arg2[%get3A_1352, %get3A_1353] : memref<10000x1xf32, #tpu.memory_space<vmem>>, vector<1x1xf32>
    %mul3A_1355 = vector.broadcast %get3A_1354 : vector<1x1xf32> to vector<1x128xf32>
    %mul3A_1356 = arith.mulf %mul3A_1355, %add3A_1351 : vector<1x128xf32>
    %get3A_1357 = arith.index_cast %get3A_1340 : i32 to index
    %get3A_1358 = arith.constant 0 : index
    %get3A_1359 = vector.load %arg1[%get3A_1357, %get3A_1358] : memref<10000x128xf32, #tpu.memory_space<vmem>>, vector<1x128xf32>
    %add3A_1360 = arith.addf %mul3A_1356, %get3A_1359 : vector<1x128xf32>
    %get3A_1361 = arith.constant 0 : index
    %get3A_1362 = arith.constant 0 : index
    %get3A_1363 = vector.load %arg3[%get3A_1361, %get3A_1362] : memref<1x128xf32, #tpu.memory_space<vmem>>, vector<1x128xf32>
    %add3A_1364 = arith.addf %add3A_1360, %get3A_1363 : vector<1x128xf32>
    %max3A_1365 = arith.constant 0.000000e+00 : f32
    %max3A_1366 = vector.broadcast %max3A_1365 : f32 to vector<1x128xf32>
    %max3A_1367 = arith.maximumf %add3A_1364, %max3A_1366 : vector<1x128xf32>
    %swap3A_1368 = arith.constant 42 : index
    %swap3A_1369 = arith.constant 0 : index
    %swap3A_1370 = vector.load %arg13[%swap3A_1368, %swap3A_1369] : memref<64x128xf32, #tpu.memory_space<vmem>>, vector<1x128xf32>
    tpu.vector_store %arg13[%swap3A_1368, %swap3A_1369], %max3A_1367 {strides = array<i32>} : memref<64x128xf32, #tpu.memory_space<vmem>>, vector<1x128xf32>,
    %get3A_1371 = arith.constant 43 : index
    %get3A_1372 = memref.load %arg4[%get3A_1371] : memref<64xi32, #tpu.memory_space<smem>>
    %get3A_1373 = arith.constant 0 : index
    %get3A_1374 = arith.index_cast %get3A_1372 : i32 to index
    %get3A_1375 = arith.constant 0 : index
    %get3A_1376 = vector.load %arg0[%get3A_1373, %get3A_1374, %get3A_1375] : memref<2x10112x128xf32, #tpu.memory_space<vmem>>, vector<1x1x128xf32>
    %get3A_1377 = vector.shape_cast %get3A_1376 : vector<1x1x128xf32> to vector<1x128xf32>
    %get3A_1378 = arith.constant 1 : index
    %get3A_1379 = arith.index_cast %get3A_1372 : i32 to index
    %get3A_1380 = arith.constant 0 : index
    %get3A_1381 = vector.load %arg0[%get3A_1378, %get3A_1379, %get3A_1380] : memref<2x10112x128xf32, #tpu.memory_space<vmem>>, vector<1x1x128xf32>
    %get3A_1382 = vector.shape_cast %get3A_1381 : vector<1x1x128xf32> to vector<1x128xf32>
    %add3A_1383 = arith.addf %get3A_1377, %get3A_1382 : vector<1x128xf32>
    %get3A_1384 = arith.index_cast %get3A_1372 : i32 to index
    %get3A_1385 = arith.constant 0 : index
    %get3A_1386 = vector.load %arg2[%get3A_1384, %get3A_1385] : memref<10000x1xf32, #tpu.memory_space<vmem>>, vector<1x1xf32>
    %mul3A_1387 = vector.broadcast %get3A_1386 : vector<1x1xf32> to vector<1x128xf32>
    %mul3A_1388 = arith.mulf %mul3A_1387, %add3A_1383 : vector<1x128xf32>
    %get3A_1389 = arith.index_cast %get3A_1372 : i32 to index
    %get3A_1390 = arith.constant 0 : index
    %get3A_1391 = vector.load %arg1[%get3A_1389, %get3A_1390] : memref<10000x128xf32, #tpu.memory_space<vmem>>, vector<1x128xf32>
    %add3A_1392 = arith.addf %mul3A_1388, %get3A_1391 : vector<1x128xf32>
    %get3A_1393 = arith.constant 0 : index
    %get3A_1394 = arith.constant 0 : index
    %get3A_1395 = vector.load %arg3[%get3A_1393, %get3A_1394] : memref<1x128xf32, #tpu.memory_space<vmem>>, vector<1x128xf32>
    %add3A_1396 = arith.addf %add3A_1392, %get3A_1395 : vector<1x128xf32>
    %max3A_1397 = arith.constant 0.000000e+00 : f32
    %max3A_1398 = vector.broadcast %max3A_1397 : f32 to vector<1x128xf32>
    %max3A_1399 = arith.maximumf %add3A_1396, %max3A_1398 : vector<1x128xf32>
    %swap3A_1400 = arith.constant 43 : index
    %swap3A_1401 = arith.constant 0 : index
    %swap3A_1402 = vector.load %arg13[%swap3A_1400, %swap3A_1401] : memref<64x128xf32, #tpu.memory_space<vmem>>, vector<1x128xf32>
    tpu.vector_store %arg13[%swap3A_1400, %swap3A_1401], %max3A_1399 {strides = array<i32>} : memref<64x128xf32, #tpu.memory_space<vmem>>, vector<1x128xf32>,
    %get3A_1403 = arith.constant 44 : index
    %get3A_1404 = memref.load %arg4[%get3A_1403] : memref<64xi32, #tpu.memory_space<smem>>
    %get3A_1405 = arith.constant 0 : index
    %get3A_1406 = arith.index_cast %get3A_1404 : i32 to index
    %get3A_1407 = arith.constant 0 : index
    %get3A_1408 = vector.load %arg0[%get3A_1405, %get3A_1406, %get3A_1407] : memref<2x10112x128xf32, #tpu.memory_space<vmem>>, vector<1x1x128xf32>
    %get3A_1409 = vector.shape_cast %get3A_1408 : vector<1x1x128xf32> to vector<1x128xf32>
    %get3A_1410 = arith.constant 1 : index
    %get3A_1411 = arith.index_cast %get3A_1404 : i32 to index
    %get3A_1412 = arith.constant 0 : index
    %get3A_1413 = vector.load %arg0[%get3A_1410, %get3A_1411, %get3A_1412] : memref<2x10112x128xf32, #tpu.memory_space<vmem>>, vector<1x1x128xf32>
    %get3A_1414 = vector.shape_cast %get3A_1413 : vector<1x1x128xf32> to vector<1x128xf32>
    %add3A_1415 = arith.addf %get3A_1409, %get3A_1414 : vector<1x128xf32>
    %get3A_1416 = arith.index_cast %get3A_1404 : i32 to index
    %get3A_1417 = arith.constant 0 : index
    %get3A_1418 = vector.load %arg2[%get3A_1416, %get3A_1417] : memref<10000x1xf32, #tpu.memory_space<vmem>>, vector<1x1xf32>
    %mul3A_1419 = vector.broadcast %get3A_1418 : vector<1x1xf32> to vector<1x128xf32>
    %mul3A_1420 = arith.mulf %mul3A_1419, %add3A_1415 : vector<1x128xf32>
    %get3A_1421 = arith.index_cast %get3A_1404 : i32 to index
    %get3A_1422 = arith.constant 0 : index
    %get3A_1423 = vector.load %arg1[%get3A_1421, %get3A_1422] : memref<10000x128xf32, #tpu.memory_space<vmem>>, vector<1x128xf32>
    %add3A_1424 = arith.addf %mul3A_1420, %get3A_1423 : vector<1x128xf32>
    %get3A_1425 = arith.constant 0 : index
    %get3A_1426 = arith.constant 0 : index
    %get3A_1427 = vector.load %arg3[%get3A_1425, %get3A_1426] : memref<1x128xf32, #tpu.memory_space<vmem>>, vector<1x128xf32>
    %add3A_1428 = arith.addf %add3A_1424, %get3A_1427 : vector<1x128xf32>
    %max3A_1429 = arith.constant 0.000000e+00 : f32
    %max3A_1430 = vector.broadcast %max3A_1429 : f32 to vector<1x128xf32>
    %max3A_1431 = arith.maximumf %add3A_1428, %max3A_1430 : vector<1x128xf32>
    %swap3A_1432 = arith.constant 44 : index
    %swap3A_1433 = arith.constant 0 : index
    %swap3A_1434 = vector.load %arg13[%swap3A_1432, %swap3A_1433] : memref<64x128xf32, #tpu.memory_space<vmem>>, vector<1x128xf32>
    tpu.vector_store %arg13[%swap3A_1432, %swap3A_1433], %max3A_1431 {strides = array<i32>} : memref<64x128xf32, #tpu.memory_space<vmem>>, vector<1x128xf32>,
    %get3A_1435 = arith.constant 45 : index
    %get3A_1436 = memref.load %arg4[%get3A_1435] : memref<64xi32, #tpu.memory_space<smem>>
    %get3A_1437 = arith.constant 0 : index
    %get3A_1438 = arith.index_cast %get3A_1436 : i32 to index
    %get3A_1439 = arith.constant 0 : index
    %get3A_1440 = vector.load %arg0[%get3A_1437, %get3A_1438, %get3A_1439] : memref<2x10112x128xf32, #tpu.memory_space<vmem>>, vector<1x1x128xf32>
    %get3A_1441 = vector.shape_cast %get3A_1440 : vector<1x1x128xf32> to vector<1x128xf32>
    %get3A_1442 = arith.constant 1 : index
    %get3A_1443 = arith.index_cast %get3A_1436 : i32 to index
    %get3A_1444 = arith.constant 0 : index
    %get3A_1445 = vector.load %arg0[%get3A_1442, %get3A_1443, %get3A_1444] : memref<2x10112x128xf32, #tpu.memory_space<vmem>>, vector<1x1x128xf32>
    %get3A_1446 = vector.shape_cast %get3A_1445 : vector<1x1x128xf32> to vector<1x128xf32>
    %add3A_1447 = arith.addf %get3A_1441, %get3A_1446 : vector<1x128xf32>
    %get3A_1448 = arith.index_cast %get3A_1436 : i32 to index
    %get3A_1449 = arith.constant 0 : index
    %get3A_1450 = vector.load %arg2[%get3A_1448, %get3A_1449] : memref<10000x1xf32, #tpu.memory_space<vmem>>, vector<1x1xf32>
    %mul3A_1451 = vector.broadcast %get3A_1450 : vector<1x1xf32> to vector<1x128xf32>
    %mul3A_1452 = arith.mulf %mul3A_1451, %add3A_1447 : vector<1x128xf32>
    %get3A_1453 = arith.index_cast %get3A_1436 : i32 to index
    %get3A_1454 = arith.constant 0 : index
    %get3A_1455 = vector.load %arg1[%get3A_1453, %get3A_1454] : memref<10000x128xf32, #tpu.memory_space<vmem>>, vector<1x128xf32>
    %add3A_1456 = arith.addf %mul3A_1452, %get3A_1455 : vector<1x128xf32>
    %get3A_1457 = arith.constant 0 : index
    %get3A_1458 = arith.constant 0 : index
    %get3A_1459 = vector.load %arg3[%get3A_1457, %get3A_1458] : memref<1x128xf32, #tpu.memory_space<vmem>>, vector<1x128xf32>
    %add3A_1460 = arith.addf %add3A_1456, %get3A_1459 : vector<1x128xf32>
    %max3A_1461 = arith.constant 0.000000e+00 : f32
    %max3A_1462 = vector.broadcast %max3A_1461 : f32 to vector<1x128xf32>
    %max3A_1463 = arith.maximumf %add3A_1460, %max3A_1462 : vector<1x128xf32>
    %swap3A_1464 = arith.constant 45 : index
    %swap3A_1465 = arith.constant 0 : index
    %swap3A_1466 = vector.load %arg13[%swap3A_1464, %swap3A_1465] : memref<64x128xf32, #tpu.memory_space<vmem>>, vector<1x128xf32>
    tpu.vector_store %arg13[%swap3A_1464, %swap3A_1465], %max3A_1463 {strides = array<i32>} : memref<64x128xf32, #tpu.memory_space<vmem>>, vector<1x128xf32>,
    %get3A_1467 = arith.constant 46 : index
    %get3A_1468 = memref.load %arg4[%get3A_1467] : memref<64xi32, #tpu.memory_space<smem>>
    %get3A_1469 = arith.constant 0 : index
    %get3A_1470 = arith.index_cast %get3A_1468 : i32 to index
    %get3A_1471 = arith.constant 0 : index
    %get3A_1472 = vector.load %arg0[%get3A_1469, %get3A_1470, %get3A_1471] : memref<2x10112x128xf32, #tpu.memory_space<vmem>>, vector<1x1x128xf32>
    %get3A_1473 = vector.shape_cast %get3A_1472 : vector<1x1x128xf32> to vector<1x128xf32>
    %get3A_1474 = arith.constant 1 : index
    %get3A_1475 = arith.index_cast %get3A_1468 : i32 to index
    %get3A_1476 = arith.constant 0 : index
    %get3A_1477 = vector.load %arg0[%get3A_1474, %get3A_1475, %get3A_1476] : memref<2x10112x128xf32, #tpu.memory_space<vmem>>, vector<1x1x128xf32>
    %get3A_1478 = vector.shape_cast %get3A_1477 : vector<1x1x128xf32> to vector<1x128xf32>
    %add3A_1479 = arith.addf %get3A_1473, %get3A_1478 : vector<1x128xf32>
    %get3A_1480 = arith.index_cast %get3A_1468 : i32 to index
    %get3A_1481 = arith.constant 0 : index
    %get3A_1482 = vector.load %arg2[%get3A_1480, %get3A_1481] : memref<10000x1xf32, #tpu.memory_space<vmem>>, vector<1x1xf32>
    %mul3A_1483 = vector.broadcast %get3A_1482 : vector<1x1xf32> to vector<1x128xf32>
    %mul3A_1484 = arith.mulf %mul3A_1483, %add3A_1479 : vector<1x128xf32>
    %get3A_1485 = arith.index_cast %get3A_1468 : i32 to index
    %get3A_1486 = arith.constant 0 : index
    %get3A_1487 = vector.load %arg1[%get3A_1485, %get3A_1486] : memref<10000x128xf32, #tpu.memory_space<vmem>>, vector<1x128xf32>
    %add3A_1488 = arith.addf %mul3A_1484, %get3A_1487 : vector<1x128xf32>
    %get3A_1489 = arith.constant 0 : index
    %get3A_1490 = arith.constant 0 : index
    %get3A_1491 = vector.load %arg3[%get3A_1489, %get3A_1490] : memref<1x128xf32, #tpu.memory_space<vmem>>, vector<1x128xf32>
    %add3A_1492 = arith.addf %add3A_1488, %get3A_1491 : vector<1x128xf32>
    %max3A_1493 = arith.constant 0.000000e+00 : f32
    %max3A_1494 = vector.broadcast %max3A_1493 : f32 to vector<1x128xf32>
    %max3A_1495 = arith.maximumf %add3A_1492, %max3A_1494 : vector<1x128xf32>
    %swap3A_1496 = arith.constant 46 : index
    %swap3A_1497 = arith.constant 0 : index
    %swap3A_1498 = vector.load %arg13[%swap3A_1496, %swap3A_1497] : memref<64x128xf32, #tpu.memory_space<vmem>>, vector<1x128xf32>
    tpu.vector_store %arg13[%swap3A_1496, %swap3A_1497], %max3A_1495 {strides = array<i32>} : memref<64x128xf32, #tpu.memory_space<vmem>>, vector<1x128xf32>,
    %get3A_1499 = arith.constant 47 : index
    %get3A_1500 = memref.load %arg4[%get3A_1499] : memref<64xi32, #tpu.memory_space<smem>>
    %get3A_1501 = arith.constant 0 : index
    %get3A_1502 = arith.index_cast %get3A_1500 : i32 to index
    %get3A_1503 = arith.constant 0 : index
    %get3A_1504 = vector.load %arg0[%get3A_1501, %get3A_1502, %get3A_1503] : memref<2x10112x128xf32, #tpu.memory_space<vmem>>, vector<1x1x128xf32>
    %get3A_1505 = vector.shape_cast %get3A_1504 : vector<1x1x128xf32> to vector<1x128xf32>
    %get3A_1506 = arith.constant 1 : index
    %get3A_1507 = arith.index_cast %get3A_1500 : i32 to index
    %get3A_1508 = arith.constant 0 : index
    %get3A_1509 = vector.load %arg0[%get3A_1506, %get3A_1507, %get3A_1508] : memref<2x10112x128xf32, #tpu.memory_space<vmem>>, vector<1x1x128xf32>
    %get3A_1510 = vector.shape_cast %get3A_1509 : vector<1x1x128xf32> to vector<1x128xf32>
    %add3A_1511 = arith.addf %get3A_1505, %get3A_1510 : vector<1x128xf32>
    %get3A_1512 = arith.index_cast %get3A_1500 : i32 to index
    %get3A_1513 = arith.constant 0 : index
    %get3A_1514 = vector.load %arg2[%get3A_1512, %get3A_1513] : memref<10000x1xf32, #tpu.memory_space<vmem>>, vector<1x1xf32>
    %mul3A_1515 = vector.broadcast %get3A_1514 : vector<1x1xf32> to vector<1x128xf32>
    %mul3A_1516 = arith.mulf %mul3A_1515, %add3A_1511 : vector<1x128xf32>
    %get3A_1517 = arith.index_cast %get3A_1500 : i32 to index
    %get3A_1518 = arith.constant 0 : index
    %get3A_1519 = vector.load %arg1[%get3A_1517, %get3A_1518] : memref<10000x128xf32, #tpu.memory_space<vmem>>, vector<1x128xf32>
    %add3A_1520 = arith.addf %mul3A_1516, %get3A_1519 : vector<1x128xf32>
    %get3A_1521 = arith.constant 0 : index
    %get3A_1522 = arith.constant 0 : index
    %get3A_1523 = vector.load %arg3[%get3A_1521, %get3A_1522] : memref<1x128xf32, #tpu.memory_space<vmem>>, vector<1x128xf32>
    %add3A_1524 = arith.addf %add3A_1520, %get3A_1523 : vector<1x128xf32>
    %max3A_1525 = arith.constant 0.000000e+00 : f32
    %max3A_1526 = vector.broadcast %max3A_1525 : f32 to vector<1x128xf32>
    %max3A_1527 = arith.maximumf %add3A_1524, %max3A_1526 : vector<1x128xf32>
    %swap3A_1528 = arith.constant 47 : index
    %swap3A_1529 = arith.constant 0 : index
    %swap3A_1530 = vector.load %arg13[%swap3A_1528, %swap3A_1529] : memref<64x128xf32, #tpu.memory_space<vmem>>, vector<1x128xf32>
    tpu.vector_store %arg13[%swap3A_1528, %swap3A_1529], %max3A_1527 {strides = array<i32>} : memref<64x128xf32, #tpu.memory_space<vmem>>, vector<1x128xf32>,
    %get3A_1531 = arith.constant 48 : index
    %get3A_1532 = memref.load %arg4[%get3A_1531] : memref<64xi32, #tpu.memory_space<smem>>
    %get3A_1533 = arith.constant 0 : index
    %get3A_1534 = arith.index_cast %get3A_1532 : i32 to index
    %get3A_1535 = arith.constant 0 : index
    %get3A_1536 = vector.load %arg0[%get3A_1533, %get3A_1534, %get3A_1535] : memref<2x10112x128xf32, #tpu.memory_space<vmem>>, vector<1x1x128xf32>
    %get3A_1537 = vector.shape_cast %get3A_1536 : vector<1x1x128xf32> to vector<1x128xf32>
    %get3A_1538 = arith.constant 1 : index
    %get3A_1539 = arith.index_cast %get3A_1532 : i32 to index
    %get3A_1540 = arith.constant 0 : index
    %get3A_1541 = vector.load %arg0[%get3A_1538, %get3A_1539, %get3A_1540] : memref<2x10112x128xf32, #tpu.memory_space<vmem>>, vector<1x1x128xf32>
    %get3A_1542 = vector.shape_cast %get3A_1541 : vector<1x1x128xf32> to vector<1x128xf32>
    %add3A_1543 = arith.addf %get3A_1537, %get3A_1542 : vector<1x128xf32>
    %get3A_1544 = arith.index_cast %get3A_1532 : i32 to index
    %get3A_1545 = arith.constant 0 : index
    %get3A_1546 = vector.load %arg2[%get3A_1544, %get3A_1545] : memref<10000x1xf32, #tpu.memory_space<vmem>>, vector<1x1xf32>
    %mul3A_1547 = vector.broadcast %get3A_1546 : vector<1x1xf32> to vector<1x128xf32>
    %mul3A_1548 = arith.mulf %mul3A_1547, %add3A_1543 : vector<1x128xf32>
    %get3A_1549 = arith.index_cast %get3A_1532 : i32 to index
    %get3A_1550 = arith.constant 0 : index
    %get3A_1551 = vector.load %arg1[%get3A_1549, %get3A_1550] : memref<10000x128xf32, #tpu.memory_space<vmem>>, vector<1x128xf32>
    %add3A_1552 = arith.addf %mul3A_1548, %get3A_1551 : vector<1x128xf32>
    %get3A_1553 = arith.constant 0 : index
    %get3A_1554 = arith.constant 0 : index
    %get3A_1555 = vector.load %arg3[%get3A_1553, %get3A_1554] : memref<1x128xf32, #tpu.memory_space<vmem>>, vector<1x128xf32>
    %add3A_1556 = arith.addf %add3A_1552, %get3A_1555 : vector<1x128xf32>
    %max3A_1557 = arith.constant 0.000000e+00 : f32
    %max3A_1558 = vector.broadcast %max3A_1557 : f32 to vector<1x128xf32>
    %max3A_1559 = arith.maximumf %add3A_1556, %max3A_1558 : vector<1x128xf32>
    %swap3A_1560 = arith.constant 48 : index
    %swap3A_1561 = arith.constant 0 : index
    %swap3A_1562 = vector.load %arg13[%swap3A_1560, %swap3A_1561] : memref<64x128xf32, #tpu.memory_space<vmem>>, vector<1x128xf32>
    tpu.vector_store %arg13[%swap3A_1560, %swap3A_1561], %max3A_1559 {strides = array<i32>} : memref<64x128xf32, #tpu.memory_space<vmem>>, vector<1x128xf32>,
    %get3A_1563 = arith.constant 49 : index
    %get3A_1564 = memref.load %arg4[%get3A_1563] : memref<64xi32, #tpu.memory_space<smem>>
    %get3A_1565 = arith.constant 0 : index
    %get3A_1566 = arith.index_cast %get3A_1564 : i32 to index
    %get3A_1567 = arith.constant 0 : index
    %get3A_1568 = vector.load %arg0[%get3A_1565, %get3A_1566, %get3A_1567] : memref<2x10112x128xf32, #tpu.memory_space<vmem>>, vector<1x1x128xf32>
    %get3A_1569 = vector.shape_cast %get3A_1568 : vector<1x1x128xf32> to vector<1x128xf32>
    %get3A_1570 = arith.constant 1 : index
    %get3A_1571 = arith.index_cast %get3A_1564 : i32 to index
    %get3A_1572 = arith.constant 0 : index
    %get3A_1573 = vector.load %arg0[%get3A_1570, %get3A_1571, %get3A_1572] : memref<2x10112x128xf32, #tpu.memory_space<vmem>>, vector<1x1x128xf32>
    %get3A_1574 = vector.shape_cast %get3A_1573 : vector<1x1x128xf32> to vector<1x128xf32>
    %add3A_1575 = arith.addf %get3A_1569, %get3A_1574 : vector<1x128xf32>
    %get3A_1576 = arith.index_cast %get3A_1564 : i32 to index
    %get3A_1577 = arith.constant 0 : index
    %get3A_1578 = vector.load %arg2[%get3A_1576, %get3A_1577] : memref<10000x1xf32, #tpu.memory_space<vmem>>, vector<1x1xf32>
    %mul3A_1579 = vector.broadcast %get3A_1578 : vector<1x1xf32> to vector<1x128xf32>
    %mul3A_1580 = arith.mulf %mul3A_1579, %add3A_1575 : vector<1x128xf32>
    %get3A_1581 = arith.index_cast %get3A_1564 : i32 to index
    %get3A_1582 = arith.constant 0 : index
    %get3A_1583 = vector.load %arg1[%get3A_1581, %get3A_1582] : memref<10000x128xf32, #tpu.memory_space<vmem>>, vector<1x128xf32>
    %add3A_1584 = arith.addf %mul3A_1580, %get3A_1583 : vector<1x128xf32>
    %get3A_1585 = arith.constant 0 : index
    %get3A_1586 = arith.constant 0 : index
    %get3A_1587 = vector.load %arg3[%get3A_1585, %get3A_1586] : memref<1x128xf32, #tpu.memory_space<vmem>>, vector<1x128xf32>
    %add3A_1588 = arith.addf %add3A_1584, %get3A_1587 : vector<1x128xf32>
    %max3A_1589 = arith.constant 0.000000e+00 : f32
    %max3A_1590 = vector.broadcast %max3A_1589 : f32 to vector<1x128xf32>
    %max3A_1591 = arith.maximumf %add3A_1588, %max3A_1590 : vector<1x128xf32>
    %swap3A_1592 = arith.constant 49 : index
    %swap3A_1593 = arith.constant 0 : index
    %swap3A_1594 = vector.load %arg13[%swap3A_1592, %swap3A_1593] : memref<64x128xf32, #tpu.memory_space<vmem>>, vector<1x128xf32>
    tpu.vector_store %arg13[%swap3A_1592, %swap3A_1593], %max3A_1591 {strides = array<i32>} : memref<64x128xf32, #tpu.memory_space<vmem>>, vector<1x128xf32>,
    %get3A_1595 = arith.constant 50 : index
    %get3A_1596 = memref.load %arg4[%get3A_1595] : memref<64xi32, #tpu.memory_space<smem>>
    %get3A_1597 = arith.constant 0 : index
    %get3A_1598 = arith.index_cast %get3A_1596 : i32 to index
    %get3A_1599 = arith.constant 0 : index
    %get3A_1600 = vector.load %arg0[%get3A_1597, %get3A_1598, %get3A_1599] : memref<2x10112x128xf32, #tpu.memory_space<vmem>>, vector<1x1x128xf32>
    %get3A_1601 = vector.shape_cast %get3A_1600 : vector<1x1x128xf32> to vector<1x128xf32>
    %get3A_1602 = arith.constant 1 : index
    %get3A_1603 = arith.index_cast %get3A_1596 : i32 to index
    %get3A_1604 = arith.constant 0 : index
    %get3A_1605 = vector.load %arg0[%get3A_1602, %get3A_1603, %get3A_1604] : memref<2x10112x128xf32, #tpu.memory_space<vmem>>, vector<1x1x128xf32>
    %get3A_1606 = vector.shape_cast %get3A_1605 : vector<1x1x128xf32> to vector<1x128xf32>
    %add3A_1607 = arith.addf %get3A_1601, %get3A_1606 : vector<1x128xf32>
    %get3A_1608 = arith.index_cast %get3A_1596 : i32 to index
    %get3A_1609 = arith.constant 0 : index
    %get3A_1610 = vector.load %arg2[%get3A_1608, %get3A_1609] : memref<10000x1xf32, #tpu.memory_space<vmem>>, vector<1x1xf32>
    %mul3A_1611 = vector.broadcast %get3A_1610 : vector<1x1xf32> to vector<1x128xf32>
    %mul3A_1612 = arith.mulf %mul3A_1611, %add3A_1607 : vector<1x128xf32>
    %get3A_1613 = arith.index_cast %get3A_1596 : i32 to index
    %get3A_1614 = arith.constant 0 : index
    %get3A_1615 = vector.load %arg1[%get3A_1613, %get3A_1614] : memref<10000x128xf32, #tpu.memory_space<vmem>>, vector<1x128xf32>
    %add3A_1616 = arith.addf %mul3A_1612, %get3A_1615 : vector<1x128xf32>
    %get3A_1617 = arith.constant 0 : index
    %get3A_1618 = arith.constant 0 : index
    %get3A_1619 = vector.load %arg3[%get3A_1617, %get3A_1618] : memref<1x128xf32, #tpu.memory_space<vmem>>, vector<1x128xf32>
    %add3A_1620 = arith.addf %add3A_1616, %get3A_1619 : vector<1x128xf32>
    %max3A_1621 = arith.constant 0.000000e+00 : f32
    %max3A_1622 = vector.broadcast %max3A_1621 : f32 to vector<1x128xf32>
    %max3A_1623 = arith.maximumf %add3A_1620, %max3A_1622 : vector<1x128xf32>
    %swap3A_1624 = arith.constant 50 : index
    %swap3A_1625 = arith.constant 0 : index
    %swap3A_1626 = vector.load %arg13[%swap3A_1624, %swap3A_1625] : memref<64x128xf32, #tpu.memory_space<vmem>>, vector<1x128xf32>
    tpu.vector_store %arg13[%swap3A_1624, %swap3A_1625], %max3A_1623 {strides = array<i32>} : memref<64x128xf32, #tpu.memory_space<vmem>>, vector<1x128xf32>,
    %get3A_1627 = arith.constant 51 : index
    %get3A_1628 = memref.load %arg4[%get3A_1627] : memref<64xi32, #tpu.memory_space<smem>>
    %get3A_1629 = arith.constant 0 : index
    %get3A_1630 = arith.index_cast %get3A_1628 : i32 to index
    %get3A_1631 = arith.constant 0 : index
    %get3A_1632 = vector.load %arg0[%get3A_1629, %get3A_1630, %get3A_1631] : memref<2x10112x128xf32, #tpu.memory_space<vmem>>, vector<1x1x128xf32>
    %get3A_1633 = vector.shape_cast %get3A_1632 : vector<1x1x128xf32> to vector<1x128xf32>
    %get3A_1634 = arith.constant 1 : index
    %get3A_1635 = arith.index_cast %get3A_1628 : i32 to index
    %get3A_1636 = arith.constant 0 : index
    %get3A_1637 = vector.load %arg0[%get3A_1634, %get3A_1635, %get3A_1636] : memref<2x10112x128xf32, #tpu.memory_space<vmem>>, vector<1x1x128xf32>
    %get3A_1638 = vector.shape_cast %get3A_1637 : vector<1x1x128xf32> to vector<1x128xf32>
    %add3A_1639 = arith.addf %get3A_1633, %get3A_1638 : vector<1x128xf32>
    %get3A_1640 = arith.index_cast %get3A_1628 : i32 to index
    %get3A_1641 = arith.constant 0 : index
    %get3A_1642 = vector.load %arg2[%get3A_1640, %get3A_1641] : memref<10000x1xf32, #tpu.memory_space<vmem>>, vector<1x1xf32>
    %mul3A_1643 = vector.broadcast %get3A_1642 : vector<1x1xf32> to vector<1x128xf32>
    %mul3A_1644 = arith.mulf %mul3A_1643, %add3A_1639 : vector<1x128xf32>
    %get3A_1645 = arith.index_cast %get3A_1628 : i32 to index
    %get3A_1646 = arith.constant 0 : index
    %get3A_1647 = vector.load %arg1[%get3A_1645, %get3A_1646] : memref<10000x128xf32, #tpu.memory_space<vmem>>, vector<1x128xf32>
    %add3A_1648 = arith.addf %mul3A_1644, %get3A_1647 : vector<1x128xf32>
    %get3A_1649 = arith.constant 0 : index
    %get3A_1650 = arith.constant 0 : index
    %get3A_1651 = vector.load %arg3[%get3A_1649, %get3A_1650] : memref<1x128xf32, #tpu.memory_space<vmem>>, vector<1x128xf32>
    %add3A_1652 = arith.addf %add3A_1648, %get3A_1651 : vector<1x128xf32>
    %max3A_1653 = arith.constant 0.000000e+00 : f32
    %max3A_1654 = vector.broadcast %max3A_1653 : f32 to vector<1x128xf32>
    %max3A_1655 = arith.maximumf %add3A_1652, %max3A_1654 : vector<1x128xf32>
    %swap3A_1656 = arith.constant 51 : index
    %swap3A_1657 = arith.constant 0 : index
    %swap3A_1658 = vector.load %arg13[%swap3A_1656, %swap3A_1657] : memref<64x128xf32, #tpu.memory_space<vmem>>, vector<1x128xf32>
    tpu.vector_store %arg13[%swap3A_1656, %swap3A_1657], %max3A_1655 {strides = array<i32>} : memref<64x128xf32, #tpu.memory_space<vmem>>, vector<1x128xf32>,
    %get3A_1659 = arith.constant 52 : index
    %get3A_1660 = memref.load %arg4[%get3A_1659] : memref<64xi32, #tpu.memory_space<smem>>
    %get3A_1661 = arith.constant 0 : index
    %get3A_1662 = arith.index_cast %get3A_1660 : i32 to index
    %get3A_1663 = arith.constant 0 : index
    %get3A_1664 = vector.load %arg0[%get3A_1661, %get3A_1662, %get3A_1663] : memref<2x10112x128xf32, #tpu.memory_space<vmem>>, vector<1x1x128xf32>
    %get3A_1665 = vector.shape_cast %get3A_1664 : vector<1x1x128xf32> to vector<1x128xf32>
    %get3A_1666 = arith.constant 1 : index
    %get3A_1667 = arith.index_cast %get3A_1660 : i32 to index
    %get3A_1668 = arith.constant 0 : index
    %get3A_1669 = vector.load %arg0[%get3A_1666, %get3A_1667, %get3A_1668] : memref<2x10112x128xf32, #tpu.memory_space<vmem>>, vector<1x1x128xf32>
    %get3A_1670 = vector.shape_cast %get3A_1669 : vector<1x1x128xf32> to vector<1x128xf32>
    %add3A_1671 = arith.addf %get3A_1665, %get3A_1670 : vector<1x128xf32>
    %get3A_1672 = arith.index_cast %get3A_1660 : i32 to index
    %get3A_1673 = arith.constant 0 : index
    %get3A_1674 = vector.load %arg2[%get3A_1672, %get3A_1673] : memref<10000x1xf32, #tpu.memory_space<vmem>>, vector<1x1xf32>
    %mul3A_1675 = vector.broadcast %get3A_1674 : vector<1x1xf32> to vector<1x128xf32>
    %mul3A_1676 = arith.mulf %mul3A_1675, %add3A_1671 : vector<1x128xf32>
    %get3A_1677 = arith.index_cast %get3A_1660 : i32 to index
    %get3A_1678 = arith.constant 0 : index
    %get3A_1679 = vector.load %arg1[%get3A_1677, %get3A_1678] : memref<10000x128xf32, #tpu.memory_space<vmem>>, vector<1x128xf32>
    %add3A_1680 = arith.addf %mul3A_1676, %get3A_1679 : vector<1x128xf32>
    %get3A_1681 = arith.constant 0 : index
    %get3A_1682 = arith.constant 0 : index
    %get3A_1683 = vector.load %arg3[%get3A_1681, %get3A_1682] : memref<1x128xf32, #tpu.memory_space<vmem>>, vector<1x128xf32>
    %add3A_1684 = arith.addf %add3A_1680, %get3A_1683 : vector<1x128xf32>
    %max3A_1685 = arith.constant 0.000000e+00 : f32
    %max3A_1686 = vector.broadcast %max3A_1685 : f32 to vector<1x128xf32>
    %max3A_1687 = arith.maximumf %add3A_1684, %max3A_1686 : vector<1x128xf32>
    %swap3A_1688 = arith.constant 52 : index
    %swap3A_1689 = arith.constant 0 : index
    %swap3A_1690 = vector.load %arg13[%swap3A_1688, %swap3A_1689] : memref<64x128xf32, #tpu.memory_space<vmem>>, vector<1x128xf32>
    tpu.vector_store %arg13[%swap3A_1688, %swap3A_1689], %max3A_1687 {strides = array<i32>} : memref<64x128xf32, #tpu.memory_space<vmem>>, vector<1x128xf32>,
    %get3A_1691 = arith.constant 53 : index
    %get3A_1692 = memref.load %arg4[%get3A_1691] : memref<64xi32, #tpu.memory_space<smem>>
    %get3A_1693 = arith.constant 0 : index
    %get3A_1694 = arith.index_cast %get3A_1692 : i32 to index
    %get3A_1695 = arith.constant 0 : index
    %get3A_1696 = vector.load %arg0[%get3A_1693, %get3A_1694, %get3A_1695] : memref<2x10112x128xf32, #tpu.memory_space<vmem>>, vector<1x1x128xf32>
    %get3A_1697 = vector.shape_cast %get3A_1696 : vector<1x1x128xf32> to vector<1x128xf32>
    %get3A_1698 = arith.constant 1 : index
    %get3A_1699 = arith.index_cast %get3A_1692 : i32 to index
    %get3A_1700 = arith.constant 0 : index
    %get3A_1701 = vector.load %arg0[%get3A_1698, %get3A_1699, %get3A_1700] : memref<2x10112x128xf32, #tpu.memory_space<vmem>>, vector<1x1x128xf32>
    %get3A_1702 = vector.shape_cast %get3A_1701 : vector<1x1x128xf32> to vector<1x128xf32>
    %add3A_1703 = arith.addf %get3A_1697, %get3A_1702 : vector<1x128xf32>
    %get3A_1704 = arith.index_cast %get3A_1692 : i32 to index
    %get3A_1705 = arith.constant 0 : index
    %get3A_1706 = vector.load %arg2[%get3A_1704, %get3A_1705] : memref<10000x1xf32, #tpu.memory_space<vmem>>, vector<1x1xf32>
    %mul3A_1707 = vector.broadcast %get3A_1706 : vector<1x1xf32> to vector<1x128xf32>
    %mul3A_1708 = arith.mulf %mul3A_1707, %add3A_1703 : vector<1x128xf32>
    %get3A_1709 = arith.index_cast %get3A_1692 : i32 to index
    %get3A_1710 = arith.constant 0 : index
    %get3A_1711 = vector.load %arg1[%get3A_1709, %get3A_1710] : memref<10000x128xf32, #tpu.memory_space<vmem>>, vector<1x128xf32>
    %add3A_1712 = arith.addf %mul3A_1708, %get3A_1711 : vector<1x128xf32>
    %get3A_1713 = arith.constant 0 : index
    %get3A_1714 = arith.constant 0 : index
    %get3A_1715 = vector.load %arg3[%get3A_1713, %get3A_1714] : memref<1x128xf32, #tpu.memory_space<vmem>>, vector<1x128xf32>
    %add3A_1716 = arith.addf %add3A_1712, %get3A_1715 : vector<1x128xf32>
    %max3A_1717 = arith.constant 0.000000e+00 : f32
    %max3A_1718 = vector.broadcast %max3A_1717 : f32 to vector<1x128xf32>
    %max3A_1719 = arith.maximumf %add3A_1716, %max3A_1718 : vector<1x128xf32>
    %swap3A_1720 = arith.constant 53 : index
    %swap3A_1721 = arith.constant 0 : index
    %swap3A_1722 = vector.load %arg13[%swap3A_1720, %swap3A_1721] : memref<64x128xf32, #tpu.memory_space<vmem>>, vector<1x128xf32>
    tpu.vector_store %arg13[%swap3A_1720, %swap3A_1721], %max3A_1719 {strides = array<i32>} : memref<64x128xf32, #tpu.memory_space<vmem>>, vector<1x128xf32>,
    %get3A_1723 = arith.constant 54 : index
    %get3A_1724 = memref.load %arg4[%get3A_1723] : memref<64xi32, #tpu.memory_space<smem>>
    %get3A_1725 = arith.constant 0 : index
    %get3A_1726 = arith.index_cast %get3A_1724 : i32 to index
    %get3A_1727 = arith.constant 0 : index
    %get3A_1728 = vector.load %arg0[%get3A_1725, %get3A_1726, %get3A_1727] : memref<2x10112x128xf32, #tpu.memory_space<vmem>>, vector<1x1x128xf32>
    %get3A_1729 = vector.shape_cast %get3A_1728 : vector<1x1x128xf32> to vector<1x128xf32>
    %get3A_1730 = arith.constant 1 : index
    %get3A_1731 = arith.index_cast %get3A_1724 : i32 to index
    %get3A_1732 = arith.constant 0 : index
    %get3A_1733 = vector.load %arg0[%get3A_1730, %get3A_1731, %get3A_1732] : memref<2x10112x128xf32, #tpu.memory_space<vmem>>, vector<1x1x128xf32>
    %get3A_1734 = vector.shape_cast %get3A_1733 : vector<1x1x128xf32> to vector<1x128xf32>
    %add3A_1735 = arith.addf %get3A_1729, %get3A_1734 : vector<1x128xf32>
    %get3A_1736 = arith.index_cast %get3A_1724 : i32 to index
    %get3A_1737 = arith.constant 0 : index
    %get3A_1738 = vector.load %arg2[%get3A_1736, %get3A_1737] : memref<10000x1xf32, #tpu.memory_space<vmem>>, vector<1x1xf32>
    %mul3A_1739 = vector.broadcast %get3A_1738 : vector<1x1xf32> to vector<1x128xf32>
    %mul3A_1740 = arith.mulf %mul3A_1739, %add3A_1735 : vector<1x128xf32>
    %get3A_1741 = arith.index_cast %get3A_1724 : i32 to index
    %get3A_1742 = arith.constant 0 : index
    %get3A_1743 = vector.load %arg1[%get3A_1741, %get3A_1742] : memref<10000x128xf32, #tpu.memory_space<vmem>>, vector<1x128xf32>
    %add3A_1744 = arith.addf %mul3A_1740, %get3A_1743 : vector<1x128xf32>
    %get3A_1745 = arith.constant 0 : index
    %get3A_1746 = arith.constant 0 : index
    %get3A_1747 = vector.load %arg3[%get3A_1745, %get3A_1746] : memref<1x128xf32, #tpu.memory_space<vmem>>, vector<1x128xf32>
    %add3A_1748 = arith.addf %add3A_1744, %get3A_1747 : vector<1x128xf32>
    %max3A_1749 = arith.constant 0.000000e+00 : f32
    %max3A_1750 = vector.broadcast %max3A_1749 : f32 to vector<1x128xf32>
    %max3A_1751 = arith.maximumf %add3A_1748, %max3A_1750 : vector<1x128xf32>
    %swap3A_1752 = arith.constant 54 : index
    %swap3A_1753 = arith.constant 0 : index
    %swap3A_1754 = vector.load %arg13[%swap3A_1752, %swap3A_1753] : memref<64x128xf32, #tpu.memory_space<vmem>>, vector<1x128xf32>
    tpu.vector_store %arg13[%swap3A_1752, %swap3A_1753], %max3A_1751 {strides = array<i32>} : memref<64x128xf32, #tpu.memory_space<vmem>>, vector<1x128xf32>,
    %get3A_1755 = arith.constant 55 : index
    %get3A_1756 = memref.load %arg4[%get3A_1755] : memref<64xi32, #tpu.memory_space<smem>>
    %get3A_1757 = arith.constant 0 : index
    %get3A_1758 = arith.index_cast %get3A_1756 : i32 to index
    %get3A_1759 = arith.constant 0 : index
    %get3A_1760 = vector.load %arg0[%get3A_1757, %get3A_1758, %get3A_1759] : memref<2x10112x128xf32, #tpu.memory_space<vmem>>, vector<1x1x128xf32>
    %get3A_1761 = vector.shape_cast %get3A_1760 : vector<1x1x128xf32> to vector<1x128xf32>
    %get3A_1762 = arith.constant 1 : index
    %get3A_1763 = arith.index_cast %get3A_1756 : i32 to index
    %get3A_1764 = arith.constant 0 : index
    %get3A_1765 = vector.load %arg0[%get3A_1762, %get3A_1763, %get3A_1764] : memref<2x10112x128xf32, #tpu.memory_space<vmem>>, vector<1x1x128xf32>
    %get3A_1766 = vector.shape_cast %get3A_1765 : vector<1x1x128xf32> to vector<1x128xf32>
    %add3A_1767 = arith.addf %get3A_1761, %get3A_1766 : vector<1x128xf32>
    %get3A_1768 = arith.index_cast %get3A_1756 : i32 to index
    %get3A_1769 = arith.constant 0 : index
    %get3A_1770 = vector.load %arg2[%get3A_1768, %get3A_1769] : memref<10000x1xf32, #tpu.memory_space<vmem>>, vector<1x1xf32>
    %mul3A_1771 = vector.broadcast %get3A_1770 : vector<1x1xf32> to vector<1x128xf32>
    %mul3A_1772 = arith.mulf %mul3A_1771, %add3A_1767 : vector<1x128xf32>
    %get3A_1773 = arith.index_cast %get3A_1756 : i32 to index
    %get3A_1774 = arith.constant 0 : index
    %get3A_1775 = vector.load %arg1[%get3A_1773, %get3A_1774] : memref<10000x128xf32, #tpu.memory_space<vmem>>, vector<1x128xf32>
    %add3A_1776 = arith.addf %mul3A_1772, %get3A_1775 : vector<1x128xf32>
    %get3A_1777 = arith.constant 0 : index
    %get3A_1778 = arith.constant 0 : index
    %get3A_1779 = vector.load %arg3[%get3A_1777, %get3A_1778] : memref<1x128xf32, #tpu.memory_space<vmem>>, vector<1x128xf32>
    %add3A_1780 = arith.addf %add3A_1776, %get3A_1779 : vector<1x128xf32>
    %max3A_1781 = arith.constant 0.000000e+00 : f32
    %max3A_1782 = vector.broadcast %max3A_1781 : f32 to vector<1x128xf32>
    %max3A_1783 = arith.maximumf %add3A_1780, %max3A_1782 : vector<1x128xf32>
    %swap3A_1784 = arith.constant 55 : index
    %swap3A_1785 = arith.constant 0 : index
    %swap3A_1786 = vector.load %arg13[%swap3A_1784, %swap3A_1785] : memref<64x128xf32, #tpu.memory_space<vmem>>, vector<1x128xf32>
    tpu.vector_store %arg13[%swap3A_1784, %swap3A_1785], %max3A_1783 {strides = array<i32>} : memref<64x128xf32, #tpu.memory_space<vmem>>, vector<1x128xf32>,
    %get3A_1787 = arith.constant 56 : index
    %get3A_1788 = memref.load %arg4[%get3A_1787] : memref<64xi32, #tpu.memory_space<smem>>
    %get3A_1789 = arith.constant 0 : index
    %get3A_1790 = arith.index_cast %get3A_1788 : i32 to index
    %get3A_1791 = arith.constant 0 : index
    %get3A_1792 = vector.load %arg0[%get3A_1789, %get3A_1790, %get3A_1791] : memref<2x10112x128xf32, #tpu.memory_space<vmem>>, vector<1x1x128xf32>
    %get3A_1793 = vector.shape_cast %get3A_1792 : vector<1x1x128xf32> to vector<1x128xf32>
    %get3A_1794 = arith.constant 1 : index
    %get3A_1795 = arith.index_cast %get3A_1788 : i32 to index
    %get3A_1796 = arith.constant 0 : index
    %get3A_1797 = vector.load %arg0[%get3A_1794, %get3A_1795, %get3A_1796] : memref<2x10112x128xf32, #tpu.memory_space<vmem>>, vector<1x1x128xf32>
    %get3A_1798 = vector.shape_cast %get3A_1797 : vector<1x1x128xf32> to vector<1x128xf32>
    %add3A_1799 = arith.addf %get3A_1793, %get3A_1798 : vector<1x128xf32>
    %get3A_1800 = arith.index_cast %get3A_1788 : i32 to index
    %get3A_1801 = arith.constant 0 : index
    %get3A_1802 = vector.load %arg2[%get3A_1800, %get3A_1801] : memref<10000x1xf32, #tpu.memory_space<vmem>>, vector<1x1xf32>
    %mul3A_1803 = vector.broadcast %get3A_1802 : vector<1x1xf32> to vector<1x128xf32>
    %mul3A_1804 = arith.mulf %mul3A_1803, %add3A_1799 : vector<1x128xf32>
    %get3A_1805 = arith.index_cast %get3A_1788 : i32 to index
    %get3A_1806 = arith.constant 0 : index
    %get3A_1807 = vector.load %arg1[%get3A_1805, %get3A_1806] : memref<10000x128xf32, #tpu.memory_space<vmem>>, vector<1x128xf32>
    %add3A_1808 = arith.addf %mul3A_1804, %get3A_1807 : vector<1x128xf32>
    %get3A_1809 = arith.constant 0 : index
    %get3A_1810 = arith.constant 0 : index
    %get3A_1811 = vector.load %arg3[%get3A_1809, %get3A_1810] : memref<1x128xf32, #tpu.memory_space<vmem>>, vector<1x128xf32>
    %add3A_1812 = arith.addf %add3A_1808, %get3A_1811 : vector<1x128xf32>
    %max3A_1813 = arith.constant 0.000000e+00 : f32
    %max3A_1814 = vector.broadcast %max3A_1813 : f32 to vector<1x128xf32>
    %max3A_1815 = arith.maximumf %add3A_1812, %max3A_1814 : vector<1x128xf32>
    %swap3A_1816 = arith.constant 56 : index
    %swap3A_1817 = arith.constant 0 : index
    %swap3A_1818 = vector.load %arg13[%swap3A_1816, %swap3A_1817] : memref<64x128xf32, #tpu.memory_space<vmem>>, vector<1x128xf32>
    tpu.vector_store %arg13[%swap3A_1816, %swap3A_1817], %max3A_1815 {strides = array<i32>} : memref<64x128xf32, #tpu.memory_space<vmem>>, vector<1x128xf32>,
    %get3A_1819 = arith.constant 57 : index
    %get3A_1820 = memref.load %arg4[%get3A_1819] : memref<64xi32, #tpu.memory_space<smem>>
    %get3A_1821 = arith.constant 0 : index
    %get3A_1822 = arith.index_cast %get3A_1820 : i32 to index
    %get3A_1823 = arith.constant 0 : index
    %get3A_1824 = vector.load %arg0[%get3A_1821, %get3A_1822, %get3A_1823] : memref<2x10112x128xf32, #tpu.memory_space<vmem>>, vector<1x1x128xf32>
    %get3A_1825 = vector.shape_cast %get3A_1824 : vector<1x1x128xf32> to vector<1x128xf32>
    %get3A_1826 = arith.constant 1 : index
    %get3A_1827 = arith.index_cast %get3A_1820 : i32 to index
    %get3A_1828 = arith.constant 0 : index
    %get3A_1829 = vector.load %arg0[%get3A_1826, %get3A_1827, %get3A_1828] : memref<2x10112x128xf32, #tpu.memory_space<vmem>>, vector<1x1x128xf32>
    %get3A_1830 = vector.shape_cast %get3A_1829 : vector<1x1x128xf32> to vector<1x128xf32>
    %add3A_1831 = arith.addf %get3A_1825, %get3A_1830 : vector<1x128xf32>
    %get3A_1832 = arith.index_cast %get3A_1820 : i32 to index
    %get3A_1833 = arith.constant 0 : index
    %get3A_1834 = vector.load %arg2[%get3A_1832, %get3A_1833] : memref<10000x1xf32, #tpu.memory_space<vmem>>, vector<1x1xf32>
    %mul3A_1835 = vector.broadcast %get3A_1834 : vector<1x1xf32> to vector<1x128xf32>
    %mul3A_1836 = arith.mulf %mul3A_1835, %add3A_1831 : vector<1x128xf32>
    %get3A_1837 = arith.index_cast %get3A_1820 : i32 to index
    %get3A_1838 = arith.constant 0 : index
    %get3A_1839 = vector.load %arg1[%get3A_1837, %get3A_1838] : memref<10000x128xf32, #tpu.memory_space<vmem>>, vector<1x128xf32>
    %add3A_1840 = arith.addf %mul3A_1836, %get3A_1839 : vector<1x128xf32>
    %get3A_1841 = arith.constant 0 : index
    %get3A_1842 = arith.constant 0 : index
    %get3A_1843 = vector.load %arg3[%get3A_1841, %get3A_1842] : memref<1x128xf32, #tpu.memory_space<vmem>>, vector<1x128xf32>
    %add3A_1844 = arith.addf %add3A_1840, %get3A_1843 : vector<1x128xf32>
    %max3A_1845 = arith.constant 0.000000e+00 : f32
    %max3A_1846 = vector.broadcast %max3A_1845 : f32 to vector<1x128xf32>
    %max3A_1847 = arith.maximumf %add3A_1844, %max3A_1846 : vector<1x128xf32>
    %swap3A_1848 = arith.constant 57 : index
    %swap3A_1849 = arith.constant 0 : index
    %swap3A_1850 = vector.load %arg13[%swap3A_1848, %swap3A_1849] : memref<64x128xf32, #tpu.memory_space<vmem>>, vector<1x128xf32>
    tpu.vector_store %arg13[%swap3A_1848, %swap3A_1849], %max3A_1847 {strides = array<i32>} : memref<64x128xf32, #tpu.memory_space<vmem>>, vector<1x128xf32>,
    %get3A_1851 = arith.constant 58 : index
    %get3A_1852 = memref.load %arg4[%get3A_1851] : memref<64xi32, #tpu.memory_space<smem>>
    %get3A_1853 = arith.constant 0 : index
    %get3A_1854 = arith.index_cast %get3A_1852 : i32 to index
    %get3A_1855 = arith.constant 0 : index
    %get3A_1856 = vector.load %arg0[%get3A_1853, %get3A_1854, %get3A_1855] : memref<2x10112x128xf32, #tpu.memory_space<vmem>>, vector<1x1x128xf32>
    %get3A_1857 = vector.shape_cast %get3A_1856 : vector<1x1x128xf32> to vector<1x128xf32>
    %get3A_1858 = arith.constant 1 : index
    %get3A_1859 = arith.index_cast %get3A_1852 : i32 to index
    %get3A_1860 = arith.constant 0 : index
    %get3A_1861 = vector.load %arg0[%get3A_1858, %get3A_1859, %get3A_1860] : memref<2x10112x128xf32, #tpu.memory_space<vmem>>, vector<1x1x128xf32>
    %get3A_1862 = vector.shape_cast %get3A_1861 : vector<1x1x128xf32> to vector<1x128xf32>
    %add3A_1863 = arith.addf %get3A_1857, %get3A_1862 : vector<1x128xf32>
    %get3A_1864 = arith.index_cast %get3A_1852 : i32 to index
    %get3A_1865 = arith.constant 0 : index
    %get3A_1866 = vector.load %arg2[%get3A_1864, %get3A_1865] : memref<10000x1xf32, #tpu.memory_space<vmem>>, vector<1x1xf32>
    %mul3A_1867 = vector.broadcast %get3A_1866 : vector<1x1xf32> to vector<1x128xf32>
    %mul3A_1868 = arith.mulf %mul3A_1867, %add3A_1863 : vector<1x128xf32>
    %get3A_1869 = arith.index_cast %get3A_1852 : i32 to index
    %get3A_1870 = arith.constant 0 : index
    %get3A_1871 = vector.load %arg1[%get3A_1869, %get3A_1870] : memref<10000x128xf32, #tpu.memory_space<vmem>>, vector<1x128xf32>
    %add3A_1872 = arith.addf %mul3A_1868, %get3A_1871 : vector<1x128xf32>
    %get3A_1873 = arith.constant 0 : index
    %get3A_1874 = arith.constant 0 : index
    %get3A_1875 = vector.load %arg3[%get3A_1873, %get3A_1874] : memref<1x128xf32, #tpu.memory_space<vmem>>, vector<1x128xf32>
    %add3A_1876 = arith.addf %add3A_1872, %get3A_1875 : vector<1x128xf32>
    %max3A_1877 = arith.constant 0.000000e+00 : f32
    %max3A_1878 = vector.broadcast %max3A_1877 : f32 to vector<1x128xf32>
    %max3A_1879 = arith.maximumf %add3A_1876, %max3A_1878 : vector<1x128xf32>
    %swap3A_1880 = arith.constant 58 : index
    %swap3A_1881 = arith.constant 0 : index
    %swap3A_1882 = vector.load %arg13[%swap3A_1880, %swap3A_1881] : memref<64x128xf32, #tpu.memory_space<vmem>>, vector<1x128xf32>
    tpu.vector_store %arg13[%swap3A_1880, %swap3A_1881], %max3A_1879 {strides = array<i32>} : memref<64x128xf32, #tpu.memory_space<vmem>>, vector<1x128xf32>,
    %get3A_1883 = arith.constant 59 : index
    %get3A_1884 = memref.load %arg4[%get3A_1883] : memref<64xi32, #tpu.memory_space<smem>>
    %get3A_1885 = arith.constant 0 : index
    %get3A_1886 = arith.index_cast %get3A_1884 : i32 to index
    %get3A_1887 = arith.constant 0 : index
    %get3A_1888 = vector.load %arg0[%get3A_1885, %get3A_1886, %get3A_1887] : memref<2x10112x128xf32, #tpu.memory_space<vmem>>, vector<1x1x128xf32>
    %get3A_1889 = vector.shape_cast %get3A_1888 : vector<1x1x128xf32> to vector<1x128xf32>
    %get3A_1890 = arith.constant 1 : index
    %get3A_1891 = arith.index_cast %get3A_1884 : i32 to index
    %get3A_1892 = arith.constant 0 : index
    %get3A_1893 = vector.load %arg0[%get3A_1890, %get3A_1891, %get3A_1892] : memref<2x10112x128xf32, #tpu.memory_space<vmem>>, vector<1x1x128xf32>
    %get3A_1894 = vector.shape_cast %get3A_1893 : vector<1x1x128xf32> to vector<1x128xf32>
    %add3A_1895 = arith.addf %get3A_1889, %get3A_1894 : vector<1x128xf32>
    %get3A_1896 = arith.index_cast %get3A_1884 : i32 to index
    %get3A_1897 = arith.constant 0 : index
    %get3A_1898 = vector.load %arg2[%get3A_1896, %get3A_1897] : memref<10000x1xf32, #tpu.memory_space<vmem>>, vector<1x1xf32>
    %mul3A_1899 = vector.broadcast %get3A_1898 : vector<1x1xf32> to vector<1x128xf32>
    %mul3A_1900 = arith.mulf %mul3A_1899, %add3A_1895 : vector<1x128xf32>
    %get3A_1901 = arith.index_cast %get3A_1884 : i32 to index
    %get3A_1902 = arith.constant 0 : index
    %get3A_1903 = vector.load %arg1[%get3A_1901, %get3A_1902] : memref<10000x128xf32, #tpu.memory_space<vmem>>, vector<1x128xf32>
    %add3A_1904 = arith.addf %mul3A_1900, %get3A_1903 : vector<1x128xf32>
    %get3A_1905 = arith.constant 0 : index
    %get3A_1906 = arith.constant 0 : index
    %get3A_1907 = vector.load %arg3[%get3A_1905, %get3A_1906] : memref<1x128xf32, #tpu.memory_space<vmem>>, vector<1x128xf32>
    %add3A_1908 = arith.addf %add3A_1904, %get3A_1907 : vector<1x128xf32>
    %max3A_1909 = arith.constant 0.000000e+00 : f32
    %max3A_1910 = vector.broadcast %max3A_1909 : f32 to vector<1x128xf32>
    %max3A_1911 = arith.maximumf %add3A_1908, %max3A_1910 : vector<1x128xf32>
    %swap3A_1912 = arith.constant 59 : index
    %swap3A_1913 = arith.constant 0 : index
    %swap3A_1914 = vector.load %arg13[%swap3A_1912, %swap3A_1913] : memref<64x128xf32, #tpu.memory_space<vmem>>, vector<1x128xf32>
    tpu.vector_store %arg13[%swap3A_1912, %swap3A_1913], %max3A_1911 {strides = array<i32>} : memref<64x128xf32, #tpu.memory_space<vmem>>, vector<1x128xf32>,
    %get3A_1915 = arith.constant 60 : index
    %get3A_1916 = memref.load %arg4[%get3A_1915] : memref<64xi32, #tpu.memory_space<smem>>
    %get3A_1917 = arith.constant 0 : index
    %get3A_1918 = arith.index_cast %get3A_1916 : i32 to index
    %get3A_1919 = arith.constant 0 : index
    %get3A_1920 = vector.load %arg0[%get3A_1917, %get3A_1918, %get3A_1919] : memref<2x10112x128xf32, #tpu.memory_space<vmem>>, vector<1x1x128xf32>
    %get3A_1921 = vector.shape_cast %get3A_1920 : vector<1x1x128xf32> to vector<1x128xf32>
    %get3A_1922 = arith.constant 1 : index
    %get3A_1923 = arith.index_cast %get3A_1916 : i32 to index
    %get3A_1924 = arith.constant 0 : index
    %get3A_1925 = vector.load %arg0[%get3A_1922, %get3A_1923, %get3A_1924] : memref<2x10112x128xf32, #tpu.memory_space<vmem>>, vector<1x1x128xf32>
    %get3A_1926 = vector.shape_cast %get3A_1925 : vector<1x1x128xf32> to vector<1x128xf32>
    %add3A_1927 = arith.addf %get3A_1921, %get3A_1926 : vector<1x128xf32>
    %get3A_1928 = arith.index_cast %get3A_1916 : i32 to index
    %get3A_1929 = arith.constant 0 : index
    %get3A_1930 = vector.load %arg2[%get3A_1928, %get3A_1929] : memref<10000x1xf32, #tpu.memory_space<vmem>>, vector<1x1xf32>
    %mul3A_1931 = vector.broadcast %get3A_1930 : vector<1x1xf32> to vector<1x128xf32>
    %mul3A_1932 = arith.mulf %mul3A_1931, %add3A_1927 : vector<1x128xf32>
    %get3A_1933 = arith.index_cast %get3A_1916 : i32 to index
    %get3A_1934 = arith.constant 0 : index
    %get3A_1935 = vector.load %arg1[%get3A_1933, %get3A_1934] : memref<10000x128xf32, #tpu.memory_space<vmem>>, vector<1x128xf32>
    %add3A_1936 = arith.addf %mul3A_1932, %get3A_1935 : vector<1x128xf32>
    %get3A_1937 = arith.constant 0 : index
    %get3A_1938 = arith.constant 0 : index
    %get3A_1939 = vector.load %arg3[%get3A_1937, %get3A_1938] : memref<1x128xf32, #tpu.memory_space<vmem>>, vector<1x128xf32>
    %add3A_1940 = arith.addf %add3A_1936, %get3A_1939 : vector<1x128xf32>
    %max3A_1941 = arith.constant 0.000000e+00 : f32
    %max3A_1942 = vector.broadcast %max3A_1941 : f32 to vector<1x128xf32>
    %max3A_1943 = arith.maximumf %add3A_1940, %max3A_1942 : vector<1x128xf32>
    %swap3A_1944 = arith.constant 60 : index
    %swap3A_1945 = arith.constant 0 : index
    %swap3A_1946 = vector.load %arg13[%swap3A_1944, %swap3A_1945] : memref<64x128xf32, #tpu.memory_space<vmem>>, vector<1x128xf32>
    tpu.vector_store %arg13[%swap3A_1944, %swap3A_1945], %max3A_1943 {strides = array<i32>} : memref<64x128xf32, #tpu.memory_space<vmem>>, vector<1x128xf32>,
    %get3A_1947 = arith.constant 61 : index
    %get3A_1948 = memref.load %arg4[%get3A_1947] : memref<64xi32, #tpu.memory_space<smem>>
    %get3A_1949 = arith.constant 0 : index
    %get3A_1950 = arith.index_cast %get3A_1948 : i32 to index
    %get3A_1951 = arith.constant 0 : index
    %get3A_1952 = vector.load %arg0[%get3A_1949, %get3A_1950, %get3A_1951] : memref<2x10112x128xf32, #tpu.memory_space<vmem>>, vector<1x1x128xf32>
    %get3A_1953 = vector.shape_cast %get3A_1952 : vector<1x1x128xf32> to vector<1x128xf32>
    %get3A_1954 = arith.constant 1 : index
    %get3A_1955 = arith.index_cast %get3A_1948 : i32 to index
    %get3A_1956 = arith.constant 0 : index
    %get3A_1957 = vector.load %arg0[%get3A_1954, %get3A_1955, %get3A_1956] : memref<2x10112x128xf32, #tpu.memory_space<vmem>>, vector<1x1x128xf32>
    %get3A_1958 = vector.shape_cast %get3A_1957 : vector<1x1x128xf32> to vector<1x128xf32>
    %add3A_1959 = arith.addf %get3A_1953, %get3A_1958 : vector<1x128xf32>
    %get3A_1960 = arith.index_cast %get3A_1948 : i32 to index
    %get3A_1961 = arith.constant 0 : index
    %get3A_1962 = vector.load %arg2[%get3A_1960, %get3A_1961] : memref<10000x1xf32, #tpu.memory_space<vmem>>, vector<1x1xf32>
    %mul3A_1963 = vector.broadcast %get3A_1962 : vector<1x1xf32> to vector<1x128xf32>
    %mul3A_1964 = arith.mulf %mul3A_1963, %add3A_1959 : vector<1x128xf32>
    %get3A_1965 = arith.index_cast %get3A_1948 : i32 to index
    %get3A_1966 = arith.constant 0 : index
    %get3A_1967 = vector.load %arg1[%get3A_1965, %get3A_1966] : memref<10000x128xf32, #tpu.memory_space<vmem>>, vector<1x128xf32>
    %add3A_1968 = arith.addf %mul3A_1964, %get3A_1967 : vector<1x128xf32>
    %get3A_1969 = arith.constant 0 : index
    %get3A_1970 = arith.constant 0 : index
    %get3A_1971 = vector.load %arg3[%get3A_1969, %get3A_1970] : memref<1x128xf32, #tpu.memory_space<vmem>>, vector<1x128xf32>
    %add3A_1972 = arith.addf %add3A_1968, %get3A_1971 : vector<1x128xf32>
    %max3A_1973 = arith.constant 0.000000e+00 : f32
    %max3A_1974 = vector.broadcast %max3A_1973 : f32 to vector<1x128xf32>
    %max3A_1975 = arith.maximumf %add3A_1972, %max3A_1974 : vector<1x128xf32>
    %swap3A_1976 = arith.constant 61 : index
    %swap3A_1977 = arith.constant 0 : index
    %swap3A_1978 = vector.load %arg13[%swap3A_1976, %swap3A_1977] : memref<64x128xf32, #tpu.memory_space<vmem>>, vector<1x128xf32>
    tpu.vector_store %arg13[%swap3A_1976, %swap3A_1977], %max3A_1975 {strides = array<i32>} : memref<64x128xf32, #tpu.memory_space<vmem>>, vector<1x128xf32>,
    %get3A_1979 = arith.constant 62 : index
    %get3A_1980 = memref.load %arg4[%get3A_1979] : memref<64xi32, #tpu.memory_space<smem>>
    %get3A_1981 = arith.constant 0 : index
    %get3A_1982 = arith.index_cast %get3A_1980 : i32 to index
    %get3A_1983 = arith.constant 0 : index
    %get3A_1984 = vector.load %arg0[%get3A_1981, %get3A_1982, %get3A_1983] : memref<2x10112x128xf32, #tpu.memory_space<vmem>>, vector<1x1x128xf32>
    %get3A_1985 = vector.shape_cast %get3A_1984 : vector<1x1x128xf32> to vector<1x128xf32>
    %get3A_1986 = arith.constant 1 : index
    %get3A_1987 = arith.index_cast %get3A_1980 : i32 to index
    %get3A_1988 = arith.constant 0 : index
    %get3A_1989 = vector.load %arg0[%get3A_1986, %get3A_1987, %get3A_1988] : memref<2x10112x128xf32, #tpu.memory_space<vmem>>, vector<1x1x128xf32>
    %get3A_1990 = vector.shape_cast %get3A_1989 : vector<1x1x128xf32> to vector<1x128xf32>
    %add3A_1991 = arith.addf %get3A_1985, %get3A_1990 : vector<1x128xf32>
    %get3A_1992 = arith.index_cast %get3A_1980 : i32 to index
    %get3A_1993 = arith.constant 0 : index
    %get3A_1994 = vector.load %arg2[%get3A_1992, %get3A_1993] : memref<10000x1xf32, #tpu.memory_space<vmem>>, vector<1x1xf32>
    %mul3A_1995 = vector.broadcast %get3A_1994 : vector<1x1xf32> to vector<1x128xf32>
    %mul3A_1996 = arith.mulf %mul3A_1995, %add3A_1991 : vector<1x128xf32>
    %get3A_1997 = arith.index_cast %get3A_1980 : i32 to index
    %get3A_1998 = arith.constant 0 : index
    %get3A_1999 = vector.load %arg1[%get3A_1997, %get3A_1998] : memref<10000x128xf32, #tpu.memory_space<vmem>>, vector<1x128xf32>
    %add3A_2000 = arith.addf %mul3A_1996, %get3A_1999 : vector<1x128xf32>
    %get3A_2001 = arith.constant 0 : index
    %get3A_2002 = arith.constant 0 : index
    %get3A_2003 = vector.load %arg3[%get3A_2001, %get3A_2002] : memref<1x128xf32, #tpu.memory_space<vmem>>, vector<1x128xf32>
    %add3A_2004 = arith.addf %add3A_2000, %get3A_2003 : vector<1x128xf32>
    %max3A_2005 = arith.constant 0.000000e+00 : f32
    %max3A_2006 = vector.broadcast %max3A_2005 : f32 to vector<1x128xf32>
    %max3A_2007 = arith.maximumf %add3A_2004, %max3A_2006 : vector<1x128xf32>
    %swap3A_2008 = arith.constant 62 : index
    %swap3A_2009 = arith.constant 0 : index
    %swap3A_2010 = vector.load %arg13[%swap3A_2008, %swap3A_2009] : memref<64x128xf32, #tpu.memory_space<vmem>>, vector<1x128xf32>
    tpu.vector_store %arg13[%swap3A_2008, %swap3A_2009], %max3A_2007 {strides = array<i32>} : memref<64x128xf32, #tpu.memory_space<vmem>>, vector<1x128xf32>,
    %get3A_2011 = arith.constant 63 : index
    %get3A_2012 = memref.load %arg4[%get3A_2011] : memref<64xi32, #tpu.memory_space<smem>>
    %get3A_2013 = arith.constant 0 : index
    %get3A_2014 = arith.index_cast %get3A_2012 : i32 to index
    %get3A_2015 = arith.constant 0 : index
    %get3A_2016 = vector.load %arg0[%get3A_2013, %get3A_2014, %get3A_2015] : memref<2x10112x128xf32, #tpu.memory_space<vmem>>, vector<1x1x128xf32>
    %get3A_2017 = vector.shape_cast %get3A_2016 : vector<1x1x128xf32> to vector<1x128xf32>
    %get3A_2018 = arith.constant 1 : index
    %get3A_2019 = arith.index_cast %get3A_2012 : i32 to index
    %get3A_2020 = arith.constant 0 : index
    %get3A_2021 = vector.load %arg0[%get3A_2018, %get3A_2019, %get3A_2020] : memref<2x10112x128xf32, #tpu.memory_space<vmem>>, vector<1x1x128xf32>
    %get3A_2022 = vector.shape_cast %get3A_2021 : vector<1x1x128xf32> to vector<1x128xf32>
    %add3A_2023 = arith.addf %get3A_2017, %get3A_2022 : vector<1x128xf32>
    %get3A_2024 = arith.index_cast %get3A_2012 : i32 to index
    %get3A_2025 = arith.constant 0 : index
    %get3A_2026 = vector.load %arg2[%get3A_2024, %get3A_2025] : memref<10000x1xf32, #tpu.memory_space<vmem>>, vector<1x1xf32>
    %mul3A_2027 = vector.broadcast %get3A_2026 : vector<1x1xf32> to vector<1x128xf32>
    %mul3A_2028 = arith.mulf %mul3A_2027, %add3A_2023 : vector<1x128xf32>
    %get3A_2029 = arith.index_cast %get3A_2012 : i32 to index
    %get3A_2030 = arith.constant 0 : index
    %get3A_2031 = vector.load %arg1[%get3A_2029, %get3A_2030] : memref<10000x128xf32, #tpu.memory_space<vmem>>, vector<1x128xf32>
    %add3A_2032 = arith.addf %mul3A_2028, %get3A_2031 : vector<1x128xf32>
    %get3A_2033 = arith.constant 0 : index
    %get3A_2034 = arith.constant 0 : index
    %get3A_2035 = vector.load %arg3[%get3A_2033, %get3A_2034] : memref<1x128xf32, #tpu.memory_space<vmem>>, vector<1x128xf32>
    %add3A_2036 = arith.addf %add3A_2032, %get3A_2035 : vector<1x128xf32>
    %max3A_2037 = arith.constant 0.000000e+00 : f32
    %max3A_2038 = vector.broadcast %max3A_2037 : f32 to vector<1x128xf32>
    %max3A_2039 = arith.maximumf %add3A_2036, %max3A_2038 : vector<1x128xf32>
    %swap3A_2040 = arith.constant 63 : index
    %swap3A_2041 = arith.constant 0 : index
    %swap3A_2042 = vector.load %arg13[%swap3A_2040, %swap3A_2041] : memref<64x128xf32, #tpu.memory_space<vmem>>, vector<1x128xf32>
    tpu.vector_store %arg13[%swap3A_2040, %swap3A_2041], %max3A_2039 {strides = array<i32>} : memref<64x128xf32, #tpu.memory_space<vmem>>, vector<1x128xf32>,
    %get3A_2043 = arith.constant 0 : index
    %get3A_2044 = arith.constant 0 : index
    %get3A_2045 = vector.load %arg13[%get3A_2043, %get3A_2044] : memref<64x128xf32, #tpu.memory_space<vmem>>, vector<64x128xf32>
    %get3A_2046 = arith.constant 0 : index
    %get3A_2047 = arith.constant 0 : index
    %get3A_2048 = vector.load %arg5[%get3A_2046, %get3A_2047] : memref<64x1xf32, #tpu.memory_space<vmem>>, vector<64x1xf32>
    %concatenate3A = tpu.concatenate %get3A_2045, %get3A_2048 in 1 : vector<64x128xf32>, vector<64x1xf32> -> vector<64x129xf32>
    %get3A_2049 = arith.constant 0 : index
    %get3A_2050 = arith.constant 0 : index
    %get3A_2051 = vector.load %arg6[%get3A_2049, %get3A_2050] : memref<129x128xf32, #tpu.memory_space<vmem>>, vector<129x128xf32>
    %dot_general3A = arith.constant dense<0.000000e+00> : vector<64x128xf32>
    %dot_general3A_2052 = tpu.matmul %concatenate3A, %get3A_2051, %dot_general3A {dimension_numbers = #tpu.dot_dimension_numbers<[1], [0], [0], [1], [0, 0, 1, 1], [], []>, transpose_lhs_hint = false} : vector<64x129xf32>, vector<129x128xf32>, vector<64x128xf32> -> vector<64x128xf32>
    %get3A_2053 = arith.constant 0 : index
    %get3A_2054 = arith.constant 0 : index
    %get3A_2055 = vector.load %arg7[%get3A_2053, %get3A_2054] : memref<1x128xf32, #tpu.memory_space<vmem>>, vector<1x128xf32>
    %add3A_2056 = vector.broadcast %get3A_2055 : vector<1x128xf32> to vector<64x128xf32>
    %add3A_2057 = arith.addf %dot_general3A_2052, %add3A_2056 : vector<64x128xf32>
    %max3A_2058 = arith.constant 0.000000e+00 : f32
    %max3A_2059 = vector.broadcast %max3A_2058 : f32 to vector<64x128xf32>
    %max3A_2060 = arith.maximumf %add3A_2057, %max3A_2059 : vector<64x128xf32>
    %get3A_2061 = arith.constant 0 : index
    %get3A_2062 = arith.constant 0 : index
    %get3A_2063 = vector.load %arg8[%get3A_2061, %get3A_2062] : memref<128x128xf32, #tpu.memory_space<vmem>>, vector<128x128xf32>
    %dot_general3A_2064 = arith.constant dense<0.000000e+00> : vector<64x128xf32>
    %dot_general3A_2065 = tpu.matmul %max3A_2060, %get3A_2063, %dot_general3A_2064 {dimension_numbers = #tpu.dot_dimension_numbers<[1], [0], [0], [1], [0, 0, 1, 1], [], []>, transpose_lhs_hint = false} : vector<64x128xf32>, vector<128x128xf32>, vector<64x128xf32> -> vector<64x128xf32>
    %get3A_2066 = arith.constant 0 : index
    %get3A_2067 = arith.constant 0 : index
    %get3A_2068 = vector.load %arg9[%get3A_2066, %get3A_2067] : memref<1x128xf32, #tpu.memory_space<vmem>>, vector<1x128xf32>
    %add3A_2069 = vector.broadcast %get3A_2068 : vector<1x128xf32> to vector<64x128xf32>
    %add3A_2070 = arith.addf %dot_general3A_2065, %add3A_2069 : vector<64x128xf32>
    %max3A_2071 = arith.constant 0.000000e+00 : f32
    %max3A_2072 = vector.broadcast %max3A_2071 : f32 to vector<64x128xf32>
    %max3A_2073 = arith.maximumf %add3A_2070, %max3A_2072 : vector<64x128xf32>
    %reduce_sum3A = arith.constant dense<0.000000e+00> : vector<128xf32>
    %reduce_sum3A_2074 = vector.multi_reduction <add>, %max3A_2073, %reduce_sum3A [0] : vector<64x128xf32> to vector<128xf32>
    %broadcast_in_dim3A = vector.shape_cast %reduce_sum3A_2074 : vector<128xf32> to vector<1x128xf32>
    %div3A = arith.constant 6.400000e+01 : f32
    %div3A_2075 = vector.broadcast %div3A : f32 to vector<1x128xf32>
    %div3A_2076 = arith.divf %broadcast_in_dim3A, %div3A_2075 : vector<1x128xf32>
    %get3A_2077 = arith.constant 0 : index
    %get3A_2078 = arith.constant 0 : index
    %get3A_2079 = vector.load %arg10[%get3A_2077, %get3A_2078] : memref<128x1xf32, #tpu.memory_space<vmem>>, vector<128x1xf32>
    %dot_general3A_2080 = arith.constant dense<0.000000e+00> : vector<1x1xf32>
    %dot_general3A_2081 = tpu.matmul %div3A_2076, %get3A_2079, %dot_general3A_2080 {dimension_numbers = #tpu.dot_dimension_numbers<[1], [0], [0], [1], [0, 0, 1, 1], [], []>, transpose_lhs_hint = false} : vector<1x128xf32>, vector<128x1xf32>, vector<1x1xf32> -> vector<1x1xf32>
    %get3A_2082 = arith.constant 0 : index
    %get3A_2083 = arith.constant 0 : index
    %get3A_2084 = vector.load %arg11[%get3A_2082, %get3A_2083] : memref<1x1xf32, #tpu.memory_space<vmem>>, vector<1x1xf32>
    %add3A_2085 = arith.addf %dot_general3A_2081, %get3A_2084 : vector<1x1xf32>
    %swap3A_2086 = arith.constant 0 : index
    %swap3A_2087 = arith.constant 0 : index
    %swap3A_2088 = vector.load %arg12[%swap3A_2086, %swap3A_2087] : memref<1x1xf32, #tpu.memory_space<vmem>>, vector<1x1xf32>
    tpu.vector_store %arg12[%swap3A_2086, %swap3A_2087], %add3A_2085 {strides = array<i32>} : memref<1x1xf32, #tpu.memory_space<vmem>>, vector<1x1xf32>,
    return
  }
}

</mosaic_0001>

<sc_bundles>
// kernel: kernel.12.cloned.1.call-start
scs
__scs_entry_jumppad:
0x0: {  	(pc) =	sbr.rel $0x88, $3  }
0x1: {  	(tag) =	ssettag $0x0;
	lr =	simm.s32 $0x1  }
0x2: {  	[smem:$0x3F91] =	sst lr;
	_ =	strace $0xD0000000  }
0x3: {  	_ = 	snop  }
0x4: {  	_ = 	snop  }
0x5: {  	_ = 	snop  }
0x6: {  	_ = 	snop  }
0x7: {  	_ = 	snop  }
__scs_overlays_trampoline_lowered:
0x8: {  	[smem:$0x3FA0] =	sst s0  }
0x9: {  	[smem:$0x3FA1] =	sst s1  }
0xa: {  	[smem:$0x3FA2] =	sst s2  }
0xb: {  	[smem:$0x3FA3] =	sst s3  }
0xc: {  	[smem:$0x3FA4] =	sst s4  }
0xd: {  	[smem:$0x3FA5] =	sst s5  }
0xe: {  	[smem:$0x3FA6] =	sst s6  }
0xf: {  	[smem:$0x3FA7] =	sst s7  }
0x10: {  	[smem:$0x3FA8] =	sst s8  }
0x11: {  	[smem:$0x3FA9] =	sst s9;
	s0 =	simm.s32 @!p0 $0x0  }
0x12: {  	s1 =	sld [smem:$0x3F8F];
	s0 =	simm.s32 @p0 $0x1  }
0x13: {  	[smem:$0x3FAA] =	sst s0;
	s0 =	simm.s32 @!p1 $0x0  }
0x14: {  	s2 =	sld [smem:$0x3F8E];
	s0 =	simm.s32 @p1 $0x1  }
0x15: {  	[smem:$0x3FAB] =	sst s0;
	s0 =	simm.s32 @!p2 $0x0  }
0x16: {  	s3 =	sld [smem:$0x3FDB];
	s0 =	simm.s32 @p2 $0x1  }
0x17: {  	s4 =	simm.s32 $0x1BF5;
	[smem:$0x3FAD] =	sst s0  }
0x18: {  	s0 =	sld [smem:$0x3F90];
	_ =	swait.ge [sflag:s4], $0x0  }
0x19: {  	s7 =	sld [smem:$0x3F91]  }
0x1a: {  	s8 =	sadd.s32 $0xFFFFE003, lr  }
0x1b: {  	s9 =	sadd.s32 $0xFFFFFEF7, lr;
	s5 =	simm.s32 $0xFFFFFFFF;
	p2 =	slt.u32 s8, $0xFFFFF086  }
0x1c: {  	p1 =	slt.u32 s9, $0xF7A;
	s5 =	simm.s32 @!p2 $0x0  }
0x1d: {  	s5 =	simm.s32 @p1 $0x1;
	p0 =	seq.s32 s7, s2  }
0x1e: {  	s7 =	smul.u32 @!p0 $0xF7A, s2;
	p2 =	seq.s32 @!p0 s5, $0x0  }
0x1f: {  	s9 =	smul.u32 $0xF7A, s1;
	s8 =	simm.s32 @!p0 $0x1BF5;
	p2 =	por !p2, p0  }
0x20: {  	[sflag:s8] =	ssyncset.s32 @!p0 $0xFFFFF086;
	s6 =	sadd.s32 @!p0 s3, s7;
	s7 =	simm.s32 @!p0 $0x108  }
0x21: {  	s3 =	sadd.s32 s3, s9;
	s6 =	sadd.s32 @!p0 $0x88, s6;
	s7 =	simm.s32 @p2 $0x1082  }
0x22: {  	[simem:s7], [sflag:s8] =	dma.local @!p0 [hbm:s6], $0xF7A  }
0x23: {  	s9 =	sor.u32 $0xD0000000, s2;
	s6 =	simm.s32 $0x108;
	_ =	swait.ge @!p0 [sflag:s8], $0x0  }
0x24: {  	s3 =	sadd.s32 $0x88, s3;
	s6 =	simm.s32 @!p1 $0x1082;
	[sflag:s4] =	ssyncset.s32 $0xFFFFF086  }
0x25: {  	[simem:s6], [sflag:s4] =	dma.local [hbm:s3], $0xF7A  }
0x26: {  	[smem:$0x3F91] =	sst s1;
	(tag) =	ssettag s2;
	_ =	strace s9  }
0x27: {  	s1 =	sld [smem:$0x3FA1]  }
0x28: {  	s2 =	sld [smem:$0x3FA2]  }
0x29: {  	s4 =	sld [smem:$0x3FA4]  }
0x2a: {  	p0 =	seq.s32 s5, $0x0;
	s5 =	sld [smem:$0x3FA5]  }
0x2b: {  	s6 =	sld [smem:$0x3FA6]  }
0x2c: {  	s7 =	sld [smem:$0x3FA7]  }
0x2d: {  	s3 =	simm.s32 $0x108;
	s8 =	sld [smem:$0x3FA8]  }
0x2e: {  	s3 =	simm.s32 @!p0 $0x1082;
	s9 =	sld [smem:$0x3FA9]  }
0x2f: {  	lr =	sadd.s32 s0, s3;
	s0 =	sld [smem:$0x3FA0]  }
0x30: {  	s3 =	sld [smem:$0x3FA3]  }
0x31: {  	[smem:$0x3FAC] =	sst s10  }
0x32: {  	s10 =	sld [smem:$0x3FAA];
	_ =	sdelay $0x3  }
0x33: {  	p0 =	seq.s32 s10, $0x1;
	s10 =	sld [smem:$0x3FAC];
	_ =	sdelay $0x3  }
0x34: {  	[smem:$0x3FAC] =	sst s10  }
0x35: {  	s10 =	sld [smem:$0x3FAB];
	_ =	sdelay $0x3  }
0x36: {  	p1 =	seq.s32 s10, $0x1;
	s10 =	sld [smem:$0x3FAC];
	_ =	sdelay $0x3  }
0x37: {  	[smem:$0x3FAC] =	sst s10  }
0x38: {  	s10 =	sld [smem:$0x3FAD]  }
0x39: {  	_ = 	snop;
	(pc) =	sbr.ind lr, $3  }
0x3a: {  	_ = 	snop  }
0x3b: {  	_ = 	snop  }
0x3c: {  	p2 =	seq.s32 s10, $0x1;
	s10 =	sld [smem:$0x3FAC]  }
0x3d: {  	_ =	shalt  }
0x3e: {  	_ =	shalt  }
0x3f: {  	_ =	shalt  }
0x40: {  	_ =	shalt  }
0x41: {  	_ =	shalt  }
0x42: {  	_ =	shalt  }
0x43: {  	_ =	shalt  }
0x44: {  	_ =	shalt  }
0x45: {  	_ =	shalt  }
0x46: {  	_ =	shalt  }
0x47: {  	_ =	shalt  }
0x48: {  	_ =	shalt  }
0x49: {  	_ =	shalt  }
0x4a: {  	_ =	shalt  }
0x4b: {  	_ =	shalt  }
0x4c: {  	_ =	shalt  }
0x4d: {  	_ =	shalt  }
0x4e: {  	_ =	shalt  }
0x4f: {  	_ =	shalt  }
0x50: {  	_ =	shalt  }
0x51: {  	_ =	shalt  }
0x52: {  	_ =	shalt  }
0x53: {  	_ =	shalt  }
0x54: {  	_ =	shalt  }
0x55: {  	_ =	shalt  }
0x56: {  	_ =	shalt  }
0x57: {  	_ =	shalt  }
0x58: {  	_ =	shalt  }
0x59: {  	_ =	shalt  }
0x5a: {  	_ =	shalt  }
0x5b: {  	_ =	shalt  }
0x5c: {  	_ =	shalt  }
0x5d: {  	_ =	shalt  }
0x5e: {  	_ =	shalt  }
0x5f: {  	_ =	shalt  }
0x60: {  	_ =	shalt  }
0x61: {  	_ =	shalt  }
0x62: {  	_ =	shalt  }
0x63: {  	_ =	shalt  }
0x64: {  	_ =	shalt  }
0x65: {  	_ =	shalt  }
0x66: {  	_ =	shalt  }
0x67: {  	_ =	shalt  }
0x68: {  	_ =	shalt  }
0x69: {  	_ =	shalt  }
0x6a: {  	_ =	shalt  }
0x6b: {  	_ =	shalt  }
0x6c: {  	_ =	shalt  }
0x6d: {  	_ =	shalt  }
0x6e: {  	_ =	shalt  }
0x6f: {  	_ =	shalt  }
0x70: {  	_ =	shalt  }
0x71: {  	_ =	shalt  }
0x72: {  	_ =	shalt  }
0x73: {  	_ =	shalt  }
0x74: {  	_ =	shalt  }
0x75: {  	_ =	shalt  }
0x76: {  	_ =	shalt  }
0x77: {  	_ =	shalt  }
0x78: {  	_ =	shalt  }
0x79: {  	_ =	shalt  }
0x7a: {  	_ =	shalt  }
0x7b: {  	_ =	shalt  }
0x7c: {  	_ =	shalt  }
0x7d: {  	_ =	shalt  }
0x7e: {  	_ =	shalt  }
0x7f: {  	_ =	shalt  }
0x80: {  	_ =	shalt  }
0x81: {  	_ =	shalt  }
0x82: {  	_ =	shalt  }
0x83: {  	_ =	shalt  }
0x84: {  	_ =	shalt  }
0x85: {  	_ =	shalt  }
0x86: {  	_ =	shalt  }
0x87: {  	_ =	shalt  }
.Lfunc_end0:
.L_simem_size_0:
called_computation.1_lowered:
.L_overlay_start_0:
0x88: {  	s2 =	sld [smem:$0x3FD9]  }
0x89: {  	s3 =	sld [smem:$0x3FFE];
	_ =	sdelay $0x1  }
0x8a: {  	s1 =	srdreg.scid  }
0x8b: {  	s0 =	sand.u32 $0x1, s1  }
0x8c: {  	s16 =	sshll.u32 s0, $0xA;
	s2 =	sadd.s32 s3, s2  }
0x8d: {  	s2 =	sadd.s32 s2, s16  }
0x8e: {  	[smem:$0x3FB8] =	sst s2  }
0x8f: {  	_ = 	snop  }
0x90: {  	(tm) =	ssettm $0x1  }
0x91: {  	s17 =	sld [smem:$0x3FFB];
	_ =	sdelay $0x3  }
0x92: {  	_ =	strace s17  }
0x93: {  	s2 =	sld [smem:$0x3FFC];
	_ =	sdelay $0x3  }
0x94: {  	_ =	strace s2  }
0x95: {  	s2 =	sld [smem:$0x3FFD];
	_ =	sdelay $0x3  }
0x96: {  	_ =	strace s2  }
0x97: {  	_ =	strace $0x8FFFFFFF  }
0x98: {  	s18 =	sld [smem:$0x3FDB];
	_ =	sdelay $0x1  }
0x99: {  	s19 =	simm.s32 $_scs_section_size  }
0x9a: {  	s4 =	simm.s32 $_size__tile_overlayer_lowered;
	s5 =	simm.s32 $_tile_overlayer_lowered  }
0x9b: {  	s22 =	simm.s32 $0x1BFF;
	s21 =	sshll.u32 s5, $0x1;
	s2 =	sadd.s32 s19, s18  }
0x9c: {  	s6 =	simm.s32 $0x0;
	s20 =	sshll.u32 s4, $0x1;
	s4 =	sadd.s32 s21, s2  }
0x9d: {  	[timem:s6], [sflag:s22] =	dma.local [hbm:s4], s20  }
0x9e: {  	_ =	swait.ge [sflag:s22], s20  }
0x9f: {  	s3 =	ssub.s32 $0x0, s20;
	[sflag:s22] =	ssyncset.done $0x0  }
0xa0: {  	[sflag:s22] =	ssyncadd.s32 s3;
	_ =	sdelay $0x1  }
0xa1: {  	s23 =	simm.s32 $0x1B8B  }
0xa2: {  	_ =	swait.ge [sflag:s23], $0x1  }
0xa3: {  	[sflag:s23] =	ssyncset.done $0x0  }
0xa4: {  	s25 =	simm.s32 $0x1B8E;
	s24 =	sld [smem:$0x3FFE];
	[sflag:s23] =	ssyncadd.s32 $0xFFFFFFFF  }
0xa5: {  	s26 =	simm.s32 $execute0_lowered;
	[smem:$0x3FD2] =	sst s25  }
0xa6: {  	s4 =	sshll.u32 s26, $0x1;
	_ =	strace $0x80000049;
	[dreg:$0x1] =	wrdreg $0xFFFFFFFF  }
0xa7: {  	s28 =	simm.s32 $_size_execute0_lowered;
	s2 =	sadd.s32 s2, s4;
	[dreg:$0x0] =	wrdreg $0x0  }
0xa8: {  	s4 =	sshll.u32 s28, $0x1;
	[dreg:$0x2] =	wrdreg s2  }
0xa9: {  	[dreg:$0x3] =	wrdreg s4  }
0xaa: {  	[dreg:$0x4] =	wrdreg $0xC0  }
0xab: {  	_ =	task [dreg:s6], $0x5FFFF  }
0xac: {  	[dreg:$0x1] =	wrdreg $0xFFFFFFFF  }
0xad: {  	[dreg:$0x0] =	wrdreg $0x60  }
0xae: {  	[dreg:$0x2] =	wrdreg s24  }
0xaf: {  	[dreg:$0x3] =	wrdreg $0xAA000  }
0xb0: {  	[dreg:$0x4] =	wrdreg $0x9  }
0xb1: {  	_ =	task.clear_ibuf [dreg:s6], $0x5FFFF;
	_ =	strace $0x90000049  }
0xb2: {  	s29 =	simm.s32 $0x9;
	_ =	strace $0x8000004B  }
0xb3: {  	_ =	swait.ge [sflag:s29], $0x1  }
0xb4: {  	[sflag:s29] =	ssyncadd.s32 $0xFFFFFFFF  }
0xb5: {  	_ =	strace $0x9000004B  }
0xb6: {  	_ =	sfence  }
0xb7: {  	s30 =	sld [smem:$0x0];
	_ =	sdelay $0x2  }
0xb8: {  	s31 =	sshll.u32 s1, $0xD;
	s1 =	sshrl.u32 s1, $0x2  }
0xb9: {  	s3 =	sand.u32 $0x4000, s31;
	s1 =	sadd.s32 s1, s30  }
0xba: {  	s0 =	sor.u32 s3, s0;
	s1 =	sshll.u32 s1, $0x11  }
0xbb: {  	s0 =	sor.u32 s1, s0  }
0xbc: {  	s0 =	sadd.s32 $0x8F2B, s0  }
0xbd: {  	[sflag:s0] =	ssyncadd.remote.s32 $0x1  }
0xbe: {  	_ =	sfence.sel $0xFFFF  }
0xbf: {  	[dreg:$0x0] =	wrdreg $0xFFFFFFFF;
	(pc) =	sbr.abs _section_cstart, $3  }
0xc0: {  	[dreg:$0x1] =	wrdreg $0xFFFFFFFF  }
0xc1: {  	_ =	task.clear_ibuf [dreg:s6], $0x2FFFF;
	_ =	strace $0x9FFFFFFF  }
0xc2: {  	(tm) =	ssettm $0x7FFFFFFF  }
0xc3: {  	_ =	shalt  }
tec
execute0_lowered:
.L_overlay_start_1:
0x0: {  	(tag) =	ssettag $0x1  }
0x1: {  	s0 =	srdreg.scid;
	s1 =	rddreg [dreg:$0x0]  }
0x2: {  	s3 =	stileid.u32;
	s2 =	rddreg [dreg:$0x1]  }
0x3: {  	s6 =	simm.s32 $0x0;
	s18 =	simm.s32 $0x5;
	s19 =	simm.s32 $0x80  }
0x4: {  	s20 =	simm.s32 $0x2800;
	s21 =	simm.s32 $0x2880;
	s22 =	simm.s32 $0x6A00  }
0x5: {  	s23 =	simm.s32 $0x1;
	s24 =	simm.s32 $0x2900;
	s5 =	smul.u32 $0x2800, s3  }
0x6: {  	s28 =	simm.s32 $0x2980;
	s29 =	simm.s32 $0x4;
	s25 =	smul.u32 $0x4F000, s3  }
0x7: {  	s30 =	simm.s32 $0x0;
	s0 =	sand.u32 $0x1, s0;
	s9 =	smul.u32 $0x13C00, s3  }
0x8: {  	[smem:$0x7FF] =	sst s6;
	s4 =	smul.u32 $0x28000, s0;
	s26 =	ssub.s32 $0x2, s0  }
0x9: {  	_ =	strace $0x8000004A;
	s0 =	smul.u32 $0x13C000, s0;
	s7 =	sshrl.u32 s26, $0x1  }
0xa: {  	s6 =	sshrl.u32 s25, $0x2;
	s11 =	sadd.s32 $0x4000, s9;
	s13 =	sadd.s32 $0x8000, s9  }
0xb: {  	s14 =	sadd.s32 $0xC000, s9;
	s15 =	sadd.s32 $0x10000, s9;
	s25 =	simm.s32 $0x3  }
0xc: {  	s4 =	sadd.s32 s5, s4;
	s16 =	ssub.s32 s26, s7;
	s7 =	sadd.s32 s13, s2  }
0xd: {  	s8 =	sadd.s32 s14, s2;
	s12 =	sadd.s32 s9, s0;
	s9 =	sadd.s32 s15, s2  }
0xe: {  	s17 =	sadd.s32 s0, s11;
	s13 =	sadd.s32 s0, s13;
	s14 =	sadd.s32 s0, s14  }
0xf: {  	s0 =	sadd.s32 s0, s15;
	s26 =	simm.s32 $0x2;
	s5 =	sshrl.u32 s4, $0x3  }
0x10: {  	s4 =	sadd.s32 $0xD600, s1;
	s12 =	sshrl.u32 s12, $0x3;
	s31 =	sshrl.u32 s17, $0x3  }
0x11: {  	s13 =	sshrl.u32 s13, $0x3;
	s14 =	sshrl.u32 s14, $0x3;
	s0 =	sshrl.u32 s0, $0x3  }
0x12: {  	s16 =	smax.u32 s16, $0x1;
	s17 =	simm.s32 $0x2A00;
	s10 =	sadd.s32 s5, s1  }
0x13: {  	s1 =	sadd.s32 $0x83800, s1;
	s5 =	sadd.s32 s6, s2;
	s6 =	sadd.s32 s11, s2  }
0x14: {  	s10 =	sadd.s32 $0x3600, s10;
	s11 =	sadd.s32 s1, s12;
	s12 =	sadd.s32 s1, s31  }
0x15: {  	v0 =	vimm.f32 $0.0e+00;
	s13 =	sadd.s32 s1, s13;
	s14 =	sadd.s32 s1, s14;
	s15 =	sadd.s32 s1, s0  }
.LBB2_1:
0x16: {  	s1 =	simm.s32 $0x0  }
0x17: {  	s0 =	sand.u32 $0xFE00, s1  }
0x18: {  	s31 =	sand.u32 $0x70, s1;
	s0 =	sshrl.u32 s0, $0x2  }
0x19: {  	s1 =	simm.s32 $0x40;
	s0 =	sor.u32 s31, s0;
	s31 =	simm.s32 $0x0  }
.LBB2_2:
0x1a: {  	p0 =	sne.s32 s1, $0xFFC0  }
0x1b: {  	[tilespmem:s0+$0x2A00] =	vst v0;
	s31 =	sadd.s32 $0x10, s31;
	s0 =	smov.u32 s1;
	s1 =	sadd.s32 $0x40, s1  }
.Ltmp0:
0x1c: {  	(pc) =	sbr.rel @p0 .LBB2_2-.Ltmp0, $4  }
0x1d: {  	_ = 	snop  }
0x1e: {  	s0 =	sand.u32 $0xFE00, s0  }
0x1f: {  	s3 =	sand.u32 $0x70, s31;
	s0 =	sshrl.u32 s0, $0x2  }
0x20: {  	s0 =	sor.u32 s3, s0  }
0x21: {  	[tilespmem:s0+$0x2A00] =	vst v0  }
0x22: {  	[spmem:s5] =	stream.linear.scatter [tilespmem:s17], [sflag:$0x5], $0x4000, $0x38;
	[tilespmem:$0x1E600] =	vst v63  }
0x23: {  	_ =	swait.ge [sflag:s18], $0x4000  }
0x24: {  	[sflag:s18] =	ssyncset.done $0x0  }
0x25: {  	[sflag:s18] =	ssyncadd.s32 $0xFFFFC000  }
0x26: {  	[spmem:s6] =	stream.linear.scatter [tilespmem:s17], [sflag:$0x5], $0x4000, $0x38;
	[tilespmem:$0x1E600] =	vst v63  }
0x27: {  	_ =	swait.ge [sflag:s18], $0x4000  }
0x28: {  	[sflag:s18] =	ssyncset.done $0x0  }
0x29: {  	[sflag:s18] =	ssyncadd.s32 $0xFFFFC000  }
0x2a: {  	[spmem:s7] =	stream.linear.scatter [tilespmem:s17], [sflag:$0x5], $0x4000, $0x38;
	[tilespmem:$0x1E600] =	vst v63  }
0x2b: {  	_ =	swait.ge [sflag:s18], $0x4000  }
0x2c: {  	[sflag:s18] =	ssyncset.done $0x0  }
0x2d: {  	[sflag:s18] =	ssyncadd.s32 $0xFFFFC000  }
0x2e: {  	[spmem:s8] =	stream.linear.scatter [tilespmem:s17], [sflag:$0x5], $0x4000, $0x38;
	[tilespmem:$0x1E600] =	vst v63  }
0x2f: {  	_ =	swait.ge [sflag:s18], $0x4000  }
0x30: {  	[sflag:s18] =	ssyncset.done $0x0  }
0x31: {  	[sflag:s18] =	ssyncadd.s32 $0xFFFFC000  }
0x32: {  	[spmem:s9] =	stream.linear.scatter [tilespmem:s17], [sflag:$0x5], $0x3C00, $0x38;
	[tilespmem:$0x1E600] =	vst v63  }
0x33: {  	_ =	swait.ge [sflag:s18], $0x3C00  }
0x34: {  	[sflag:s18] =	ssyncset.done $0x0  }
0x35: {  	s3 =	simm.s32 $0x0;
	[sflag:s18] =	ssyncadd.s32 $0xFFFFC400  }
0x36: {  	[tilespmem:s3], [sflag:$0x5] =	stream.linear.gather [hbm4b:s10+s3], $0x2800, $0x38;
	[tilespmem:$0x1E600] =	vst v63  }
0x37: {  	_ =	swait.ge [sflag:s18], $0x2800  }
0x38: {  	[sflag:s18] =	ssyncset.done $0x0  }
0x39: {  	[sflag:s18] =	ssyncadd.s32 $0xFFFFD800  }
0x3a: {  	[bflag:$0x0] =	sbarrier.arrive $0xFFFF  }
0x3b: {  	v1 =	vld [tilespmem:$0x0];
	_ =	sdelay $0x1  }
0x3c: {  	v2 =	vld [tilespmem:$0x10];
	_ =	sdelay $0x1  }
0x3d: {  	v3 =	vld [tilespmem:$0x20]  }
0x3e: {  	v4 =	vshrl.u32 v1, $0xE  }
0x3f: {  	v59 =	vld [tilespmem:$0x30];
	v1 =	vand.u32 $0x3FFF, v1;
	[tilespmem:$0x2800] =	vst v4  }
0x40: {  	[tilespmem:$0x2900] =	vst v1;
	v1 =	vshrl.u32 v2, $0xE  }
0x41: {  	[tilespmem:$0x2810] =	vst v1;
	v1 =	vand.u32 $0x3FFF, v2;
	v2 =	vld [tilespmem:$0x40]  }
0x42: {  	[tilespmem:$0x2910] =	vst v1;
	v1 =	vshrl.u32 v3, $0xE  }
0x43: {  	[tilespmem:$0x2820] =	vst v1;
	v1 =	vand.u32 $0x3FFF, v3;
	v3 =	vld [tilespmem:$0x50]  }
0x44: {  	[tilespmem:$0x2920] =	vst v1;
	v1 =	vshrl.u32 v59, $0xE  }
0x45: {  	v60 =	vld [tilespmem:$0x60];
	[tilespmem:$0x2830] =	vst v1;
	v1 =	vand.u32 $0x3FFF, v59  }
0x46: {  	[tilespmem:$0x2930] =	vst v1;
	v1 =	vshrl.u32 v2, $0xE  }
0x47: {  	[tilespmem:$0x2840] =	vst v1;
	v1 =	vand.u32 $0x3FFF, v2;
	v2 =	vld [tilespmem:$0x70]  }
0x48: {  	[tilespmem:$0x2940] =	vst v1;
	v1 =	vshrl.u32 v3, $0xE  }
0x49: {  	[tilespmem:$0x2850] =	vst v1;
	v1 =	vand.u32 $0x3FFF, v3  }
0x4a: {  	[tilespmem:$0x2950] =	vst v1;
	v1 =	vshrl.u32 v60, $0xE  }
0x4b: {  	[tilespmem:$0x2860] =	vst v1;
	v1 =	vand.u32 $0x3FFF, v60  }
0x4c: {  	[tilespmem:$0x2960] =	vst v1;
	v1 =	vshrl.u32 v2, $0xE  }
0x4d: {  	[tilespmem:$0x2870] =	vst v1;
	v1 =	vand.u32 $0x3FFF, v2  }
0x4e: {  	[tilespmem:$0x2970] =	vst v1  }
0x4f: {  	[tilespmem:s17], [sflag:$0x1] =	stream.indirect.gather [hbm4b:s4+s19], $0x80, s20, s19, $0xb8;
	[tilespmem:$0x1E600] =	vst v63  }
0x50: {  	v1 =	vld [tilespmem:$0x80];
	_ =	sdelay $0x1  }
0x51: {  	v2 =	vld [tilespmem:$0x90];
	_ =	sdelay $0x1  }
0x52: {  	v3 =	vld [tilespmem:$0xA0]  }
0x53: {  	v61 =	vshrl.u32 v1, $0xE  }
0x54: {  	v62 =	vld [tilespmem:$0xB0];
	v1 =	vand.u32 $0x3FFF, v1;
	[tilespmem:$0x2880] =	vst v61  }
0x55: {  	[tilespmem:$0x2980] =	vst v1;
	v1 =	vshrl.u32 v2, $0xE  }
0x56: {  	[tilespmem:$0x2890] =	vst v1;
	v1 =	vand.u32 $0x3FFF, v2;
	v2 =	vld [tilespmem:$0xC0]  }
0x57: {  	[tilespmem:$0x2990] =	vst v1;
	v1 =	vshrl.u32 v3, $0xE  }
0x58: {  	[tilespmem:$0x28A0] =	vst v1;
	v1 =	vand.u32 $0x3FFF, v3;
	v3 =	vld [tilespmem:$0xD0]  }
0x59: {  	[tilespmem:$0x29A0] =	vst v1;
	v1 =	vshrl.u32 v62, $0xE  }
0x5a: {  	v63 =	vld [tilespmem:$0xE0];
	[tilespmem:$0x28B0] =	vst v1;
	v1 =	vand.u32 $0x3FFF, v62  }
0x5b: {  	[tilespmem:$0x29B0] =	vst v1;
	v1 =	vshrl.u32 v2, $0xE  }
0x5c: {  	[tilespmem:$0x28C0] =	vst v1;
	v1 =	vand.u32 $0x3FFF, v2;
	v2 =	vld [tilespmem:$0xF0]  }
0x5d: {  	[tilespmem:$0x29C0] =	vst v1;
	v1 =	vshrl.u32 v3, $0xE  }
0x5e: {  	[tilespmem:$0x28D0] =	vst v1;
	v1 =	vand.u32 $0x3FFF, v3  }
0x5f: {  	[tilespmem:$0x29D0] =	vst v1;
	v1 =	vshrl.u32 v63, $0xE  }
0x60: {  	[tilespmem:$0x28E0] =	vst v1;
	v1 =	vand.u32 $0x3FFF, v63  }
0x61: {  	[tilespmem:$0x29E0] =	vst v1;
	v1 =	vshrl.u32 v2, $0xE  }
0x62: {  	[tilespmem:$0x28F0] =	vst v1;
	v1 =	vand.u32 $0x3FFF, v2  }
0x63: {  	[tilespmem:$0x29F0] =	vst v1  }
0x64: {  	[tilespmem:s22], [sflag:$0x2] =	stream.indirect.gather [hbm4b:s4+s19], $0x80, s21, s19, $0xb8;
	[tilespmem:$0x1E600] =	vst v63  }
0x65: {  	_ =	swait.ge [sflag:s23], $0x4000  }
0x66: {  	[sflag:s23] =	ssyncset.done $0x0  }
0x67: {  	[sflag:s23] =	ssyncadd.s32 $0xFFFFC000  }
0x68: {  	[spmem:s2] =	stream.indirect.scatter.add.f32 [tilespmem:s17], [sflag:$0x3], $0x80, s24, s19, $0xb8;
	[tilespmem:$0x1E600] =	vst v63  }
0x69: {  	_ =	swait.ge [sflag:s25], $0x4000  }
0x6a: {  	[sflag:s25] =	ssyncset.done $0x0  }
0x6b: {  	s31 =	simm.s32 $0x0;
	[sflag:s25] =	ssyncadd.s32 $0xFFFFC000  }
0x6c: {  	v1 =	vld [tilespmem:s31+$0x100];
	_ =	sdelay $0x4  }
0x6d: {  	v2 =	vshrl.u32 v1, $0xE  }
0x6e: {  	v1 =	vand.u32 $0x3FFF, v1;
	[tilespmem:$0x2800] =	vst v2  }
0x6f: {  	[tilespmem:$0x2900] =	vst v1  }
0x70: {  	v1 =	vld [tilespmem:s31+$0x110];
	_ =	sdelay $0x4  }
0x71: {  	v2 =	vshrl.u32 v1, $0xE  }
0x72: {  	v1 =	vand.u32 $0x3FFF, v1;
	[tilespmem:$0x2810] =	vst v2  }
0x73: {  	[tilespmem:$0x2910] =	vst v1  }
0x74: {  	v1 =	vld [tilespmem:s31+$0x120];
	_ =	sdelay $0x4  }
0x75: {  	v2 =	vshrl.u32 v1, $0xE  }
0x76: {  	v1 =	vand.u32 $0x3FFF, v1;
	[tilespmem:$0x2820] =	vst v2  }
0x77: {  	[tilespmem:$0x2920] =	vst v1  }
0x78: {  	v1 =	vld [tilespmem:s31+$0x130];
	_ =	sdelay $0x4  }
0x79: {  	v2 =	vshrl.u32 v1, $0xE  }
0x7a: {  	v1 =	vand.u32 $0x3FFF, v1;
	[tilespmem:$0x2830] =	vst v2  }
0x7b: {  	[tilespmem:$0x2930] =	vst v1  }
0x7c: {  	v1 =	vld [tilespmem:s31+$0x140];
	_ =	sdelay $0x4  }
0x7d: {  	v2 =	vshrl.u32 v1, $0xE  }
0x7e: {  	v1 =	vand.u32 $0x3FFF, v1;
	[tilespmem:$0x2840] =	vst v2  }
0x7f: {  	[tilespmem:$0x2940] =	vst v1  }
0x80: {  	v1 =	vld [tilespmem:s31+$0x150];
	_ =	sdelay $0x4  }
0x81: {  	v2 =	vshrl.u32 v1, $0xE  }
0x82: {  	v1 =	vand.u32 $0x3FFF, v1;
	[tilespmem:$0x2850] =	vst v2  }
0x83: {  	[tilespmem:$0x2950] =	vst v1  }
0x84: {  	v1 =	vld [tilespmem:s31+$0x160];
	_ =	sdelay $0x4  }
0x85: {  	v2 =	vshrl.u32 v1, $0xE  }
0x86: {  	v1 =	vand.u32 $0x3FFF, v1;
	[tilespmem:$0x2860] =	vst v2  }
0x87: {  	[tilespmem:$0x2960] =	vst v1  }
0x88: {  	v1 =	vld [tilespmem:s31+$0x170];
	_ =	sdelay $0x4  }
0x89: {  	v2 =	vshrl.u32 v1, $0xE  }
0x8a: {  	v1 =	vand.u32 $0x3FFF, v1;
	[tilespmem:$0x2870] =	vst v2  }
0x8b: {  	[tilespmem:$0x2970] =	vst v1  }
0x8c: {  	[tilespmem:s17], [sflag:$0x1] =	stream.indirect.gather [hbm4b:s4+s19], $0x80, s20, s19, $0xb8;
	[tilespmem:$0x1E600] =	vst v63  }
0x8d: {  	_ =	swait.ge [sflag:s26], $0x4000  }
0x8e: {  	[sflag:s26] =	ssyncset.done $0x0  }
0x8f: {  	[sflag:s26] =	ssyncadd.s32 $0xFFFFC000  }
0x90: {  	[spmem:s2] =	stream.indirect.scatter.add.f32 [tilespmem:s22], [sflag:$0x4], $0x80, s28, s19, $0xb8;
	[tilespmem:$0x1E600] =	vst v63  }
0x91: {  	_ =	swait.ge [sflag:s29], $0x4000  }
0x92: {  	[sflag:s29] =	ssyncset.done $0x0  }
0x93: {  	[sflag:s29] =	ssyncadd.s32 $0xFFFFC000  }
0x94: {  	v1 =	vld [tilespmem:s31+$0x180];
	_ =	sdelay $0x4  }
0x95: {  	v2 =	vshrl.u32 v1, $0xE  }
0x96: {  	v1 =	vand.u32 $0x3FFF, v1;
	[tilespmem:$0x2880] =	vst v2  }
0x97: {  	[tilespmem:$0x2980] =	vst v1  }
0x98: {  	v1 =	vld [tilespmem:s31+$0x190];
	_ =	sdelay $0x4  }
0x99: {  	v2 =	vshrl.u32 v1, $0xE  }
0x9a: {  	v1 =	vand.u32 $0x3FFF, v1;
	[tilespmem:$0x2890] =	vst v2  }
0x9b: {  	[tilespmem:$0x2990] =	vst v1  }
0x9c: {  	v1 =	vld [tilespmem:s31+$0x1A0];
	_ =	sdelay $0x4  }
0x9d: {  	v2 =	vshrl.u32 v1, $0xE  }
0x9e: {  	v1 =	vand.u32 $0x3FFF, v1;
	[tilespmem:$0x28A0] =	vst v2  }
0x9f: {  	[tilespmem:$0x29A0] =	vst v1  }
0xa0: {  	v1 =	vld [tilespmem:s31+$0x1B0];
	_ =	sdelay $0x4  }
0xa1: {  	v2 =	vshrl.u32 v1, $0xE  }
0xa2: {  	v1 =	vand.u32 $0x3FFF, v1;
	[tilespmem:$0x28B0] =	vst v2  }
0xa3: {  	[tilespmem:$0x29B0] =	vst v1  }
0xa4: {  	v1 =	vld [tilespmem:s31+$0x1C0];
	_ =	sdelay $0x4  }
0xa5: {  	v2 =	vshrl.u32 v1, $0xE  }
0xa6: {  	v1 =	vand.u32 $0x3FFF, v1;
	[tilespmem:$0x28C0] =	vst v2  }
0xa7: {  	[tilespmem:$0x29C0] =	vst v1  }
0xa8: {  	v1 =	vld [tilespmem:s31+$0x1D0];
	_ =	sdelay $0x4  }
0xa9: {  	v2 =	vshrl.u32 v1, $0xE  }
0xaa: {  	v1 =	vand.u32 $0x3FFF, v1;
	[tilespmem:$0x28D0] =	vst v2  }
0xab: {  	[tilespmem:$0x29D0] =	vst v1  }
0xac: {  	v1 =	vld [tilespmem:s31+$0x1E0];
	_ =	sdelay $0x4  }
0xad: {  	v2 =	vshrl.u32 v1, $0xE  }
0xae: {  	s1 =	simm.s32 $0x400;
	v1 =	vand.u32 $0x3FFF, v1;
	[tilespmem:$0x28E0] =	vst v2  }
.LBB2_4:
0xaf: {  	p0 =	sne.s32 s1, $0x9800;
	[tilespmem:$0x29E0] =	vst v1;
	s0 =	smov.u32 s1;
	s1 =	sadd.s32 $0x400, s1  }
0xb0: {  	v1 =	vld [tilespmem:s31+$0x1F0];
	_ =	sdelay $0x4  }
0xb1: {  	v2 =	vshrl.u32 v1, $0xE;
	v1 =	vand.u32 $0x3FFF, v1  }
0xb2: {  	[tilespmem:$0x28F0] =	vst v2  }
0xb3: {  	[tilespmem:$0x29F0] =	vst v1  }
0xb4: {  	[tilespmem:s22], [sflag:$0x2] =	stream.indirect.gather [hbm4b:s4+s19], $0x80, s21, s19, $0xb8;
	[tilespmem:$0x1E600] =	vst v63  }
0xb5: {  	_ =	swait.ge [sflag:s23], $0x4000  }
0xb6: {  	[sflag:s23] =	ssyncset.done $0x0  }
0xb7: {  	[sflag:s23] =	ssyncadd.s32 $0xFFFFC000  }
0xb8: {  	[spmem:s2] =	stream.indirect.scatter.add.f32 [tilespmem:s17], [sflag:$0x3], $0x80, s24, s19, $0xb8;
	[tilespmem:$0x1E600] =	vst v63  }
0xb9: {  	_ =	swait.ge [sflag:s25], $0x4000  }
0xba: {  	[sflag:s25] =	ssyncset.done $0x0  }
0xbb: {  	s31 =	sshra.s32 s0, $0x2;
	[sflag:s25] =	ssyncadd.s32 $0xFFFFC000  }
0xbc: {  	v1 =	vld [tilespmem:s31+$0x100];
	_ =	sdelay $0x4  }
0xbd: {  	v2 =	vshrl.u32 v1, $0xE;
	v1 =	vand.u32 $0x3FFF, v1  }
0xbe: {  	[tilespmem:$0x2800] =	vst v2  }
0xbf: {  	[tilespmem:$0x2900] =	vst v1  }
0xc0: {  	v1 =	vld [tilespmem:s31+$0x110];
	_ =	sdelay $0x4  }
0xc1: {  	v2 =	vshrl.u32 v1, $0xE;
	v1 =	vand.u32 $0x3FFF, v1  }
0xc2: {  	[tilespmem:$0x2810] =	vst v2  }
0xc3: {  	[tilespmem:$0x2910] =	vst v1  }
0xc4: {  	v1 =	vld [tilespmem:s31+$0x120];
	_ =	sdelay $0x4  }
0xc5: {  	v2 =	vshrl.u32 v1, $0xE;
	v1 =	vand.u32 $0x3FFF, v1  }
0xc6: {  	[tilespmem:$0x2820] =	vst v2  }
0xc7: {  	[tilespmem:$0x2920] =	vst v1  }
0xc8: {  	v1 =	vld [tilespmem:s31+$0x130];
	_ =	sdelay $0x4  }
0xc9: {  	v2 =	vshrl.u32 v1, $0xE;
	v1 =	vand.u32 $0x3FFF, v1  }
0xca: {  	[tilespmem:$0x2830] =	vst v2  }
0xcb: {  	[tilespmem:$0x2930] =	vst v1  }
0xcc: {  	v1 =	vld [tilespmem:s31+$0x140];
	_ =	sdelay $0x4  }
0xcd: {  	v2 =	vshrl.u32 v1, $0xE;
	v1 =	vand.u32 $0x3FFF, v1  }
0xce: {  	[tilespmem:$0x2840] =	vst v2  }
0xcf: {  	[tilespmem:$0x2940] =	vst v1  }
0xd0: {  	v1 =	vld [tilespmem:s31+$0x150];
	_ =	sdelay $0x4  }
0xd1: {  	v2 =	vshrl.u32 v1, $0xE;
	v1 =	vand.u32 $0x3FFF, v1  }
0xd2: {  	[tilespmem:$0x2850] =	vst v2  }
0xd3: {  	[tilespmem:$0x2950] =	vst v1  }
0xd4: {  	v1 =	vld [tilespmem:s31+$0x160];
	_ =	sdelay $0x4  }
0xd5: {  	v2 =	vshrl.u32 v1, $0xE;
	v1 =	vand.u32 $0x3FFF, v1  }
0xd6: {  	[tilespmem:$0x2860] =	vst v2  }
0xd7: {  	[tilespmem:$0x2960] =	vst v1  }
0xd8: {  	v1 =	vld [tilespmem:s31+$0x170];
	_ =	sdelay $0x4  }
0xd9: {  	v2 =	vshrl.u32 v1, $0xE;
	v1 =	vand.u32 $0x3FFF, v1  }
0xda: {  	[tilespmem:$0x2870] =	vst v2  }
0xdb: {  	[tilespmem:$0x2970] =	vst v1  }
0xdc: {  	[tilespmem:s17], [sflag:$0x1] =	stream.indirect.gather [hbm4b:s4+s19], $0x80, s20, s19, $0xb8;
	[tilespmem:$0x1E600] =	vst v63  }
0xdd: {  	_ =	swait.ge [sflag:s26], $0x4000  }
0xde: {  	[sflag:s26] =	ssyncset.done $0x0  }
0xdf: {  	[sflag:s26] =	ssyncadd.s32 $0xFFFFC000  }
0xe0: {  	[spmem:s2] =	stream.indirect.scatter.add.f32 [tilespmem:s22], [sflag:$0x4], $0x80, s28, s19, $0xb8;
	[tilespmem:$0x1E600] =	vst v63  }
0xe1: {  	_ =	swait.ge [sflag:s29], $0x4000  }
0xe2: {  	[sflag:s29] =	ssyncset.done $0x0  }
0xe3: {  	[sflag:s29] =	ssyncadd.s32 $0xFFFFC000  }
0xe4: {  	v1 =	vld [tilespmem:s31+$0x180];
	_ =	sdelay $0x4  }
0xe5: {  	v2 =	vshrl.u32 v1, $0xE;
	v1 =	vand.u32 $0x3FFF, v1  }
0xe6: {  	[tilespmem:$0x2880] =	vst v2  }
0xe7: {  	[tilespmem:$0x2980] =	vst v1  }
0xe8: {  	v1 =	vld [tilespmem:s31+$0x190];
	_ =	sdelay $0x4  }
0xe9: {  	v2 =	vshrl.u32 v1, $0xE;
	v1 =	vand.u32 $0x3FFF, v1  }
0xea: {  	[tilespmem:$0x2890] =	vst v2  }
0xeb: {  	[tilespmem:$0x2990] =	vst v1  }
0xec: {  	v1 =	vld [tilespmem:s31+$0x1A0];
	_ =	sdelay $0x4  }
0xed: {  	v2 =	vshrl.u32 v1, $0xE;
	v1 =	vand.u32 $0x3FFF, v1  }
0xee: {  	[tilespmem:$0x28A0] =	vst v2  }
0xef: {  	[tilespmem:$0x29A0] =	vst v1  }
0xf0: {  	v1 =	vld [tilespmem:s31+$0x1B0];
	_ =	sdelay $0x4  }
0xf1: {  	v2 =	vshrl.u32 v1, $0xE;
	v1 =	vand.u32 $0x3FFF, v1  }
0xf2: {  	[tilespmem:$0x28B0] =	vst v2  }
0xf3: {  	[tilespmem:$0x29B0] =	vst v1  }
0xf4: {  	v1 =	vld [tilespmem:s31+$0x1C0];
	_ =	sdelay $0x4  }
0xf5: {  	v2 =	vshrl.u32 v1, $0xE;
	v1 =	vand.u32 $0x3FFF, v1  }
0xf6: {  	[tilespmem:$0x28C0] =	vst v2  }
0xf7: {  	[tilespmem:$0x29C0] =	vst v1  }
0xf8: {  	v1 =	vld [tilespmem:s31+$0x1D0];
	_ =	sdelay $0x4  }
0xf9: {  	v2 =	vshrl.u32 v1, $0xE;
	v1 =	vand.u32 $0x3FFF, v1  }
0xfa: {  	[tilespmem:$0x28D0] =	vst v2  }
0xfb: {  	[tilespmem:$0x29D0] =	vst v1  }
0xfc: {  	v1 =	vld [tilespmem:s31+$0x1E0];
	_ =	sdelay $0x1  }
.Ltmp1:
0xfd: {  	(pc) =	sbr.rel @p0 .LBB2_4-.Ltmp1, $3  }
0xfe: {  	_ =	sdelay $0x1  }
0xff: {  	v2 =	vshrl.u32 v1, $0xE;
	v1 =	vand.u32 $0x3FFF, v1  }
0x100: {  	[tilespmem:$0x28E0] =	vst v2  }
0x101: {  	[tilespmem:$0x29E0] =	vst v1  }
0x102: {  	v1 =	vld [tilespmem:s31+$0x1F0];
	_ =	sdelay $0x4  }
0x103: {  	v2 =	vshrl.u32 v1, $0xE  }
0x104: {  	v1 =	vand.u32 $0x3FFF, v1;
	[tilespmem:$0x28F0] =	vst v2  }
0x105: {  	[tilespmem:$0x29F0] =	vst v1  }
0x106: {  	[tilespmem:s22], [sflag:$0x2] =	stream.indirect.gather [hbm4b:s4+s19], $0x80, s21, s19, $0xb8;
	[tilespmem:$0x1E600] =	vst v63  }
0x107: {  	_ =	swait.ge [sflag:s23], $0x4000  }
0x108: {  	[sflag:s23] =	ssyncset.done $0x0  }
0x109: {  	[sflag:s23] =	ssyncadd.s32 $0xFFFFC000  }
0x10a: {  	[spmem:s2] =	stream.indirect.scatter.add.f32 [tilespmem:s17], [sflag:$0x3], $0x80, s24, s19, $0xb8;
	[tilespmem:$0x1E600] =	vst v63  }
0x10b: {  	_ =	swait.ge [sflag:s25], $0x4000  }
0x10c: {  	[sflag:s25] =	ssyncset.done $0x0  }
0x10d: {  	[sflag:s25] =	ssyncadd.s32 $0xFFFFC000  }
0x10e: {  	_ =	swait.ge [sflag:s26], $0x4000  }
0x10f: {  	[sflag:s26] =	ssyncset.done $0x0  }
0x110: {  	[sflag:s26] =	ssyncadd.s32 $0xFFFFC000  }
0x111: {  	[spmem:s2] =	stream.indirect.scatter.add.f32 [tilespmem:s22], [sflag:$0x4], $0x80, s28, s19, $0xb8;
	[tilespmem:$0x1E600] =	vst v63  }
0x112: {  	_ =	swait.ge [sflag:s29], $0x4000  }
0x113: {  	s0 =	stileid.u32;
	[sflag:s29] =	ssyncset.done $0x0  }
0x114: {  	s0 =	sshll.u32 s0, $0x6;
	[sflag:s29] =	ssyncadd.s32 $0xFFFFC000  }
0x115: {  	s1 =	sshrl.u32 s5, $0x3;
	s0 =	sor.u32 $0x1C05, s0;
	[bflag:$0x0] =	sbarrier.arrive $0xFFFF  }
0x116: {  	[hbm:s11], [sflag:s0] =	dma.local [spmem:s1], $0x800  }
0x117: {  	_ =	swait.ge [sflag:s18], $0x800  }
0x118: {  	[sflag:s18] =	ssyncset.done $0x0  }
0x119: {  	s3 =	sshrl.u32 s6, $0x3;
	[sflag:s18] =	ssyncadd.s32 $0xFFFFF800  }
0x11a: {  	[hbm:s12], [sflag:s0] =	dma.local [spmem:s3], $0x800  }
0x11b: {  	_ =	swait.ge [sflag:s18], $0x800  }
0x11c: {  	[sflag:s18] =	ssyncset.done $0x0  }
0x11d: {  	s31 =	sshrl.u32 s7, $0x3;
	[sflag:s18] =	ssyncadd.s32 $0xFFFFF800  }
0x11e: {  	[hbm:s13], [sflag:s0] =	dma.local [spmem:s31], $0x800  }
0x11f: {  	_ =	swait.ge [sflag:s18], $0x800  }
0x120: {  	[sflag:s18] =	ssyncset.done $0x0  }
0x121: {  	s3 =	sshrl.u32 s8, $0x3;
	[sflag:s18] =	ssyncadd.s32 $0xFFFFF800  }
0x122: {  	[hbm:s14], [sflag:s0] =	dma.local [spmem:s3], $0x800  }
0x123: {  	s30 =	sadd.s32 $0x1, s30;
	_ =	swait.ge [sflag:s18], $0x800  }
0x124: {  	p0 =	sne.s32 s30, s16;
	[sflag:s18] =	ssyncset.done $0x0  }
.Ltmp2:
0x125: {  	s31 =	sshrl.u32 s9, $0x3;
	[sflag:s18] =	ssyncadd.s32 $0xFFFFF800;
	(pc) =	sbr.rel @p0 .LBB2_1-.Ltmp2, $4  }
0x126: {  	[hbm:s15], [sflag:s0] =	dma.local [spmem:s31], $0x780  }
0x127: {  	_ =	swait.ge [sflag:s18], $0x780  }
0x128: {  	[sflag:s18] =	ssyncset.done $0x0  }
0x129: {  	[sflag:s18] =	ssyncadd.s32 $0xFFFFF880  }
0x12a: {  	_ =	sfence.sel $0x180000  }
0x12b: {  	[bflag:$0x0] =	sbarrier.arrive $0xFFFF  }
0x12c: {  	_ =	strace $0x9000004A  }
0x12d: {  	s0 =	stileid.u32;
	[bflag:$0x2] =	sbarrier.arrive $0xFFFF  }
0x12e: {  	p0 =	sne.s32 s0, $0x0;
	s0 =	rddreg [dreg:$0x2]  }
0x12f: {  	s0 =	sadd.s32 @!p0 $0x100000, s0  }
0x130: {  	[sflag:s0] =	ssyncadd.tile.s32 @!p0 $0x1;
	_ =	shalt  }
.Lfunc_end2:
_tile_overlayer_lowered:
.L_overlay_start_2:
0x131: {  	(tag) =	ssettag $0x2  }
0x132: {  	s0 =	rddreg [dreg:$0x0];
	s2 =	stileid.u32  }
0x133: {  	s1 =	rddreg [dreg:$0x1];
	p0 =	sne.s32 s2, $0x0  }
0x134: {  	s3 =	rddreg [dreg:$0x2];
	[bflag:$0x3] =	sbarrier.arrive $0xFFFF;
	s2 =	simm.s32 @!p0 $0x1C05  }
0x135: {  	[timem:s3], [sflag:s2] =	dma.local @!p0 [hbm:s0], s1  }
0x136: {  	s0 =	simm.s32 @!p0 $0x5  }
0x137: {  	_ =	swait.ge @!p0 [sflag:s0], s1  }
0x138: {  	s1 =	ssub.s32 @!p0 $0x0, s1;
	[sflag:s0] =	ssyncset.done @!p0 $0x0  }
0x139: {  	[sflag:s0] =	ssyncadd.s32 @!p0 s1  }
0x13a: {  	[bflag:$0x3] =	sbarrier.arrive $0xFFFF  }
0x13b: {  	_ =	shalt  }

// kernel: kernel.15.cloned.1.call-start
scs
__scs_entry_jumppad:
0x0: {  	(pc) =	sbr.rel $0x88, $3  }
0x1: {  	(tag) =	ssettag $0x0;
	lr =	simm.s32 $0x1  }
0x2: {  	[smem:$0x3F91] =	sst lr;
	_ =	strace $0xD0000000  }
0x3: {  	_ = 	snop  }
0x4: {  	_ = 	snop  }
0x5: {  	_ = 	snop  }
0x6: {  	_ = 	snop  }
0x7: {  	_ = 	snop  }
__scs_overlays_trampoline_lowered:
0x8: {  	[smem:$0x3FA0] =	sst s0  }
0x9: {  	[smem:$0x3FA1] =	sst s1  }
0xa: {  	[smem:$0x3FA2] =	sst s2  }
0xb: {  	[smem:$0x3FA3] =	sst s3  }
0xc: {  	[smem:$0x3FA4] =	sst s4  }
0xd: {  	[smem:$0x3FA5] =	sst s5  }
0xe: {  	[smem:$0x3FA6] =	sst s6  }
0xf: {  	[smem:$0x3FA7] =	sst s7  }
0x10: {  	[smem:$0x3FA8] =	sst s8  }
0x11: {  	[smem:$0x3FA9] =	sst s9;
	s0 =	simm.s32 @!p0 $0x0  }
0x12: {  	s1 =	sld [smem:$0x3F8F];
	s0 =	simm.s32 @p0 $0x1  }
0x13: {  	[smem:$0x3FAA] =	sst s0;
	s0 =	simm.s32 @!p1 $0x0  }
0x14: {  	s2 =	sld [smem:$0x3F8E];
	s0 =	simm.s32 @p1 $0x1  }
0x15: {  	[smem:$0x3FAB] =	sst s0;
	s0 =	simm.s32 @!p2 $0x0  }
0x16: {  	s3 =	sld [smem:$0x3FDB];
	s0 =	simm.s32 @p2 $0x1  }
0x17: {  	s4 =	simm.s32 $0x1BF5;
	[smem:$0x3FAD] =	sst s0  }
0x18: {  	s0 =	sld [smem:$0x3F90];
	_ =	swait.ge [sflag:s4], $0x0  }
0x19: {  	s7 =	sld [smem:$0x3F91]  }
0x1a: {  	s8 =	sadd.s32 $0xFFFFE003, lr  }
0x1b: {  	s9 =	sadd.s32 $0xFFFFFEF7, lr;
	s5 =	simm.s32 $0xFFFFFFFF;
	p2 =	slt.u32 s8, $0xFFFFF086  }
0x1c: {  	p1 =	slt.u32 s9, $0xF7A;
	s5 =	simm.s32 @!p2 $0x0  }
0x1d: {  	s5 =	simm.s32 @p1 $0x1;
	p0 =	seq.s32 s7, s2  }
0x1e: {  	s7 =	smul.u32 @!p0 $0xF7A, s2;
	p2 =	seq.s32 @!p0 s5, $0x0  }
0x1f: {  	s9 =	smul.u32 $0xF7A, s1;
	s8 =	simm.s32 @!p0 $0x1BF5;
	p2 =	por !p2, p0  }
0x20: {  	[sflag:s8] =	ssyncset.s32 @!p0 $0xFFFFF086;
	s6 =	sadd.s32 @!p0 s3, s7;
	s7 =	simm.s32 @!p0 $0x108  }
0x21: {  	s3 =	sadd.s32 s3, s9;
	s6 =	sadd.s32 @!p0 $0x88, s6;
	s7 =	simm.s32 @p2 $0x1082  }
0x22: {  	[simem:s7], [sflag:s8] =	dma.local @!p0 [hbm:s6], $0xF7A  }
0x23: {  	s9 =	sor.u32 $0xD0000000, s2;
	s6 =	simm.s32 $0x108;
	_ =	swait.ge @!p0 [sflag:s8], $0x0  }
0x24: {  	s3 =	sadd.s32 $0x88, s3;
	s6 =	simm.s32 @!p1 $0x1082;
	[sflag:s4] =	ssyncset.s32 $0xFFFFF086  }
0x25: {  	[simem:s6], [sflag:s4] =	dma.local [hbm:s3], $0xF7A  }
0x26: {  	[smem:$0x3F91] =	sst s1;
	(tag) =	ssettag s2;
	_ =	strace s9  }
0x27: {  	s1 =	sld [smem:$0x3FA1]  }
0x28: {  	s2 =	sld [smem:$0x3FA2]  }
0x29: {  	s4 =	sld [smem:$0x3FA4]  }
0x2a: {  	p0 =	seq.s32 s5, $0x0;
	s5 =	sld [smem:$0x3FA5]  }
0x2b: {  	s6 =	sld [smem:$0x3FA6]  }
0x2c: {  	s7 =	sld [smem:$0x3FA7]  }
0x2d: {  	s3 =	simm.s32 $0x108;
	s8 =	sld [smem:$0x3FA8]  }
0x2e: {  	s3 =	simm.s32 @!p0 $0x1082;
	s9 =	sld [smem:$0x3FA9]  }
0x2f: {  	lr =	sadd.s32 s0, s3;
	s0 =	sld [smem:$0x3FA0]  }
0x30: {  	s3 =	sld [smem:$0x3FA3]  }
0x31: {  	[smem:$0x3FAC] =	sst s10  }
0x32: {  	s10 =	sld [smem:$0x3FAA];
	_ =	sdelay $0x3  }
0x33: {  	p0 =	seq.s32 s10, $0x1;
	s10 =	sld [smem:$0x3FAC];
	_ =	sdelay $0x3  }
0x34: {  	[smem:$0x3FAC] =	sst s10  }
0x35: {  	s10 =	sld [smem:$0x3FAB];
	_ =	sdelay $0x3  }
0x36: {  	p1 =	seq.s32 s10, $0x1;
	s10 =	sld [smem:$0x3FAC];
	_ =	sdelay $0x3  }
0x37: {  	[smem:$0x3FAC] =	sst s10  }
0x38: {  	s10 =	sld [smem:$0x3FAD]  }
0x39: {  	_ = 	snop;
	(pc) =	sbr.ind lr, $3  }
0x3a: {  	_ = 	snop  }
0x3b: {  	_ = 	snop  }
0x3c: {  	p2 =	seq.s32 s10, $0x1;
	s10 =	sld [smem:$0x3FAC]  }
0x3d: {  	_ =	shalt  }
0x3e: {  	_ =	shalt  }
0x3f: {  	_ =	shalt  }
0x40: {  	_ =	shalt  }
0x41: {  	_ =	shalt  }
0x42: {  	_ =	shalt  }
0x43: {  	_ =	shalt  }
0x44: {  	_ =	shalt  }
0x45: {  	_ =	shalt  }
0x46: {  	_ =	shalt  }
0x47: {  	_ =	shalt  }
0x48: {  	_ =	shalt  }
0x49: {  	_ =	shalt  }
0x4a: {  	_ =	shalt  }
0x4b: {  	_ =	shalt  }
0x4c: {  	_ =	shalt  }
0x4d: {  	_ =	shalt  }
0x4e: {  	_ =	shalt  }
0x4f: {  	_ =	shalt  }
0x50: {  	_ =	shalt  }
0x51: {  	_ =	shalt  }
0x52: {  	_ =	shalt  }
0x53: {  	_ =	shalt  }
0x54: {  	_ =	shalt  }
0x55: {  	_ =	shalt  }
0x56: {  	_ =	shalt  }
0x57: {  	_ =	shalt  }
0x58: {  	_ =	shalt  }
0x59: {  	_ =	shalt  }
0x5a: {  	_ =	shalt  }
0x5b: {  	_ =	shalt  }
0x5c: {  	_ =	shalt  }
0x5d: {  	_ =	shalt  }
0x5e: {  	_ =	shalt  }
0x5f: {  	_ =	shalt  }
0x60: {  	_ =	shalt  }
0x61: {  	_ =	shalt  }
0x62: {  	_ =	shalt  }
0x63: {  	_ =	shalt  }
0x64: {  	_ =	shalt  }
0x65: {  	_ =	shalt  }
0x66: {  	_ =	shalt  }
0x67: {  	_ =	shalt  }
0x68: {  	_ =	shalt  }
0x69: {  	_ =	shalt  }
0x6a: {  	_ =	shalt  }
0x6b: {  	_ =	shalt  }
0x6c: {  	_ =	shalt  }
0x6d: {  	_ =	shalt  }
0x6e: {  	_ =	shalt  }
0x6f: {  	_ =	shalt  }
0x70: {  	_ =	shalt  }
0x71: {  	_ =	shalt  }
0x72: {  	_ =	shalt  }
0x73: {  	_ =	shalt  }
0x74: {  	_ =	shalt  }
0x75: {  	_ =	shalt  }
0x76: {  	_ =	shalt  }
0x77: {  	_ =	shalt  }
0x78: {  	_ =	shalt  }
0x79: {  	_ =	shalt  }
0x7a: {  	_ =	shalt  }
0x7b: {  	_ =	shalt  }
0x7c: {  	_ =	shalt  }
0x7d: {  	_ =	shalt  }
0x7e: {  	_ =	shalt  }
0x7f: {  	_ =	shalt  }
0x80: {  	_ =	shalt  }
0x81: {  	_ =	shalt  }
0x82: {  	_ =	shalt  }
0x83: {  	_ =	shalt  }
0x84: {  	_ =	shalt  }
0x85: {  	_ =	shalt  }
0x86: {  	_ =	shalt  }
0x87: {  	_ =	shalt  }
.Lfunc_end0:
.L_simem_size_0:
called_computation.2_lowered:
.L_overlay_start_0:
0x88: {  	s2 =	sld [smem:$0x3FD9]  }
0x89: {  	s3 =	sld [smem:$0x3FFE];
	_ =	sdelay $0x1  }
0x8a: {  	s1 =	srdreg.scid  }
0x8b: {  	s0 =	sand.u32 $0x1, s1  }
0x8c: {  	s16 =	sshll.u32 s0, $0xA;
	s2 =	sadd.s32 s3, s2  }
0x8d: {  	s2 =	sadd.s32 s2, s16  }
0x8e: {  	[smem:$0x3FB8] =	sst s2  }
0x8f: {  	_ = 	snop  }
0x90: {  	(tm) =	ssettm $0x1  }
0x91: {  	s17 =	sld [smem:$0x3FFB];
	_ =	sdelay $0x3  }
0x92: {  	_ =	strace s17  }
0x93: {  	s2 =	sld [smem:$0x3FFC];
	_ =	sdelay $0x3  }
0x94: {  	_ =	strace s2  }
0x95: {  	s2 =	sld [smem:$0x3FFD];
	_ =	sdelay $0x3  }
0x96: {  	_ =	strace s2  }
0x97: {  	_ =	strace $0x8FFFFFFF  }
0x98: {  	s18 =	sld [smem:$0x3FDB];
	_ =	sdelay $0x1  }
0x99: {  	s19 =	simm.s32 $_scs_section_size  }
0x9a: {  	s4 =	simm.s32 $_size__tile_overlayer_lowered;
	s5 =	simm.s32 $_tile_overlayer_lowered  }
0x9b: {  	s22 =	simm.s32 $0x1BFF;
	s21 =	sshll.u32 s5, $0x1;
	s2 =	sadd.s32 s19, s18  }
0x9c: {  	s6 =	simm.s32 $0x0;
	s20 =	sshll.u32 s4, $0x1;
	s4 =	sadd.s32 s21, s2  }
0x9d: {  	[timem:s6], [sflag:s22] =	dma.local [hbm:s4], s20  }
0x9e: {  	_ =	swait.ge [sflag:s22], s20  }
0x9f: {  	s3 =	ssub.s32 $0x0, s20;
	[sflag:s22] =	ssyncset.done $0x0  }
0xa0: {  	[sflag:s22] =	ssyncadd.s32 s3;
	_ =	sdelay $0x1  }
0xa1: {  	s23 =	simm.s32 $0x1B8B  }
0xa2: {  	_ =	swait.ge [sflag:s23], $0x1  }
0xa3: {  	[sflag:s23] =	ssyncset.done $0x0  }
0xa4: {  	s25 =	simm.s32 $0x1B8E;
	s24 =	sld [smem:$0x3FFE];
	[sflag:s23] =	ssyncadd.s32 $0xFFFFFFFF  }
0xa5: {  	s26 =	simm.s32 $execute0_lowered;
	[smem:$0x3FD2] =	sst s25  }
0xa6: {  	s4 =	sshll.u32 s26, $0x1;
	_ =	strace $0x8000004C;
	[dreg:$0x1] =	wrdreg $0xFFFFFFFF  }
0xa7: {  	s28 =	simm.s32 $_size_execute0_lowered;
	s2 =	sadd.s32 s2, s4;
	[dreg:$0x0] =	wrdreg $0x0  }
0xa8: {  	s4 =	sshll.u32 s28, $0x1;
	[dreg:$0x2] =	wrdreg s2  }
0xa9: {  	[dreg:$0x3] =	wrdreg s4  }
0xaa: {  	[dreg:$0x4] =	wrdreg $0xC0  }
0xab: {  	_ =	task [dreg:s6], $0x5FFFF  }
0xac: {  	[dreg:$0x1] =	wrdreg $0xFFFFFFFF  }
0xad: {  	[dreg:$0x0] =	wrdreg $0x60  }
0xae: {  	[dreg:$0x2] =	wrdreg s24  }
0xaf: {  	[dreg:$0x3] =	wrdreg $0xAA000  }
0xb0: {  	[dreg:$0x4] =	wrdreg $0x9  }
0xb1: {  	_ =	task.clear_ibuf [dreg:s6], $0x5FFFF;
	_ =	strace $0x9000004C  }
0xb2: {  	s29 =	simm.s32 $0x9;
	_ =	strace $0x8000004E  }
0xb3: {  	_ =	swait.ge [sflag:s29], $0x1  }
0xb4: {  	[sflag:s29] =	ssyncadd.s32 $0xFFFFFFFF  }
0xb5: {  	_ =	strace $0x9000004E  }
0xb6: {  	_ =	sfence  }
0xb7: {  	s30 =	sld [smem:$0x0];
	_ =	sdelay $0x2  }
0xb8: {  	s31 =	sshll.u32 s1, $0xD;
	s1 =	sshrl.u32 s1, $0x2  }
0xb9: {  	s3 =	sand.u32 $0x4000, s31;
	s1 =	sadd.s32 s1, s30  }
0xba: {  	s0 =	sor.u32 s3, s0;
	s1 =	sshll.u32 s1, $0x11  }
0xbb: {  	s0 =	sor.u32 s1, s0  }
0xbc: {  	s0 =	sadd.s32 $0x8F2B, s0  }
0xbd: {  	[sflag:s0] =	ssyncadd.remote.s32 $0x1  }
0xbe: {  	_ =	sfence.sel $0xFFFF  }
0xbf: {  	[dreg:$0x0] =	wrdreg $0xFFFFFFFF;
	(pc) =	sbr.abs _section_cstart, $3  }
0xc0: {  	[dreg:$0x1] =	wrdreg $0xFFFFFFFF  }
0xc1: {  	_ =	task.clear_ibuf [dreg:s6], $0x2FFFF;
	_ =	strace $0x9FFFFFFF  }
0xc2: {  	(tm) =	ssettm $0x7FFFFFFF  }
0xc3: {  	_ =	shalt  }
tec
execute0_lowered:
.L_overlay_start_1:
0x0: {  	(tag) =	ssettag $0x1  }
0x1: {  	s0 =	srdreg.scid;
	s1 =	rddreg [dreg:$0x0]  }
0x2: {  	s3 =	stileid.u32;
	s2 =	rddreg [dreg:$0x1]  }
0x3: {  	s6 =	simm.s32 $0x0;
	s18 =	simm.s32 $0x5;
	s19 =	simm.s32 $0x80  }
0x4: {  	s20 =	simm.s32 $0x2800;
	s21 =	simm.s32 $0x2880;
	s22 =	simm.s32 $0x6A00  }
0x5: {  	s23 =	simm.s32 $0x1;
	s24 =	simm.s32 $0x2900;
	s5 =	smul.u32 $0x2800, s3  }
0x6: {  	s28 =	simm.s32 $0x2980;
	s29 =	simm.s32 $0x4;
	s25 =	smul.u32 $0x4F000, s3  }
0x7: {  	s30 =	simm.s32 $0x0;
	s0 =	sand.u32 $0x1, s0;
	s9 =	smul.u32 $0x13C00, s3  }
0x8: {  	[smem:$0x7FF] =	sst s6;
	s4 =	smul.u32 $0x28000, s0;
	s26 =	ssub.s32 $0x2, s0  }
0x9: {  	_ =	strace $0x8000004D;
	s0 =	smul.u32 $0x13C000, s0;
	s7 =	sshrl.u32 s26, $0x1  }
0xa: {  	s6 =	sshrl.u32 s25, $0x2;
	s11 =	sadd.s32 $0x4000, s9;
	s13 =	sadd.s32 $0x8000, s9  }
0xb: {  	s14 =	sadd.s32 $0xC000, s9;
	s15 =	sadd.s32 $0x10000, s9;
	s25 =	simm.s32 $0x3  }
0xc: {  	s4 =	sadd.s32 s5, s4;
	s16 =	ssub.s32 s26, s7;
	s7 =	sadd.s32 s13, s2  }
0xd: {  	s8 =	sadd.s32 s14, s2;
	s12 =	sadd.s32 s9, s0;
	s9 =	sadd.s32 s15, s2  }
0xe: {  	s17 =	sadd.s32 s0, s11;
	s13 =	sadd.s32 s0, s13;
	s14 =	sadd.s32 s0, s14  }
0xf: {  	s0 =	sadd.s32 s0, s15;
	s26 =	simm.s32 $0x2;
	s5 =	sshrl.u32 s4, $0x3  }
0x10: {  	s4 =	sadd.s32 $0xD600, s1;
	s12 =	sshrl.u32 s12, $0x3;
	s31 =	sshrl.u32 s17, $0x3  }
0x11: {  	s13 =	sshrl.u32 s13, $0x3;
	s14 =	sshrl.u32 s14, $0x3;
	s0 =	sshrl.u32 s0, $0x3  }
0x12: {  	s16 =	smax.u32 s16, $0x1;
	s17 =	simm.s32 $0x2A00;
	s10 =	sadd.s32 s5, s1  }
0x13: {  	s1 =	sadd.s32 $0x34800, s1;
	s5 =	sadd.s32 s6, s2;
	s6 =	sadd.s32 s11, s2  }
0x14: {  	s10 =	sadd.s32 $0x3600, s10;
	s11 =	sadd.s32 s1, s12;
	s12 =	sadd.s32 s1, s31  }
0x15: {  	v0 =	vimm.f32 $0.0e+00;
	s13 =	sadd.s32 s1, s13;
	s14 =	sadd.s32 s1, s14;
	s15 =	sadd.s32 s1, s0  }
.LBB2_1:
0x16: {  	s1 =	simm.s32 $0x0  }
0x17: {  	s0 =	sand.u32 $0xFE00, s1  }
0x18: {  	s31 =	sand.u32 $0x70, s1;
	s0 =	sshrl.u32 s0, $0x2  }
0x19: {  	s1 =	simm.s32 $0x40;
	s0 =	sor.u32 s31, s0;
	s31 =	simm.s32 $0x0  }
.LBB2_2:
0x1a: {  	p0 =	sne.s32 s1, $0xFFC0  }
0x1b: {  	[tilespmem:s0+$0x2A00] =	vst v0;
	s31 =	sadd.s32 $0x10, s31;
	s0 =	smov.u32 s1;
	s1 =	sadd.s32 $0x40, s1  }
.Ltmp0:
0x1c: {  	(pc) =	sbr.rel @p0 .LBB2_2-.Ltmp0, $4  }
0x1d: {  	_ = 	snop  }
0x1e: {  	s0 =	sand.u32 $0xFE00, s0  }
0x1f: {  	s3 =	sand.u32 $0x70, s31;
	s0 =	sshrl.u32 s0, $0x2  }
0x20: {  	s0 =	sor.u32 s3, s0  }
0x21: {  	[tilespmem:s0+$0x2A00] =	vst v0  }
0x22: {  	[spmem:s5] =	stream.linear.scatter [tilespmem:s17], [sflag:$0x5], $0x4000, $0x38;
	[tilespmem:$0x1E600] =	vst v63  }
0x23: {  	_ =	swait.ge [sflag:s18], $0x4000  }
0x24: {  	[sflag:s18] =	ssyncset.done $0x0  }
0x25: {  	[sflag:s18] =	ssyncadd.s32 $0xFFFFC000  }
0x26: {  	[spmem:s6] =	stream.linear.scatter [tilespmem:s17], [sflag:$0x5], $0x4000, $0x38;
	[tilespmem:$0x1E600] =	vst v63  }
0x27: {  	_ =	swait.ge [sflag:s18], $0x4000  }
0x28: {  	[sflag:s18] =	ssyncset.done $0x0  }
0x29: {  	[sflag:s18] =	ssyncadd.s32 $0xFFFFC000  }
0x2a: {  	[spmem:s7] =	stream.linear.scatter [tilespmem:s17], [sflag:$0x5], $0x4000, $0x38;
	[tilespmem:$0x1E600] =	vst v63  }
0x2b: {  	_ =	swait.ge [sflag:s18], $0x4000  }
0x2c: {  	[sflag:s18] =	ssyncset.done $0x0  }
0x2d: {  	[sflag:s18] =	ssyncadd.s32 $0xFFFFC000  }
0x2e: {  	[spmem:s8] =	stream.linear.scatter [tilespmem:s17], [sflag:$0x5], $0x4000, $0x38;
	[tilespmem:$0x1E600] =	vst v63  }
0x2f: {  	_ =	swait.ge [sflag:s18], $0x4000  }
0x30: {  	[sflag:s18] =	ssyncset.done $0x0  }
0x31: {  	[sflag:s18] =	ssyncadd.s32 $0xFFFFC000  }
0x32: {  	[spmem:s9] =	stream.linear.scatter [tilespmem:s17], [sflag:$0x5], $0x3C00, $0x38;
	[tilespmem:$0x1E600] =	vst v63  }
0x33: {  	_ =	swait.ge [sflag:s18], $0x3C00  }
0x34: {  	[sflag:s18] =	ssyncset.done $0x0  }
0x35: {  	s3 =	simm.s32 $0x0;
	[sflag:s18] =	ssyncadd.s32 $0xFFFFC400  }
0x36: {  	[tilespmem:s3], [sflag:$0x5] =	stream.linear.gather [hbm4b:s10+s3], $0x2800, $0x38;
	[tilespmem:$0x1E600] =	vst v63  }
0x37: {  	_ =	swait.ge [sflag:s18], $0x2800  }
0x38: {  	[sflag:s18] =	ssyncset.done $0x0  }
0x39: {  	[sflag:s18] =	ssyncadd.s32 $0xFFFFD800  }
0x3a: {  	[bflag:$0x0] =	sbarrier.arrive $0xFFFF  }
0x3b: {  	v1 =	vld [tilespmem:$0x0];
	_ =	sdelay $0x1  }
0x3c: {  	v2 =	vld [tilespmem:$0x10];
	_ =	sdelay $0x1  }
0x3d: {  	v3 =	vld [tilespmem:$0x20]  }
0x3e: {  	v4 =	vshrl.u32 v1, $0xE  }
0x3f: {  	v59 =	vld [tilespmem:$0x30];
	v1 =	vand.u32 $0x3FFF, v1;
	[tilespmem:$0x2800] =	vst v4  }
0x40: {  	[tilespmem:$0x2900] =	vst v1;
	v1 =	vshrl.u32 v2, $0xE  }
0x41: {  	[tilespmem:$0x2810] =	vst v1;
	v1 =	vand.u32 $0x3FFF, v2;
	v2 =	vld [tilespmem:$0x40]  }
0x42: {  	[tilespmem:$0x2910] =	vst v1;
	v1 =	vshrl.u32 v3, $0xE  }
0x43: {  	[tilespmem:$0x2820] =	vst v1;
	v1 =	vand.u32 $0x3FFF, v3;
	v3 =	vld [tilespmem:$0x50]  }
0x44: {  	[tilespmem:$0x2920] =	vst v1;
	v1 =	vshrl.u32 v59, $0xE  }
0x45: {  	v60 =	vld [tilespmem:$0x60];
	[tilespmem:$0x2830] =	vst v1;
	v1 =	vand.u32 $0x3FFF, v59  }
0x46: {  	[tilespmem:$0x2930] =	vst v1;
	v1 =	vshrl.u32 v2, $0xE  }
0x47: {  	[tilespmem:$0x2840] =	vst v1;
	v1 =	vand.u32 $0x3FFF, v2;
	v2 =	vld [tilespmem:$0x70]  }
0x48: {  	[tilespmem:$0x2940] =	vst v1;
	v1 =	vshrl.u32 v3, $0xE  }
0x49: {  	[tilespmem:$0x2850] =	vst v1;
	v1 =	vand.u32 $0x3FFF, v3  }
0x4a: {  	[tilespmem:$0x2950] =	vst v1;
	v1 =	vshrl.u32 v60, $0xE  }
0x4b: {  	[tilespmem:$0x2860] =	vst v1;
	v1 =	vand.u32 $0x3FFF, v60  }
0x4c: {  	[tilespmem:$0x2960] =	vst v1;
	v1 =	vshrl.u32 v2, $0xE  }
0x4d: {  	[tilespmem:$0x2870] =	vst v1;
	v1 =	vand.u32 $0x3FFF, v2  }
0x4e: {  	[tilespmem:$0x2970] =	vst v1  }
0x4f: {  	[tilespmem:s17], [sflag:$0x1] =	stream.indirect.gather [hbm4b:s4+s19], $0x80, s20, s19, $0xb8;
	[tilespmem:$0x1E600] =	vst v63  }
0x50: {  	v1 =	vld [tilespmem:$0x80];
	_ =	sdelay $0x1  }
0x51: {  	v2 =	vld [tilespmem:$0x90];
	_ =	sdelay $0x1  }
0x52: {  	v3 =	vld [tilespmem:$0xA0]  }
0x53: {  	v61 =	vshrl.u32 v1, $0xE  }
0x54: {  	v62 =	vld [tilespmem:$0xB0];
	v1 =	vand.u32 $0x3FFF, v1;
	[tilespmem:$0x2880] =	vst v61  }
0x55: {  	[tilespmem:$0x2980] =	vst v1;
	v1 =	vshrl.u32 v2, $0xE  }
0x56: {  	[tilespmem:$0x2890] =	vst v1;
	v1 =	vand.u32 $0x3FFF, v2;
	v2 =	vld [tilespmem:$0xC0]  }
0x57: {  	[tilespmem:$0x2990] =	vst v1;
	v1 =	vshrl.u32 v3, $0xE  }
0x58: {  	[tilespmem:$0x28A0] =	vst v1;
	v1 =	vand.u32 $0x3FFF, v3;
	v3 =	vld [tilespmem:$0xD0]  }
0x59: {  	[tilespmem:$0x29A0] =	vst v1;
	v1 =	vshrl.u32 v62, $0xE  }
0x5a: {  	v63 =	vld [tilespmem:$0xE0];
	[tilespmem:$0x28B0] =	vst v1;
	v1 =	vand.u32 $0x3FFF, v62  }
0x5b: {  	[tilespmem:$0x29B0] =	vst v1;
	v1 =	vshrl.u32 v2, $0xE  }
0x5c: {  	[tilespmem:$0x28C0] =	vst v1;
	v1 =	vand.u32 $0x3FFF, v2;
	v2 =	vld [tilespmem:$0xF0]  }
0x5d: {  	[tilespmem:$0x29C0] =	vst v1;
	v1 =	vshrl.u32 v3, $0xE  }
0x5e: {  	[tilespmem:$0x28D0] =	vst v1;
	v1 =	vand.u32 $0x3FFF, v3  }
0x5f: {  	[tilespmem:$0x29D0] =	vst v1;
	v1 =	vshrl.u32 v63, $0xE  }
0x60: {  	[tilespmem:$0x28E0] =	vst v1;
	v1 =	vand.u32 $0x3FFF, v63  }
0x61: {  	[tilespmem:$0x29E0] =	vst v1;
	v1 =	vshrl.u32 v2, $0xE  }
0x62: {  	[tilespmem:$0x28F0] =	vst v1;
	v1 =	vand.u32 $0x3FFF, v2  }
0x63: {  	[tilespmem:$0x29F0] =	vst v1  }
0x64: {  	[tilespmem:s22], [sflag:$0x2] =	stream.indirect.gather [hbm4b:s4+s19], $0x80, s21, s19, $0xb8;
	[tilespmem:$0x1E600] =	vst v63  }
0x65: {  	_ =	swait.ge [sflag:s23], $0x4000  }
0x66: {  	[sflag:s23] =	ssyncset.done $0x0  }
0x67: {  	[sflag:s23] =	ssyncadd.s32 $0xFFFFC000  }
0x68: {  	[spmem:s2] =	stream.indirect.scatter.add.f32 [tilespmem:s17], [sflag:$0x3], $0x80, s24, s19, $0xb8;
	[tilespmem:$0x1E600] =	vst v63  }
0x69: {  	_ =	swait.ge [sflag:s25], $0x4000  }
0x6a: {  	[sflag:s25] =	ssyncset.done $0x0  }
0x6b: {  	s31 =	simm.s32 $0x0;
	[sflag:s25] =	ssyncadd.s32 $0xFFFFC000  }
0x6c: {  	v1 =	vld [tilespmem:s31+$0x100];
	_ =	sdelay $0x4  }
0x6d: {  	v2 =	vshrl.u32 v1, $0xE  }
0x6e: {  	v1 =	vand.u32 $0x3FFF, v1;
	[tilespmem:$0x2800] =	vst v2  }
0x6f: {  	[tilespmem:$0x2900] =	vst v1  }
0x70: {  	v1 =	vld [tilespmem:s31+$0x110];
	_ =	sdelay $0x4  }
0x71: {  	v2 =	vshrl.u32 v1, $0xE  }
0x72: {  	v1 =	vand.u32 $0x3FFF, v1;
	[tilespmem:$0x2810] =	vst v2  }
0x73: {  	[tilespmem:$0x2910] =	vst v1  }
0x74: {  	v1 =	vld [tilespmem:s31+$0x120];
	_ =	sdelay $0x4  }
0x75: {  	v2 =	vshrl.u32 v1, $0xE  }
0x76: {  	v1 =	vand.u32 $0x3FFF, v1;
	[tilespmem:$0x2820] =	vst v2  }
0x77: {  	[tilespmem:$0x2920] =	vst v1  }
0x78: {  	v1 =	vld [tilespmem:s31+$0x130];
	_ =	sdelay $0x4  }
0x79: {  	v2 =	vshrl.u32 v1, $0xE  }
0x7a: {  	v1 =	vand.u32 $0x3FFF, v1;
	[tilespmem:$0x2830] =	vst v2  }
0x7b: {  	[tilespmem:$0x2930] =	vst v1  }
0x7c: {  	v1 =	vld [tilespmem:s31+$0x140];
	_ =	sdelay $0x4  }
0x7d: {  	v2 =	vshrl.u32 v1, $0xE  }
0x7e: {  	v1 =	vand.u32 $0x3FFF, v1;
	[tilespmem:$0x2840] =	vst v2  }
0x7f: {  	[tilespmem:$0x2940] =	vst v1  }
0x80: {  	v1 =	vld [tilespmem:s31+$0x150];
	_ =	sdelay $0x4  }
0x81: {  	v2 =	vshrl.u32 v1, $0xE  }
0x82: {  	v1 =	vand.u32 $0x3FFF, v1;
	[tilespmem:$0x2850] =	vst v2  }
0x83: {  	[tilespmem:$0x2950] =	vst v1  }
0x84: {  	v1 =	vld [tilespmem:s31+$0x160];
	_ =	sdelay $0x4  }
0x85: {  	v2 =	vshrl.u32 v1, $0xE  }
0x86: {  	v1 =	vand.u32 $0x3FFF, v1;
	[tilespmem:$0x2860] =	vst v2  }
0x87: {  	[tilespmem:$0x2960] =	vst v1  }
0x88: {  	v1 =	vld [tilespmem:s31+$0x170];
	_ =	sdelay $0x4  }
0x89: {  	v2 =	vshrl.u32 v1, $0xE  }
0x8a: {  	v1 =	vand.u32 $0x3FFF, v1;
	[tilespmem:$0x2870] =	vst v2  }
0x8b: {  	[tilespmem:$0x2970] =	vst v1  }
0x8c: {  	[tilespmem:s17], [sflag:$0x1] =	stream.indirect.gather [hbm4b:s4+s19], $0x80, s20, s19, $0xb8;
	[tilespmem:$0x1E600] =	vst v63  }
0x8d: {  	_ =	swait.ge [sflag:s26], $0x4000  }
0x8e: {  	[sflag:s26] =	ssyncset.done $0x0  }
0x8f: {  	[sflag:s26] =	ssyncadd.s32 $0xFFFFC000  }
0x90: {  	[spmem:s2] =	stream.indirect.scatter.add.f32 [tilespmem:s22], [sflag:$0x4], $0x80, s28, s19, $0xb8;
	[tilespmem:$0x1E600] =	vst v63  }
0x91: {  	_ =	swait.ge [sflag:s29], $0x4000  }
0x92: {  	[sflag:s29] =	ssyncset.done $0x0  }
0x93: {  	[sflag:s29] =	ssyncadd.s32 $0xFFFFC000  }
0x94: {  	v1 =	vld [tilespmem:s31+$0x180];
	_ =	sdelay $0x4  }
0x95: {  	v2 =	vshrl.u32 v1, $0xE  }
0x96: {  	v1 =	vand.u32 $0x3FFF, v1;
	[tilespmem:$0x2880] =	vst v2  }
0x97: {  	[tilespmem:$0x2980] =	vst v1  }
0x98: {  	v1 =	vld [tilespmem:s31+$0x190];
	_ =	sdelay $0x4  }
0x99: {  	v2 =	vshrl.u32 v1, $0xE  }
0x9a: {  	v1 =	vand.u32 $0x3FFF, v1;
	[tilespmem:$0x2890] =	vst v2  }
0x9b: {  	[tilespmem:$0x2990] =	vst v1  }
0x9c: {  	v1 =	vld [tilespmem:s31+$0x1A0];
	_ =	sdelay $0x4  }
0x9d: {  	v2 =	vshrl.u32 v1, $0xE  }
0x9e: {  	v1 =	vand.u32 $0x3FFF, v1;
	[tilespmem:$0x28A0] =	vst v2  }
0x9f: {  	[tilespmem:$0x29A0] =	vst v1  }
0xa0: {  	v1 =	vld [tilespmem:s31+$0x1B0];
	_ =	sdelay $0x4  }
0xa1: {  	v2 =	vshrl.u32 v1, $0xE  }
0xa2: {  	v1 =	vand.u32 $0x3FFF, v1;
	[tilespmem:$0x28B0] =	vst v2  }
0xa3: {  	[tilespmem:$0x29B0] =	vst v1  }
0xa4: {  	v1 =	vld [tilespmem:s31+$0x1C0];
	_ =	sdelay $0x4  }
0xa5: {  	v2 =	vshrl.u32 v1, $0xE  }
0xa6: {  	v1 =	vand.u32 $0x3FFF, v1;
	[tilespmem:$0x28C0] =	vst v2  }
0xa7: {  	[tilespmem:$0x29C0] =	vst v1  }
0xa8: {  	v1 =	vld [tilespmem:s31+$0x1D0];
	_ =	sdelay $0x4  }
0xa9: {  	v2 =	vshrl.u32 v1, $0xE  }
0xaa: {  	v1 =	vand.u32 $0x3FFF, v1;
	[tilespmem:$0x28D0] =	vst v2  }
0xab: {  	[tilespmem:$0x29D0] =	vst v1  }
0xac: {  	v1 =	vld [tilespmem:s31+$0x1E0];
	_ =	sdelay $0x4  }
0xad: {  	v2 =	vshrl.u32 v1, $0xE  }
0xae: {  	s1 =	simm.s32 $0x400;
	v1 =	vand.u32 $0x3FFF, v1;
	[tilespmem:$0x28E0] =	vst v2  }
.LBB2_4:
0xaf: {  	p0 =	sne.s32 s1, $0x9800;
	[tilespmem:$0x29E0] =	vst v1;
	s0 =	smov.u32 s1;
	s1 =	sadd.s32 $0x400, s1  }
0xb0: {  	v1 =	vld [tilespmem:s31+$0x1F0];
	_ =	sdelay $0x4  }
0xb1: {  	v2 =	vshrl.u32 v1, $0xE;
	v1 =	vand.u32 $0x3FFF, v1  }
0xb2: {  	[tilespmem:$0x28F0] =	vst v2  }
0xb3: {  	[tilespmem:$0x29F0] =	vst v1  }
0xb4: {  	[tilespmem:s22], [sflag:$0x2] =	stream.indirect.gather [hbm4b:s4+s19], $0x80, s21, s19, $0xb8;
	[tilespmem:$0x1E600] =	vst v63  }
0xb5: {  	_ =	swait.ge [sflag:s23], $0x4000  }
0xb6: {  	[sflag:s23] =	ssyncset.done $0x0  }
0xb7: {  	[sflag:s23] =	ssyncadd.s32 $0xFFFFC000  }
0xb8: {  	[spmem:s2] =	stream.indirect.scatter.add.f32 [tilespmem:s17], [sflag:$0x3], $0x80, s24, s19, $0xb8;
	[tilespmem:$0x1E600] =	vst v63  }
0xb9: {  	_ =	swait.ge [sflag:s25], $0x4000  }
0xba: {  	[sflag:s25] =	ssyncset.done $0x0  }
0xbb: {  	s31 =	sshra.s32 s0, $0x2;
	[sflag:s25] =	ssyncadd.s32 $0xFFFFC000  }
0xbc: {  	v1 =	vld [tilespmem:s31+$0x100];
	_ =	sdelay $0x4  }
0xbd: {  	v2 =	vshrl.u32 v1, $0xE;
	v1 =	vand.u32 $0x3FFF, v1  }
0xbe: {  	[tilespmem:$0x2800] =	vst v2  }
0xbf: {  	[tilespmem:$0x2900] =	vst v1  }
0xc0: {  	v1 =	vld [tilespmem:s31+$0x110];
	_ =	sdelay $0x4  }
0xc1: {  	v2 =	vshrl.u32 v1, $0xE;
	v1 =	vand.u32 $0x3FFF, v1  }
0xc2: {  	[tilespmem:$0x2810] =	vst v2  }
0xc3: {  	[tilespmem:$0x2910] =	vst v1  }
0xc4: {  	v1 =	vld [tilespmem:s31+$0x120];
	_ =	sdelay $0x4  }
0xc5: {  	v2 =	vshrl.u32 v1, $0xE;
	v1 =	vand.u32 $0x3FFF, v1  }
0xc6: {  	[tilespmem:$0x2820] =	vst v2  }
0xc7: {  	[tilespmem:$0x2920] =	vst v1  }
0xc8: {  	v1 =	vld [tilespmem:s31+$0x130];
	_ =	sdelay $0x4  }
0xc9: {  	v2 =	vshrl.u32 v1, $0xE;
	v1 =	vand.u32 $0x3FFF, v1  }
0xca: {  	[tilespmem:$0x2830] =	vst v2  }
0xcb: {  	[tilespmem:$0x2930] =	vst v1  }
0xcc: {  	v1 =	vld [tilespmem:s31+$0x140];
	_ =	sdelay $0x4  }
0xcd: {  	v2 =	vshrl.u32 v1, $0xE;
	v1 =	vand.u32 $0x3FFF, v1  }
0xce: {  	[tilespmem:$0x2840] =	vst v2  }
0xcf: {  	[tilespmem:$0x2940] =	vst v1  }
0xd0: {  	v1 =	vld [tilespmem:s31+$0x150];
	_ =	sdelay $0x4  }
0xd1: {  	v2 =	vshrl.u32 v1, $0xE;
	v1 =	vand.u32 $0x3FFF, v1  }
0xd2: {  	[tilespmem:$0x2850] =	vst v2  }
0xd3: {  	[tilespmem:$0x2950] =	vst v1  }
0xd4: {  	v1 =	vld [tilespmem:s31+$0x160];
	_ =	sdelay $0x4  }
0xd5: {  	v2 =	vshrl.u32 v1, $0xE;
	v1 =	vand.u32 $0x3FFF, v1  }
0xd6: {  	[tilespmem:$0x2860] =	vst v2  }
0xd7: {  	[tilespmem:$0x2960] =	vst v1  }
0xd8: {  	v1 =	vld [tilespmem:s31+$0x170];
	_ =	sdelay $0x4  }
0xd9: {  	v2 =	vshrl.u32 v1, $0xE;
	v1 =	vand.u32 $0x3FFF, v1  }
0xda: {  	[tilespmem:$0x2870] =	vst v2  }
0xdb: {  	[tilespmem:$0x2970] =	vst v1  }
0xdc: {  	[tilespmem:s17], [sflag:$0x1] =	stream.indirect.gather [hbm4b:s4+s19], $0x80, s20, s19, $0xb8;
	[tilespmem:$0x1E600] =	vst v63  }
0xdd: {  	_ =	swait.ge [sflag:s26], $0x4000  }
0xde: {  	[sflag:s26] =	ssyncset.done $0x0  }
0xdf: {  	[sflag:s26] =	ssyncadd.s32 $0xFFFFC000  }
0xe0: {  	[spmem:s2] =	stream.indirect.scatter.add.f32 [tilespmem:s22], [sflag:$0x4], $0x80, s28, s19, $0xb8;
	[tilespmem:$0x1E600] =	vst v63  }
0xe1: {  	_ =	swait.ge [sflag:s29], $0x4000  }
0xe2: {  	[sflag:s29] =	ssyncset.done $0x0  }
0xe3: {  	[sflag:s29] =	ssyncadd.s32 $0xFFFFC000  }
0xe4: {  	v1 =	vld [tilespmem:s31+$0x180];
	_ =	sdelay $0x4  }
0xe5: {  	v2 =	vshrl.u32 v1, $0xE;
	v1 =	vand.u32 $0x3FFF, v1  }
0xe6: {  	[tilespmem:$0x2880] =	vst v2  }
0xe7: {  	[tilespmem:$0x2980] =	vst v1  }
0xe8: {  	v1 =	vld [tilespmem:s31+$0x190];
	_ =	sdelay $0x4  }
0xe9: {  	v2 =	vshrl.u32 v1, $0xE;
	v1 =	vand.u32 $0x3FFF, v1  }
0xea: {  	[tilespmem:$0x2890] =	vst v2  }
0xeb: {  	[tilespmem:$0x2990] =	vst v1  }
0xec: {  	v1 =	vld [tilespmem:s31+$0x1A0];
	_ =	sdelay $0x4  }
0xed: {  	v2 =	vshrl.u32 v1, $0xE;
	v1 =	vand.u32 $0x3FFF, v1  }
0xee: {  	[tilespmem:$0x28A0] =	vst v2  }
0xef: {  	[tilespmem:$0x29A0] =	vst v1  }
0xf0: {  	v1 =	vld [tilespmem:s31+$0x1B0];
	_ =	sdelay $0x4  }
0xf1: {  	v2 =	vshrl.u32 v1, $0xE;
	v1 =	vand.u32 $0x3FFF, v1  }
0xf2: {  	[tilespmem:$0x28B0] =	vst v2  }
0xf3: {  	[tilespmem:$0x29B0] =	vst v1  }
0xf4: {  	v1 =	vld [tilespmem:s31+$0x1C0];
	_ =	sdelay $0x4  }
0xf5: {  	v2 =	vshrl.u32 v1, $0xE;
	v1 =	vand.u32 $0x3FFF, v1  }
0xf6: {  	[tilespmem:$0x28C0] =	vst v2  }
0xf7: {  	[tilespmem:$0x29C0] =	vst v1  }
0xf8: {  	v1 =	vld [tilespmem:s31+$0x1D0];
	_ =	sdelay $0x4  }
0xf9: {  	v2 =	vshrl.u32 v1, $0xE;
	v1 =	vand.u32 $0x3FFF, v1  }
0xfa: {  	[tilespmem:$0x28D0] =	vst v2  }
0xfb: {  	[tilespmem:$0x29D0] =	vst v1  }
0xfc: {  	v1 =	vld [tilespmem:s31+$0x1E0];
	_ =	sdelay $0x1  }
.Ltmp1:
0xfd: {  	(pc) =	sbr.rel @p0 .LBB2_4-.Ltmp1, $3  }
0xfe: {  	_ =	sdelay $0x1  }
0xff: {  	v2 =	vshrl.u32 v1, $0xE;
	v1 =	vand.u32 $0x3FFF, v1  }
0x100: {  	[tilespmem:$0x28E0] =	vst v2  }
0x101: {  	[tilespmem:$0x29E0] =	vst v1  }
0x102: {  	v1 =	vld [tilespmem:s31+$0x1F0];
	_ =	sdelay $0x4  }
0x103: {  	v2 =	vshrl.u32 v1, $0xE  }
0x104: {  	v1 =	vand.u32 $0x3FFF, v1;
	[tilespmem:$0x28F0] =	vst v2  }
0x105: {  	[tilespmem:$0x29F0] =	vst v1  }
0x106: {  	[tilespmem:s22], [sflag:$0x2] =	stream.indirect.gather [hbm4b:s4+s19], $0x80, s21, s19, $0xb8;
	[tilespmem:$0x1E600] =	vst v63  }
0x107: {  	_ =	swait.ge [sflag:s23], $0x4000  }
0x108: {  	[sflag:s23] =	ssyncset.done $0x0  }
0x109: {  	[sflag:s23] =	ssyncadd.s32 $0xFFFFC000  }
0x10a: {  	[spmem:s2] =	stream.indirect.scatter.add.f32 [tilespmem:s17], [sflag:$0x3], $0x80, s24, s19, $0xb8;
	[tilespmem:$0x1E600] =	vst v63  }
0x10b: {  	_ =	swait.ge [sflag:s25], $0x4000  }
0x10c: {  	[sflag:s25] =	ssyncset.done $0x0  }
0x10d: {  	[sflag:s25] =	ssyncadd.s32 $0xFFFFC000  }
0x10e: {  	_ =	swait.ge [sflag:s26], $0x4000  }
0x10f: {  	[sflag:s26] =	ssyncset.done $0x0  }
0x110: {  	[sflag:s26] =	ssyncadd.s32 $0xFFFFC000  }
0x111: {  	[spmem:s2] =	stream.indirect.scatter.add.f32 [tilespmem:s22], [sflag:$0x4], $0x80, s28, s19, $0xb8;
	[tilespmem:$0x1E600] =	vst v63  }
0x112: {  	_ =	swait.ge [sflag:s29], $0x4000  }
0x113: {  	s0 =	stileid.u32;
	[sflag:s29] =	ssyncset.done $0x0  }
0x114: {  	s0 =	sshll.u32 s0, $0x6;
	[sflag:s29] =	ssyncadd.s32 $0xFFFFC000  }
0x115: {  	s1 =	sshrl.u32 s5, $0x3;
	s0 =	sor.u32 $0x1C05, s0;
	[bflag:$0x0] =	sbarrier.arrive $0xFFFF  }
0x116: {  	[hbm:s11], [sflag:s0] =	dma.local [spmem:s1], $0x800  }
0x117: {  	_ =	swait.ge [sflag:s18], $0x800  }
0x118: {  	[sflag:s18] =	ssyncset.done $0x0  }
0x119: {  	s3 =	sshrl.u32 s6, $0x3;
	[sflag:s18] =	ssyncadd.s32 $0xFFFFF800  }
0x11a: {  	[hbm:s12], [sflag:s0] =	dma.local [spmem:s3], $0x800  }
0x11b: {  	_ =	swait.ge [sflag:s18], $0x800  }
0x11c: {  	[sflag:s18] =	ssyncset.done $0x0  }
0x11d: {  	s31 =	sshrl.u32 s7, $0x3;
	[sflag:s18] =	ssyncadd.s32 $0xFFFFF800  }
0x11e: {  	[hbm:s13], [sflag:s0] =	dma.local [spmem:s31], $0x800  }
0x11f: {  	_ =	swait.ge [sflag:s18], $0x800  }
0x120: {  	[sflag:s18] =	ssyncset.done $0x0  }
0x121: {  	s3 =	sshrl.u32 s8, $0x3;
	[sflag:s18] =	ssyncadd.s32 $0xFFFFF800  }
0x122: {  	[hbm:s14], [sflag:s0] =	dma.local [spmem:s3], $0x800  }
0x123: {  	s30 =	sadd.s32 $0x1, s30;
	_ =	swait.ge [sflag:s18], $0x800  }
0x124: {  	p0 =	sne.s32 s30, s16;
	[sflag:s18] =	ssyncset.done $0x0  }
.Ltmp2:
0x125: {  	s31 =	sshrl.u32 s9, $0x3;
	[sflag:s18] =	ssyncadd.s32 $0xFFFFF800;
	(pc) =	sbr.rel @p0 .LBB2_1-.Ltmp2, $4  }
0x126: {  	[hbm:s15], [sflag:s0] =	dma.local [spmem:s31], $0x780  }
0x127: {  	_ =	swait.ge [sflag:s18], $0x780  }
0x128: {  	[sflag:s18] =	ssyncset.done $0x0  }
0x129: {  	[sflag:s18] =	ssyncadd.s32 $0xFFFFF880  }
0x12a: {  	_ =	sfence.sel $0x180000  }
0x12b: {  	[bflag:$0x0] =	sbarrier.arrive $0xFFFF  }
0x12c: {  	_ =	strace $0x9000004D  }
0x12d: {  	s0 =	stileid.u32;
	[bflag:$0x2] =	sbarrier.arrive $0xFFFF  }
0x12e: {  	p0 =	sne.s32 s0, $0x0;
	s0 =	rddreg [dreg:$0x2]  }
0x12f: {  	s0 =	sadd.s32 @!p0 $0x100000, s0  }
0x130: {  	[sflag:s0] =	ssyncadd.tile.s32 @!p0 $0x1;
	_ =	shalt  }
.Lfunc_end2:
_tile_overlayer_lowered:
.L_overlay_start_2:
0x131: {  	(tag) =	ssettag $0x2  }
0x132: {  	s0 =	rddreg [dreg:$0x0];
	s2 =	stileid.u32  }
0x133: {  	s1 =	rddreg [dreg:$0x1];
	p0 =	sne.s32 s2, $0x0  }
0x134: {  	s3 =	rddreg [dreg:$0x2];
	[bflag:$0x3] =	sbarrier.arrive $0xFFFF;
	s2 =	simm.s32 @!p0 $0x1C05  }
0x135: {  	[timem:s3], [sflag:s2] =	dma.local @!p0 [hbm:s0], s1  }
0x136: {  	s0 =	simm.s32 @!p0 $0x5  }
0x137: {  	_ =	swait.ge @!p0 [sflag:s0], s1  }
0x138: {  	s1 =	ssub.s32 @!p0 $0x0, s1;
	[sflag:s0] =	ssyncset.done @!p0 $0x0  }
0x139: {  	[sflag:s0] =	ssyncadd.s32 @!p0 s1  }
0x13a: {  	[bflag:$0x3] =	sbarrier.arrive $0xFFFF  }
0x13b: {  	_ =	shalt  }

// kernel: kernel.9.cloned.1.call-start
scs
__scs_entry_jumppad:
0x0: {  	(pc) =	sbr.rel $0x88, $3  }
0x1: {  	(tag) =	ssettag $0x0;
	lr =	simm.s32 $0x1  }
0x2: {  	[smem:$0x3F91] =	sst lr;
	_ =	strace $0xD0000000  }
0x3: {  	_ = 	snop  }
0x4: {  	_ = 	snop  }
0x5: {  	_ = 	snop  }
0x6: {  	_ = 	snop  }
0x7: {  	_ = 	snop  }
__scs_overlays_trampoline_lowered:
0x8: {  	[smem:$0x3FA0] =	sst s0  }
0x9: {  	[smem:$0x3FA1] =	sst s1  }
0xa: {  	[smem:$0x3FA2] =	sst s2  }
0xb: {  	[smem:$0x3FA3] =	sst s3  }
0xc: {  	[smem:$0x3FA4] =	sst s4  }
0xd: {  	[smem:$0x3FA5] =	sst s5  }
0xe: {  	[smem:$0x3FA6] =	sst s6  }
0xf: {  	[smem:$0x3FA7] =	sst s7  }
0x10: {  	[smem:$0x3FA8] =	sst s8  }
0x11: {  	[smem:$0x3FA9] =	sst s9;
	s0 =	simm.s32 @!p0 $0x0  }
0x12: {  	s1 =	sld [smem:$0x3F8F];
	s0 =	simm.s32 @p0 $0x1  }
0x13: {  	[smem:$0x3FAA] =	sst s0;
	s0 =	simm.s32 @!p1 $0x0  }
0x14: {  	s2 =	sld [smem:$0x3F8E];
	s0 =	simm.s32 @p1 $0x1  }
0x15: {  	[smem:$0x3FAB] =	sst s0;
	s0 =	simm.s32 @!p2 $0x0  }
0x16: {  	s3 =	sld [smem:$0x3FDB];
	s0 =	simm.s32 @p2 $0x1  }
0x17: {  	s4 =	simm.s32 $0x1BF5;
	[smem:$0x3FAD] =	sst s0  }
0x18: {  	s0 =	sld [smem:$0x3F90];
	_ =	swait.ge [sflag:s4], $0x0  }
0x19: {  	s7 =	sld [smem:$0x3F91]  }
0x1a: {  	s8 =	sadd.s32 $0xFFFFE003, lr  }
0x1b: {  	s9 =	sadd.s32 $0xFFFFFEF7, lr;
	s5 =	simm.s32 $0xFFFFFFFF;
	p2 =	slt.u32 s8, $0xFFFFF086  }
0x1c: {  	p1 =	slt.u32 s9, $0xF7A;
	s5 =	simm.s32 @!p2 $0x0  }
0x1d: {  	s5 =	simm.s32 @p1 $0x1;
	p0 =	seq.s32 s7, s2  }
0x1e: {  	s7 =	smul.u32 @!p0 $0xF7A, s2;
	p2 =	seq.s32 @!p0 s5, $0x0  }
0x1f: {  	s9 =	smul.u32 $0xF7A, s1;
	s8 =	simm.s32 @!p0 $0x1BF5;
	p2 =	por !p2, p0  }
0x20: {  	[sflag:s8] =	ssyncset.s32 @!p0 $0xFFFFF086;
	s6 =	sadd.s32 @!p0 s3, s7;
	s7 =	simm.s32 @!p0 $0x108  }
0x21: {  	s3 =	sadd.s32 s3, s9;
	s6 =	sadd.s32 @!p0 $0x88, s6;
	s7 =	simm.s32 @p2 $0x1082  }
0x22: {  	[simem:s7], [sflag:s8] =	dma.local @!p0 [hbm:s6], $0xF7A  }
0x23: {  	s9 =	sor.u32 $0xD0000000, s2;
	s6 =	simm.s32 $0x108;
	_ =	swait.ge @!p0 [sflag:s8], $0x0  }
0x24: {  	s3 =	sadd.s32 $0x88, s3;
	s6 =	simm.s32 @!p1 $0x1082;
	[sflag:s4] =	ssyncset.s32 $0xFFFFF086  }
0x25: {  	[simem:s6], [sflag:s4] =	dma.local [hbm:s3], $0xF7A  }
0x26: {  	[smem:$0x3F91] =	sst s1;
	(tag) =	ssettag s2;
	_ =	strace s9  }
0x27: {  	s1 =	sld [smem:$0x3FA1]  }
0x28: {  	s2 =	sld [smem:$0x3FA2]  }
0x29: {  	s4 =	sld [smem:$0x3FA4]  }
0x2a: {  	p0 =	seq.s32 s5, $0x0;
	s5 =	sld [smem:$0x3FA5]  }
0x2b: {  	s6 =	sld [smem:$0x3FA6]  }
0x2c: {  	s7 =	sld [smem:$0x3FA7]  }
0x2d: {  	s3 =	simm.s32 $0x108;
	s8 =	sld [smem:$0x3FA8]  }
0x2e: {  	s3 =	simm.s32 @!p0 $0x1082;
	s9 =	sld [smem:$0x3FA9]  }
0x2f: {  	lr =	sadd.s32 s0, s3;
	s0 =	sld [smem:$0x3FA0]  }
0x30: {  	s3 =	sld [smem:$0x3FA3]  }
0x31: {  	[smem:$0x3FAC] =	sst s10  }
0x32: {  	s10 =	sld [smem:$0x3FAA];
	_ =	sdelay $0x3  }
0x33: {  	p0 =	seq.s32 s10, $0x1;
	s10 =	sld [smem:$0x3FAC];
	_ =	sdelay $0x3  }
0x34: {  	[smem:$0x3FAC] =	sst s10  }
0x35: {  	s10 =	sld [smem:$0x3FAB];
	_ =	sdelay $0x3  }
0x36: {  	p1 =	seq.s32 s10, $0x1;
	s10 =	sld [smem:$0x3FAC];
	_ =	sdelay $0x3  }
0x37: {  	[smem:$0x3FAC] =	sst s10  }
0x38: {  	s10 =	sld [smem:$0x3FAD]  }
0x39: {  	_ = 	snop;
	(pc) =	sbr.ind lr, $3  }
0x3a: {  	_ = 	snop  }
0x3b: {  	_ = 	snop  }
0x3c: {  	p2 =	seq.s32 s10, $0x1;
	s10 =	sld [smem:$0x3FAC]  }
0x3d: {  	_ =	shalt  }
0x3e: {  	_ =	shalt  }
0x3f: {  	_ =	shalt  }
0x40: {  	_ =	shalt  }
0x41: {  	_ =	shalt  }
0x42: {  	_ =	shalt  }
0x43: {  	_ =	shalt  }
0x44: {  	_ =	shalt  }
0x45: {  	_ =	shalt  }
0x46: {  	_ =	shalt  }
0x47: {  	_ =	shalt  }
0x48: {  	_ =	shalt  }
0x49: {  	_ =	shalt  }
0x4a: {  	_ =	shalt  }
0x4b: {  	_ =	shalt  }
0x4c: {  	_ =	shalt  }
0x4d: {  	_ =	shalt  }
0x4e: {  	_ =	shalt  }
0x4f: {  	_ =	shalt  }
0x50: {  	_ =	shalt  }
0x51: {  	_ =	shalt  }
0x52: {  	_ =	shalt  }
0x53: {  	_ =	shalt  }
0x54: {  	_ =	shalt  }
0x55: {  	_ =	shalt  }
0x56: {  	_ =	shalt  }
0x57: {  	_ =	shalt  }
0x58: {  	_ =	shalt  }
0x59: {  	_ =	shalt  }
0x5a: {  	_ =	shalt  }
0x5b: {  	_ =	shalt  }
0x5c: {  	_ =	shalt  }
0x5d: {  	_ =	shalt  }
0x5e: {  	_ =	shalt  }
0x5f: {  	_ =	shalt  }
0x60: {  	_ =	shalt  }
0x61: {  	_ =	shalt  }
0x62: {  	_ =	shalt  }
0x63: {  	_ =	shalt  }
0x64: {  	_ =	shalt  }
0x65: {  	_ =	shalt  }
0x66: {  	_ =	shalt  }
0x67: {  	_ =	shalt  }
0x68: {  	_ =	shalt  }
0x69: {  	_ =	shalt  }
0x6a: {  	_ =	shalt  }
0x6b: {  	_ =	shalt  }
0x6c: {  	_ =	shalt  }
0x6d: {  	_ =	shalt  }
0x6e: {  	_ =	shalt  }
0x6f: {  	_ =	shalt  }
0x70: {  	_ =	shalt  }
0x71: {  	_ =	shalt  }
0x72: {  	_ =	shalt  }
0x73: {  	_ =	shalt  }
0x74: {  	_ =	shalt  }
0x75: {  	_ =	shalt  }
0x76: {  	_ =	shalt  }
0x77: {  	_ =	shalt  }
0x78: {  	_ =	shalt  }
0x79: {  	_ =	shalt  }
0x7a: {  	_ =	shalt  }
0x7b: {  	_ =	shalt  }
0x7c: {  	_ =	shalt  }
0x7d: {  	_ =	shalt  }
0x7e: {  	_ =	shalt  }
0x7f: {  	_ =	shalt  }
0x80: {  	_ =	shalt  }
0x81: {  	_ =	shalt  }
0x82: {  	_ =	shalt  }
0x83: {  	_ =	shalt  }
0x84: {  	_ =	shalt  }
0x85: {  	_ =	shalt  }
0x86: {  	_ =	shalt  }
0x87: {  	_ =	shalt  }
.Lfunc_end0:
.L_simem_size_0:
called_computation_lowered:
.L_overlay_start_0:
0x88: {  	s2 =	sld [smem:$0x3FD9]  }
0x89: {  	s3 =	sld [smem:$0x3FFE];
	_ =	sdelay $0x1  }
0x8a: {  	s1 =	srdreg.scid  }
0x8b: {  	s0 =	sand.u32 $0x1, s1  }
0x8c: {  	s16 =	sshll.u32 s0, $0xA;
	s2 =	sadd.s32 s3, s2  }
0x8d: {  	s2 =	sadd.s32 s2, s16  }
0x8e: {  	[smem:$0x3FB8] =	sst s2  }
0x8f: {  	_ = 	snop  }
0x90: {  	(tm) =	ssettm $0x1  }
0x91: {  	s17 =	sld [smem:$0x3FFB];
	_ =	sdelay $0x3  }
0x92: {  	_ =	strace s17  }
0x93: {  	s2 =	sld [smem:$0x3FFC];
	_ =	sdelay $0x3  }
0x94: {  	_ =	strace s2  }
0x95: {  	s2 =	sld [smem:$0x3FFD];
	_ =	sdelay $0x3  }
0x96: {  	_ =	strace s2  }
0x97: {  	_ =	strace $0x8FFFFFFF  }
0x98: {  	s18 =	sld [smem:$0x3FDB];
	_ =	sdelay $0x1  }
0x99: {  	s19 =	simm.s32 $_scs_section_size  }
0x9a: {  	s4 =	simm.s32 $_size__tile_overlayer_lowered;
	s5 =	simm.s32 $_tile_overlayer_lowered  }
0x9b: {  	s22 =	simm.s32 $0x1BFF;
	s21 =	sshll.u32 s5, $0x1;
	s2 =	sadd.s32 s19, s18  }
0x9c: {  	s6 =	simm.s32 $0x0;
	s20 =	sshll.u32 s4, $0x1;
	s4 =	sadd.s32 s21, s2  }
0x9d: {  	[timem:s6], [sflag:s22] =	dma.local [hbm:s4], s20  }
0x9e: {  	_ =	swait.ge [sflag:s22], s20  }
0x9f: {  	s3 =	ssub.s32 $0x0, s20;
	[sflag:s22] =	ssyncset.done $0x0  }
0xa0: {  	[sflag:s22] =	ssyncadd.s32 s3;
	_ =	sdelay $0x1  }
0xa1: {  	s23 =	simm.s32 $0x1B8B  }
0xa2: {  	_ =	swait.ge [sflag:s23], $0x1  }
0xa3: {  	[sflag:s23] =	ssyncset.done $0x0  }
0xa4: {  	s25 =	simm.s32 $0x1B8E;
	s24 =	sld [smem:$0x3FFE];
	[sflag:s23] =	ssyncadd.s32 $0xFFFFFFFF  }
0xa5: {  	s26 =	simm.s32 $execute0_lowered;
	[smem:$0x3FD2] =	sst s25  }
0xa6: {  	s4 =	sshll.u32 s26, $0x1;
	_ =	strace $0x80000046;
	[dreg:$0x1] =	wrdreg $0xFFFFFFFF  }
0xa7: {  	s28 =	simm.s32 $_size_execute0_lowered;
	s2 =	sadd.s32 s2, s4;
	[dreg:$0x0] =	wrdreg $0x0  }
0xa8: {  	s4 =	sshll.u32 s28, $0x1;
	[dreg:$0x2] =	wrdreg s2  }
0xa9: {  	[dreg:$0x3] =	wrdreg s4  }
0xaa: {  	[dreg:$0x4] =	wrdreg $0xC0  }
0xab: {  	_ =	task [dreg:s6], $0x5FFFF  }
0xac: {  	[dreg:$0x1] =	wrdreg $0xFFFFFFFF  }
0xad: {  	[dreg:$0x0] =	wrdreg $0x60  }
0xae: {  	[dreg:$0x2] =	wrdreg s24  }
0xaf: {  	[dreg:$0x3] =	wrdreg $0x69000  }
0xb0: {  	[dreg:$0x4] =	wrdreg $0x9  }
0xb1: {  	_ =	task.clear_ibuf [dreg:s6], $0x5FFFF;
	_ =	strace $0x90000046  }
0xb2: {  	s29 =	simm.s32 $0x9;
	_ =	strace $0x80000048  }
0xb3: {  	_ =	swait.ge [sflag:s29], $0x1  }
0xb4: {  	[sflag:s29] =	ssyncadd.s32 $0xFFFFFFFF  }
0xb5: {  	_ =	strace $0x90000048  }
0xb6: {  	_ =	sfence  }
0xb7: {  	s30 =	sld [smem:$0x0];
	_ =	sdelay $0x2  }
0xb8: {  	s31 =	sshll.u32 s1, $0xD;
	s1 =	sshrl.u32 s1, $0x2  }
0xb9: {  	s3 =	sand.u32 $0x4000, s31;
	s1 =	sadd.s32 s1, s30  }
0xba: {  	s0 =	sor.u32 s3, s0;
	s1 =	sshll.u32 s1, $0x11  }
0xbb: {  	s0 =	sor.u32 s1, s0  }
0xbc: {  	s0 =	sadd.s32 $0x8F2B, s0  }
0xbd: {  	[sflag:s0] =	ssyncadd.remote.s32 $0x1  }
0xbe: {  	_ =	sfence.sel $0xFFFF  }
0xbf: {  	[dreg:$0x0] =	wrdreg $0xFFFFFFFF;
	(pc) =	sbr.abs _section_cstart, $3  }
0xc0: {  	[dreg:$0x1] =	wrdreg $0xFFFFFFFF  }
0xc1: {  	_ =	task.clear_ibuf [dreg:s6], $0x2FFFF;
	_ =	strace $0x9FFFFFFF  }
0xc2: {  	(tm) =	ssettm $0x7FFFFFFF  }
0xc3: {  	_ =	shalt  }
tec
execute0_lowered:
.L_overlay_start_1:
0x0: {  	(tag) =	ssettag $0x1  }
0x1: {  	s4 =	rddreg [dreg:$0x0]  }
0x2: {  	s0 =	srdreg.scid;
	s2 =	rddreg [dreg:$0x1]  }
0x3: {  	s1 =	rddreg [dreg:$0x2];
	s3 =	simm.s32 $0x0;
	s6 =	sand.u32 $0x1, s0  }
0x4: {  	s19 =	simm.s32 $0x2800;
	s0 =	stileid.u32;
	s5 =	smul.u32 $0x28000, s6  }
0x5: {  	s20 =	simm.s32 $0x1;
	s21 =	simm.s32 $0x0;
	s7 =	smul.u32 $0x2800, s0  }
0x6: {  	[smem:$0x7FF] =	sst s3;
	s14 =	sadd.s32 $0xD600, s4;
	s28 =	smul.u32 $0x4F000, s0  }
0x7: {  	_ =	strace $0x80000047;
	s9 =	smul.u32 $0x13C00, s0;
	s29 =	ssub.s32 $0x2, s6  }
0x8: {  	s16 =	smul.u32 $0x13C000, s6;
	s30 =	sshrl.u32 s29, $0x1;
	s5 =	sadd.s32 s7, s5  }
0x9: {  	s7 =	sshrl.u32 s28, $0x2;
	s11 =	sadd.s32 $0x4000, s9;
	s15 =	ssub.s32 s29, s30  }
0xa: {  	s12 =	sadd.s32 $0x8000, s9;
	s13 =	sadd.s32 $0xC000, s9;
	s17 =	sadd.s32 $0x10000, s9  }
0xb: {  	s18 =	sadd.s32 s9, s16;
	s5 =	sshrl.u32 s5, $0x3;
	s6 =	sadd.s32 s12, s2  }
0xc: {  	s8 =	sadd.s32 s17, s2;
	s31 =	sshrl.u32 s18, $0x3;
	s12 =	sadd.s32 s16, s12  }
0xd: {  	s15 =	smax.u32 s15, $0x1;
	s18 =	simm.s32 $0x80;
	s10 =	sadd.s32 s5, s4  }
0xe: {  	s4 =	sadd.s32 s7, s2;
	s5 =	sadd.s32 s11, s2;
	s7 =	sadd.s32 s13, s2  }
0xf: {  	s11 =	sadd.s32 s16, s11;
	s12 =	sshrl.u32 s12, $0x3;
	s13 =	sadd.s32 s16, s13  }
0x10: {  	s16 =	sadd.s32 s16, s17;
	s17 =	simm.s32 $0x2;
	s9 =	sadd.s32 $0x3600, s10  }
0x11: {  	s11 =	sshrl.u32 s11, $0x3;
	s10 =	sadd.s32 s14, s31;
	s12 =	sadd.s32 s14, s12  }
0x12: {  	s13 =	sshrl.u32 s13, $0x3;
	s16 =	sshrl.u32 s16, $0x3;
	s11 =	sadd.s32 s14, s11  }
0x13: {  	v0 =	vimm.f32 $0.0e+00;
	v1 =	vimm.f32 $1.000000000e+00;
	s13 =	sadd.s32 s14, s13;
	s14 =	sadd.s32 s14, s16;
	s16 =	simm.s32 $0x2900  }
.LBB2_1:
0x14: {  	s22 =	sand.u32 $0xFE00, s3  }
0x15: {  	s23 =	sand.u32 $0x70, s3;
	s24 =	sshrl.u32 s22, $0x2  }
0x16: {  	s22 =	simm.s32 $0x40;
	s24 =	sor.u32 s23, s24;
	s23 =	simm.s32 $0x0  }
.LBB2_2:
0x17: {  	p0 =	sne.s32 s22, $0xFFC0  }
0x18: {  	[tilespmem:s24+$0x2900] =	vst v0;
	s23 =	sadd.s32 $0x10, s23;
	s24 =	smov.u32 s22;
	s22 =	sadd.s32 $0x40, s22  }
.Ltmp0:
0x19: {  	(pc) =	sbr.rel @p0 .LBB2_2-.Ltmp0, $4  }
0x1a: {  	_ = 	snop  }
0x1b: {  	s24 =	sand.u32 $0xFE00, s24  }
0x1c: {  	s25 =	sand.u32 $0x70, s23;
	s24 =	sshrl.u32 s24, $0x2  }
0x1d: {  	s24 =	sor.u32 s25, s24  }
0x1e: {  	[tilespmem:s24+$0x2900] =	vst v0  }
0x1f: {  	[spmem:s4] =	stream.linear.scatter [tilespmem:s16], [sflag:$0x2], $0x4000, $0x38;
	[tilespmem:$0x1A500] =	vst v63  }
0x20: {  	_ =	swait.ge [sflag:s17], $0x4000  }
0x21: {  	[sflag:s17] =	ssyncset.done $0x0  }
0x22: {  	[sflag:s17] =	ssyncadd.s32 $0xFFFFC000  }
0x23: {  	[spmem:s5] =	stream.linear.scatter [tilespmem:s16], [sflag:$0x2], $0x4000, $0x38;
	[tilespmem:$0x1A500] =	vst v63  }
0x24: {  	_ =	swait.ge [sflag:s17], $0x4000  }
0x25: {  	[sflag:s17] =	ssyncset.done $0x0  }
0x26: {  	[sflag:s17] =	ssyncadd.s32 $0xFFFFC000  }
0x27: {  	[spmem:s6] =	stream.linear.scatter [tilespmem:s16], [sflag:$0x2], $0x4000, $0x38;
	[tilespmem:$0x1A500] =	vst v63  }
0x28: {  	_ =	swait.ge [sflag:s17], $0x4000  }
0x29: {  	[sflag:s17] =	ssyncset.done $0x0  }
0x2a: {  	[sflag:s17] =	ssyncadd.s32 $0xFFFFC000  }
0x2b: {  	[spmem:s7] =	stream.linear.scatter [tilespmem:s16], [sflag:$0x2], $0x4000, $0x38;
	[tilespmem:$0x1A500] =	vst v63  }
0x2c: {  	_ =	swait.ge [sflag:s17], $0x4000  }
0x2d: {  	[sflag:s17] =	ssyncset.done $0x0  }
0x2e: {  	s22 =	simm.s32 $0x0;
	[sflag:s17] =	ssyncadd.s32 $0xFFFFC000  }
0x2f: {  	[spmem:s8] =	stream.linear.scatter [tilespmem:s16], [sflag:$0x2], $0x3C00, $0x38;
	[tilespmem:$0x1A500] =	vst v63  }
0x30: {  	s23 =	sand.u32 $0xFE00, s22;
	_ =	swait.ge [sflag:s17], $0x3C00  }
0x31: {  	s31 =	sand.u32 $0x70, s22;
	s25 =	sshrl.u32 s23, $0x2;
	[sflag:s17] =	ssyncset.done $0x0  }
0x32: {  	s23 =	simm.s32 $0x40;
	s24 =	sor.u32 s31, s25;
	[sflag:s17] =	ssyncadd.s32 $0xFFFFC400  }
.LBB2_4:
0x33: {  	p0 =	sne.s32 s23, $0xFFC0  }
0x34: {  	[tilespmem:s24+$0x2900] =	vst v1;
	s22 =	sadd.s32 $0x10, s22;
	s24 =	smov.u32 s23;
	s23 =	sadd.s32 $0x40, s23  }
.Ltmp1:
0x35: {  	(pc) =	sbr.rel @p0 .LBB2_4-.Ltmp1, $4  }
0x36: {  	_ = 	snop  }
0x37: {  	s24 =	sand.u32 $0xFE00, s24  }
0x38: {  	s25 =	sand.u32 $0x70, s22;
	s24 =	sshrl.u32 s24, $0x2  }
0x39: {  	s24 =	sor.u32 s25, s24  }
0x3a: {  	[tilespmem:s24+$0x2900] =	vst v1;
	s22 =	simm.s32 $0x0  }
0x3b: {  	[tilespmem:s22], [sflag:$0x2] =	stream.linear.gather [hbm4b:s9+s22], $0x2800, $0x38;
	[tilespmem:$0x1A500] =	vst v63  }
0x3c: {  	_ =	swait.ge [sflag:s17], $0x2800  }
0x3d: {  	[sflag:s17] =	ssyncset.done $0x0  }
0x3e: {  	[sflag:s17] =	ssyncadd.s32 $0xFFFFD800  }
0x3f: {  	s31 =	simm.s32 $0x0;
	[bflag:$0x0] =	sbarrier.arrive $0xFFFF  }
0x40: {  	v2 =	vld [tilespmem:s31+$0x0];
	_ =	sdelay $0x4  }
0x41: {  	v2 =	vand.u32 $0x3FFF, v2  }
0x42: {  	[tilespmem:$0x2800] =	vst v2  }
0x43: {  	v2 =	vld [tilespmem:s31+$0x10];
	_ =	sdelay $0x4  }
0x44: {  	v2 =	vand.u32 $0x3FFF, v2  }
0x45: {  	[tilespmem:$0x2810] =	vst v2  }
0x46: {  	v2 =	vld [tilespmem:s31+$0x20];
	_ =	sdelay $0x4  }
0x47: {  	v2 =	vand.u32 $0x3FFF, v2  }
0x48: {  	[tilespmem:$0x2820] =	vst v2  }
0x49: {  	v2 =	vld [tilespmem:s31+$0x30];
	_ =	sdelay $0x4  }
0x4a: {  	v2 =	vand.u32 $0x3FFF, v2  }
0x4b: {  	[tilespmem:$0x2830] =	vst v2  }
0x4c: {  	v2 =	vld [tilespmem:s31+$0x40];
	_ =	sdelay $0x4  }
0x4d: {  	v2 =	vand.u32 $0x3FFF, v2  }
0x4e: {  	[tilespmem:$0x2840] =	vst v2  }
0x4f: {  	v2 =	vld [tilespmem:s31+$0x50];
	_ =	sdelay $0x4  }
0x50: {  	v2 =	vand.u32 $0x3FFF, v2  }
0x51: {  	[tilespmem:$0x2850] =	vst v2  }
0x52: {  	v2 =	vld [tilespmem:s31+$0x60];
	_ =	sdelay $0x4  }
0x53: {  	v2 =	vand.u32 $0x3FFF, v2  }
0x54: {  	[tilespmem:$0x2860] =	vst v2  }
0x55: {  	v2 =	vld [tilespmem:s31+$0x70];
	_ =	sdelay $0x4  }
0x56: {  	v2 =	vand.u32 $0x3FFF, v2  }
0x57: {  	[tilespmem:$0x2870] =	vst v2  }
0x58: {  	[spmem:s2] =	stream.indirect.scatter.add.f32 [tilespmem:s16], [sflag:$0x1], $0x80, s19, s18, $0xb8;
	[tilespmem:$0x1A500] =	vst v63  }
0x59: {  	_ =	swait.ge [sflag:s20], $0x4000  }
0x5a: {  	s25 =	simm.s32 $0x400;
	s22 =	simm.s32 $0x200;
	[sflag:s20] =	ssyncset.done $0x0  }
.LBB2_6:
0x5b: {  	s24 =	sshra.s32 s22, $0x2  }
0x5c: {  	[sflag:s20] =	ssyncadd.s32 $0xFFFFC000;
	s22 =	smov.u32 s25;
	s23 =	sadd.s32 $0x200, s25  }
0x5d: {  	p0 =	sne.s32 s25, $0x9E00;
	v2 =	vld [tilespmem:s24+$0x0];
	_ =	sdelay $0x4  }
0x5e: {  	v2 =	vand.u32 $0x3FFF, v2  }
0x5f: {  	[tilespmem:$0x2800] =	vst v2  }
0x60: {  	v2 =	vld [tilespmem:s24+$0x10];
	_ =	sdelay $0x4  }
0x61: {  	v2 =	vand.u32 $0x3FFF, v2  }
0x62: {  	[tilespmem:$0x2810] =	vst v2  }
0x63: {  	v2 =	vld [tilespmem:s24+$0x20];
	_ =	sdelay $0x4  }
0x64: {  	v2 =	vand.u32 $0x3FFF, v2  }
0x65: {  	[tilespmem:$0x2820] =	vst v2  }
0x66: {  	v2 =	vld [tilespmem:s24+$0x30];
	_ =	sdelay $0x4  }
0x67: {  	v2 =	vand.u32 $0x3FFF, v2  }
0x68: {  	[tilespmem:$0x2830] =	vst v2  }
0x69: {  	v2 =	vld [tilespmem:s24+$0x40];
	_ =	sdelay $0x4  }
0x6a: {  	v2 =	vand.u32 $0x3FFF, v2  }
0x6b: {  	[tilespmem:$0x2840] =	vst v2  }
0x6c: {  	v2 =	vld [tilespmem:s24+$0x50];
	_ =	sdelay $0x4  }
0x6d: {  	v2 =	vand.u32 $0x3FFF, v2  }
0x6e: {  	[tilespmem:$0x2850] =	vst v2  }
0x6f: {  	v2 =	vld [tilespmem:s24+$0x60];
	_ =	sdelay $0x4  }
0x70: {  	v2 =	vand.u32 $0x3FFF, v2  }
0x71: {  	[tilespmem:$0x2860] =	vst v2  }
0x72: {  	v2 =	vld [tilespmem:s24+$0x70];
	_ =	sdelay $0x4  }
.Ltmp2:
0x73: {  	v2 =	vand.u32 $0x3FFF, v2;
	(pc) =	sbr.rel @p0 .LBB2_6-.Ltmp2, $4  }
0x74: {  	[tilespmem:$0x2870] =	vst v2  }
0x75: {  	[spmem:s2] =	stream.indirect.scatter.add.f32 [tilespmem:s16], [sflag:$0x1], $0x80, s19, s18, $0xb8;
	[tilespmem:$0x1A500] =	vst v63  }
0x76: {  	_ =	swait.ge [sflag:s20], $0x4000  }
0x77: {  	s25 =	smov.u32 s23;
	[sflag:s20] =	ssyncset.done $0x0  }
0x78: {  	s22 =	sshra.s32 s22, $0x2;
	[sflag:s20] =	ssyncadd.s32 $0xFFFFC000  }
0x79: {  	v2 =	vld [tilespmem:s22+$0x0];
	_ =	sdelay $0x4  }
0x7a: {  	v2 =	vand.u32 $0x3FFF, v2  }
0x7b: {  	[tilespmem:$0x2800] =	vst v2  }
0x7c: {  	v2 =	vld [tilespmem:s22+$0x10];
	_ =	sdelay $0x4  }
0x7d: {  	v2 =	vand.u32 $0x3FFF, v2  }
0x7e: {  	[tilespmem:$0x2810] =	vst v2  }
0x7f: {  	v2 =	vld [tilespmem:s22+$0x20];
	_ =	sdelay $0x4  }
0x80: {  	v2 =	vand.u32 $0x3FFF, v2  }
0x81: {  	[tilespmem:$0x2820] =	vst v2  }
0x82: {  	v2 =	vld [tilespmem:s22+$0x30];
	_ =	sdelay $0x4  }
0x83: {  	v2 =	vand.u32 $0x3FFF, v2  }
0x84: {  	[tilespmem:$0x2830] =	vst v2  }
0x85: {  	v2 =	vld [tilespmem:s22+$0x40];
	_ =	sdelay $0x4  }
0x86: {  	v2 =	vand.u32 $0x3FFF, v2  }
0x87: {  	[tilespmem:$0x2840] =	vst v2  }
0x88: {  	v2 =	vld [tilespmem:s22+$0x50];
	_ =	sdelay $0x4  }
0x89: {  	v2 =	vand.u32 $0x3FFF, v2  }
0x8a: {  	[tilespmem:$0x2850] =	vst v2  }
0x8b: {  	v2 =	vld [tilespmem:s22+$0x60];
	_ =	sdelay $0x4  }
0x8c: {  	v2 =	vand.u32 $0x3FFF, v2  }
0x8d: {  	[tilespmem:$0x2860] =	vst v2  }
0x8e: {  	v2 =	vld [tilespmem:s22+$0x70];
	_ =	sdelay $0x4  }
0x8f: {  	v2 =	vand.u32 $0x3FFF, v2  }
0x90: {  	[tilespmem:$0x2870] =	vst v2  }
0x91: {  	[spmem:s2] =	stream.indirect.scatter.add.f32 [tilespmem:s16], [sflag:$0x1], $0x80, s19, s18, $0xb8;
	[tilespmem:$0x1A500] =	vst v63  }
0x92: {  	_ =	swait.ge [sflag:s20], $0x4000  }
0x93: {  	[sflag:s20] =	ssyncset.done $0x0  }
0x94: {  	s26 =	sshll.u32 s0, $0x6;
	[sflag:s20] =	ssyncadd.s32 $0xFFFFC000  }
0x95: {  	s23 =	sshrl.u32 s4, $0x3;
	s22 =	sor.u32 $0x1C02, s26;
	[bflag:$0x0] =	sbarrier.arrive $0xFFFF  }
0x96: {  	[hbm:s10], [sflag:s22] =	dma.local [spmem:s23], $0x800  }
0x97: {  	_ =	swait.ge [sflag:s17], $0x800  }
0x98: {  	[sflag:s17] =	ssyncset.done $0x0  }
0x99: {  	s28 =	sshrl.u32 s5, $0x3;
	[sflag:s17] =	ssyncadd.s32 $0xFFFFF800  }
0x9a: {  	[hbm:s11], [sflag:s22] =	dma.local [spmem:s28], $0x800  }
0x9b: {  	_ =	swait.ge [sflag:s17], $0x800  }
0x9c: {  	[sflag:s17] =	ssyncset.done $0x0  }
0x9d: {  	s29 =	sshrl.u32 s6, $0x3;
	[sflag:s17] =	ssyncadd.s32 $0xFFFFF800  }
0x9e: {  	[hbm:s12], [sflag:s22] =	dma.local [spmem:s29], $0x800  }
0x9f: {  	_ =	swait.ge [sflag:s17], $0x800  }
0xa0: {  	[sflag:s17] =	ssyncset.done $0x0  }
0xa1: {  	s30 =	sshrl.u32 s7, $0x3;
	[sflag:s17] =	ssyncadd.s32 $0xFFFFF800  }
0xa2: {  	[hbm:s13], [sflag:s22] =	dma.local [spmem:s30], $0x800  }
0xa3: {  	s21 =	sadd.s32 $0x1, s21;
	_ =	swait.ge [sflag:s17], $0x800  }
0xa4: {  	p0 =	sne.s32 s21, s15;
	[sflag:s17] =	ssyncset.done $0x0  }
.Ltmp3:
0xa5: {  	s31 =	sshrl.u32 s8, $0x3;
	[sflag:s17] =	ssyncadd.s32 $0xFFFFF800;
	(pc) =	sbr.rel @p0 .LBB2_1-.Ltmp3, $4  }
0xa6: {  	[hbm:s14], [sflag:s22] =	dma.local [spmem:s31], $0x780  }
0xa7: {  	_ =	swait.ge [sflag:s17], $0x780  }
0xa8: {  	[sflag:s17] =	ssyncset.done $0x0  }
0xa9: {  	[sflag:s17] =	ssyncadd.s32 $0xFFFFF880  }
0xaa: {  	_ =	sfence.sel $0x180000  }
0xab: {  	[bflag:$0x0] =	sbarrier.arrive $0xFFFF  }
0xac: {  	p0 =	sne.s32 s0, $0x0;
	_ =	strace $0x90000047  }
0xad: {  	s0 =	sadd.s32 @!p0 $0x100000, s1;
	[bflag:$0x2] =	sbarrier.arrive $0xFFFF  }
0xae: {  	[sflag:s0] =	ssyncadd.tile.s32 @!p0 $0x1;
	_ =	shalt  }
.Lfunc_end2:
_tile_overlayer_lowered:
.L_overlay_start_2:
0xaf: {  	(tag) =	ssettag $0x2  }
0xb0: {  	s0 =	rddreg [dreg:$0x0];
	s2 =	stileid.u32  }
0xb1: {  	s1 =	rddreg [dreg:$0x1];
	p0 =	sne.s32 s2, $0x0  }
0xb2: {  	s3 =	rddreg [dreg:$0x2];
	[bflag:$0x3] =	sbarrier.arrive $0xFFFF;
	s2 =	simm.s32 @!p0 $0x1C02  }
0xb3: {  	[timem:s3], [sflag:s2] =	dma.local @!p0 [hbm:s0], s1  }
0xb4: {  	s0 =	simm.s32 @!p0 $0x2  }
0xb5: {  	_ =	swait.ge @!p0 [sflag:s0], s1  }
0xb6: {  	s1 =	ssub.s32 @!p0 $0x0, s1;
	[sflag:s0] =	ssyncset.done @!p0 $0x0  }
0xb7: {  	[sflag:s0] =	ssyncadd.s32 @!p0 s1  }
0xb8: {  	[bflag:$0x3] =	sbarrier.arrive $0xFFFF  }
0xb9: {  	_ =	shalt  }

</sc_bundles>
